<compile_context>
chip_gen: v7x
topology: tpu7x:2x2x1
jax: 0.10.2.dev20260603
libtpu: 0.0.44.dev20260713+nightly
codegen_flags: <defaults>
</compile_context>

<pallas_src>
import functools

import jax
import jax.numpy as jnp
from jax import lax
from jax.experimental import pallas as pl
from jax.experimental.pallas import tpu as pltpu
from jax.experimental.pallas import tpu_sc as plsc

N_NODES = 10000
N_PAD = 10240
ROWS_PER_SUB = 640
E_EDGES = 160000
E_PAD = 163840
CHUNK = 128
CHUNKS_PER_SUB = 80
D_IN = 256
D_HID = 512
N_EXP = 8
TOPK = 4
COEF = 0.01
NOISE_EPS = 0.01
BN = 400


def _make_prop(P):
    mesh = plsc.VectorSubcoreMesh(core_axis_name="c", subcore_axis_name="s")

    @functools.partial(
        pl.kernel,
        mesh=mesh,
        out_type=jax.ShapeDtypeStruct((P, N_PAD, 128), jnp.float32),
        scratch_types=[
            pltpu.VMEM((CHUNK,), jnp.int32),
            pltpu.VMEM((CHUNK,), jnp.int32),
            pltpu.VMEM((CHUNK, 128), jnp.float32),
            pltpu.VMEM((CHUNK,), jnp.int32),
            pltpu.VMEM((CHUNK,), jnp.int32),
            pltpu.VMEM((CHUNK, 128), jnp.float32),
            pltpu.VMEM_SHARED((N_PAD, 128), jnp.float32),
            pltpu.SemaphoreType.DMA,
            pltpu.SemaphoreType.DMA,
        ],
    )
    def prop(intab, srcp, dstp, zrows, out,
             srcva, dstva, rowsa, srcvb, dstvb, rowsb, aggsh, sema, semb):
        c = lax.axis_index("c")
        s = lax.axis_index("s")
        epw = CHUNKS_PER_SUB * CHUNK

        def plane_body(pp, carry):
            p = pp * 2 + c

            @pl.when(p < P)
            def _():
                pltpu.sync_copy(zrows, aggsh.at[pl.ds(s * ROWS_PER_SUB, ROWS_PER_SUB)])
                plsc.subcore_barrier()
                off = p * N_NODES

                def fire(i, srcv, dstv, rows, sem):
                    base = s * epw + i * CHUNK
                    pltpu.sync_copy(srcp.at[pl.ds(base, CHUNK)], srcv)
                    pltpu.sync_copy(dstp.at[pl.ds(base, CHUNK)], dstv)
                    for j in range(CHUNK // 16):
                        srcv[pl.ds(j * 16, 16)] = srcv[pl.ds(j * 16, 16)] + off
                    return pltpu.async_copy(intab.at[srcv], rows, sem)

                def drain(srcv, rows, dstv, sem):
                    pltpu.make_async_copy(intab.at[srcv], rows, sem).wait()
                    pltpu.sync_copy(rows, aggsh.at[dstv], add=True)

                fire(0, srcva, dstva, rowsa, sema)

                def pair_body(ii, carry2):
                    fire(2 * ii + 1, srcvb, dstvb, rowsb, semb)
                    drain(srcva, rowsa, dstva, sema)

                    @pl.when(2 * ii + 2 < CHUNKS_PER_SUB)
                    def _():
                        fire(2 * ii + 2, srcva, dstva, rowsa, sema)

                    drain(srcvb, rowsb, dstvb, semb)
                    return carry2

                lax.fori_loop(0, CHUNKS_PER_SUB // 2, pair_body, 0)
                plsc.subcore_barrier()
                for r in range(ROWS_PER_SUB // CHUNK):
                    rbase = s * ROWS_PER_SUB + r * CHUNK
                    pltpu.sync_copy(aggsh.at[pl.ds(rbase, CHUNK)],
                                    out.at[p, pl.ds(rbase, CHUNK)])
                plsc.subcore_barrier()

            return carry

        lax.fori_loop(0, (P + 1) // 2, plane_body, 0)

    return prop


def _prop(intab, srcp, dstp, P):
    zrows = jnp.zeros((ROWS_PER_SUB, 128), jnp.float32)
    return _make_prop(P)(intab, srcp, dstp, zrows)


def _softplus(v):
    return jnp.maximum(v, 0.0) + jnp.log(1.0 + jnp.exp(-jnp.abs(v)))


def _ncdf(v):
    return 0.5 * (1.0 + lax.erf(v / jnp.sqrt(2.0).astype(v.dtype)))


def _gate_body(x_ref, wg_ref, wn_ref, noise_ref, deg_ref,
               gates_ref, m1_ref, dis_ref, dis128_ref, acc_ref, loss_ref):
    pid = pl.program_id(0)
    x = x_ref[...]
    deg = deg_ref[...] + 1.0
    d_is = lax.rsqrt(deg)

    clean = jnp.dot(x, wg_ref[...], preferred_element_type=jnp.float32)
    raw = jnp.dot(x, wn_ref[...], preferred_element_type=jnp.float32)
    std = _softplus(raw) + NOISE_EPS
    nl = clean + noise_ref[...] * std

    neg = jnp.float32(-1e30)
    v = nl
    for _ in range(TOPK - 1):
        m = jnp.max(v, axis=1, keepdims=True)
        v = jnp.where(v >= m, neg, v)
    thr_out = jnp.max(v, axis=1, keepdims=True)
    v = jnp.where(v >= thr_out, neg, v)
    thr_in = jnp.max(v, axis=1, keepdims=True)

    sel = nl >= thr_out
    rowmax = jnp.max(nl, axis=1, keepdims=True)
    ex = jnp.where(sel, jnp.exp(nl - rowmax), 0.0)
    gates = ex / jnp.sum(ex, axis=1, keepdims=True)
    gates_ref[...] = gates

    m1_ref[...] = x * d_is
    dis_ref[...] = d_is
    dis128_ref[...] = jnp.broadcast_to(d_is, dis128_ref.shape)

    is_in = nl > thr_in
    p_in = _ncdf((clean - thr_in) / std)
    p_out = _ncdf((clean - thr_out) / std)
    load_part = jnp.sum(jnp.where(is_in, p_in, p_out), axis=0, keepdims=True)
    imp_part = jnp.sum(gates, axis=0, keepdims=True)
    part = jnp.concatenate([imp_part, load_part], axis=0)

    @pl.when(pid == 0)
    def _():
        acc_ref[...] = jnp.zeros_like(acc_ref)
        loss_ref[...] = jnp.zeros_like(loss_ref)

    acc_ref[...] += part

    @pl.when(pid == pl.num_programs(0) - 1)
    def _():
        acc = acc_ref[...]

        def cv2(row):
            mu = jnp.mean(row)
            var = jnp.sum((row - mu) ** 2) / (N_EXP - 1)
            return var / (mu * mu + 1e-10)

        loss_ref[...] = jnp.reshape((cv2(acc[0]) + cv2(acc[1])) * COEF, (1, 1))


def _gating(x, w_gate, w_noise, noise, deg):
    nb = N_NODES // BN
    return pl.pallas_call(
        _gate_body,
        grid=(nb,),
        in_specs=[
            pl.BlockSpec((BN, D_IN), lambda i: (i, 0)),
            pl.BlockSpec((D_IN, N_EXP), lambda i: (0, 0)),
            pl.BlockSpec((D_IN, N_EXP), lambda i: (0, 0)),
            pl.BlockSpec((BN, N_EXP), lambda i: (i, 0)),
            pl.BlockSpec((BN, 1), lambda i: (i, 0)),
        ],
        out_specs=[
            pl.BlockSpec((BN, N_EXP), lambda i: (i, 0)),
            pl.BlockSpec((BN, D_IN), lambda i: (i, 0)),
            pl.BlockSpec((BN, 1), lambda i: (i, 0)),
            pl.BlockSpec((BN, 128), lambda i: (i, 0)),
            pl.BlockSpec((2, N_EXP), lambda i: (0, 0)),
            pl.BlockSpec((1, 1), lambda i: (0, 0)),
        ],
        out_shape=[
            jax.ShapeDtypeStruct((N_NODES, N_EXP), jnp.float32),
            jax.ShapeDtypeStruct((N_NODES, D_IN), jnp.float32),
            jax.ShapeDtypeStruct((N_NODES, 1), jnp.float32),
            jax.ShapeDtypeStruct((N_NODES, 128), jnp.float32),
            jax.ShapeDtypeStruct((2, N_EXP), jnp.float32),
            jax.ShapeDtypeStruct((1, 1), jnp.float32),
        ],
    )(x, w_gate, w_noise, noise, deg)


def _expert_body(aggx_ref, m1_ref, t_ref, dis_ref, w1_ref, b1_ref,
                 w2_ref, b2_ref, z_ref):
    d_is = dis_ref[...]
    xp = (aggx_ref[...] + m1_ref[...]) * d_is
    cvec = (t_ref[...] + d_is) * d_is
    h = jnp.dot(xp, w1_ref[0], preferred_element_type=jnp.float32)
    h = jnp.maximum(h + cvec * b1_ref[0], 0.0)
    z = jnp.dot(h, w2_ref[0], preferred_element_type=jnp.float32)
    z = (z + b2_ref[0]) * d_is
    for q in range(4):
        z_ref[0, q] = z[:, q * 128:(q + 1) * 128]


def _experts(aggx, m1, t, dis, W1, b1, W2, b2):
    nb = N_NODES // BN
    return pl.pallas_call(
        _expert_body,
        grid=(N_EXP, nb),
        in_specs=[
            pl.BlockSpec((BN, D_IN), lambda e, i: (i, 0)),
            pl.BlockSpec((BN, D_IN), lambda e, i: (i, 0)),
            pl.BlockSpec((BN, 1), lambda e, i: (i, 0)),
            pl.BlockSpec((BN, 1), lambda e, i: (i, 0)),
            pl.BlockSpec((1, D_IN, D_HID), lambda e, i: (e, 0, 0)),
            pl.BlockSpec((1, 1, D_HID), lambda e, i: (e, 0, 0)),
            pl.BlockSpec((1, D_HID, D_HID), lambda e, i: (e, 0, 0)),
            pl.BlockSpec((1, 1, D_HID), lambda e, i: (e, 0, 0)),
        ],
        out_specs=pl.BlockSpec((1, 4, BN, 128), lambda e, i: (e, 0, i, 0)),
        out_shape=jax.ShapeDtypeStruct((N_EXP, 4, N_NODES, 128), jnp.float32),
    )(aggx, m1, t, dis, W1, b1.reshape(N_EXP, 1, D_HID),
      W2, b2.reshape(N_EXP, 1, D_HID))


def _combine_body(aggz_ref, z_ref, gates_ref, dis_ref, y_ref):
    g = gates_ref[...]
    d_is = dis_ref[...]
    for q in range(4):
        acc = jnp.zeros((BN, 128), jnp.float32)
        for e in range(N_EXP):
            acc += g[:, e:e + 1] * (aggz_ref[e, q] + z_ref[e, q])
        y_ref[:, q * 128:(q + 1) * 128] = acc * d_is


def _combine(aggz, z, gates, dis):
    nb = N_NODES // BN
    return pl.pallas_call(
        _combine_body,
        grid=(nb,),
        in_specs=[
            pl.BlockSpec((N_EXP, 4, BN, 128), lambda i: (0, 0, i, 0)),
            pl.BlockSpec((N_EXP, 4, BN, 128), lambda i: (0, 0, i, 0)),
            pl.BlockSpec((BN, N_EXP), lambda i: (i, 0)),
            pl.BlockSpec((BN, 1), lambda i: (i, 0)),
        ],
        out_specs=pl.BlockSpec((BN, D_HID), lambda i: (i, 0)),
        out_shape=jax.ShapeDtypeStruct((N_NODES, D_HID), jnp.float32),
    )(aggz, z, gates, dis)


def kernel(x, edge_index, w_gate, w_noise, W1, b1, W2, b2):
    src = edge_index[0]
    dst = edge_index[1]
    pad = E_PAD - E_EDGES
    srcp = jnp.concatenate([src, jnp.zeros((pad,), jnp.int32)])
    dstp = jnp.concatenate([dst, jnp.full((pad,), N_NODES, jnp.int32)])

    noise = jax.random.normal(jax.random.key(1), (N_NODES, N_EXP), jnp.float32)

    ones_tab = jnp.ones((N_NODES, 128), jnp.float32)
    deg = _prop(ones_tab, srcp, dstp, 1)[0, :N_NODES, :1]

    gates, m1, dis, dis128, _, loss = _gating(x, w_gate, w_noise, noise, deg)

    m1_planes = m1.reshape(N_NODES, 2, 128).transpose(1, 0, 2).reshape(-1, 128)
    tab1 = jnp.concatenate([m1_planes, dis128], axis=0)
    agg1 = _prop(tab1, srcp, dstp, 3)
    aggx = agg1[:2, :N_NODES].transpose(1, 0, 2).reshape(N_NODES, D_IN)
    t = agg1[2, :N_NODES, :1]

    z = _experts(aggx, m1, t, dis, W1, b1, W2, b2)

    agg2 = _prop(z.reshape(-1, 128), srcp, dstp, 32)
    aggz = agg2.reshape(N_EXP, 4, N_PAD, 128)[:, :, :N_NODES]

    y = _combine(aggz, z, gates, dis)
    return y, loss[0, 0]

# --- scband reference (transcript-rebuilt; emitter-appended) ---
"""Pipeline reference for scband-gmo-e-network-noisy-1623497638191 (READ-ONLY COPY).

The authoritative reference and input builder live on the scoring server;
editing this copy changes nothing except your own understanding.
"""

import jax, jax.numpy as jnp
import numpy as np

N = 10000
E_EDGES = 160000
D_IN = 256
D_HID = 512
N_EXP = 8
K = 4
COEF = 0.01
NOISE_EPS = 0.01


def setup_inputs(seed: int = 0) -> dict:
    key = jax.random.key(seed)
    ks = jax.random.split(key, 8)
    x = jax.random.normal(ks[0], (N, D_IN), dtype=jnp.float32)
    edge_index = jax.random.randint(ks[1], (2, E_EDGES), 0, N, dtype=jnp.int32)
    # gating params (original inits to zeros; small randn used so noisy top-k is non-degenerate)
    w_gate = 0.01 * jax.random.normal(ks[2], (D_IN, N_EXP), dtype=jnp.float32)
    w_noise = 0.01 * jax.random.normal(ks[3], (D_IN, N_EXP), dtype=jnp.float32)
    # per-expert 2-layer GCN weights
    W1 = jax.random.normal(ks[4], (N_EXP, D_IN, D_HID), dtype=jnp.float32) / np.sqrt(D_IN)
    b1 = jnp.zeros((N_EXP, D_HID), dtype=jnp.float32)
    W2 = jax.random.normal(ks[5], (N_EXP, D_HID, D_HID), dtype=jnp.float32) / np.sqrt(D_HID)
    b2 = jnp.zeros((N_EXP, D_HID), dtype=jnp.float32)
    return {"x": x, "edge_index": edge_index, "w_gate": w_gate, "w_noise": w_noise,
            "W1": W1, "b1": b1, "W2": W2, "b2": b2}


def _norm_cdf(v):
    return 0.5 * (1.0 + jax.lax.erf(v / jnp.sqrt(2.0).astype(v.dtype)))


def _cv_squared(v):
    return jnp.var(v.astype(jnp.float32), ddof=1) / (jnp.mean(v.astype(jnp.float32)) ** 2 + 1e-10)


def _gcn_layer(h, src, dst, d_is, W, b):
    h = h @ W + b
    msg = h[src] * d_is[src][:, None]
    agg = jax.ops.segment_sum(msg, dst, num_segments=N)
    return (agg + h * d_is[:, None]) * d_is[:, None]


def reference(x, edge_index, w_gate, w_noise, W1, b1, W2, b2):
    src = edge_index[0]
    dst = edge_index[1]
    deg = jnp.zeros((N,), dtype=x.dtype).at[dst].add(1.0) + 1.0  # +1 for self-loop
    d_is = 1.0 / jnp.sqrt(deg)

    # ---- noisy top-k gating (training=True) ----
    clean_logits = x @ w_gate
    raw_noise_stddev = x @ w_noise
    noise_stddev = jax.nn.softplus(raw_noise_stddev) + NOISE_EPS
    noise = jax.random.normal(jax.random.key(1), clean_logits.shape, dtype=clean_logits.dtype)
    noisy_logits = clean_logits + noise * noise_stddev
    m = min(K + 1, N_EXP)
    top_logits, top_indices = jax.lax.top_k(noisy_logits, m)
    top_k_logits = top_logits[:, :K]
    top_k_indices = top_indices[:, :K]
    top_k_gates = jax.nn.softmax(top_k_logits, axis=1)
    gates = jnp.zeros_like(noisy_logits).at[jnp.arange(N)[:, None], top_k_indices].set(top_k_gates)

    # load via prob-in-top-k (noisy_gating and k < num_experts)
    thr_in = top_logits[:, K][:, None]
    thr_out = top_logits[:, K - 1][:, None]
    is_in = noisy_logits > thr_in
    prob_if_in = _norm_cdf((clean_logits - thr_in) / noise_stddev)
    prob_if_out = _norm_cdf((clean_logits - thr_out) / noise_stddev)
    load = jnp.where(is_in, prob_if_in, prob_if_out).sum(0)

    importance = gates.sum(0)
    loss = (_cv_squared(importance) + _cv_squared(load)) * COEF

    # ---- experts: 2-layer GCNs run on the full graph, combined by gates ----
    y = jnp.zeros((N, D_HID), dtype=x.dtype)
    for e in range(N_EXP):
        h = _gcn_layer(x, src, dst, d_is, W1[e], b1[e])
        h = jax.nn.relu(h)
        h = _gcn_layer(h, src, dst, d_is, W2[e], b2[e])
        y = y + gates[:, e][:, None] * h
    return y, loss

if __name__ == "__main__":
    import jax
    _d = setup_inputs()
    print(jax.jit(kernel)(*tuple(_d.values())))

</pallas_src>

<mosaic_0001>
#map = affine_map<(d0, d1) -> (0, 0)>
#map1 = affine_map<(d0, d1) -> (0)>
#map2 = affine_map<(d0, d1) -> (0, 0, 0)>
module attributes {stable_mosaic.version = 14 : i64} {
  func.func @prop(%arg0: i32, %arg1: i32, %arg2: memref<320000x128xf32, #tpu.memory_space<hbm>>, %arg3: memref<163840xi32, #tpu.memory_space<hbm>>, %arg4: memref<163840xi32, #tpu.memory_space<hbm>>, %arg5: memref<640x128xf32, #tpu.memory_space<hbm>>, %arg6: memref<32x10240x128xf32, #tpu.memory_space<hbm>>, %arg7: memref<128xi32, #tpu.memory_space<vmem>>, %arg8: memref<128xi32, #tpu.memory_space<vmem>>, %arg9: memref<128x128xf32, #tpu.memory_space<vmem>>, %arg10: memref<128xi32, #tpu.memory_space<vmem>>, %arg11: memref<128xi32, #tpu.memory_space<vmem>>, %arg12: memref<128x128xf32, #tpu.memory_space<vmem>>, %arg13: memref<10240x128xf32, #tpu.memory_space<vmem_shared>>, %arg14: memref<!tpu.dma_semaphore, #tpu.memory_space<semaphore_mem>>, %arg15: memref<!tpu.dma_semaphore, #tpu.memory_space<semaphore_mem>>) attributes {dimension_semantics = [#tpu.dimension_semantics<core_parallel>, #tpu.dimension_semantics<subcore_parallel>], iteration_bounds = array<i64: 2, 16>, scalar_prefetch = 0 : i64, scratch_operands = 9 : i64, tpu.core_type = #tpu.core_type<sc_vector_subcore>, window_params = [{transform_indices = #map}, {transform_indices = #map1}, {transform_indices = #map1}, {transform_indices = #map}, {transform_indices = #map2}]} {
    %scan3A = arith.constant 0 : i32
    %scan3A_0 = arith.constant 0 : i32
    %scan3A_1 = arith.constant 16 : i32
    %scan3A_2 = arith.addi %scan3A_0, %scan3A_1 : i32
    %scan3A_3 = arith.constant 1 : i32
    scf.for %scan3A_5 = %scan3A_0 to %scan3A_2 step %scan3A_3  : i32 {
      %mul3A = arith.constant 2 : i32
      %mul3A_6 = arith.muli %scan3A_5, %mul3A : i32
      %add3A = arith.addi %mul3A_6, %arg0 : i32
      %lt3A = arith.constant 32 : i32
      %lt3A_7 = arith.cmpi slt, %add3A, %lt3A : i32
      %convert_element_type3A = arith.extui %lt3A_7 : i1 to i32
      %cond3A = arith.constant 0 : i32
      %cond3A_8 = arith.cmpi ne, %convert_element_type3A, %cond3A : i32
      scf.if %cond3A_8 {
        %mul3A_9 = arith.constant 640 : i32
        %mul3A_10 = arith.muli %arg1, %mul3A_9 : i32
        "tpu.region"() ({
          %run_scoped3A = tpu.sem_alloc : memref<!tpu.dma_semaphore, #tpu.memory_space<semaphore_mem>>
          %dma_start3A_117 = arith.constant 0 : i32
          %dma_start3A_118 = tpu.memref_slice %arg13[%mul3A_10, %dma_start3A_117] : memref<10240x128xf32, #tpu.memory_space<vmem_shared>> -> memref<640x128xf32, #tpu.memory_space<vmem_shared>>
          tpu.enqueue_dma source(%arg5 : memref<640x128xf32, #tpu.memory_space<hbm>>) target(%dma_start3A_118 : memref<640x128xf32, #tpu.memory_space<vmem_shared>>) target_semaphore(%run_scoped3A : memref<!tpu.dma_semaphore, #tpu.memory_space<semaphore_mem>>)
          %dma_wait3A = arith.constant 0 : i32
          %dma_wait3A_119 = tpu.memref_slice %arg13[%mul3A_10, %dma_wait3A] : memref<10240x128xf32, #tpu.memory_space<vmem_shared>> -> memref<640x128xf32, #tpu.memory_space<vmem_shared>>
          tpu.wait_dma2 semaphore(%run_scoped3A : memref<!tpu.dma_semaphore, #tpu.memory_space<semaphore_mem>>) src(%arg5 : memref<640x128xf32, #tpu.memory_space<hbm>>) dst(%dma_wait3A_119 : memref<640x128xf32, #tpu.memory_space<vmem_shared>>)
          tpu.yield
        }) : () -> ()
        %barrier3A = arith.constant 0 : index
        tpu.barrier barrier_id(%barrier3A)
        %mul3A_11 = arith.constant 10000 : i32
        %mul3A_12 = arith.muli %add3A, %mul3A_11 : i32
        %mul3A_13 = arith.constant 10240 : i32
        %mul3A_14 = arith.muli %arg1, %mul3A_13 : i32
        %add3A_15 = arith.constant 0 : i32
        %add3A_16 = arith.addi %mul3A_14, %add3A_15 : i32
        "tpu.region"() ({
          %run_scoped3A = tpu.sem_alloc : memref<!tpu.dma_semaphore, #tpu.memory_space<semaphore_mem>>
          %dma_start3A_117 = tpu.memref_slice %arg3[%add3A_16] : memref<163840xi32, #tpu.memory_space<hbm>> -> memref<128xi32, #tpu.memory_space<hbm>>
          %dma_start3A_118 = tpu.memref_slice %arg3[%add3A_16] : memref<163840xi32, #tpu.memory_space<hbm>> -> memref<128xi32, #tpu.memory_space<hbm>>
          tpu.enqueue_dma source(%dma_start3A_118 : memref<128xi32, #tpu.memory_space<hbm>>) target(%arg7 : memref<128xi32, #tpu.memory_space<vmem>>) target_semaphore(%run_scoped3A : memref<!tpu.dma_semaphore, #tpu.memory_space<semaphore_mem>>)
          %dma_wait3A = tpu.memref_slice %arg3[%add3A_16] : memref<163840xi32, #tpu.memory_space<hbm>> -> memref<128xi32, #tpu.memory_space<hbm>>
          %dma_wait3A_119 = tpu.memref_slice %arg3[%add3A_16] : memref<163840xi32, #tpu.memory_space<hbm>> -> memref<128xi32, #tpu.memory_space<hbm>>
          tpu.wait_dma2 semaphore(%run_scoped3A : memref<!tpu.dma_semaphore, #tpu.memory_space<semaphore_mem>>) src(%dma_wait3A_119 : memref<128xi32, #tpu.memory_space<hbm>>) dst(%arg7 : memref<128xi32, #tpu.memory_space<vmem>>)
          tpu.yield
        }) : () -> ()
        "tpu.region"() ({
          %run_scoped3A = tpu.sem_alloc : memref<!tpu.dma_semaphore, #tpu.memory_space<semaphore_mem>>
          %dma_start3A_117 = tpu.memref_slice %arg4[%add3A_16] : memref<163840xi32, #tpu.memory_space<hbm>> -> memref<128xi32, #tpu.memory_space<hbm>>
          %dma_start3A_118 = tpu.memref_slice %arg4[%add3A_16] : memref<163840xi32, #tpu.memory_space<hbm>> -> memref<128xi32, #tpu.memory_space<hbm>>
          tpu.enqueue_dma source(%dma_start3A_118 : memref<128xi32, #tpu.memory_space<hbm>>) target(%arg8 : memref<128xi32, #tpu.memory_space<vmem>>) target_semaphore(%run_scoped3A : memref<!tpu.dma_semaphore, #tpu.memory_space<semaphore_mem>>)
          %dma_wait3A = tpu.memref_slice %arg4[%add3A_16] : memref<163840xi32, #tpu.memory_space<hbm>> -> memref<128xi32, #tpu.memory_space<hbm>>
          %dma_wait3A_119 = tpu.memref_slice %arg4[%add3A_16] : memref<163840xi32, #tpu.memory_space<hbm>> -> memref<128xi32, #tpu.memory_space<hbm>>
          tpu.wait_dma2 semaphore(%run_scoped3A : memref<!tpu.dma_semaphore, #tpu.memory_space<semaphore_mem>>) src(%dma_wait3A_119 : memref<128xi32, #tpu.memory_space<hbm>>) dst(%arg8 : memref<128xi32, #tpu.memory_space<vmem>>)
          tpu.yield
        }) : () -> ()
        %get3A = arith.constant 0 : index
        %get3A_17 = tpu.vector_load %arg7[%get3A] {strides = array<i32>} : memref<128xi32, #tpu.memory_space<vmem>>, vector<16xi32>,
        %get3A_18 = vector.shape_cast %get3A_17 : vector<16xi32> to vector<16xi32>
        %add3A_19 = vector.broadcast %mul3A_12 : i32 to vector<16xi32>
        %add3A_20 = arith.addi %get3A_18, %add3A_19 : vector<16xi32>
        %swap3A = arith.constant 0 : index
        %swap3A_21 = tpu.vector_load %arg7[%swap3A] {strides = array<i32>} : memref<128xi32, #tpu.memory_space<vmem>>, vector<16xi32>,
        %swap3A_22 = vector.shape_cast %swap3A_21 : vector<16xi32> to vector<16xi32>
        %swap3A_23 = vector.shape_cast %add3A_20 : vector<16xi32> to vector<16xi32>
        tpu.vector_store %arg7[%swap3A], %swap3A_23 {strides = array<i32>} : memref<128xi32, #tpu.memory_space<vmem>>, vector<16xi32>,
        %get3A_24 = arith.constant 16 : index
        %get3A_25 = tpu.vector_load %arg7[%get3A_24] {strides = array<i32>} : memref<128xi32, #tpu.memory_space<vmem>>, vector<16xi32>,
        %get3A_26 = vector.shape_cast %get3A_25 : vector<16xi32> to vector<16xi32>
        %add3A_27 = vector.broadcast %mul3A_12 : i32 to vector<16xi32>
        %add3A_28 = arith.addi %get3A_26, %add3A_27 : vector<16xi32>
        %swap3A_29 = arith.constant 16 : index
        %swap3A_30 = tpu.vector_load %arg7[%swap3A_29] {strides = array<i32>} : memref<128xi32, #tpu.memory_space<vmem>>, vector<16xi32>,
        %swap3A_31 = vector.shape_cast %swap3A_30 : vector<16xi32> to vector<16xi32>
        %swap3A_32 = vector.shape_cast %add3A_28 : vector<16xi32> to vector<16xi32>
        tpu.vector_store %arg7[%swap3A_29], %swap3A_32 {strides = array<i32>} : memref<128xi32, #tpu.memory_space<vmem>>, vector<16xi32>,
        %get3A_33 = arith.constant 32 : index
        %get3A_34 = tpu.vector_load %arg7[%get3A_33] {strides = array<i32>} : memref<128xi32, #tpu.memory_space<vmem>>, vector<16xi32>,
        %get3A_35 = vector.shape_cast %get3A_34 : vector<16xi32> to vector<16xi32>
        %add3A_36 = vector.broadcast %mul3A_12 : i32 to vector<16xi32>
        %add3A_37 = arith.addi %get3A_35, %add3A_36 : vector<16xi32>
        %swap3A_38 = arith.constant 32 : index
        %swap3A_39 = tpu.vector_load %arg7[%swap3A_38] {strides = array<i32>} : memref<128xi32, #tpu.memory_space<vmem>>, vector<16xi32>,
        %swap3A_40 = vector.shape_cast %swap3A_39 : vector<16xi32> to vector<16xi32>
        %swap3A_41 = vector.shape_cast %add3A_37 : vector<16xi32> to vector<16xi32>
        tpu.vector_store %arg7[%swap3A_38], %swap3A_41 {strides = array<i32>} : memref<128xi32, #tpu.memory_space<vmem>>, vector<16xi32>,
        %get3A_42 = arith.constant 48 : index
        %get3A_43 = tpu.vector_load %arg7[%get3A_42] {strides = array<i32>} : memref<128xi32, #tpu.memory_space<vmem>>, vector<16xi32>,
        %get3A_44 = vector.shape_cast %get3A_43 : vector<16xi32> to vector<16xi32>
        %add3A_45 = vector.broadcast %mul3A_12 : i32 to vector<16xi32>
        %add3A_46 = arith.addi %get3A_44, %add3A_45 : vector<16xi32>
        %swap3A_47 = arith.constant 48 : index
        %swap3A_48 = tpu.vector_load %arg7[%swap3A_47] {strides = array<i32>} : memref<128xi32, #tpu.memory_space<vmem>>, vector<16xi32>,
        %swap3A_49 = vector.shape_cast %swap3A_48 : vector<16xi32> to vector<16xi32>
        %swap3A_50 = vector.shape_cast %add3A_46 : vector<16xi32> to vector<16xi32>
        tpu.vector_store %arg7[%swap3A_47], %swap3A_50 {strides = array<i32>} : memref<128xi32, #tpu.memory_space<vmem>>, vector<16xi32>,
        %get3A_51 = arith.constant 64 : index
        %get3A_52 = tpu.vector_load %arg7[%get3A_51] {strides = array<i32>} : memref<128xi32, #tpu.memory_space<vmem>>, vector<16xi32>,
        %get3A_53 = vector.shape_cast %get3A_52 : vector<16xi32> to vector<16xi32>
        %add3A_54 = vector.broadcast %mul3A_12 : i32 to vector<16xi32>
        %add3A_55 = arith.addi %get3A_53, %add3A_54 : vector<16xi32>
        %swap3A_56 = arith.constant 64 : index
        %swap3A_57 = tpu.vector_load %arg7[%swap3A_56] {strides = array<i32>} : memref<128xi32, #tpu.memory_space<vmem>>, vector<16xi32>,
        %swap3A_58 = vector.shape_cast %swap3A_57 : vector<16xi32> to vector<16xi32>
        %swap3A_59 = vector.shape_cast %add3A_55 : vector<16xi32> to vector<16xi32>
        tpu.vector_store %arg7[%swap3A_56], %swap3A_59 {strides = array<i32>} : memref<128xi32, #tpu.memory_space<vmem>>, vector<16xi32>,
        %get3A_60 = arith.constant 80 : index
        %get3A_61 = tpu.vector_load %arg7[%get3A_60] {strides = array<i32>} : memref<128xi32, #tpu.memory_space<vmem>>, vector<16xi32>,
        %get3A_62 = vector.shape_cast %get3A_61 : vector<16xi32> to vector<16xi32>
        %add3A_63 = vector.broadcast %mul3A_12 : i32 to vector<16xi32>
        %add3A_64 = arith.addi %get3A_62, %add3A_63 : vector<16xi32>
        %swap3A_65 = arith.constant 80 : index
        %swap3A_66 = tpu.vector_load %arg7[%swap3A_65] {strides = array<i32>} : memref<128xi32, #tpu.memory_space<vmem>>, vector<16xi32>,
        %swap3A_67 = vector.shape_cast %swap3A_66 : vector<16xi32> to vector<16xi32>
        %swap3A_68 = vector.shape_cast %add3A_64 : vector<16xi32> to vector<16xi32>
        tpu.vector_store %arg7[%swap3A_65], %swap3A_68 {strides = array<i32>} : memref<128xi32, #tpu.memory_space<vmem>>, vector<16xi32>,
        %get3A_69 = arith.constant 96 : index
        %get3A_70 = tpu.vector_load %arg7[%get3A_69] {strides = array<i32>} : memref<128xi32, #tpu.memory_space<vmem>>, vector<16xi32>,
        %get3A_71 = vector.shape_cast %get3A_70 : vector<16xi32> to vector<16xi32>
        %add3A_72 = vector.broadcast %mul3A_12 : i32 to vector<16xi32>
        %add3A_73 = arith.addi %get3A_71, %add3A_72 : vector<16xi32>
        %swap3A_74 = arith.constant 96 : index
        %swap3A_75 = tpu.vector_load %arg7[%swap3A_74] {strides = array<i32>} : memref<128xi32, #tpu.memory_space<vmem>>, vector<16xi32>,
        %swap3A_76 = vector.shape_cast %swap3A_75 : vector<16xi32> to vector<16xi32>
        %swap3A_77 = vector.shape_cast %add3A_73 : vector<16xi32> to vector<16xi32>
        tpu.vector_store %arg7[%swap3A_74], %swap3A_77 {strides = array<i32>} : memref<128xi32, #tpu.memory_space<vmem>>, vector<16xi32>,
        %get3A_78 = arith.constant 112 : index
        %get3A_79 = tpu.vector_load %arg7[%get3A_78] {strides = array<i32>} : memref<128xi32, #tpu.memory_space<vmem>>, vector<16xi32>,
        %get3A_80 = vector.shape_cast %get3A_79 : vector<16xi32> to vector<16xi32>
        %add3A_81 = vector.broadcast %mul3A_12 : i32 to vector<16xi32>
        %add3A_82 = arith.addi %get3A_80, %add3A_81 : vector<16xi32>
        %swap3A_83 = arith.constant 112 : index
        %swap3A_84 = tpu.vector_load %arg7[%swap3A_83] {strides = array<i32>} : memref<128xi32, #tpu.memory_space<vmem>>, vector<16xi32>,
        %swap3A_85 = vector.shape_cast %swap3A_84 : vector<16xi32> to vector<16xi32>
        %swap3A_86 = vector.shape_cast %add3A_82 : vector<16xi32> to vector<16xi32>
        tpu.vector_store %arg7[%swap3A_83], %swap3A_86 {strides = array<i32>} : memref<128xi32, #tpu.memory_space<vmem>>, vector<16xi32>,
        %dma_start3A = arith.constant 0 : i32
        %dma_start3A_87 = arith.constant 0 : i32
        %dma_start3A_88 = tpu.memref_slice %arg2[%dma_start3A, %dma_start3A_87] : memref<320000x128xf32, #tpu.memory_space<hbm>> -> memref<320000x128xf32, #tpu.memory_space<hbm>>
        tpu.enqueue_indirect_dma source(%dma_start3A_88 : memref<320000x128xf32, #tpu.memory_space<hbm>>) target(%arg9 : memref<128x128xf32, #tpu.memory_space<vmem>>) offsets(%arg7 : memref<128xi32, #tpu.memory_space<vmem>>) semaphore(%arg14 : memref<!tpu.dma_semaphore, #tpu.memory_space<semaphore_mem>>)
        %scan3A_89 = arith.constant 0 : i32
        %scan3A_90 = arith.constant 0 : i32
        %scan3A_91 = arith.constant 40 : i32
        %scan3A_92 = arith.addi %scan3A_90, %scan3A_91 : i32
        %scan3A_93 = arith.constant 1 : i32
        scf.for %scan3A_117 = %scan3A_90 to %scan3A_92 step %scan3A_93  : i32 {
          %mul3A_118 = arith.constant 2 : i32
          %mul3A_119 = arith.muli %mul3A_118, %scan3A_117 : i32
          %add3A_120 = arith.constant 1 : i32
          %add3A_121 = arith.addi %mul3A_119, %add3A_120 : i32
          %mul3A_122 = arith.constant 10240 : i32
          %mul3A_123 = arith.muli %arg1, %mul3A_122 : i32
          %mul3A_124 = arith.constant 128 : i32
          %mul3A_125 = arith.muli %add3A_121, %mul3A_124 : i32
          %add3A_126 = arith.addi %mul3A_123, %mul3A_125 : i32
          "tpu.region"() ({
            %run_scoped3A = tpu.sem_alloc : memref<!tpu.dma_semaphore, #tpu.memory_space<semaphore_mem>>
            %dma_start3A_216 = tpu.memref_slice %arg3[%add3A_126] : memref<163840xi32, #tpu.memory_space<hbm>> -> memref<128xi32, #tpu.memory_space<hbm>>
            %dma_start3A_217 = tpu.memref_slice %arg3[%add3A_126] : memref<163840xi32, #tpu.memory_space<hbm>> -> memref<128xi32, #tpu.memory_space<hbm>>
            tpu.enqueue_dma source(%dma_start3A_217 : memref<128xi32, #tpu.memory_space<hbm>>) target(%arg10 : memref<128xi32, #tpu.memory_space<vmem>>) target_semaphore(%run_scoped3A : memref<!tpu.dma_semaphore, #tpu.memory_space<semaphore_mem>>)
            %dma_wait3A_218 = tpu.memref_slice %arg3[%add3A_126] : memref<163840xi32, #tpu.memory_space<hbm>> -> memref<128xi32, #tpu.memory_space<hbm>>
            %dma_wait3A_219 = tpu.memref_slice %arg3[%add3A_126] : memref<163840xi32, #tpu.memory_space<hbm>> -> memref<128xi32, #tpu.memory_space<hbm>>
            tpu.wait_dma2 semaphore(%run_scoped3A : memref<!tpu.dma_semaphore, #tpu.memory_space<semaphore_mem>>) src(%dma_wait3A_219 : memref<128xi32, #tpu.memory_space<hbm>>) dst(%arg10 : memref<128xi32, #tpu.memory_space<vmem>>)
            tpu.yield
          }) : () -> ()
          "tpu.region"() ({
            %run_scoped3A = tpu.sem_alloc : memref<!tpu.dma_semaphore, #tpu.memory_space<semaphore_mem>>
            %dma_start3A_216 = tpu.memref_slice %arg4[%add3A_126] : memref<163840xi32, #tpu.memory_space<hbm>> -> memref<128xi32, #tpu.memory_space<hbm>>
            %dma_start3A_217 = tpu.memref_slice %arg4[%add3A_126] : memref<163840xi32, #tpu.memory_space<hbm>> -> memref<128xi32, #tpu.memory_space<hbm>>
            tpu.enqueue_dma source(%dma_start3A_217 : memref<128xi32, #tpu.memory_space<hbm>>) target(%arg11 : memref<128xi32, #tpu.memory_space<vmem>>) target_semaphore(%run_scoped3A : memref<!tpu.dma_semaphore, #tpu.memory_space<semaphore_mem>>)
            %dma_wait3A_218 = tpu.memref_slice %arg4[%add3A_126] : memref<163840xi32, #tpu.memory_space<hbm>> -> memref<128xi32, #tpu.memory_space<hbm>>
            %dma_wait3A_219 = tpu.memref_slice %arg4[%add3A_126] : memref<163840xi32, #tpu.memory_space<hbm>> -> memref<128xi32, #tpu.memory_space<hbm>>
            tpu.wait_dma2 semaphore(%run_scoped3A : memref<!tpu.dma_semaphore, #tpu.memory_space<semaphore_mem>>) src(%dma_wait3A_219 : memref<128xi32, #tpu.memory_space<hbm>>) dst(%arg11 : memref<128xi32, #tpu.memory_space<vmem>>)
            tpu.yield
          }) : () -> ()
          %get3A_127 = arith.constant 0 : index
          %get3A_128 = tpu.vector_load %arg10[%get3A_127] {strides = array<i32>} : memref<128xi32, #tpu.memory_space<vmem>>, vector<16xi32>,
          %get3A_129 = vector.shape_cast %get3A_128 : vector<16xi32> to vector<16xi32>
          %add3A_130 = vector.broadcast %mul3A_12 : i32 to vector<16xi32>
          %add3A_131 = arith.addi %get3A_129, %add3A_130 : vector<16xi32>
          %swap3A_132 = arith.constant 0 : index
          %swap3A_133 = tpu.vector_load %arg10[%swap3A_132] {strides = array<i32>} : memref<128xi32, #tpu.memory_space<vmem>>, vector<16xi32>,
          %swap3A_134 = vector.shape_cast %swap3A_133 : vector<16xi32> to vector<16xi32>
          %swap3A_135 = vector.shape_cast %add3A_131 : vector<16xi32> to vector<16xi32>
          tpu.vector_store %arg10[%swap3A_132], %swap3A_135 {strides = array<i32>} : memref<128xi32, #tpu.memory_space<vmem>>, vector<16xi32>,
          %get3A_136 = arith.constant 16 : index
          %get3A_137 = tpu.vector_load %arg10[%get3A_136] {strides = array<i32>} : memref<128xi32, #tpu.memory_space<vmem>>, vector<16xi32>,
          %get3A_138 = vector.shape_cast %get3A_137 : vector<16xi32> to vector<16xi32>
          %add3A_139 = vector.broadcast %mul3A_12 : i32 to vector<16xi32>
          %add3A_140 = arith.addi %get3A_138, %add3A_139 : vector<16xi32>
          %swap3A_141 = arith.constant 16 : index
          %swap3A_142 = tpu.vector_load %arg10[%swap3A_141] {strides = array<i32>} : memref<128xi32, #tpu.memory_space<vmem>>, vector<16xi32>,
          %swap3A_143 = vector.shape_cast %swap3A_142 : vector<16xi32> to vector<16xi32>
          %swap3A_144 = vector.shape_cast %add3A_140 : vector<16xi32> to vector<16xi32>
          tpu.vector_store %arg10[%swap3A_141], %swap3A_144 {strides = array<i32>} : memref<128xi32, #tpu.memory_space<vmem>>, vector<16xi32>,
          %get3A_145 = arith.constant 32 : index
          %get3A_146 = tpu.vector_load %arg10[%get3A_145] {strides = array<i32>} : memref<128xi32, #tpu.memory_space<vmem>>, vector<16xi32>,
          %get3A_147 = vector.shape_cast %get3A_146 : vector<16xi32> to vector<16xi32>
          %add3A_148 = vector.broadcast %mul3A_12 : i32 to vector<16xi32>
          %add3A_149 = arith.addi %get3A_147, %add3A_148 : vector<16xi32>
          %swap3A_150 = arith.constant 32 : index
          %swap3A_151 = tpu.vector_load %arg10[%swap3A_150] {strides = array<i32>} : memref<128xi32, #tpu.memory_space<vmem>>, vector<16xi32>,
          %swap3A_152 = vector.shape_cast %swap3A_151 : vector<16xi32> to vector<16xi32>
          %swap3A_153 = vector.shape_cast %add3A_149 : vector<16xi32> to vector<16xi32>
          tpu.vector_store %arg10[%swap3A_150], %swap3A_153 {strides = array<i32>} : memref<128xi32, #tpu.memory_space<vmem>>, vector<16xi32>,
          %get3A_154 = arith.constant 48 : index
          %get3A_155 = tpu.vector_load %arg10[%get3A_154] {strides = array<i32>} : memref<128xi32, #tpu.memory_space<vmem>>, vector<16xi32>,
          %get3A_156 = vector.shape_cast %get3A_155 : vector<16xi32> to vector<16xi32>
          %add3A_157 = vector.broadcast %mul3A_12 : i32 to vector<16xi32>
          %add3A_158 = arith.addi %get3A_156, %add3A_157 : vector<16xi32>
          %swap3A_159 = arith.constant 48 : index
          %swap3A_160 = tpu.vector_load %arg10[%swap3A_159] {strides = array<i32>} : memref<128xi32, #tpu.memory_space<vmem>>, vector<16xi32>,
          %swap3A_161 = vector.shape_cast %swap3A_160 : vector<16xi32> to vector<16xi32>
          %swap3A_162 = vector.shape_cast %add3A_158 : vector<16xi32> to vector<16xi32>
          tpu.vector_store %arg10[%swap3A_159], %swap3A_162 {strides = array<i32>} : memref<128xi32, #tpu.memory_space<vmem>>, vector<16xi32>,
          %get3A_163 = arith.constant 64 : index
          %get3A_164 = tpu.vector_load %arg10[%get3A_163] {strides = array<i32>} : memref<128xi32, #tpu.memory_space<vmem>>, vector<16xi32>,
          %get3A_165 = vector.shape_cast %get3A_164 : vector<16xi32> to vector<16xi32>
          %add3A_166 = vector.broadcast %mul3A_12 : i32 to vector<16xi32>
          %add3A_167 = arith.addi %get3A_165, %add3A_166 : vector<16xi32>
          %swap3A_168 = arith.constant 64 : index
          %swap3A_169 = tpu.vector_load %arg10[%swap3A_168] {strides = array<i32>} : memref<128xi32, #tpu.memory_space<vmem>>, vector<16xi32>,
          %swap3A_170 = vector.shape_cast %swap3A_169 : vector<16xi32> to vector<16xi32>
          %swap3A_171 = vector.shape_cast %add3A_167 : vector<16xi32> to vector<16xi32>
          tpu.vector_store %arg10[%swap3A_168], %swap3A_171 {strides = array<i32>} : memref<128xi32, #tpu.memory_space<vmem>>, vector<16xi32>,
          %get3A_172 = arith.constant 80 : index
          %get3A_173 = tpu.vector_load %arg10[%get3A_172] {strides = array<i32>} : memref<128xi32, #tpu.memory_space<vmem>>, vector<16xi32>,
          %get3A_174 = vector.shape_cast %get3A_173 : vector<16xi32> to vector<16xi32>
          %add3A_175 = vector.broadcast %mul3A_12 : i32 to vector<16xi32>
          %add3A_176 = arith.addi %get3A_174, %add3A_175 : vector<16xi32>
          %swap3A_177 = arith.constant 80 : index
          %swap3A_178 = tpu.vector_load %arg10[%swap3A_177] {strides = array<i32>} : memref<128xi32, #tpu.memory_space<vmem>>, vector<16xi32>,
          %swap3A_179 = vector.shape_cast %swap3A_178 : vector<16xi32> to vector<16xi32>
          %swap3A_180 = vector.shape_cast %add3A_176 : vector<16xi32> to vector<16xi32>
          tpu.vector_store %arg10[%swap3A_177], %swap3A_180 {strides = array<i32>} : memref<128xi32, #tpu.memory_space<vmem>>, vector<16xi32>,
          %get3A_181 = arith.constant 96 : index
          %get3A_182 = tpu.vector_load %arg10[%get3A_181] {strides = array<i32>} : memref<128xi32, #tpu.memory_space<vmem>>, vector<16xi32>,
          %get3A_183 = vector.shape_cast %get3A_182 : vector<16xi32> to vector<16xi32>
          %add3A_184 = vector.broadcast %mul3A_12 : i32 to vector<16xi32>
          %add3A_185 = arith.addi %get3A_183, %add3A_184 : vector<16xi32>
          %swap3A_186 = arith.constant 96 : index
          %swap3A_187 = tpu.vector_load %arg10[%swap3A_186] {strides = array<i32>} : memref<128xi32, #tpu.memory_space<vmem>>, vector<16xi32>,
          %swap3A_188 = vector.shape_cast %swap3A_187 : vector<16xi32> to vector<16xi32>
          %swap3A_189 = vector.shape_cast %add3A_185 : vector<16xi32> to vector<16xi32>
          tpu.vector_store %arg10[%swap3A_186], %swap3A_189 {strides = array<i32>} : memref<128xi32, #tpu.memory_space<vmem>>, vector<16xi32>,
          %get3A_190 = arith.constant 112 : index
          %get3A_191 = tpu.vector_load %arg10[%get3A_190] {strides = array<i32>} : memref<128xi32, #tpu.memory_space<vmem>>, vector<16xi32>,
          %get3A_192 = vector.shape_cast %get3A_191 : vector<16xi32> to vector<16xi32>
          %add3A_193 = vector.broadcast %mul3A_12 : i32 to vector<16xi32>
          %add3A_194 = arith.addi %get3A_192, %add3A_193 : vector<16xi32>
          %swap3A_195 = arith.constant 112 : index
          %swap3A_196 = tpu.vector_load %arg10[%swap3A_195] {strides = array<i32>} : memref<128xi32, #tpu.memory_space<vmem>>, vector<16xi32>,
          %swap3A_197 = vector.shape_cast %swap3A_196 : vector<16xi32> to vector<16xi32>
          %swap3A_198 = vector.shape_cast %add3A_194 : vector<16xi32> to vector<16xi32>
          tpu.vector_store %arg10[%swap3A_195], %swap3A_198 {strides = array<i32>} : memref<128xi32, #tpu.memory_space<vmem>>, vector<16xi32>,
          %dma_start3A_199 = arith.constant 0 : i32
          %dma_start3A_200 = arith.constant 0 : i32
          %dma_start3A_201 = tpu.memref_slice %arg2[%dma_start3A_199, %dma_start3A_200] : memref<320000x128xf32, #tpu.memory_space<hbm>> -> memref<320000x128xf32, #tpu.memory_space<hbm>>
          tpu.enqueue_indirect_dma source(%dma_start3A_201 : memref<320000x128xf32, #tpu.memory_space<hbm>>) target(%arg12 : memref<128x128xf32, #tpu.memory_space<vmem>>) offsets(%arg10 : memref<128xi32, #tpu.memory_space<vmem>>) semaphore(%arg15 : memref<!tpu.dma_semaphore, #tpu.memory_space<semaphore_mem>>)
          %dma_wait3A = arith.constant 0 : i32
          %dma_wait3A_202 = arith.constant 0 : i32
          %dma_wait3A_203 = tpu.memref_slice %arg2[%dma_wait3A, %dma_wait3A_202] : memref<320000x128xf32, #tpu.memory_space<hbm>> -> memref<320000x128xf32, #tpu.memory_space<hbm>>
          tpu.wait_indirect_dma semaphore(%arg14 : memref<!tpu.dma_semaphore, #tpu.memory_space<semaphore_mem>>) src(%dma_wait3A_203 : memref<320000x128xf32, #tpu.memory_space<hbm>>) dst(%arg9 : memref<128x128xf32, #tpu.memory_space<vmem>>)
          "tpu.region"() ({
            %run_scoped3A = tpu.sem_alloc : memref<!tpu.dma_semaphore, #tpu.memory_space<semaphore_mem>>
            %dma_start3A_216 = arith.constant 0 : i32
            %dma_start3A_217 = arith.constant 0 : i32
            %dma_start3A_218 = tpu.memref_slice %arg13[%dma_start3A_216, %dma_start3A_217] : memref<10240x128xf32, #tpu.memory_space<vmem_shared>> -> memref<10240x128xf32, #tpu.memory_space<vmem_shared>>
            tpu.enqueue_indirect_dma source(%arg9 : memref<128x128xf32, #tpu.memory_space<vmem>>) target(%dma_start3A_218 : memref<10240x128xf32, #tpu.memory_space<vmem_shared>>) offsets(%arg8 : memref<128xi32, #tpu.memory_space<vmem>>) semaphore(%run_scoped3A : memref<!tpu.dma_semaphore, #tpu.memory_space<semaphore_mem>>) {add = true}
            %dma_wait3A_219 = arith.constant 0 : i32
            %dma_wait3A_220 = arith.constant 0 : i32
            %dma_wait3A_221 = tpu.memref_slice %arg13[%dma_wait3A_219, %dma_wait3A_220] : memref<10240x128xf32, #tpu.memory_space<vmem_shared>> -> memref<10240x128xf32, #tpu.memory_space<vmem_shared>>
            tpu.wait_indirect_dma semaphore(%run_scoped3A : memref<!tpu.dma_semaphore, #tpu.memory_space<semaphore_mem>>) src(%arg9 : memref<128x128xf32, #tpu.memory_space<vmem>>) dst(%dma_wait3A_221 : memref<10240x128xf32, #tpu.memory_space<vmem_shared>>)
            tpu.yield
          }) : () -> ()
          %mul3A_204 = arith.constant 2 : i32
          %mul3A_205 = arith.muli %mul3A_204, %scan3A_117 : i32
          %add3A_206 = arith.constant 2 : i32
          %add3A_207 = arith.addi %mul3A_205, %add3A_206 : i32
          %lt3A_208 = arith.constant 80 : i32
          %lt3A_209 = arith.cmpi slt, %add3A_207, %lt3A_208 : i32
          %convert_element_type3A_210 = arith.extui %lt3A_209 : i1 to i32
          %cond3A_211 = arith.constant 0 : i32
          %cond3A_212 = arith.cmpi ne, %convert_element_type3A_210, %cond3A_211 : i32
          scf.if %cond3A_212 {
            %mul3A_216 = arith.constant 2 : i32
            %mul3A_217 = arith.muli %mul3A_216, %scan3A_117 : i32
            %add3A_218 = arith.constant 2 : i32
            %add3A_219 = arith.addi %mul3A_217, %add3A_218 : i32
            %mul3A_220 = arith.constant 10240 : i32
            %mul3A_221 = arith.muli %arg1, %mul3A_220 : i32
            %mul3A_222 = arith.constant 128 : i32
            %mul3A_223 = arith.muli %add3A_219, %mul3A_222 : i32
            %add3A_224 = arith.addi %mul3A_221, %mul3A_223 : i32
            "tpu.region"() ({
              %run_scoped3A = tpu.sem_alloc : memref<!tpu.dma_semaphore, #tpu.memory_space<semaphore_mem>>
              %dma_start3A_300 = tpu.memref_slice %arg3[%add3A_224] : memref<163840xi32, #tpu.memory_space<hbm>> -> memref<128xi32, #tpu.memory_space<hbm>>
              %dma_start3A_301 = tpu.memref_slice %arg3[%add3A_224] : memref<163840xi32, #tpu.memory_space<hbm>> -> memref<128xi32, #tpu.memory_space<hbm>>
              tpu.enqueue_dma source(%dma_start3A_301 : memref<128xi32, #tpu.memory_space<hbm>>) target(%arg7 : memref<128xi32, #tpu.memory_space<vmem>>) target_semaphore(%run_scoped3A : memref<!tpu.dma_semaphore, #tpu.memory_space<semaphore_mem>>)
              %dma_wait3A_302 = tpu.memref_slice %arg3[%add3A_224] : memref<163840xi32, #tpu.memory_space<hbm>> -> memref<128xi32, #tpu.memory_space<hbm>>
              %dma_wait3A_303 = tpu.memref_slice %arg3[%add3A_224] : memref<163840xi32, #tpu.memory_space<hbm>> -> memref<128xi32, #tpu.memory_space<hbm>>
              tpu.wait_dma2 semaphore(%run_scoped3A : memref<!tpu.dma_semaphore, #tpu.memory_space<semaphore_mem>>) src(%dma_wait3A_303 : memref<128xi32, #tpu.memory_space<hbm>>) dst(%arg7 : memref<128xi32, #tpu.memory_space<vmem>>)
              tpu.yield
            }) : () -> ()
            "tpu.region"() ({
              %run_scoped3A = tpu.sem_alloc : memref<!tpu.dma_semaphore, #tpu.memory_space<semaphore_mem>>
              %dma_start3A_300 = tpu.memref_slice %arg4[%add3A_224] : memref<163840xi32, #tpu.memory_space<hbm>> -> memref<128xi32, #tpu.memory_space<hbm>>
              %dma_start3A_301 = tpu.memref_slice %arg4[%add3A_224] : memref<163840xi32, #tpu.memory_space<hbm>> -> memref<128xi32, #tpu.memory_space<hbm>>
              tpu.enqueue_dma source(%dma_start3A_301 : memref<128xi32, #tpu.memory_space<hbm>>) target(%arg8 : memref<128xi32, #tpu.memory_space<vmem>>) target_semaphore(%run_scoped3A : memref<!tpu.dma_semaphore, #tpu.memory_space<semaphore_mem>>)
              %dma_wait3A_302 = tpu.memref_slice %arg4[%add3A_224] : memref<163840xi32, #tpu.memory_space<hbm>> -> memref<128xi32, #tpu.memory_space<hbm>>
              %dma_wait3A_303 = tpu.memref_slice %arg4[%add3A_224] : memref<163840xi32, #tpu.memory_space<hbm>> -> memref<128xi32, #tpu.memory_space<hbm>>
              tpu.wait_dma2 semaphore(%run_scoped3A : memref<!tpu.dma_semaphore, #tpu.memory_space<semaphore_mem>>) src(%dma_wait3A_303 : memref<128xi32, #tpu.memory_space<hbm>>) dst(%arg8 : memref<128xi32, #tpu.memory_space<vmem>>)
              tpu.yield
            }) : () -> ()
            %get3A_225 = arith.constant 0 : index
            %get3A_226 = tpu.vector_load %arg7[%get3A_225] {strides = array<i32>} : memref<128xi32, #tpu.memory_space<vmem>>, vector<16xi32>,
            %get3A_227 = vector.shape_cast %get3A_226 : vector<16xi32> to vector<16xi32>
            %add3A_228 = vector.broadcast %mul3A_12 : i32 to vector<16xi32>
            %add3A_229 = arith.addi %get3A_227, %add3A_228 : vector<16xi32>
            %swap3A_230 = arith.constant 0 : index
            %swap3A_231 = tpu.vector_load %arg7[%swap3A_230] {strides = array<i32>} : memref<128xi32, #tpu.memory_space<vmem>>, vector<16xi32>,
            %swap3A_232 = vector.shape_cast %swap3A_231 : vector<16xi32> to vector<16xi32>
            %swap3A_233 = vector.shape_cast %add3A_229 : vector<16xi32> to vector<16xi32>
            tpu.vector_store %arg7[%swap3A_230], %swap3A_233 {strides = array<i32>} : memref<128xi32, #tpu.memory_space<vmem>>, vector<16xi32>,
            %get3A_234 = arith.constant 16 : index
            %get3A_235 = tpu.vector_load %arg7[%get3A_234] {strides = array<i32>} : memref<128xi32, #tpu.memory_space<vmem>>, vector<16xi32>,
            %get3A_236 = vector.shape_cast %get3A_235 : vector<16xi32> to vector<16xi32>
            %add3A_237 = vector.broadcast %mul3A_12 : i32 to vector<16xi32>
            %add3A_238 = arith.addi %get3A_236, %add3A_237 : vector<16xi32>
            %swap3A_239 = arith.constant 16 : index
            %swap3A_240 = tpu.vector_load %arg7[%swap3A_239] {strides = array<i32>} : memref<128xi32, #tpu.memory_space<vmem>>, vector<16xi32>,
            %swap3A_241 = vector.shape_cast %swap3A_240 : vector<16xi32> to vector<16xi32>
            %swap3A_242 = vector.shape_cast %add3A_238 : vector<16xi32> to vector<16xi32>
            tpu.vector_store %arg7[%swap3A_239], %swap3A_242 {strides = array<i32>} : memref<128xi32, #tpu.memory_space<vmem>>, vector<16xi32>,
            %get3A_243 = arith.constant 32 : index
            %get3A_244 = tpu.vector_load %arg7[%get3A_243] {strides = array<i32>} : memref<128xi32, #tpu.memory_space<vmem>>, vector<16xi32>,
            %get3A_245 = vector.shape_cast %get3A_244 : vector<16xi32> to vector<16xi32>
            %add3A_246 = vector.broadcast %mul3A_12 : i32 to vector<16xi32>
            %add3A_247 = arith.addi %get3A_245, %add3A_246 : vector<16xi32>
            %swap3A_248 = arith.constant 32 : index
            %swap3A_249 = tpu.vector_load %arg7[%swap3A_248] {strides = array<i32>} : memref<128xi32, #tpu.memory_space<vmem>>, vector<16xi32>,
            %swap3A_250 = vector.shape_cast %swap3A_249 : vector<16xi32> to vector<16xi32>
            %swap3A_251 = vector.shape_cast %add3A_247 : vector<16xi32> to vector<16xi32>
            tpu.vector_store %arg7[%swap3A_248], %swap3A_251 {strides = array<i32>} : memref<128xi32, #tpu.memory_space<vmem>>, vector<16xi32>,
            %get3A_252 = arith.constant 48 : index
            %get3A_253 = tpu.vector_load %arg7[%get3A_252] {strides = array<i32>} : memref<128xi32, #tpu.memory_space<vmem>>, vector<16xi32>,
            %get3A_254 = vector.shape_cast %get3A_253 : vector<16xi32> to vector<16xi32>
            %add3A_255 = vector.broadcast %mul3A_12 : i32 to vector<16xi32>
            %add3A_256 = arith.addi %get3A_254, %add3A_255 : vector<16xi32>
            %swap3A_257 = arith.constant 48 : index
            %swap3A_258 = tpu.vector_load %arg7[%swap3A_257] {strides = array<i32>} : memref<128xi32, #tpu.memory_space<vmem>>, vector<16xi32>,
            %swap3A_259 = vector.shape_cast %swap3A_258 : vector<16xi32> to vector<16xi32>
            %swap3A_260 = vector.shape_cast %add3A_256 : vector<16xi32> to vector<16xi32>
            tpu.vector_store %arg7[%swap3A_257], %swap3A_260 {strides = array<i32>} : memref<128xi32, #tpu.memory_space<vmem>>, vector<16xi32>,
            %get3A_261 = arith.constant 64 : index
            %get3A_262 = tpu.vector_load %arg7[%get3A_261] {strides = array<i32>} : memref<128xi32, #tpu.memory_space<vmem>>, vector<16xi32>,
            %get3A_263 = vector.shape_cast %get3A_262 : vector<16xi32> to vector<16xi32>
            %add3A_264 = vector.broadcast %mul3A_12 : i32 to vector<16xi32>
            %add3A_265 = arith.addi %get3A_263, %add3A_264 : vector<16xi32>
            %swap3A_266 = arith.constant 64 : index
            %swap3A_267 = tpu.vector_load %arg7[%swap3A_266] {strides = array<i32>} : memref<128xi32, #tpu.memory_space<vmem>>, vector<16xi32>,
            %swap3A_268 = vector.shape_cast %swap3A_267 : vector<16xi32> to vector<16xi32>
            %swap3A_269 = vector.shape_cast %add3A_265 : vector<16xi32> to vector<16xi32>
            tpu.vector_store %arg7[%swap3A_266], %swap3A_269 {strides = array<i32>} : memref<128xi32, #tpu.memory_space<vmem>>, vector<16xi32>,
            %get3A_270 = arith.constant 80 : index
            %get3A_271 = tpu.vector_load %arg7[%get3A_270] {strides = array<i32>} : memref<128xi32, #tpu.memory_space<vmem>>, vector<16xi32>,
            %get3A_272 = vector.shape_cast %get3A_271 : vector<16xi32> to vector<16xi32>
            %add3A_273 = vector.broadcast %mul3A_12 : i32 to vector<16xi32>
            %add3A_274 = arith.addi %get3A_272, %add3A_273 : vector<16xi32>
            %swap3A_275 = arith.constant 80 : index
            %swap3A_276 = tpu.vector_load %arg7[%swap3A_275] {strides = array<i32>} : memref<128xi32, #tpu.memory_space<vmem>>, vector<16xi32>,
            %swap3A_277 = vector.shape_cast %swap3A_276 : vector<16xi32> to vector<16xi32>
            %swap3A_278 = vector.shape_cast %add3A_274 : vector<16xi32> to vector<16xi32>
            tpu.vector_store %arg7[%swap3A_275], %swap3A_278 {strides = array<i32>} : memref<128xi32, #tpu.memory_space<vmem>>, vector<16xi32>,
            %get3A_279 = arith.constant 96 : index
            %get3A_280 = tpu.vector_load %arg7[%get3A_279] {strides = array<i32>} : memref<128xi32, #tpu.memory_space<vmem>>, vector<16xi32>,
            %get3A_281 = vector.shape_cast %get3A_280 : vector<16xi32> to vector<16xi32>
            %add3A_282 = vector.broadcast %mul3A_12 : i32 to vector<16xi32>
            %add3A_283 = arith.addi %get3A_281, %add3A_282 : vector<16xi32>
            %swap3A_284 = arith.constant 96 : index
            %swap3A_285 = tpu.vector_load %arg7[%swap3A_284] {strides = array<i32>} : memref<128xi32, #tpu.memory_space<vmem>>, vector<16xi32>,
            %swap3A_286 = vector.shape_cast %swap3A_285 : vector<16xi32> to vector<16xi32>
            %swap3A_287 = vector.shape_cast %add3A_283 : vector<16xi32> to vector<16xi32>
            tpu.vector_store %arg7[%swap3A_284], %swap3A_287 {strides = array<i32>} : memref<128xi32, #tpu.memory_space<vmem>>, vector<16xi32>,
            %get3A_288 = arith.constant 112 : index
            %get3A_289 = tpu.vector_load %arg7[%get3A_288] {strides = array<i32>} : memref<128xi32, #tpu.memory_space<vmem>>, vector<16xi32>,
            %get3A_290 = vector.shape_cast %get3A_289 : vector<16xi32> to vector<16xi32>
            %add3A_291 = vector.broadcast %mul3A_12 : i32 to vector<16xi32>
            %add3A_292 = arith.addi %get3A_290, %add3A_291 : vector<16xi32>
            %swap3A_293 = arith.constant 112 : index
            %swap3A_294 = tpu.vector_load %arg7[%swap3A_293] {strides = array<i32>} : memref<128xi32, #tpu.memory_space<vmem>>, vector<16xi32>,
            %swap3A_295 = vector.shape_cast %swap3A_294 : vector<16xi32> to vector<16xi32>
            %swap3A_296 = vector.shape_cast %add3A_292 : vector<16xi32> to vector<16xi32>
            tpu.vector_store %arg7[%swap3A_293], %swap3A_296 {strides = array<i32>} : memref<128xi32, #tpu.memory_space<vmem>>, vector<16xi32>,
            %dma_start3A_297 = arith.constant 0 : i32
            %dma_start3A_298 = arith.constant 0 : i32
            %dma_start3A_299 = tpu.memref_slice %arg2[%dma_start3A_297, %dma_start3A_298] : memref<320000x128xf32, #tpu.memory_space<hbm>> -> memref<320000x128xf32, #tpu.memory_space<hbm>>
            tpu.enqueue_indirect_dma source(%dma_start3A_299 : memref<320000x128xf32, #tpu.memory_space<hbm>>) target(%arg9 : memref<128x128xf32, #tpu.memory_space<vmem>>) offsets(%arg7 : memref<128xi32, #tpu.memory_space<vmem>>) semaphore(%arg14 : memref<!tpu.dma_semaphore, #tpu.memory_space<semaphore_mem>>)
          } else {
          }
          %dma_wait3A_213 = arith.constant 0 : i32
          %dma_wait3A_214 = arith.constant 0 : i32
          %dma_wait3A_215 = tpu.memref_slice %arg2[%dma_wait3A_213, %dma_wait3A_214] : memref<320000x128xf32, #tpu.memory_space<hbm>> -> memref<320000x128xf32, #tpu.memory_space<hbm>>
          tpu.wait_indirect_dma semaphore(%arg15 : memref<!tpu.dma_semaphore, #tpu.memory_space<semaphore_mem>>) src(%dma_wait3A_215 : memref<320000x128xf32, #tpu.memory_space<hbm>>) dst(%arg12 : memref<128x128xf32, #tpu.memory_space<vmem>>)
          "tpu.region"() ({
            %run_scoped3A = tpu.sem_alloc : memref<!tpu.dma_semaphore, #tpu.memory_space<semaphore_mem>>
            %dma_start3A_216 = arith.constant 0 : i32
            %dma_start3A_217 = arith.constant 0 : i32
            %dma_start3A_218 = tpu.memref_slice %arg13[%dma_start3A_216, %dma_start3A_217] : memref<10240x128xf32, #tpu.memory_space<vmem_shared>> -> memref<10240x128xf32, #tpu.memory_space<vmem_shared>>
            tpu.enqueue_indirect_dma source(%arg12 : memref<128x128xf32, #tpu.memory_space<vmem>>) target(%dma_start3A_218 : memref<10240x128xf32, #tpu.memory_space<vmem_shared>>) offsets(%arg11 : memref<128xi32, #tpu.memory_space<vmem>>) semaphore(%run_scoped3A : memref<!tpu.dma_semaphore, #tpu.memory_space<semaphore_mem>>) {add = true}
            %dma_wait3A_219 = arith.constant 0 : i32
            %dma_wait3A_220 = arith.constant 0 : i32
            %dma_wait3A_221 = tpu.memref_slice %arg13[%dma_wait3A_219, %dma_wait3A_220] : memref<10240x128xf32, #tpu.memory_space<vmem_shared>> -> memref<10240x128xf32, #tpu.memory_space<vmem_shared>>
            tpu.wait_indirect_dma semaphore(%run_scoped3A : memref<!tpu.dma_semaphore, #tpu.memory_space<semaphore_mem>>) src(%arg12 : memref<128x128xf32, #tpu.memory_space<vmem>>) dst(%dma_wait3A_221 : memref<10240x128xf32, #tpu.memory_space<vmem_shared>>)
            tpu.yield
          }) : () -> ()
        }
        %scan3A_94 = arith.constant 40 : i32
        %barrier3A_95 = arith.constant 0 : index
        tpu.barrier barrier_id(%barrier3A_95)
        %mul3A_96 = arith.constant 640 : i32
        %mul3A_97 = arith.muli %arg1, %mul3A_96 : i32
        %add3A_98 = arith.constant 0 : i32
        %add3A_99 = arith.addi %mul3A_97, %add3A_98 : i32
        "tpu.region"() ({
          %run_scoped3A = tpu.sem_alloc : memref<!tpu.dma_semaphore, #tpu.memory_space<semaphore_mem>>
          %dma_start3A_117 = arith.constant 0 : i32
          %dma_start3A_118 = tpu.memref_slice %arg6[%add3A, %add3A_99, %dma_start3A_117] : memref<32x10240x128xf32, #tpu.memory_space<hbm>> -> memref<1x128x128xf32, #tpu.memory_space<hbm>>
          %dma_start3A_119 = tpu.memref_squeeze %dma_start3A_118 : memref<1x128x128xf32, #tpu.memory_space<hbm>> -> memref<128x128xf32, #tpu.memory_space<hbm>>
          %dma_start3A_120 = arith.constant 0 : i32
          %dma_start3A_121 = tpu.memref_slice %arg13[%add3A_99, %dma_start3A_120] : memref<10240x128xf32, #tpu.memory_space<vmem_shared>> -> memref<128x128xf32, #tpu.memory_space<vmem_shared>>
          tpu.enqueue_dma source(%dma_start3A_121 : memref<128x128xf32, #tpu.memory_space<vmem_shared>>) target(%dma_start3A_119 : memref<128x128xf32, #tpu.memory_space<hbm>>) target_semaphore(%run_scoped3A : memref<!tpu.dma_semaphore, #tpu.memory_space<semaphore_mem>>)
          %dma_wait3A = arith.constant 0 : i32
          %dma_wait3A_122 = tpu.memref_slice %arg6[%add3A, %add3A_99, %dma_wait3A] : memref<32x10240x128xf32, #tpu.memory_space<hbm>> -> memref<1x128x128xf32, #tpu.memory_space<hbm>>
          %dma_wait3A_123 = tpu.memref_squeeze %dma_wait3A_122 : memref<1x128x128xf32, #tpu.memory_space<hbm>> -> memref<128x128xf32, #tpu.memory_space<hbm>>
          %dma_wait3A_124 = arith.constant 0 : i32
          %dma_wait3A_125 = tpu.memref_slice %arg13[%add3A_99, %dma_wait3A_124] : memref<10240x128xf32, #tpu.memory_space<vmem_shared>> -> memref<128x128xf32, #tpu.memory_space<vmem_shared>>
          tpu.wait_dma2 semaphore(%run_scoped3A : memref<!tpu.dma_semaphore, #tpu.memory_space<semaphore_mem>>) src(%dma_wait3A_125 : memref<128x128xf32, #tpu.memory_space<vmem_shared>>) dst(%dma_wait3A_123 : memref<128x128xf32, #tpu.memory_space<hbm>>)
          tpu.yield
        }) : () -> ()
        %mul3A_100 = arith.constant 640 : i32
        %mul3A_101 = arith.muli %arg1, %mul3A_100 : i32
        %add3A_102 = arith.constant 128 : i32
        %add3A_103 = arith.addi %mul3A_101, %add3A_102 : i32
        "tpu.region"() ({
          %run_scoped3A = tpu.sem_alloc : memref<!tpu.dma_semaphore, #tpu.memory_space<semaphore_mem>>
          %dma_start3A_117 = arith.constant 0 : i32
          %dma_start3A_118 = tpu.memref_slice %arg6[%add3A, %add3A_103, %dma_start3A_117] : memref<32x10240x128xf32, #tpu.memory_space<hbm>> -> memref<1x128x128xf32, #tpu.memory_space<hbm>>
          %dma_start3A_119 = tpu.memref_squeeze %dma_start3A_118 : memref<1x128x128xf32, #tpu.memory_space<hbm>> -> memref<128x128xf32, #tpu.memory_space<hbm>>
          %dma_start3A_120 = arith.constant 0 : i32
          %dma_start3A_121 = tpu.memref_slice %arg13[%add3A_103, %dma_start3A_120] : memref<10240x128xf32, #tpu.memory_space<vmem_shared>> -> memref<128x128xf32, #tpu.memory_space<vmem_shared>>
          tpu.enqueue_dma source(%dma_start3A_121 : memref<128x128xf32, #tpu.memory_space<vmem_shared>>) target(%dma_start3A_119 : memref<128x128xf32, #tpu.memory_space<hbm>>) target_semaphore(%run_scoped3A : memref<!tpu.dma_semaphore, #tpu.memory_space<semaphore_mem>>)
          %dma_wait3A = arith.constant 0 : i32
          %dma_wait3A_122 = tpu.memref_slice %arg6[%add3A, %add3A_103, %dma_wait3A] : memref<32x10240x128xf32, #tpu.memory_space<hbm>> -> memref<1x128x128xf32, #tpu.memory_space<hbm>>
          %dma_wait3A_123 = tpu.memref_squeeze %dma_wait3A_122 : memref<1x128x128xf32, #tpu.memory_space<hbm>> -> memref<128x128xf32, #tpu.memory_space<hbm>>
          %dma_wait3A_124 = arith.constant 0 : i32
          %dma_wait3A_125 = tpu.memref_slice %arg13[%add3A_103, %dma_wait3A_124] : memref<10240x128xf32, #tpu.memory_space<vmem_shared>> -> memref<128x128xf32, #tpu.memory_space<vmem_shared>>
          tpu.wait_dma2 semaphore(%run_scoped3A : memref<!tpu.dma_semaphore, #tpu.memory_space<semaphore_mem>>) src(%dma_wait3A_125 : memref<128x128xf32, #tpu.memory_space<vmem_shared>>) dst(%dma_wait3A_123 : memref<128x128xf32, #tpu.memory_space<hbm>>)
          tpu.yield
        }) : () -> ()
        %mul3A_104 = arith.constant 640 : i32
        %mul3A_105 = arith.muli %arg1, %mul3A_104 : i32
        %add3A_106 = arith.constant 256 : i32
        %add3A_107 = arith.addi %mul3A_105, %add3A_106 : i32
        "tpu.region"() ({
          %run_scoped3A = tpu.sem_alloc : memref<!tpu.dma_semaphore, #tpu.memory_space<semaphore_mem>>
          %dma_start3A_117 = arith.constant 0 : i32
          %dma_start3A_118 = tpu.memref_slice %arg6[%add3A, %add3A_107, %dma_start3A_117] : memref<32x10240x128xf32, #tpu.memory_space<hbm>> -> memref<1x128x128xf32, #tpu.memory_space<hbm>>
          %dma_start3A_119 = tpu.memref_squeeze %dma_start3A_118 : memref<1x128x128xf32, #tpu.memory_space<hbm>> -> memref<128x128xf32, #tpu.memory_space<hbm>>
          %dma_start3A_120 = arith.constant 0 : i32
          %dma_start3A_121 = tpu.memref_slice %arg13[%add3A_107, %dma_start3A_120] : memref<10240x128xf32, #tpu.memory_space<vmem_shared>> -> memref<128x128xf32, #tpu.memory_space<vmem_shared>>
          tpu.enqueue_dma source(%dma_start3A_121 : memref<128x128xf32, #tpu.memory_space<vmem_shared>>) target(%dma_start3A_119 : memref<128x128xf32, #tpu.memory_space<hbm>>) target_semaphore(%run_scoped3A : memref<!tpu.dma_semaphore, #tpu.memory_space<semaphore_mem>>)
          %dma_wait3A = arith.constant 0 : i32
          %dma_wait3A_122 = tpu.memref_slice %arg6[%add3A, %add3A_107, %dma_wait3A] : memref<32x10240x128xf32, #tpu.memory_space<hbm>> -> memref<1x128x128xf32, #tpu.memory_space<hbm>>
          %dma_wait3A_123 = tpu.memref_squeeze %dma_wait3A_122 : memref<1x128x128xf32, #tpu.memory_space<hbm>> -> memref<128x128xf32, #tpu.memory_space<hbm>>
          %dma_wait3A_124 = arith.constant 0 : i32
          %dma_wait3A_125 = tpu.memref_slice %arg13[%add3A_107, %dma_wait3A_124] : memref<10240x128xf32, #tpu.memory_space<vmem_shared>> -> memref<128x128xf32, #tpu.memory_space<vmem_shared>>
          tpu.wait_dma2 semaphore(%run_scoped3A : memref<!tpu.dma_semaphore, #tpu.memory_space<semaphore_mem>>) src(%dma_wait3A_125 : memref<128x128xf32, #tpu.memory_space<vmem_shared>>) dst(%dma_wait3A_123 : memref<128x128xf32, #tpu.memory_space<hbm>>)
          tpu.yield
        }) : () -> ()
        %mul3A_108 = arith.constant 640 : i32
        %mul3A_109 = arith.muli %arg1, %mul3A_108 : i32
        %add3A_110 = arith.constant 384 : i32
        %add3A_111 = arith.addi %mul3A_109, %add3A_110 : i32
        "tpu.region"() ({
          %run_scoped3A = tpu.sem_alloc : memref<!tpu.dma_semaphore, #tpu.memory_space<semaphore_mem>>
          %dma_start3A_117 = arith.constant 0 : i32
          %dma_start3A_118 = tpu.memref_slice %arg6[%add3A, %add3A_111, %dma_start3A_117] : memref<32x10240x128xf32, #tpu.memory_space<hbm>> -> memref<1x128x128xf32, #tpu.memory_space<hbm>>
          %dma_start3A_119 = tpu.memref_squeeze %dma_start3A_118 : memref<1x128x128xf32, #tpu.memory_space<hbm>> -> memref<128x128xf32, #tpu.memory_space<hbm>>
          %dma_start3A_120 = arith.constant 0 : i32
          %dma_start3A_121 = tpu.memref_slice %arg13[%add3A_111, %dma_start3A_120] : memref<10240x128xf32, #tpu.memory_space<vmem_shared>> -> memref<128x128xf32, #tpu.memory_space<vmem_shared>>
          tpu.enqueue_dma source(%dma_start3A_121 : memref<128x128xf32, #tpu.memory_space<vmem_shared>>) target(%dma_start3A_119 : memref<128x128xf32, #tpu.memory_space<hbm>>) target_semaphore(%run_scoped3A : memref<!tpu.dma_semaphore, #tpu.memory_space<semaphore_mem>>)
          %dma_wait3A = arith.constant 0 : i32
          %dma_wait3A_122 = tpu.memref_slice %arg6[%add3A, %add3A_111, %dma_wait3A] : memref<32x10240x128xf32, #tpu.memory_space<hbm>> -> memref<1x128x128xf32, #tpu.memory_space<hbm>>
          %dma_wait3A_123 = tpu.memref_squeeze %dma_wait3A_122 : memref<1x128x128xf32, #tpu.memory_space<hbm>> -> memref<128x128xf32, #tpu.memory_space<hbm>>
          %dma_wait3A_124 = arith.constant 0 : i32
          %dma_wait3A_125 = tpu.memref_slice %arg13[%add3A_111, %dma_wait3A_124] : memref<10240x128xf32, #tpu.memory_space<vmem_shared>> -> memref<128x128xf32, #tpu.memory_space<vmem_shared>>
          tpu.wait_dma2 semaphore(%run_scoped3A : memref<!tpu.dma_semaphore, #tpu.memory_space<semaphore_mem>>) src(%dma_wait3A_125 : memref<128x128xf32, #tpu.memory_space<vmem_shared>>) dst(%dma_wait3A_123 : memref<128x128xf32, #tpu.memory_space<hbm>>)
          tpu.yield
        }) : () -> ()
        %mul3A_112 = arith.constant 640 : i32
        %mul3A_113 = arith.muli %arg1, %mul3A_112 : i32
        %add3A_114 = arith.constant 512 : i32
        %add3A_115 = arith.addi %mul3A_113, %add3A_114 : i32
        "tpu.region"() ({
          %run_scoped3A = tpu.sem_alloc : memref<!tpu.dma_semaphore, #tpu.memory_space<semaphore_mem>>
          %dma_start3A_117 = arith.constant 0 : i32
          %dma_start3A_118 = tpu.memref_slice %arg6[%add3A, %add3A_115, %dma_start3A_117] : memref<32x10240x128xf32, #tpu.memory_space<hbm>> -> memref<1x128x128xf32, #tpu.memory_space<hbm>>
          %dma_start3A_119 = tpu.memref_squeeze %dma_start3A_118 : memref<1x128x128xf32, #tpu.memory_space<hbm>> -> memref<128x128xf32, #tpu.memory_space<hbm>>
          %dma_start3A_120 = arith.constant 0 : i32
          %dma_start3A_121 = tpu.memref_slice %arg13[%add3A_115, %dma_start3A_120] : memref<10240x128xf32, #tpu.memory_space<vmem_shared>> -> memref<128x128xf32, #tpu.memory_space<vmem_shared>>
          tpu.enqueue_dma source(%dma_start3A_121 : memref<128x128xf32, #tpu.memory_space<vmem_shared>>) target(%dma_start3A_119 : memref<128x128xf32, #tpu.memory_space<hbm>>) target_semaphore(%run_scoped3A : memref<!tpu.dma_semaphore, #tpu.memory_space<semaphore_mem>>)
          %dma_wait3A = arith.constant 0 : i32
          %dma_wait3A_122 = tpu.memref_slice %arg6[%add3A, %add3A_115, %dma_wait3A] : memref<32x10240x128xf32, #tpu.memory_space<hbm>> -> memref<1x128x128xf32, #tpu.memory_space<hbm>>
          %dma_wait3A_123 = tpu.memref_squeeze %dma_wait3A_122 : memref<1x128x128xf32, #tpu.memory_space<hbm>> -> memref<128x128xf32, #tpu.memory_space<hbm>>
          %dma_wait3A_124 = arith.constant 0 : i32
          %dma_wait3A_125 = tpu.memref_slice %arg13[%add3A_115, %dma_wait3A_124] : memref<10240x128xf32, #tpu.memory_space<vmem_shared>> -> memref<128x128xf32, #tpu.memory_space<vmem_shared>>
          tpu.wait_dma2 semaphore(%run_scoped3A : memref<!tpu.dma_semaphore, #tpu.memory_space<semaphore_mem>>) src(%dma_wait3A_125 : memref<128x128xf32, #tpu.memory_space<vmem_shared>>) dst(%dma_wait3A_123 : memref<128x128xf32, #tpu.memory_space<hbm>>)
          tpu.yield
        }) : () -> ()
        %barrier3A_116 = arith.constant 0 : index
        tpu.barrier barrier_id(%barrier3A_116)
      } else {
      }
    }
    %scan3A_4 = arith.constant 16 : i32
    return
  }
}

#map = affine_map<(d0, d1) -> (0, 0)>
#map1 = affine_map<(d0, d1) -> (0)>
#map2 = affine_map<(d0, d1) -> (0, 0, 0)>
module attributes {stable_mosaic.version = 14 : i64} {
  func.func @prop(%arg0: i32, %arg1: i32, %arg2: memref<10000x128xf32, #tpu.memory_space<hbm>>, %arg3: memref<163840xi32, #tpu.memory_space<hbm>>, %arg4: memref<163840xi32, #tpu.memory_space<hbm>>, %arg5: memref<640x128xf32, #tpu.memory_space<hbm>>, %arg6: memref<1x10240x128xf32, #tpu.memory_space<hbm>>, %arg7: memref<128xi32, #tpu.memory_space<vmem>>, %arg8: memref<128xi32, #tpu.memory_space<vmem>>, %arg9: memref<128x128xf32, #tpu.memory_space<vmem>>, %arg10: memref<128xi32, #tpu.memory_space<vmem>>, %arg11: memref<128xi32, #tpu.memory_space<vmem>>, %arg12: memref<128x128xf32, #tpu.memory_space<vmem>>, %arg13: memref<10240x128xf32, #tpu.memory_space<vmem_shared>>, %arg14: memref<!tpu.dma_semaphore, #tpu.memory_space<semaphore_mem>>, %arg15: memref<!tpu.dma_semaphore, #tpu.memory_space<semaphore_mem>>) attributes {dimension_semantics = [#tpu.dimension_semantics<core_parallel>, #tpu.dimension_semantics<subcore_parallel>], iteration_bounds = array<i64: 2, 16>, scalar_prefetch = 0 : i64, scratch_operands = 9 : i64, tpu.core_type = #tpu.core_type<sc_vector_subcore>, window_params = [{transform_indices = #map}, {transform_indices = #map1}, {transform_indices = #map1}, {transform_indices = #map}, {transform_indices = #map2}]} {
    %scan3A = arith.constant 0 : i32
    %scan3A_0 = arith.constant 0 : i32
    %mul3A = arith.constant 2 : i32
    %mul3A_1 = arith.muli %scan3A_0, %mul3A : i32
    %add3A = arith.addi %mul3A_1, %arg0 : i32
    %lt3A = arith.constant 1 : i32
    %lt3A_2 = arith.cmpi slt, %add3A, %lt3A : i32
    %convert_element_type3A = arith.extui %lt3A_2 : i1 to i32
    %cond3A = arith.constant 0 : i32
    %cond3A_3 = arith.cmpi ne, %convert_element_type3A, %cond3A : i32
    scf.if %cond3A_3 {
      %mul3A_5 = arith.constant 640 : i32
      %mul3A_6 = arith.muli %arg1, %mul3A_5 : i32
      "tpu.region"() ({
        %run_scoped3A = tpu.sem_alloc : memref<!tpu.dma_semaphore, #tpu.memory_space<semaphore_mem>>
        %dma_start3A_113 = arith.constant 0 : i32
        %dma_start3A_114 = tpu.memref_slice %arg13[%mul3A_6, %dma_start3A_113] : memref<10240x128xf32, #tpu.memory_space<vmem_shared>> -> memref<640x128xf32, #tpu.memory_space<vmem_shared>>
        tpu.enqueue_dma source(%arg5 : memref<640x128xf32, #tpu.memory_space<hbm>>) target(%dma_start3A_114 : memref<640x128xf32, #tpu.memory_space<vmem_shared>>) target_semaphore(%run_scoped3A : memref<!tpu.dma_semaphore, #tpu.memory_space<semaphore_mem>>)
        %dma_wait3A = arith.constant 0 : i32
        %dma_wait3A_115 = tpu.memref_slice %arg13[%mul3A_6, %dma_wait3A] : memref<10240x128xf32, #tpu.memory_space<vmem_shared>> -> memref<640x128xf32, #tpu.memory_space<vmem_shared>>
        tpu.wait_dma2 semaphore(%run_scoped3A : memref<!tpu.dma_semaphore, #tpu.memory_space<semaphore_mem>>) src(%arg5 : memref<640x128xf32, #tpu.memory_space<hbm>>) dst(%dma_wait3A_115 : memref<640x128xf32, #tpu.memory_space<vmem_shared>>)
        tpu.yield
      }) : () -> ()
      %barrier3A = arith.constant 0 : index
      tpu.barrier barrier_id(%barrier3A)
      %mul3A_7 = arith.constant 10000 : i32
      %mul3A_8 = arith.muli %add3A, %mul3A_7 : i32
      %mul3A_9 = arith.constant 10240 : i32
      %mul3A_10 = arith.muli %arg1, %mul3A_9 : i32
      %add3A_11 = arith.constant 0 : i32
      %add3A_12 = arith.addi %mul3A_10, %add3A_11 : i32
      "tpu.region"() ({
        %run_scoped3A = tpu.sem_alloc : memref<!tpu.dma_semaphore, #tpu.memory_space<semaphore_mem>>
        %dma_start3A_113 = tpu.memref_slice %arg3[%add3A_12] : memref<163840xi32, #tpu.memory_space<hbm>> -> memref<128xi32, #tpu.memory_space<hbm>>
        %dma_start3A_114 = tpu.memref_slice %arg3[%add3A_12] : memref<163840xi32, #tpu.memory_space<hbm>> -> memref<128xi32, #tpu.memory_space<hbm>>
        tpu.enqueue_dma source(%dma_start3A_114 : memref<128xi32, #tpu.memory_space<hbm>>) target(%arg7 : memref<128xi32, #tpu.memory_space<vmem>>) target_semaphore(%run_scoped3A : memref<!tpu.dma_semaphore, #tpu.memory_space<semaphore_mem>>)
        %dma_wait3A = tpu.memref_slice %arg3[%add3A_12] : memref<163840xi32, #tpu.memory_space<hbm>> -> memref<128xi32, #tpu.memory_space<hbm>>
        %dma_wait3A_115 = tpu.memref_slice %arg3[%add3A_12] : memref<163840xi32, #tpu.memory_space<hbm>> -> memref<128xi32, #tpu.memory_space<hbm>>
        tpu.wait_dma2 semaphore(%run_scoped3A : memref<!tpu.dma_semaphore, #tpu.memory_space<semaphore_mem>>) src(%dma_wait3A_115 : memref<128xi32, #tpu.memory_space<hbm>>) dst(%arg7 : memref<128xi32, #tpu.memory_space<vmem>>)
        tpu.yield
      }) : () -> ()
      "tpu.region"() ({
        %run_scoped3A = tpu.sem_alloc : memref<!tpu.dma_semaphore, #tpu.memory_space<semaphore_mem>>
        %dma_start3A_113 = tpu.memref_slice %arg4[%add3A_12] : memref<163840xi32, #tpu.memory_space<hbm>> -> memref<128xi32, #tpu.memory_space<hbm>>
        %dma_start3A_114 = tpu.memref_slice %arg4[%add3A_12] : memref<163840xi32, #tpu.memory_space<hbm>> -> memref<128xi32, #tpu.memory_space<hbm>>
        tpu.enqueue_dma source(%dma_start3A_114 : memref<128xi32, #tpu.memory_space<hbm>>) target(%arg8 : memref<128xi32, #tpu.memory_space<vmem>>) target_semaphore(%run_scoped3A : memref<!tpu.dma_semaphore, #tpu.memory_space<semaphore_mem>>)
        %dma_wait3A = tpu.memref_slice %arg4[%add3A_12] : memref<163840xi32, #tpu.memory_space<hbm>> -> memref<128xi32, #tpu.memory_space<hbm>>
        %dma_wait3A_115 = tpu.memref_slice %arg4[%add3A_12] : memref<163840xi32, #tpu.memory_space<hbm>> -> memref<128xi32, #tpu.memory_space<hbm>>
        tpu.wait_dma2 semaphore(%run_scoped3A : memref<!tpu.dma_semaphore, #tpu.memory_space<semaphore_mem>>) src(%dma_wait3A_115 : memref<128xi32, #tpu.memory_space<hbm>>) dst(%arg8 : memref<128xi32, #tpu.memory_space<vmem>>)
        tpu.yield
      }) : () -> ()
      %get3A = arith.constant 0 : index
      %get3A_13 = tpu.vector_load %arg7[%get3A] {strides = array<i32>} : memref<128xi32, #tpu.memory_space<vmem>>, vector<16xi32>,
      %get3A_14 = vector.shape_cast %get3A_13 : vector<16xi32> to vector<16xi32>
      %add3A_15 = vector.broadcast %mul3A_8 : i32 to vector<16xi32>
      %add3A_16 = arith.addi %get3A_14, %add3A_15 : vector<16xi32>
      %swap3A = arith.constant 0 : index
      %swap3A_17 = tpu.vector_load %arg7[%swap3A] {strides = array<i32>} : memref<128xi32, #tpu.memory_space<vmem>>, vector<16xi32>,
      %swap3A_18 = vector.shape_cast %swap3A_17 : vector<16xi32> to vector<16xi32>
      %swap3A_19 = vector.shape_cast %add3A_16 : vector<16xi32> to vector<16xi32>
      tpu.vector_store %arg7[%swap3A], %swap3A_19 {strides = array<i32>} : memref<128xi32, #tpu.memory_space<vmem>>, vector<16xi32>,
      %get3A_20 = arith.constant 16 : index
      %get3A_21 = tpu.vector_load %arg7[%get3A_20] {strides = array<i32>} : memref<128xi32, #tpu.memory_space<vmem>>, vector<16xi32>,
      %get3A_22 = vector.shape_cast %get3A_21 : vector<16xi32> to vector<16xi32>
      %add3A_23 = vector.broadcast %mul3A_8 : i32 to vector<16xi32>
      %add3A_24 = arith.addi %get3A_22, %add3A_23 : vector<16xi32>
      %swap3A_25 = arith.constant 16 : index
      %swap3A_26 = tpu.vector_load %arg7[%swap3A_25] {strides = array<i32>} : memref<128xi32, #tpu.memory_space<vmem>>, vector<16xi32>,
      %swap3A_27 = vector.shape_cast %swap3A_26 : vector<16xi32> to vector<16xi32>
      %swap3A_28 = vector.shape_cast %add3A_24 : vector<16xi32> to vector<16xi32>
      tpu.vector_store %arg7[%swap3A_25], %swap3A_28 {strides = array<i32>} : memref<128xi32, #tpu.memory_space<vmem>>, vector<16xi32>,
      %get3A_29 = arith.constant 32 : index
      %get3A_30 = tpu.vector_load %arg7[%get3A_29] {strides = array<i32>} : memref<128xi32, #tpu.memory_space<vmem>>, vector<16xi32>,
      %get3A_31 = vector.shape_cast %get3A_30 : vector<16xi32> to vector<16xi32>
      %add3A_32 = vector.broadcast %mul3A_8 : i32 to vector<16xi32>
      %add3A_33 = arith.addi %get3A_31, %add3A_32 : vector<16xi32>
      %swap3A_34 = arith.constant 32 : index
      %swap3A_35 = tpu.vector_load %arg7[%swap3A_34] {strides = array<i32>} : memref<128xi32, #tpu.memory_space<vmem>>, vector<16xi32>,
      %swap3A_36 = vector.shape_cast %swap3A_35 : vector<16xi32> to vector<16xi32>
      %swap3A_37 = vector.shape_cast %add3A_33 : vector<16xi32> to vector<16xi32>
      tpu.vector_store %arg7[%swap3A_34], %swap3A_37 {strides = array<i32>} : memref<128xi32, #tpu.memory_space<vmem>>, vector<16xi32>,
      %get3A_38 = arith.constant 48 : index
      %get3A_39 = tpu.vector_load %arg7[%get3A_38] {strides = array<i32>} : memref<128xi32, #tpu.memory_space<vmem>>, vector<16xi32>,
      %get3A_40 = vector.shape_cast %get3A_39 : vector<16xi32> to vector<16xi32>
      %add3A_41 = vector.broadcast %mul3A_8 : i32 to vector<16xi32>
      %add3A_42 = arith.addi %get3A_40, %add3A_41 : vector<16xi32>
      %swap3A_43 = arith.constant 48 : index
      %swap3A_44 = tpu.vector_load %arg7[%swap3A_43] {strides = array<i32>} : memref<128xi32, #tpu.memory_space<vmem>>, vector<16xi32>,
      %swap3A_45 = vector.shape_cast %swap3A_44 : vector<16xi32> to vector<16xi32>
      %swap3A_46 = vector.shape_cast %add3A_42 : vector<16xi32> to vector<16xi32>
      tpu.vector_store %arg7[%swap3A_43], %swap3A_46 {strides = array<i32>} : memref<128xi32, #tpu.memory_space<vmem>>, vector<16xi32>,
      %get3A_47 = arith.constant 64 : index
      %get3A_48 = tpu.vector_load %arg7[%get3A_47] {strides = array<i32>} : memref<128xi32, #tpu.memory_space<vmem>>, vector<16xi32>,
      %get3A_49 = vector.shape_cast %get3A_48 : vector<16xi32> to vector<16xi32>
      %add3A_50 = vector.broadcast %mul3A_8 : i32 to vector<16xi32>
      %add3A_51 = arith.addi %get3A_49, %add3A_50 : vector<16xi32>
      %swap3A_52 = arith.constant 64 : index
      %swap3A_53 = tpu.vector_load %arg7[%swap3A_52] {strides = array<i32>} : memref<128xi32, #tpu.memory_space<vmem>>, vector<16xi32>,
      %swap3A_54 = vector.shape_cast %swap3A_53 : vector<16xi32> to vector<16xi32>
      %swap3A_55 = vector.shape_cast %add3A_51 : vector<16xi32> to vector<16xi32>
      tpu.vector_store %arg7[%swap3A_52], %swap3A_55 {strides = array<i32>} : memref<128xi32, #tpu.memory_space<vmem>>, vector<16xi32>,
      %get3A_56 = arith.constant 80 : index
      %get3A_57 = tpu.vector_load %arg7[%get3A_56] {strides = array<i32>} : memref<128xi32, #tpu.memory_space<vmem>>, vector<16xi32>,
      %get3A_58 = vector.shape_cast %get3A_57 : vector<16xi32> to vector<16xi32>
      %add3A_59 = vector.broadcast %mul3A_8 : i32 to vector<16xi32>
      %add3A_60 = arith.addi %get3A_58, %add3A_59 : vector<16xi32>
      %swap3A_61 = arith.constant 80 : index
      %swap3A_62 = tpu.vector_load %arg7[%swap3A_61] {strides = array<i32>} : memref<128xi32, #tpu.memory_space<vmem>>, vector<16xi32>,
      %swap3A_63 = vector.shape_cast %swap3A_62 : vector<16xi32> to vector<16xi32>
      %swap3A_64 = vector.shape_cast %add3A_60 : vector<16xi32> to vector<16xi32>
      tpu.vector_store %arg7[%swap3A_61], %swap3A_64 {strides = array<i32>} : memref<128xi32, #tpu.memory_space<vmem>>, vector<16xi32>,
      %get3A_65 = arith.constant 96 : index
      %get3A_66 = tpu.vector_load %arg7[%get3A_65] {strides = array<i32>} : memref<128xi32, #tpu.memory_space<vmem>>, vector<16xi32>,
      %get3A_67 = vector.shape_cast %get3A_66 : vector<16xi32> to vector<16xi32>
      %add3A_68 = vector.broadcast %mul3A_8 : i32 to vector<16xi32>
      %add3A_69 = arith.addi %get3A_67, %add3A_68 : vector<16xi32>
      %swap3A_70 = arith.constant 96 : index
      %swap3A_71 = tpu.vector_load %arg7[%swap3A_70] {strides = array<i32>} : memref<128xi32, #tpu.memory_space<vmem>>, vector<16xi32>,
      %swap3A_72 = vector.shape_cast %swap3A_71 : vector<16xi32> to vector<16xi32>
      %swap3A_73 = vector.shape_cast %add3A_69 : vector<16xi32> to vector<16xi32>
      tpu.vector_store %arg7[%swap3A_70], %swap3A_73 {strides = array<i32>} : memref<128xi32, #tpu.memory_space<vmem>>, vector<16xi32>,
      %get3A_74 = arith.constant 112 : index
      %get3A_75 = tpu.vector_load %arg7[%get3A_74] {strides = array<i32>} : memref<128xi32, #tpu.memory_space<vmem>>, vector<16xi32>,
      %get3A_76 = vector.shape_cast %get3A_75 : vector<16xi32> to vector<16xi32>
      %add3A_77 = vector.broadcast %mul3A_8 : i32 to vector<16xi32>
      %add3A_78 = arith.addi %get3A_76, %add3A_77 : vector<16xi32>
      %swap3A_79 = arith.constant 112 : index
      %swap3A_80 = tpu.vector_load %arg7[%swap3A_79] {strides = array<i32>} : memref<128xi32, #tpu.memory_space<vmem>>, vector<16xi32>,
      %swap3A_81 = vector.shape_cast %swap3A_80 : vector<16xi32> to vector<16xi32>
      %swap3A_82 = vector.shape_cast %add3A_78 : vector<16xi32> to vector<16xi32>
      tpu.vector_store %arg7[%swap3A_79], %swap3A_82 {strides = array<i32>} : memref<128xi32, #tpu.memory_space<vmem>>, vector<16xi32>,
      %dma_start3A = arith.constant 0 : i32
      %dma_start3A_83 = arith.constant 0 : i32
      %dma_start3A_84 = tpu.memref_slice %arg2[%dma_start3A, %dma_start3A_83] : memref<10000x128xf32, #tpu.memory_space<hbm>> -> memref<10000x128xf32, #tpu.memory_space<hbm>>
      tpu.enqueue_indirect_dma source(%dma_start3A_84 : memref<10000x128xf32, #tpu.memory_space<hbm>>) target(%arg9 : memref<128x128xf32, #tpu.memory_space<vmem>>) offsets(%arg7 : memref<128xi32, #tpu.memory_space<vmem>>) semaphore(%arg14 : memref<!tpu.dma_semaphore, #tpu.memory_space<semaphore_mem>>)
      %scan3A_85 = arith.constant 0 : i32
      %scan3A_86 = arith.constant 0 : i32
      %scan3A_87 = arith.constant 40 : i32
      %scan3A_88 = arith.addi %scan3A_86, %scan3A_87 : i32
      %scan3A_89 = arith.constant 1 : i32
      scf.for %scan3A_113 = %scan3A_86 to %scan3A_88 step %scan3A_89  : i32 {
        %mul3A_114 = arith.constant 2 : i32
        %mul3A_115 = arith.muli %mul3A_114, %scan3A_113 : i32
        %add3A_116 = arith.constant 1 : i32
        %add3A_117 = arith.addi %mul3A_115, %add3A_116 : i32
        %mul3A_118 = arith.constant 10240 : i32
        %mul3A_119 = arith.muli %arg1, %mul3A_118 : i32
        %mul3A_120 = arith.constant 128 : i32
        %mul3A_121 = arith.muli %add3A_117, %mul3A_120 : i32
        %add3A_122 = arith.addi %mul3A_119, %mul3A_121 : i32
        "tpu.region"() ({
          %run_scoped3A = tpu.sem_alloc : memref<!tpu.dma_semaphore, #tpu.memory_space<semaphore_mem>>
          %dma_start3A_212 = tpu.memref_slice %arg3[%add3A_122] : memref<163840xi32, #tpu.memory_space<hbm>> -> memref<128xi32, #tpu.memory_space<hbm>>
          %dma_start3A_213 = tpu.memref_slice %arg3[%add3A_122] : memref<163840xi32, #tpu.memory_space<hbm>> -> memref<128xi32, #tpu.memory_space<hbm>>
          tpu.enqueue_dma source(%dma_start3A_213 : memref<128xi32, #tpu.memory_space<hbm>>) target(%arg10 : memref<128xi32, #tpu.memory_space<vmem>>) target_semaphore(%run_scoped3A : memref<!tpu.dma_semaphore, #tpu.memory_space<semaphore_mem>>)
          %dma_wait3A_214 = tpu.memref_slice %arg3[%add3A_122] : memref<163840xi32, #tpu.memory_space<hbm>> -> memref<128xi32, #tpu.memory_space<hbm>>
          %dma_wait3A_215 = tpu.memref_slice %arg3[%add3A_122] : memref<163840xi32, #tpu.memory_space<hbm>> -> memref<128xi32, #tpu.memory_space<hbm>>
          tpu.wait_dma2 semaphore(%run_scoped3A : memref<!tpu.dma_semaphore, #tpu.memory_space<semaphore_mem>>) src(%dma_wait3A_215 : memref<128xi32, #tpu.memory_space<hbm>>) dst(%arg10 : memref<128xi32, #tpu.memory_space<vmem>>)
          tpu.yield
        }) : () -> ()
        "tpu.region"() ({
          %run_scoped3A = tpu.sem_alloc : memref<!tpu.dma_semaphore, #tpu.memory_space<semaphore_mem>>
          %dma_start3A_212 = tpu.memref_slice %arg4[%add3A_122] : memref<163840xi32, #tpu.memory_space<hbm>> -> memref<128xi32, #tpu.memory_space<hbm>>
          %dma_start3A_213 = tpu.memref_slice %arg4[%add3A_122] : memref<163840xi32, #tpu.memory_space<hbm>> -> memref<128xi32, #tpu.memory_space<hbm>>
          tpu.enqueue_dma source(%dma_start3A_213 : memref<128xi32, #tpu.memory_space<hbm>>) target(%arg11 : memref<128xi32, #tpu.memory_space<vmem>>) target_semaphore(%run_scoped3A : memref<!tpu.dma_semaphore, #tpu.memory_space<semaphore_mem>>)
          %dma_wait3A_214 = tpu.memref_slice %arg4[%add3A_122] : memref<163840xi32, #tpu.memory_space<hbm>> -> memref<128xi32, #tpu.memory_space<hbm>>
          %dma_wait3A_215 = tpu.memref_slice %arg4[%add3A_122] : memref<163840xi32, #tpu.memory_space<hbm>> -> memref<128xi32, #tpu.memory_space<hbm>>
          tpu.wait_dma2 semaphore(%run_scoped3A : memref<!tpu.dma_semaphore, #tpu.memory_space<semaphore_mem>>) src(%dma_wait3A_215 : memref<128xi32, #tpu.memory_space<hbm>>) dst(%arg11 : memref<128xi32, #tpu.memory_space<vmem>>)
          tpu.yield
        }) : () -> ()
        %get3A_123 = arith.constant 0 : index
        %get3A_124 = tpu.vector_load %arg10[%get3A_123] {strides = array<i32>} : memref<128xi32, #tpu.memory_space<vmem>>, vector<16xi32>,
        %get3A_125 = vector.shape_cast %get3A_124 : vector<16xi32> to vector<16xi32>
        %add3A_126 = vector.broadcast %mul3A_8 : i32 to vector<16xi32>
        %add3A_127 = arith.addi %get3A_125, %add3A_126 : vector<16xi32>
        %swap3A_128 = arith.constant 0 : index
        %swap3A_129 = tpu.vector_load %arg10[%swap3A_128] {strides = array<i32>} : memref<128xi32, #tpu.memory_space<vmem>>, vector<16xi32>,
        %swap3A_130 = vector.shape_cast %swap3A_129 : vector<16xi32> to vector<16xi32>
        %swap3A_131 = vector.shape_cast %add3A_127 : vector<16xi32> to vector<16xi32>
        tpu.vector_store %arg10[%swap3A_128], %swap3A_131 {strides = array<i32>} : memref<128xi32, #tpu.memory_space<vmem>>, vector<16xi32>,
        %get3A_132 = arith.constant 16 : index
        %get3A_133 = tpu.vector_load %arg10[%get3A_132] {strides = array<i32>} : memref<128xi32, #tpu.memory_space<vmem>>, vector<16xi32>,
        %get3A_134 = vector.shape_cast %get3A_133 : vector<16xi32> to vector<16xi32>
        %add3A_135 = vector.broadcast %mul3A_8 : i32 to vector<16xi32>
        %add3A_136 = arith.addi %get3A_134, %add3A_135 : vector<16xi32>
        %swap3A_137 = arith.constant 16 : index
        %swap3A_138 = tpu.vector_load %arg10[%swap3A_137] {strides = array<i32>} : memref<128xi32, #tpu.memory_space<vmem>>, vector<16xi32>,
        %swap3A_139 = vector.shape_cast %swap3A_138 : vector<16xi32> to vector<16xi32>
        %swap3A_140 = vector.shape_cast %add3A_136 : vector<16xi32> to vector<16xi32>
        tpu.vector_store %arg10[%swap3A_137], %swap3A_140 {strides = array<i32>} : memref<128xi32, #tpu.memory_space<vmem>>, vector<16xi32>,
        %get3A_141 = arith.constant 32 : index
        %get3A_142 = tpu.vector_load %arg10[%get3A_141] {strides = array<i32>} : memref<128xi32, #tpu.memory_space<vmem>>, vector<16xi32>,
        %get3A_143 = vector.shape_cast %get3A_142 : vector<16xi32> to vector<16xi32>
        %add3A_144 = vector.broadcast %mul3A_8 : i32 to vector<16xi32>
        %add3A_145 = arith.addi %get3A_143, %add3A_144 : vector<16xi32>
        %swap3A_146 = arith.constant 32 : index
        %swap3A_147 = tpu.vector_load %arg10[%swap3A_146] {strides = array<i32>} : memref<128xi32, #tpu.memory_space<vmem>>, vector<16xi32>,
        %swap3A_148 = vector.shape_cast %swap3A_147 : vector<16xi32> to vector<16xi32>
        %swap3A_149 = vector.shape_cast %add3A_145 : vector<16xi32> to vector<16xi32>
        tpu.vector_store %arg10[%swap3A_146], %swap3A_149 {strides = array<i32>} : memref<128xi32, #tpu.memory_space<vmem>>, vector<16xi32>,
        %get3A_150 = arith.constant 48 : index
        %get3A_151 = tpu.vector_load %arg10[%get3A_150] {strides = array<i32>} : memref<128xi32, #tpu.memory_space<vmem>>, vector<16xi32>,
        %get3A_152 = vector.shape_cast %get3A_151 : vector<16xi32> to vector<16xi32>
        %add3A_153 = vector.broadcast %mul3A_8 : i32 to vector<16xi32>
        %add3A_154 = arith.addi %get3A_152, %add3A_153 : vector<16xi32>
        %swap3A_155 = arith.constant 48 : index
        %swap3A_156 = tpu.vector_load %arg10[%swap3A_155] {strides = array<i32>} : memref<128xi32, #tpu.memory_space<vmem>>, vector<16xi32>,
        %swap3A_157 = vector.shape_cast %swap3A_156 : vector<16xi32> to vector<16xi32>
        %swap3A_158 = vector.shape_cast %add3A_154 : vector<16xi32> to vector<16xi32>
        tpu.vector_store %arg10[%swap3A_155], %swap3A_158 {strides = array<i32>} : memref<128xi32, #tpu.memory_space<vmem>>, vector<16xi32>,
        %get3A_159 = arith.constant 64 : index
        %get3A_160 = tpu.vector_load %arg10[%get3A_159] {strides = array<i32>} : memref<128xi32, #tpu.memory_space<vmem>>, vector<16xi32>,
        %get3A_161 = vector.shape_cast %get3A_160 : vector<16xi32> to vector<16xi32>
        %add3A_162 = vector.broadcast %mul3A_8 : i32 to vector<16xi32>
        %add3A_163 = arith.addi %get3A_161, %add3A_162 : vector<16xi32>
        %swap3A_164 = arith.constant 64 : index
        %swap3A_165 = tpu.vector_load %arg10[%swap3A_164] {strides = array<i32>} : memref<128xi32, #tpu.memory_space<vmem>>, vector<16xi32>,
        %swap3A_166 = vector.shape_cast %swap3A_165 : vector<16xi32> to vector<16xi32>
        %swap3A_167 = vector.shape_cast %add3A_163 : vector<16xi32> to vector<16xi32>
        tpu.vector_store %arg10[%swap3A_164], %swap3A_167 {strides = array<i32>} : memref<128xi32, #tpu.memory_space<vmem>>, vector<16xi32>,
        %get3A_168 = arith.constant 80 : index
        %get3A_169 = tpu.vector_load %arg10[%get3A_168] {strides = array<i32>} : memref<128xi32, #tpu.memory_space<vmem>>, vector<16xi32>,
        %get3A_170 = vector.shape_cast %get3A_169 : vector<16xi32> to vector<16xi32>
        %add3A_171 = vector.broadcast %mul3A_8 : i32 to vector<16xi32>
        %add3A_172 = arith.addi %get3A_170, %add3A_171 : vector<16xi32>
        %swap3A_173 = arith.constant 80 : index
        %swap3A_174 = tpu.vector_load %arg10[%swap3A_173] {strides = array<i32>} : memref<128xi32, #tpu.memory_space<vmem>>, vector<16xi32>,
        %swap3A_175 = vector.shape_cast %swap3A_174 : vector<16xi32> to vector<16xi32>
        %swap3A_176 = vector.shape_cast %add3A_172 : vector<16xi32> to vector<16xi32>
        tpu.vector_store %arg10[%swap3A_173], %swap3A_176 {strides = array<i32>} : memref<128xi32, #tpu.memory_space<vmem>>, vector<16xi32>,
        %get3A_177 = arith.constant 96 : index
        %get3A_178 = tpu.vector_load %arg10[%get3A_177] {strides = array<i32>} : memref<128xi32, #tpu.memory_space<vmem>>, vector<16xi32>,
        %get3A_179 = vector.shape_cast %get3A_178 : vector<16xi32> to vector<16xi32>
        %add3A_180 = vector.broadcast %mul3A_8 : i32 to vector<16xi32>
        %add3A_181 = arith.addi %get3A_179, %add3A_180 : vector<16xi32>
        %swap3A_182 = arith.constant 96 : index
        %swap3A_183 = tpu.vector_load %arg10[%swap3A_182] {strides = array<i32>} : memref<128xi32, #tpu.memory_space<vmem>>, vector<16xi32>,
        %swap3A_184 = vector.shape_cast %swap3A_183 : vector<16xi32> to vector<16xi32>
        %swap3A_185 = vector.shape_cast %add3A_181 : vector<16xi32> to vector<16xi32>
        tpu.vector_store %arg10[%swap3A_182], %swap3A_185 {strides = array<i32>} : memref<128xi32, #tpu.memory_space<vmem>>, vector<16xi32>,
        %get3A_186 = arith.constant 112 : index
        %get3A_187 = tpu.vector_load %arg10[%get3A_186] {strides = array<i32>} : memref<128xi32, #tpu.memory_space<vmem>>, vector<16xi32>,
        %get3A_188 = vector.shape_cast %get3A_187 : vector<16xi32> to vector<16xi32>
        %add3A_189 = vector.broadcast %mul3A_8 : i32 to vector<16xi32>
        %add3A_190 = arith.addi %get3A_188, %add3A_189 : vector<16xi32>
        %swap3A_191 = arith.constant 112 : index
        %swap3A_192 = tpu.vector_load %arg10[%swap3A_191] {strides = array<i32>} : memref<128xi32, #tpu.memory_space<vmem>>, vector<16xi32>,
        %swap3A_193 = vector.shape_cast %swap3A_192 : vector<16xi32> to vector<16xi32>
        %swap3A_194 = vector.shape_cast %add3A_190 : vector<16xi32> to vector<16xi32>
        tpu.vector_store %arg10[%swap3A_191], %swap3A_194 {strides = array<i32>} : memref<128xi32, #tpu.memory_space<vmem>>, vector<16xi32>,
        %dma_start3A_195 = arith.constant 0 : i32
        %dma_start3A_196 = arith.constant 0 : i32
        %dma_start3A_197 = tpu.memref_slice %arg2[%dma_start3A_195, %dma_start3A_196] : memref<10000x128xf32, #tpu.memory_space<hbm>> -> memref<10000x128xf32, #tpu.memory_space<hbm>>
        tpu.enqueue_indirect_dma source(%dma_start3A_197 : memref<10000x128xf32, #tpu.memory_space<hbm>>) target(%arg12 : memref<128x128xf32, #tpu.memory_space<vmem>>) offsets(%arg10 : memref<128xi32, #tpu.memory_space<vmem>>) semaphore(%arg15 : memref<!tpu.dma_semaphore, #tpu.memory_space<semaphore_mem>>)
        %dma_wait3A = arith.constant 0 : i32
        %dma_wait3A_198 = arith.constant 0 : i32
        %dma_wait3A_199 = tpu.memref_slice %arg2[%dma_wait3A, %dma_wait3A_198] : memref<10000x128xf32, #tpu.memory_space<hbm>> -> memref<10000x128xf32, #tpu.memory_space<hbm>>
        tpu.wait_indirect_dma semaphore(%arg14 : memref<!tpu.dma_semaphore, #tpu.memory_space<semaphore_mem>>) src(%dma_wait3A_199 : memref<10000x128xf32, #tpu.memory_space<hbm>>) dst(%arg9 : memref<128x128xf32, #tpu.memory_space<vmem>>)
        "tpu.region"() ({
          %run_scoped3A = tpu.sem_alloc : memref<!tpu.dma_semaphore, #tpu.memory_space<semaphore_mem>>
          %dma_start3A_212 = arith.constant 0 : i32
          %dma_start3A_213 = arith.constant 0 : i32
          %dma_start3A_214 = tpu.memref_slice %arg13[%dma_start3A_212, %dma_start3A_213] : memref<10240x128xf32, #tpu.memory_space<vmem_shared>> -> memref<10240x128xf32, #tpu.memory_space<vmem_shared>>
          tpu.enqueue_indirect_dma source(%arg9 : memref<128x128xf32, #tpu.memory_space<vmem>>) target(%dma_start3A_214 : memref<10240x128xf32, #tpu.memory_space<vmem_shared>>) offsets(%arg8 : memref<128xi32, #tpu.memory_space<vmem>>) semaphore(%run_scoped3A : memref<!tpu.dma_semaphore, #tpu.memory_space<semaphore_mem>>) {add = true}
          %dma_wait3A_215 = arith.constant 0 : i32
          %dma_wait3A_216 = arith.constant 0 : i32
          %dma_wait3A_217 = tpu.memref_slice %arg13[%dma_wait3A_215, %dma_wait3A_216] : memref<10240x128xf32, #tpu.memory_space<vmem_shared>> -> memref<10240x128xf32, #tpu.memory_space<vmem_shared>>
          tpu.wait_indirect_dma semaphore(%run_scoped3A : memref<!tpu.dma_semaphore, #tpu.memory_space<semaphore_mem>>) src(%arg9 : memref<128x128xf32, #tpu.memory_space<vmem>>) dst(%dma_wait3A_217 : memref<10240x128xf32, #tpu.memory_space<vmem_shared>>)
          tpu.yield
        }) : () -> ()
        %mul3A_200 = arith.constant 2 : i32
        %mul3A_201 = arith.muli %mul3A_200, %scan3A_113 : i32
        %add3A_202 = arith.constant 2 : i32
        %add3A_203 = arith.addi %mul3A_201, %add3A_202 : i32
        %lt3A_204 = arith.constant 80 : i32
        %lt3A_205 = arith.cmpi slt, %add3A_203, %lt3A_204 : i32
        %convert_element_type3A_206 = arith.extui %lt3A_205 : i1 to i32
        %cond3A_207 = arith.constant 0 : i32
        %cond3A_208 = arith.cmpi ne, %convert_element_type3A_206, %cond3A_207 : i32
        scf.if %cond3A_208 {
          %mul3A_212 = arith.constant 2 : i32
          %mul3A_213 = arith.muli %mul3A_212, %scan3A_113 : i32
          %add3A_214 = arith.constant 2 : i32
          %add3A_215 = arith.addi %mul3A_213, %add3A_214 : i32
          %mul3A_216 = arith.constant 10240 : i32
          %mul3A_217 = arith.muli %arg1, %mul3A_216 : i32
          %mul3A_218 = arith.constant 128 : i32
          %mul3A_219 = arith.muli %add3A_215, %mul3A_218 : i32
          %add3A_220 = arith.addi %mul3A_217, %mul3A_219 : i32
          "tpu.region"() ({
            %run_scoped3A = tpu.sem_alloc : memref<!tpu.dma_semaphore, #tpu.memory_space<semaphore_mem>>
            %dma_start3A_296 = tpu.memref_slice %arg3[%add3A_220] : memref<163840xi32, #tpu.memory_space<hbm>> -> memref<128xi32, #tpu.memory_space<hbm>>
            %dma_start3A_297 = tpu.memref_slice %arg3[%add3A_220] : memref<163840xi32, #tpu.memory_space<hbm>> -> memref<128xi32, #tpu.memory_space<hbm>>
            tpu.enqueue_dma source(%dma_start3A_297 : memref<128xi32, #tpu.memory_space<hbm>>) target(%arg7 : memref<128xi32, #tpu.memory_space<vmem>>) target_semaphore(%run_scoped3A : memref<!tpu.dma_semaphore, #tpu.memory_space<semaphore_mem>>)
            %dma_wait3A_298 = tpu.memref_slice %arg3[%add3A_220] : memref<163840xi32, #tpu.memory_space<hbm>> -> memref<128xi32, #tpu.memory_space<hbm>>
            %dma_wait3A_299 = tpu.memref_slice %arg3[%add3A_220] : memref<163840xi32, #tpu.memory_space<hbm>> -> memref<128xi32, #tpu.memory_space<hbm>>
            tpu.wait_dma2 semaphore(%run_scoped3A : memref<!tpu.dma_semaphore, #tpu.memory_space<semaphore_mem>>) src(%dma_wait3A_299 : memref<128xi32, #tpu.memory_space<hbm>>) dst(%arg7 : memref<128xi32, #tpu.memory_space<vmem>>)
            tpu.yield
          }) : () -> ()
          "tpu.region"() ({
            %run_scoped3A = tpu.sem_alloc : memref<!tpu.dma_semaphore, #tpu.memory_space<semaphore_mem>>
            %dma_start3A_296 = tpu.memref_slice %arg4[%add3A_220] : memref<163840xi32, #tpu.memory_space<hbm>> -> memref<128xi32, #tpu.memory_space<hbm>>
            %dma_start3A_297 = tpu.memref_slice %arg4[%add3A_220] : memref<163840xi32, #tpu.memory_space<hbm>> -> memref<128xi32, #tpu.memory_space<hbm>>
            tpu.enqueue_dma source(%dma_start3A_297 : memref<128xi32, #tpu.memory_space<hbm>>) target(%arg8 : memref<128xi32, #tpu.memory_space<vmem>>) target_semaphore(%run_scoped3A : memref<!tpu.dma_semaphore, #tpu.memory_space<semaphore_mem>>)
            %dma_wait3A_298 = tpu.memref_slice %arg4[%add3A_220] : memref<163840xi32, #tpu.memory_space<hbm>> -> memref<128xi32, #tpu.memory_space<hbm>>
            %dma_wait3A_299 = tpu.memref_slice %arg4[%add3A_220] : memref<163840xi32, #tpu.memory_space<hbm>> -> memref<128xi32, #tpu.memory_space<hbm>>
            tpu.wait_dma2 semaphore(%run_scoped3A : memref<!tpu.dma_semaphore, #tpu.memory_space<semaphore_mem>>) src(%dma_wait3A_299 : memref<128xi32, #tpu.memory_space<hbm>>) dst(%arg8 : memref<128xi32, #tpu.memory_space<vmem>>)
            tpu.yield
          }) : () -> ()
          %get3A_221 = arith.constant 0 : index
          %get3A_222 = tpu.vector_load %arg7[%get3A_221] {strides = array<i32>} : memref<128xi32, #tpu.memory_space<vmem>>, vector<16xi32>,
          %get3A_223 = vector.shape_cast %get3A_222 : vector<16xi32> to vector<16xi32>
          %add3A_224 = vector.broadcast %mul3A_8 : i32 to vector<16xi32>
          %add3A_225 = arith.addi %get3A_223, %add3A_224 : vector<16xi32>
          %swap3A_226 = arith.constant 0 : index
          %swap3A_227 = tpu.vector_load %arg7[%swap3A_226] {strides = array<i32>} : memref<128xi32, #tpu.memory_space<vmem>>, vector<16xi32>,
          %swap3A_228 = vector.shape_cast %swap3A_227 : vector<16xi32> to vector<16xi32>
          %swap3A_229 = vector.shape_cast %add3A_225 : vector<16xi32> to vector<16xi32>
          tpu.vector_store %arg7[%swap3A_226], %swap3A_229 {strides = array<i32>} : memref<128xi32, #tpu.memory_space<vmem>>, vector<16xi32>,
          %get3A_230 = arith.constant 16 : index
          %get3A_231 = tpu.vector_load %arg7[%get3A_230] {strides = array<i32>} : memref<128xi32, #tpu.memory_space<vmem>>, vector<16xi32>,
          %get3A_232 = vector.shape_cast %get3A_231 : vector<16xi32> to vector<16xi32>
          %add3A_233 = vector.broadcast %mul3A_8 : i32 to vector<16xi32>
          %add3A_234 = arith.addi %get3A_232, %add3A_233 : vector<16xi32>
          %swap3A_235 = arith.constant 16 : index
          %swap3A_236 = tpu.vector_load %arg7[%swap3A_235] {strides = array<i32>} : memref<128xi32, #tpu.memory_space<vmem>>, vector<16xi32>,
          %swap3A_237 = vector.shape_cast %swap3A_236 : vector<16xi32> to vector<16xi32>
          %swap3A_238 = vector.shape_cast %add3A_234 : vector<16xi32> to vector<16xi32>
          tpu.vector_store %arg7[%swap3A_235], %swap3A_238 {strides = array<i32>} : memref<128xi32, #tpu.memory_space<vmem>>, vector<16xi32>,
          %get3A_239 = arith.constant 32 : index
          %get3A_240 = tpu.vector_load %arg7[%get3A_239] {strides = array<i32>} : memref<128xi32, #tpu.memory_space<vmem>>, vector<16xi32>,
          %get3A_241 = vector.shape_cast %get3A_240 : vector<16xi32> to vector<16xi32>
          %add3A_242 = vector.broadcast %mul3A_8 : i32 to vector<16xi32>
          %add3A_243 = arith.addi %get3A_241, %add3A_242 : vector<16xi32>
          %swap3A_244 = arith.constant 32 : index
          %swap3A_245 = tpu.vector_load %arg7[%swap3A_244] {strides = array<i32>} : memref<128xi32, #tpu.memory_space<vmem>>, vector<16xi32>,
          %swap3A_246 = vector.shape_cast %swap3A_245 : vector<16xi32> to vector<16xi32>
          %swap3A_247 = vector.shape_cast %add3A_243 : vector<16xi32> to vector<16xi32>
          tpu.vector_store %arg7[%swap3A_244], %swap3A_247 {strides = array<i32>} : memref<128xi32, #tpu.memory_space<vmem>>, vector<16xi32>,
          %get3A_248 = arith.constant 48 : index
          %get3A_249 = tpu.vector_load %arg7[%get3A_248] {strides = array<i32>} : memref<128xi32, #tpu.memory_space<vmem>>, vector<16xi32>,
          %get3A_250 = vector.shape_cast %get3A_249 : vector<16xi32> to vector<16xi32>
          %add3A_251 = vector.broadcast %mul3A_8 : i32 to vector<16xi32>
          %add3A_252 = arith.addi %get3A_250, %add3A_251 : vector<16xi32>
          %swap3A_253 = arith.constant 48 : index
          %swap3A_254 = tpu.vector_load %arg7[%swap3A_253] {strides = array<i32>} : memref<128xi32, #tpu.memory_space<vmem>>, vector<16xi32>,
          %swap3A_255 = vector.shape_cast %swap3A_254 : vector<16xi32> to vector<16xi32>
          %swap3A_256 = vector.shape_cast %add3A_252 : vector<16xi32> to vector<16xi32>
          tpu.vector_store %arg7[%swap3A_253], %swap3A_256 {strides = array<i32>} : memref<128xi32, #tpu.memory_space<vmem>>, vector<16xi32>,
          %get3A_257 = arith.constant 64 : index
          %get3A_258 = tpu.vector_load %arg7[%get3A_257] {strides = array<i32>} : memref<128xi32, #tpu.memory_space<vmem>>, vector<16xi32>,
          %get3A_259 = vector.shape_cast %get3A_258 : vector<16xi32> to vector<16xi32>
          %add3A_260 = vector.broadcast %mul3A_8 : i32 to vector<16xi32>
          %add3A_261 = arith.addi %get3A_259, %add3A_260 : vector<16xi32>
          %swap3A_262 = arith.constant 64 : index
          %swap3A_263 = tpu.vector_load %arg7[%swap3A_262] {strides = array<i32>} : memref<128xi32, #tpu.memory_space<vmem>>, vector<16xi32>,
          %swap3A_264 = vector.shape_cast %swap3A_263 : vector<16xi32> to vector<16xi32>
          %swap3A_265 = vector.shape_cast %add3A_261 : vector<16xi32> to vector<16xi32>
          tpu.vector_store %arg7[%swap3A_262], %swap3A_265 {strides = array<i32>} : memref<128xi32, #tpu.memory_space<vmem>>, vector<16xi32>,
          %get3A_266 = arith.constant 80 : index
          %get3A_267 = tpu.vector_load %arg7[%get3A_266] {strides = array<i32>} : memref<128xi32, #tpu.memory_space<vmem>>, vector<16xi32>,
          %get3A_268 = vector.shape_cast %get3A_267 : vector<16xi32> to vector<16xi32>
          %add3A_269 = vector.broadcast %mul3A_8 : i32 to vector<16xi32>
          %add3A_270 = arith.addi %get3A_268, %add3A_269 : vector<16xi32>
          %swap3A_271 = arith.constant 80 : index
          %swap3A_272 = tpu.vector_load %arg7[%swap3A_271] {strides = array<i32>} : memref<128xi32, #tpu.memory_space<vmem>>, vector<16xi32>,
          %swap3A_273 = vector.shape_cast %swap3A_272 : vector<16xi32> to vector<16xi32>
          %swap3A_274 = vector.shape_cast %add3A_270 : vector<16xi32> to vector<16xi32>
          tpu.vector_store %arg7[%swap3A_271], %swap3A_274 {strides = array<i32>} : memref<128xi32, #tpu.memory_space<vmem>>, vector<16xi32>,
          %get3A_275 = arith.constant 96 : index
          %get3A_276 = tpu.vector_load %arg7[%get3A_275] {strides = array<i32>} : memref<128xi32, #tpu.memory_space<vmem>>, vector<16xi32>,
          %get3A_277 = vector.shape_cast %get3A_276 : vector<16xi32> to vector<16xi32>
          %add3A_278 = vector.broadcast %mul3A_8 : i32 to vector<16xi32>
          %add3A_279 = arith.addi %get3A_277, %add3A_278 : vector<16xi32>
          %swap3A_280 = arith.constant 96 : index
          %swap3A_281 = tpu.vector_load %arg7[%swap3A_280] {strides = array<i32>} : memref<128xi32, #tpu.memory_space<vmem>>, vector<16xi32>,
          %swap3A_282 = vector.shape_cast %swap3A_281 : vector<16xi32> to vector<16xi32>
          %swap3A_283 = vector.shape_cast %add3A_279 : vector<16xi32> to vector<16xi32>
          tpu.vector_store %arg7[%swap3A_280], %swap3A_283 {strides = array<i32>} : memref<128xi32, #tpu.memory_space<vmem>>, vector<16xi32>,
          %get3A_284 = arith.constant 112 : index
          %get3A_285 = tpu.vector_load %arg7[%get3A_284] {strides = array<i32>} : memref<128xi32, #tpu.memory_space<vmem>>, vector<16xi32>,
          %get3A_286 = vector.shape_cast %get3A_285 : vector<16xi32> to vector<16xi32>
          %add3A_287 = vector.broadcast %mul3A_8 : i32 to vector<16xi32>
          %add3A_288 = arith.addi %get3A_286, %add3A_287 : vector<16xi32>
          %swap3A_289 = arith.constant 112 : index
          %swap3A_290 = tpu.vector_load %arg7[%swap3A_289] {strides = array<i32>} : memref<128xi32, #tpu.memory_space<vmem>>, vector<16xi32>,
          %swap3A_291 = vector.shape_cast %swap3A_290 : vector<16xi32> to vector<16xi32>
          %swap3A_292 = vector.shape_cast %add3A_288 : vector<16xi32> to vector<16xi32>
          tpu.vector_store %arg7[%swap3A_289], %swap3A_292 {strides = array<i32>} : memref<128xi32, #tpu.memory_space<vmem>>, vector<16xi32>,
          %dma_start3A_293 = arith.constant 0 : i32
          %dma_start3A_294 = arith.constant 0 : i32
          %dma_start3A_295 = tpu.memref_slice %arg2[%dma_start3A_293, %dma_start3A_294] : memref<10000x128xf32, #tpu.memory_space<hbm>> -> memref<10000x128xf32, #tpu.memory_space<hbm>>
          tpu.enqueue_indirect_dma source(%dma_start3A_295 : memref<10000x128xf32, #tpu.memory_space<hbm>>) target(%arg9 : memref<128x128xf32, #tpu.memory_space<vmem>>) offsets(%arg7 : memref<128xi32, #tpu.memory_space<vmem>>) semaphore(%arg14 : memref<!tpu.dma_semaphore, #tpu.memory_space<semaphore_mem>>)
        } else {
        }
        %dma_wait3A_209 = arith.constant 0 : i32
        %dma_wait3A_210 = arith.constant 0 : i32
        %dma_wait3A_211 = tpu.memref_slice %arg2[%dma_wait3A_209, %dma_wait3A_210] : memref<10000x128xf32, #tpu.memory_space<hbm>> -> memref<10000x128xf32, #tpu.memory_space<hbm>>
        tpu.wait_indirect_dma semaphore(%arg15 : memref<!tpu.dma_semaphore, #tpu.memory_space<semaphore_mem>>) src(%dma_wait3A_211 : memref<10000x128xf32, #tpu.memory_space<hbm>>) dst(%arg12 : memref<128x128xf32, #tpu.memory_space<vmem>>)
        "tpu.region"() ({
          %run_scoped3A = tpu.sem_alloc : memref<!tpu.dma_semaphore, #tpu.memory_space<semaphore_mem>>
          %dma_start3A_212 = arith.constant 0 : i32
          %dma_start3A_213 = arith.constant 0 : i32
          %dma_start3A_214 = tpu.memref_slice %arg13[%dma_start3A_212, %dma_start3A_213] : memref<10240x128xf32, #tpu.memory_space<vmem_shared>> -> memref<10240x128xf32, #tpu.memory_space<vmem_shared>>
          tpu.enqueue_indirect_dma source(%arg12 : memref<128x128xf32, #tpu.memory_space<vmem>>) target(%dma_start3A_214 : memref<10240x128xf32, #tpu.memory_space<vmem_shared>>) offsets(%arg11 : memref<128xi32, #tpu.memory_space<vmem>>) semaphore(%run_scoped3A : memref<!tpu.dma_semaphore, #tpu.memory_space<semaphore_mem>>) {add = true}
          %dma_wait3A_215 = arith.constant 0 : i32
          %dma_wait3A_216 = arith.constant 0 : i32
          %dma_wait3A_217 = tpu.memref_slice %arg13[%dma_wait3A_215, %dma_wait3A_216] : memref<10240x128xf32, #tpu.memory_space<vmem_shared>> -> memref<10240x128xf32, #tpu.memory_space<vmem_shared>>
          tpu.wait_indirect_dma semaphore(%run_scoped3A : memref<!tpu.dma_semaphore, #tpu.memory_space<semaphore_mem>>) src(%arg12 : memref<128x128xf32, #tpu.memory_space<vmem>>) dst(%dma_wait3A_217 : memref<10240x128xf32, #tpu.memory_space<vmem_shared>>)
          tpu.yield
        }) : () -> ()
      }
      %scan3A_90 = arith.constant 40 : i32
      %barrier3A_91 = arith.constant 0 : index
      tpu.barrier barrier_id(%barrier3A_91)
      %mul3A_92 = arith.constant 640 : i32
      %mul3A_93 = arith.muli %arg1, %mul3A_92 : i32
      %add3A_94 = arith.constant 0 : i32
      %add3A_95 = arith.addi %mul3A_93, %add3A_94 : i32
      "tpu.region"() ({
        %run_scoped3A = tpu.sem_alloc : memref<!tpu.dma_semaphore, #tpu.memory_space<semaphore_mem>>
        %dma_start3A_113 = arith.constant 0 : i32
        %dma_start3A_114 = tpu.memref_slice %arg6[%add3A, %add3A_95, %dma_start3A_113] : memref<1x10240x128xf32, #tpu.memory_space<hbm>> -> memref<1x128x128xf32, #tpu.memory_space<hbm>>
        %dma_start3A_115 = tpu.memref_squeeze %dma_start3A_114 : memref<1x128x128xf32, #tpu.memory_space<hbm>> -> memref<128x128xf32, #tpu.memory_space<hbm>>
        %dma_start3A_116 = arith.constant 0 : i32
        %dma_start3A_117 = tpu.memref_slice %arg13[%add3A_95, %dma_start3A_116] : memref<10240x128xf32, #tpu.memory_space<vmem_shared>> -> memref<128x128xf32, #tpu.memory_space<vmem_shared>>
        tpu.enqueue_dma source(%dma_start3A_117 : memref<128x128xf32, #tpu.memory_space<vmem_shared>>) target(%dma_start3A_115 : memref<128x128xf32, #tpu.memory_space<hbm>>) target_semaphore(%run_scoped3A : memref<!tpu.dma_semaphore, #tpu.memory_space<semaphore_mem>>)
        %dma_wait3A = arith.constant 0 : i32
        %dma_wait3A_118 = tpu.memref_slice %arg6[%add3A, %add3A_95, %dma_wait3A] : memref<1x10240x128xf32, #tpu.memory_space<hbm>> -> memref<1x128x128xf32, #tpu.memory_space<hbm>>
        %dma_wait3A_119 = tpu.memref_squeeze %dma_wait3A_118 : memref<1x128x128xf32, #tpu.memory_space<hbm>> -> memref<128x128xf32, #tpu.memory_space<hbm>>
        %dma_wait3A_120 = arith.constant 0 : i32
        %dma_wait3A_121 = tpu.memref_slice %arg13[%add3A_95, %dma_wait3A_120] : memref<10240x128xf32, #tpu.memory_space<vmem_shared>> -> memref<128x128xf32, #tpu.memory_space<vmem_shared>>
        tpu.wait_dma2 semaphore(%run_scoped3A : memref<!tpu.dma_semaphore, #tpu.memory_space<semaphore_mem>>) src(%dma_wait3A_121 : memref<128x128xf32, #tpu.memory_space<vmem_shared>>) dst(%dma_wait3A_119 : memref<128x128xf32, #tpu.memory_space<hbm>>)
        tpu.yield
      }) : () -> ()
      %mul3A_96 = arith.constant 640 : i32
      %mul3A_97 = arith.muli %arg1, %mul3A_96 : i32
      %add3A_98 = arith.constant 128 : i32
      %add3A_99 = arith.addi %mul3A_97, %add3A_98 : i32
      "tpu.region"() ({
        %run_scoped3A = tpu.sem_alloc : memref<!tpu.dma_semaphore, #tpu.memory_space<semaphore_mem>>
        %dma_start3A_113 = arith.constant 0 : i32
        %dma_start3A_114 = tpu.memref_slice %arg6[%add3A, %add3A_99, %dma_start3A_113] : memref<1x10240x128xf32, #tpu.memory_space<hbm>> -> memref<1x128x128xf32, #tpu.memory_space<hbm>>
        %dma_start3A_115 = tpu.memref_squeeze %dma_start3A_114 : memref<1x128x128xf32, #tpu.memory_space<hbm>> -> memref<128x128xf32, #tpu.memory_space<hbm>>
        %dma_start3A_116 = arith.constant 0 : i32
        %dma_start3A_117 = tpu.memref_slice %arg13[%add3A_99, %dma_start3A_116] : memref<10240x128xf32, #tpu.memory_space<vmem_shared>> -> memref<128x128xf32, #tpu.memory_space<vmem_shared>>
        tpu.enqueue_dma source(%dma_start3A_117 : memref<128x128xf32, #tpu.memory_space<vmem_shared>>) target(%dma_start3A_115 : memref<128x128xf32, #tpu.memory_space<hbm>>) target_semaphore(%run_scoped3A : memref<!tpu.dma_semaphore, #tpu.memory_space<semaphore_mem>>)
        %dma_wait3A = arith.constant 0 : i32
        %dma_wait3A_118 = tpu.memref_slice %arg6[%add3A, %add3A_99, %dma_wait3A] : memref<1x10240x128xf32, #tpu.memory_space<hbm>> -> memref<1x128x128xf32, #tpu.memory_space<hbm>>
        %dma_wait3A_119 = tpu.memref_squeeze %dma_wait3A_118 : memref<1x128x128xf32, #tpu.memory_space<hbm>> -> memref<128x128xf32, #tpu.memory_space<hbm>>
        %dma_wait3A_120 = arith.constant 0 : i32
        %dma_wait3A_121 = tpu.memref_slice %arg13[%add3A_99, %dma_wait3A_120] : memref<10240x128xf32, #tpu.memory_space<vmem_shared>> -> memref<128x128xf32, #tpu.memory_space<vmem_shared>>
        tpu.wait_dma2 semaphore(%run_scoped3A : memref<!tpu.dma_semaphore, #tpu.memory_space<semaphore_mem>>) src(%dma_wait3A_121 : memref<128x128xf32, #tpu.memory_space<vmem_shared>>) dst(%dma_wait3A_119 : memref<128x128xf32, #tpu.memory_space<hbm>>)
        tpu.yield
      }) : () -> ()
      %mul3A_100 = arith.constant 640 : i32
      %mul3A_101 = arith.muli %arg1, %mul3A_100 : i32
      %add3A_102 = arith.constant 256 : i32
      %add3A_103 = arith.addi %mul3A_101, %add3A_102 : i32
      "tpu.region"() ({
        %run_scoped3A = tpu.sem_alloc : memref<!tpu.dma_semaphore, #tpu.memory_space<semaphore_mem>>
        %dma_start3A_113 = arith.constant 0 : i32
        %dma_start3A_114 = tpu.memref_slice %arg6[%add3A, %add3A_103, %dma_start3A_113] : memref<1x10240x128xf32, #tpu.memory_space<hbm>> -> memref<1x128x128xf32, #tpu.memory_space<hbm>>
        %dma_start3A_115 = tpu.memref_squeeze %dma_start3A_114 : memref<1x128x128xf32, #tpu.memory_space<hbm>> -> memref<128x128xf32, #tpu.memory_space<hbm>>
        %dma_start3A_116 = arith.constant 0 : i32
        %dma_start3A_117 = tpu.memref_slice %arg13[%add3A_103, %dma_start3A_116] : memref<10240x128xf32, #tpu.memory_space<vmem_shared>> -> memref<128x128xf32, #tpu.memory_space<vmem_shared>>
        tpu.enqueue_dma source(%dma_start3A_117 : memref<128x128xf32, #tpu.memory_space<vmem_shared>>) target(%dma_start3A_115 : memref<128x128xf32, #tpu.memory_space<hbm>>) target_semaphore(%run_scoped3A : memref<!tpu.dma_semaphore, #tpu.memory_space<semaphore_mem>>)
        %dma_wait3A = arith.constant 0 : i32
        %dma_wait3A_118 = tpu.memref_slice %arg6[%add3A, %add3A_103, %dma_wait3A] : memref<1x10240x128xf32, #tpu.memory_space<hbm>> -> memref<1x128x128xf32, #tpu.memory_space<hbm>>
        %dma_wait3A_119 = tpu.memref_squeeze %dma_wait3A_118 : memref<1x128x128xf32, #tpu.memory_space<hbm>> -> memref<128x128xf32, #tpu.memory_space<hbm>>
        %dma_wait3A_120 = arith.constant 0 : i32
        %dma_wait3A_121 = tpu.memref_slice %arg13[%add3A_103, %dma_wait3A_120] : memref<10240x128xf32, #tpu.memory_space<vmem_shared>> -> memref<128x128xf32, #tpu.memory_space<vmem_shared>>
        tpu.wait_dma2 semaphore(%run_scoped3A : memref<!tpu.dma_semaphore, #tpu.memory_space<semaphore_mem>>) src(%dma_wait3A_121 : memref<128x128xf32, #tpu.memory_space<vmem_shared>>) dst(%dma_wait3A_119 : memref<128x128xf32, #tpu.memory_space<hbm>>)
        tpu.yield
      }) : () -> ()
      %mul3A_104 = arith.constant 640 : i32
      %mul3A_105 = arith.muli %arg1, %mul3A_104 : i32
      %add3A_106 = arith.constant 384 : i32
      %add3A_107 = arith.addi %mul3A_105, %add3A_106 : i32
      "tpu.region"() ({
        %run_scoped3A = tpu.sem_alloc : memref<!tpu.dma_semaphore, #tpu.memory_space<semaphore_mem>>
        %dma_start3A_113 = arith.constant 0 : i32
        %dma_start3A_114 = tpu.memref_slice %arg6[%add3A, %add3A_107, %dma_start3A_113] : memref<1x10240x128xf32, #tpu.memory_space<hbm>> -> memref<1x128x128xf32, #tpu.memory_space<hbm>>
        %dma_start3A_115 = tpu.memref_squeeze %dma_start3A_114 : memref<1x128x128xf32, #tpu.memory_space<hbm>> -> memref<128x128xf32, #tpu.memory_space<hbm>>
        %dma_start3A_116 = arith.constant 0 : i32
        %dma_start3A_117 = tpu.memref_slice %arg13[%add3A_107, %dma_start3A_116] : memref<10240x128xf32, #tpu.memory_space<vmem_shared>> -> memref<128x128xf32, #tpu.memory_space<vmem_shared>>
        tpu.enqueue_dma source(%dma_start3A_117 : memref<128x128xf32, #tpu.memory_space<vmem_shared>>) target(%dma_start3A_115 : memref<128x128xf32, #tpu.memory_space<hbm>>) target_semaphore(%run_scoped3A : memref<!tpu.dma_semaphore, #tpu.memory_space<semaphore_mem>>)
        %dma_wait3A = arith.constant 0 : i32
        %dma_wait3A_118 = tpu.memref_slice %arg6[%add3A, %add3A_107, %dma_wait3A] : memref<1x10240x128xf32, #tpu.memory_space<hbm>> -> memref<1x128x128xf32, #tpu.memory_space<hbm>>
        %dma_wait3A_119 = tpu.memref_squeeze %dma_wait3A_118 : memref<1x128x128xf32, #tpu.memory_space<hbm>> -> memref<128x128xf32, #tpu.memory_space<hbm>>
        %dma_wait3A_120 = arith.constant 0 : i32
        %dma_wait3A_121 = tpu.memref_slice %arg13[%add3A_107, %dma_wait3A_120] : memref<10240x128xf32, #tpu.memory_space<vmem_shared>> -> memref<128x128xf32, #tpu.memory_space<vmem_shared>>
        tpu.wait_dma2 semaphore(%run_scoped3A : memref<!tpu.dma_semaphore, #tpu.memory_space<semaphore_mem>>) src(%dma_wait3A_121 : memref<128x128xf32, #tpu.memory_space<vmem_shared>>) dst(%dma_wait3A_119 : memref<128x128xf32, #tpu.memory_space<hbm>>)
        tpu.yield
      }) : () -> ()
      %mul3A_108 = arith.constant 640 : i32
      %mul3A_109 = arith.muli %arg1, %mul3A_108 : i32
      %add3A_110 = arith.constant 512 : i32
      %add3A_111 = arith.addi %mul3A_109, %add3A_110 : i32
      "tpu.region"() ({
        %run_scoped3A = tpu.sem_alloc : memref<!tpu.dma_semaphore, #tpu.memory_space<semaphore_mem>>
        %dma_start3A_113 = arith.constant 0 : i32
        %dma_start3A_114 = tpu.memref_slice %arg6[%add3A, %add3A_111, %dma_start3A_113] : memref<1x10240x128xf32, #tpu.memory_space<hbm>> -> memref<1x128x128xf32, #tpu.memory_space<hbm>>
        %dma_start3A_115 = tpu.memref_squeeze %dma_start3A_114 : memref<1x128x128xf32, #tpu.memory_space<hbm>> -> memref<128x128xf32, #tpu.memory_space<hbm>>
        %dma_start3A_116 = arith.constant 0 : i32
        %dma_start3A_117 = tpu.memref_slice %arg13[%add3A_111, %dma_start3A_116] : memref<10240x128xf32, #tpu.memory_space<vmem_shared>> -> memref<128x128xf32, #tpu.memory_space<vmem_shared>>
        tpu.enqueue_dma source(%dma_start3A_117 : memref<128x128xf32, #tpu.memory_space<vmem_shared>>) target(%dma_start3A_115 : memref<128x128xf32, #tpu.memory_space<hbm>>) target_semaphore(%run_scoped3A : memref<!tpu.dma_semaphore, #tpu.memory_space<semaphore_mem>>)
        %dma_wait3A = arith.constant 0 : i32
        %dma_wait3A_118 = tpu.memref_slice %arg6[%add3A, %add3A_111, %dma_wait3A] : memref<1x10240x128xf32, #tpu.memory_space<hbm>> -> memref<1x128x128xf32, #tpu.memory_space<hbm>>
        %dma_wait3A_119 = tpu.memref_squeeze %dma_wait3A_118 : memref<1x128x128xf32, #tpu.memory_space<hbm>> -> memref<128x128xf32, #tpu.memory_space<hbm>>
        %dma_wait3A_120 = arith.constant 0 : i32
        %dma_wait3A_121 = tpu.memref_slice %arg13[%add3A_111, %dma_wait3A_120] : memref<10240x128xf32, #tpu.memory_space<vmem_shared>> -> memref<128x128xf32, #tpu.memory_space<vmem_shared>>
        tpu.wait_dma2 semaphore(%run_scoped3A : memref<!tpu.dma_semaphore, #tpu.memory_space<semaphore_mem>>) src(%dma_wait3A_121 : memref<128x128xf32, #tpu.memory_space<vmem_shared>>) dst(%dma_wait3A_119 : memref<128x128xf32, #tpu.memory_space<hbm>>)
        tpu.yield
      }) : () -> ()
      %barrier3A_112 = arith.constant 0 : index
      tpu.barrier barrier_id(%barrier3A_112)
    } else {
    }
    %scan3A_4 = arith.constant 1 : i32
    return
  }
}

#map = affine_map<(d0, d1) -> (0, 0)>
#map1 = affine_map<(d0, d1) -> (0)>
#map2 = affine_map<(d0, d1) -> (0, 0, 0)>
module attributes {stable_mosaic.version = 14 : i64} {
  func.func @prop(%arg0: i32, %arg1: i32, %arg2: memref<30000x128xf32, #tpu.memory_space<hbm>>, %arg3: memref<163840xi32, #tpu.memory_space<hbm>>, %arg4: memref<163840xi32, #tpu.memory_space<hbm>>, %arg5: memref<640x128xf32, #tpu.memory_space<hbm>>, %arg6: memref<3x10240x128xf32, #tpu.memory_space<hbm>>, %arg7: memref<128xi32, #tpu.memory_space<vmem>>, %arg8: memref<128xi32, #tpu.memory_space<vmem>>, %arg9: memref<128x128xf32, #tpu.memory_space<vmem>>, %arg10: memref<128xi32, #tpu.memory_space<vmem>>, %arg11: memref<128xi32, #tpu.memory_space<vmem>>, %arg12: memref<128x128xf32, #tpu.memory_space<vmem>>, %arg13: memref<10240x128xf32, #tpu.memory_space<vmem_shared>>, %arg14: memref<!tpu.dma_semaphore, #tpu.memory_space<semaphore_mem>>, %arg15: memref<!tpu.dma_semaphore, #tpu.memory_space<semaphore_mem>>) attributes {dimension_semantics = [#tpu.dimension_semantics<core_parallel>, #tpu.dimension_semantics<subcore_parallel>], iteration_bounds = array<i64: 2, 16>, scalar_prefetch = 0 : i64, scratch_operands = 9 : i64, tpu.core_type = #tpu.core_type<sc_vector_subcore>, window_params = [{transform_indices = #map}, {transform_indices = #map1}, {transform_indices = #map1}, {transform_indices = #map}, {transform_indices = #map2}]} {
    %scan3A = arith.constant 0 : i32
    %scan3A_0 = arith.constant 0 : i32
    %scan3A_1 = arith.constant 2 : i32
    %scan3A_2 = arith.addi %scan3A_0, %scan3A_1 : i32
    %scan3A_3 = arith.constant 1 : i32
    scf.for %scan3A_5 = %scan3A_0 to %scan3A_2 step %scan3A_3  : i32 {
      %mul3A = arith.constant 2 : i32
      %mul3A_6 = arith.muli %scan3A_5, %mul3A : i32
      %add3A = arith.addi %mul3A_6, %arg0 : i32
      %lt3A = arith.constant 3 : i32
      %lt3A_7 = arith.cmpi slt, %add3A, %lt3A : i32
      %convert_element_type3A = arith.extui %lt3A_7 : i1 to i32
      %cond3A = arith.constant 0 : i32
      %cond3A_8 = arith.cmpi ne, %convert_element_type3A, %cond3A : i32
      scf.if %cond3A_8 {
        %mul3A_9 = arith.constant 640 : i32
        %mul3A_10 = arith.muli %arg1, %mul3A_9 : i32
        "tpu.region"() ({
          %run_scoped3A = tpu.sem_alloc : memref<!tpu.dma_semaphore, #tpu.memory_space<semaphore_mem>>
          %dma_start3A_117 = arith.constant 0 : i32
          %dma_start3A_118 = tpu.memref_slice %arg13[%mul3A_10, %dma_start3A_117] : memref<10240x128xf32, #tpu.memory_space<vmem_shared>> -> memref<640x128xf32, #tpu.memory_space<vmem_shared>>
          tpu.enqueue_dma source(%arg5 : memref<640x128xf32, #tpu.memory_space<hbm>>) target(%dma_start3A_118 : memref<640x128xf32, #tpu.memory_space<vmem_shared>>) target_semaphore(%run_scoped3A : memref<!tpu.dma_semaphore, #tpu.memory_space<semaphore_mem>>)
          %dma_wait3A = arith.constant 0 : i32
          %dma_wait3A_119 = tpu.memref_slice %arg13[%mul3A_10, %dma_wait3A] : memref<10240x128xf32, #tpu.memory_space<vmem_shared>> -> memref<640x128xf32, #tpu.memory_space<vmem_shared>>
          tpu.wait_dma2 semaphore(%run_scoped3A : memref<!tpu.dma_semaphore, #tpu.memory_space<semaphore_mem>>) src(%arg5 : memref<640x128xf32, #tpu.memory_space<hbm>>) dst(%dma_wait3A_119 : memref<640x128xf32, #tpu.memory_space<vmem_shared>>)
          tpu.yield
        }) : () -> ()
        %barrier3A = arith.constant 0 : index
        tpu.barrier barrier_id(%barrier3A)
        %mul3A_11 = arith.constant 10000 : i32
        %mul3A_12 = arith.muli %add3A, %mul3A_11 : i32
        %mul3A_13 = arith.constant 10240 : i32
        %mul3A_14 = arith.muli %arg1, %mul3A_13 : i32
        %add3A_15 = arith.constant 0 : i32
        %add3A_16 = arith.addi %mul3A_14, %add3A_15 : i32
        "tpu.region"() ({
          %run_scoped3A = tpu.sem_alloc : memref<!tpu.dma_semaphore, #tpu.memory_space<semaphore_mem>>
          %dma_start3A_117 = tpu.memref_slice %arg3[%add3A_16] : memref<163840xi32, #tpu.memory_space<hbm>> -> memref<128xi32, #tpu.memory_space<hbm>>
          %dma_start3A_118 = tpu.memref_slice %arg3[%add3A_16] : memref<163840xi32, #tpu.memory_space<hbm>> -> memref<128xi32, #tpu.memory_space<hbm>>
          tpu.enqueue_dma source(%dma_start3A_118 : memref<128xi32, #tpu.memory_space<hbm>>) target(%arg7 : memref<128xi32, #tpu.memory_space<vmem>>) target_semaphore(%run_scoped3A : memref<!tpu.dma_semaphore, #tpu.memory_space<semaphore_mem>>)
          %dma_wait3A = tpu.memref_slice %arg3[%add3A_16] : memref<163840xi32, #tpu.memory_space<hbm>> -> memref<128xi32, #tpu.memory_space<hbm>>
          %dma_wait3A_119 = tpu.memref_slice %arg3[%add3A_16] : memref<163840xi32, #tpu.memory_space<hbm>> -> memref<128xi32, #tpu.memory_space<hbm>>
          tpu.wait_dma2 semaphore(%run_scoped3A : memref<!tpu.dma_semaphore, #tpu.memory_space<semaphore_mem>>) src(%dma_wait3A_119 : memref<128xi32, #tpu.memory_space<hbm>>) dst(%arg7 : memref<128xi32, #tpu.memory_space<vmem>>)
          tpu.yield
        }) : () -> ()
        "tpu.region"() ({
          %run_scoped3A = tpu.sem_alloc : memref<!tpu.dma_semaphore, #tpu.memory_space<semaphore_mem>>
          %dma_start3A_117 = tpu.memref_slice %arg4[%add3A_16] : memref<163840xi32, #tpu.memory_space<hbm>> -> memref<128xi32, #tpu.memory_space<hbm>>
          %dma_start3A_118 = tpu.memref_slice %arg4[%add3A_16] : memref<163840xi32, #tpu.memory_space<hbm>> -> memref<128xi32, #tpu.memory_space<hbm>>
          tpu.enqueue_dma source(%dma_start3A_118 : memref<128xi32, #tpu.memory_space<hbm>>) target(%arg8 : memref<128xi32, #tpu.memory_space<vmem>>) target_semaphore(%run_scoped3A : memref<!tpu.dma_semaphore, #tpu.memory_space<semaphore_mem>>)
          %dma_wait3A = tpu.memref_slice %arg4[%add3A_16] : memref<163840xi32, #tpu.memory_space<hbm>> -> memref<128xi32, #tpu.memory_space<hbm>>
          %dma_wait3A_119 = tpu.memref_slice %arg4[%add3A_16] : memref<163840xi32, #tpu.memory_space<hbm>> -> memref<128xi32, #tpu.memory_space<hbm>>
          tpu.wait_dma2 semaphore(%run_scoped3A : memref<!tpu.dma_semaphore, #tpu.memory_space<semaphore_mem>>) src(%dma_wait3A_119 : memref<128xi32, #tpu.memory_space<hbm>>) dst(%arg8 : memref<128xi32, #tpu.memory_space<vmem>>)
          tpu.yield
        }) : () -> ()
        %get3A = arith.constant 0 : index
        %get3A_17 = tpu.vector_load %arg7[%get3A] {strides = array<i32>} : memref<128xi32, #tpu.memory_space<vmem>>, vector<16xi32>,
        %get3A_18 = vector.shape_cast %get3A_17 : vector<16xi32> to vector<16xi32>
        %add3A_19 = vector.broadcast %mul3A_12 : i32 to vector<16xi32>
        %add3A_20 = arith.addi %get3A_18, %add3A_19 : vector<16xi32>
        %swap3A = arith.constant 0 : index
        %swap3A_21 = tpu.vector_load %arg7[%swap3A] {strides = array<i32>} : memref<128xi32, #tpu.memory_space<vmem>>, vector<16xi32>,
        %swap3A_22 = vector.shape_cast %swap3A_21 : vector<16xi32> to vector<16xi32>
        %swap3A_23 = vector.shape_cast %add3A_20 : vector<16xi32> to vector<16xi32>
        tpu.vector_store %arg7[%swap3A], %swap3A_23 {strides = array<i32>} : memref<128xi32, #tpu.memory_space<vmem>>, vector<16xi32>,
        %get3A_24 = arith.constant 16 : index
        %get3A_25 = tpu.vector_load %arg7[%get3A_24] {strides = array<i32>} : memref<128xi32, #tpu.memory_space<vmem>>, vector<16xi32>,
        %get3A_26 = vector.shape_cast %get3A_25 : vector<16xi32> to vector<16xi32>
        %add3A_27 = vector.broadcast %mul3A_12 : i32 to vector<16xi32>
        %add3A_28 = arith.addi %get3A_26, %add3A_27 : vector<16xi32>
        %swap3A_29 = arith.constant 16 : index
        %swap3A_30 = tpu.vector_load %arg7[%swap3A_29] {strides = array<i32>} : memref<128xi32, #tpu.memory_space<vmem>>, vector<16xi32>,
        %swap3A_31 = vector.shape_cast %swap3A_30 : vector<16xi32> to vector<16xi32>
        %swap3A_32 = vector.shape_cast %add3A_28 : vector<16xi32> to vector<16xi32>
        tpu.vector_store %arg7[%swap3A_29], %swap3A_32 {strides = array<i32>} : memref<128xi32, #tpu.memory_space<vmem>>, vector<16xi32>,
        %get3A_33 = arith.constant 32 : index
        %get3A_34 = tpu.vector_load %arg7[%get3A_33] {strides = array<i32>} : memref<128xi32, #tpu.memory_space<vmem>>, vector<16xi32>,
        %get3A_35 = vector.shape_cast %get3A_34 : vector<16xi32> to vector<16xi32>
        %add3A_36 = vector.broadcast %mul3A_12 : i32 to vector<16xi32>
        %add3A_37 = arith.addi %get3A_35, %add3A_36 : vector<16xi32>
        %swap3A_38 = arith.constant 32 : index
        %swap3A_39 = tpu.vector_load %arg7[%swap3A_38] {strides = array<i32>} : memref<128xi32, #tpu.memory_space<vmem>>, vector<16xi32>,
        %swap3A_40 = vector.shape_cast %swap3A_39 : vector<16xi32> to vector<16xi32>
        %swap3A_41 = vector.shape_cast %add3A_37 : vector<16xi32> to vector<16xi32>
        tpu.vector_store %arg7[%swap3A_38], %swap3A_41 {strides = array<i32>} : memref<128xi32, #tpu.memory_space<vmem>>, vector<16xi32>,
        %get3A_42 = arith.constant 48 : index
        %get3A_43 = tpu.vector_load %arg7[%get3A_42] {strides = array<i32>} : memref<128xi32, #tpu.memory_space<vmem>>, vector<16xi32>,
        %get3A_44 = vector.shape_cast %get3A_43 : vector<16xi32> to vector<16xi32>
        %add3A_45 = vector.broadcast %mul3A_12 : i32 to vector<16xi32>
        %add3A_46 = arith.addi %get3A_44, %add3A_45 : vector<16xi32>
        %swap3A_47 = arith.constant 48 : index
        %swap3A_48 = tpu.vector_load %arg7[%swap3A_47] {strides = array<i32>} : memref<128xi32, #tpu.memory_space<vmem>>, vector<16xi32>,
        %swap3A_49 = vector.shape_cast %swap3A_48 : vector<16xi32> to vector<16xi32>
        %swap3A_50 = vector.shape_cast %add3A_46 : vector<16xi32> to vector<16xi32>
        tpu.vector_store %arg7[%swap3A_47], %swap3A_50 {strides = array<i32>} : memref<128xi32, #tpu.memory_space<vmem>>, vector<16xi32>,
        %get3A_51 = arith.constant 64 : index
        %get3A_52 = tpu.vector_load %arg7[%get3A_51] {strides = array<i32>} : memref<128xi32, #tpu.memory_space<vmem>>, vector<16xi32>,
        %get3A_53 = vector.shape_cast %get3A_52 : vector<16xi32> to vector<16xi32>
        %add3A_54 = vector.broadcast %mul3A_12 : i32 to vector<16xi32>
        %add3A_55 = arith.addi %get3A_53, %add3A_54 : vector<16xi32>
        %swap3A_56 = arith.constant 64 : index
        %swap3A_57 = tpu.vector_load %arg7[%swap3A_56] {strides = array<i32>} : memref<128xi32, #tpu.memory_space<vmem>>, vector<16xi32>,
        %swap3A_58 = vector.shape_cast %swap3A_57 : vector<16xi32> to vector<16xi32>
        %swap3A_59 = vector.shape_cast %add3A_55 : vector<16xi32> to vector<16xi32>
        tpu.vector_store %arg7[%swap3A_56], %swap3A_59 {strides = array<i32>} : memref<128xi32, #tpu.memory_space<vmem>>, vector<16xi32>,
        %get3A_60 = arith.constant 80 : index
        %get3A_61 = tpu.vector_load %arg7[%get3A_60] {strides = array<i32>} : memref<128xi32, #tpu.memory_space<vmem>>, vector<16xi32>,
        %get3A_62 = vector.shape_cast %get3A_61 : vector<16xi32> to vector<16xi32>
        %add3A_63 = vector.broadcast %mul3A_12 : i32 to vector<16xi32>
        %add3A_64 = arith.addi %get3A_62, %add3A_63 : vector<16xi32>
        %swap3A_65 = arith.constant 80 : index
        %swap3A_66 = tpu.vector_load %arg7[%swap3A_65] {strides = array<i32>} : memref<128xi32, #tpu.memory_space<vmem>>, vector<16xi32>,
        %swap3A_67 = vector.shape_cast %swap3A_66 : vector<16xi32> to vector<16xi32>
        %swap3A_68 = vector.shape_cast %add3A_64 : vector<16xi32> to vector<16xi32>
        tpu.vector_store %arg7[%swap3A_65], %swap3A_68 {strides = array<i32>} : memref<128xi32, #tpu.memory_space<vmem>>, vector<16xi32>,
        %get3A_69 = arith.constant 96 : index
        %get3A_70 = tpu.vector_load %arg7[%get3A_69] {strides = array<i32>} : memref<128xi32, #tpu.memory_space<vmem>>, vector<16xi32>,
        %get3A_71 = vector.shape_cast %get3A_70 : vector<16xi32> to vector<16xi32>
        %add3A_72 = vector.broadcast %mul3A_12 : i32 to vector<16xi32>
        %add3A_73 = arith.addi %get3A_71, %add3A_72 : vector<16xi32>
        %swap3A_74 = arith.constant 96 : index
        %swap3A_75 = tpu.vector_load %arg7[%swap3A_74] {strides = array<i32>} : memref<128xi32, #tpu.memory_space<vmem>>, vector<16xi32>,
        %swap3A_76 = vector.shape_cast %swap3A_75 : vector<16xi32> to vector<16xi32>
        %swap3A_77 = vector.shape_cast %add3A_73 : vector<16xi32> to vector<16xi32>
        tpu.vector_store %arg7[%swap3A_74], %swap3A_77 {strides = array<i32>} : memref<128xi32, #tpu.memory_space<vmem>>, vector<16xi32>,
        %get3A_78 = arith.constant 112 : index
        %get3A_79 = tpu.vector_load %arg7[%get3A_78] {strides = array<i32>} : memref<128xi32, #tpu.memory_space<vmem>>, vector<16xi32>,
        %get3A_80 = vector.shape_cast %get3A_79 : vector<16xi32> to vector<16xi32>
        %add3A_81 = vector.broadcast %mul3A_12 : i32 to vector<16xi32>
        %add3A_82 = arith.addi %get3A_80, %add3A_81 : vector<16xi32>
        %swap3A_83 = arith.constant 112 : index
        %swap3A_84 = tpu.vector_load %arg7[%swap3A_83] {strides = array<i32>} : memref<128xi32, #tpu.memory_space<vmem>>, vector<16xi32>,
        %swap3A_85 = vector.shape_cast %swap3A_84 : vector<16xi32> to vector<16xi32>
        %swap3A_86 = vector.shape_cast %add3A_82 : vector<16xi32> to vector<16xi32>
        tpu.vector_store %arg7[%swap3A_83], %swap3A_86 {strides = array<i32>} : memref<128xi32, #tpu.memory_space<vmem>>, vector<16xi32>,
        %dma_start3A = arith.constant 0 : i32
        %dma_start3A_87 = arith.constant 0 : i32
        %dma_start3A_88 = tpu.memref_slice %arg2[%dma_start3A, %dma_start3A_87] : memref<30000x128xf32, #tpu.memory_space<hbm>> -> memref<30000x128xf32, #tpu.memory_space<hbm>>
        tpu.enqueue_indirect_dma source(%dma_start3A_88 : memref<30000x128xf32, #tpu.memory_space<hbm>>) target(%arg9 : memref<128x128xf32, #tpu.memory_space<vmem>>) offsets(%arg7 : memref<128xi32, #tpu.memory_space<vmem>>) semaphore(%arg14 : memref<!tpu.dma_semaphore, #tpu.memory_space<semaphore_mem>>)
        %scan3A_89 = arith.constant 0 : i32
        %scan3A_90 = arith.constant 0 : i32
        %scan3A_91 = arith.constant 40 : i32
        %scan3A_92 = arith.addi %scan3A_90, %scan3A_91 : i32
        %scan3A_93 = arith.constant 1 : i32
        scf.for %scan3A_117 = %scan3A_90 to %scan3A_92 step %scan3A_93  : i32 {
          %mul3A_118 = arith.constant 2 : i32
          %mul3A_119 = arith.muli %mul3A_118, %scan3A_117 : i32
          %add3A_120 = arith.constant 1 : i32
          %add3A_121 = arith.addi %mul3A_119, %add3A_120 : i32
          %mul3A_122 = arith.constant 10240 : i32
          %mul3A_123 = arith.muli %arg1, %mul3A_122 : i32
          %mul3A_124 = arith.constant 128 : i32
          %mul3A_125 = arith.muli %add3A_121, %mul3A_124 : i32
          %add3A_126 = arith.addi %mul3A_123, %mul3A_125 : i32
          "tpu.region"() ({
            %run_scoped3A = tpu.sem_alloc : memref<!tpu.dma_semaphore, #tpu.memory_space<semaphore_mem>>
            %dma_start3A_216 = tpu.memref_slice %arg3[%add3A_126] : memref<163840xi32, #tpu.memory_space<hbm>> -> memref<128xi32, #tpu.memory_space<hbm>>
            %dma_start3A_217 = tpu.memref_slice %arg3[%add3A_126] : memref<163840xi32, #tpu.memory_space<hbm>> -> memref<128xi32, #tpu.memory_space<hbm>>
            tpu.enqueue_dma source(%dma_start3A_217 : memref<128xi32, #tpu.memory_space<hbm>>) target(%arg10 : memref<128xi32, #tpu.memory_space<vmem>>) target_semaphore(%run_scoped3A : memref<!tpu.dma_semaphore, #tpu.memory_space<semaphore_mem>>)
            %dma_wait3A_218 = tpu.memref_slice %arg3[%add3A_126] : memref<163840xi32, #tpu.memory_space<hbm>> -> memref<128xi32, #tpu.memory_space<hbm>>
            %dma_wait3A_219 = tpu.memref_slice %arg3[%add3A_126] : memref<163840xi32, #tpu.memory_space<hbm>> -> memref<128xi32, #tpu.memory_space<hbm>>
            tpu.wait_dma2 semaphore(%run_scoped3A : memref<!tpu.dma_semaphore, #tpu.memory_space<semaphore_mem>>) src(%dma_wait3A_219 : memref<128xi32, #tpu.memory_space<hbm>>) dst(%arg10 : memref<128xi32, #tpu.memory_space<vmem>>)
            tpu.yield
          }) : () -> ()
          "tpu.region"() ({
            %run_scoped3A = tpu.sem_alloc : memref<!tpu.dma_semaphore, #tpu.memory_space<semaphore_mem>>
            %dma_start3A_216 = tpu.memref_slice %arg4[%add3A_126] : memref<163840xi32, #tpu.memory_space<hbm>> -> memref<128xi32, #tpu.memory_space<hbm>>
            %dma_start3A_217 = tpu.memref_slice %arg4[%add3A_126] : memref<163840xi32, #tpu.memory_space<hbm>> -> memref<128xi32, #tpu.memory_space<hbm>>
            tpu.enqueue_dma source(%dma_start3A_217 : memref<128xi32, #tpu.memory_space<hbm>>) target(%arg11 : memref<128xi32, #tpu.memory_space<vmem>>) target_semaphore(%run_scoped3A : memref<!tpu.dma_semaphore, #tpu.memory_space<semaphore_mem>>)
            %dma_wait3A_218 = tpu.memref_slice %arg4[%add3A_126] : memref<163840xi32, #tpu.memory_space<hbm>> -> memref<128xi32, #tpu.memory_space<hbm>>
            %dma_wait3A_219 = tpu.memref_slice %arg4[%add3A_126] : memref<163840xi32, #tpu.memory_space<hbm>> -> memref<128xi32, #tpu.memory_space<hbm>>
            tpu.wait_dma2 semaphore(%run_scoped3A : memref<!tpu.dma_semaphore, #tpu.memory_space<semaphore_mem>>) src(%dma_wait3A_219 : memref<128xi32, #tpu.memory_space<hbm>>) dst(%arg11 : memref<128xi32, #tpu.memory_space<vmem>>)
            tpu.yield
          }) : () -> ()
          %get3A_127 = arith.constant 0 : index
          %get3A_128 = tpu.vector_load %arg10[%get3A_127] {strides = array<i32>} : memref<128xi32, #tpu.memory_space<vmem>>, vector<16xi32>,
          %get3A_129 = vector.shape_cast %get3A_128 : vector<16xi32> to vector<16xi32>
          %add3A_130 = vector.broadcast %mul3A_12 : i32 to vector<16xi32>
          %add3A_131 = arith.addi %get3A_129, %add3A_130 : vector<16xi32>
          %swap3A_132 = arith.constant 0 : index
          %swap3A_133 = tpu.vector_load %arg10[%swap3A_132] {strides = array<i32>} : memref<128xi32, #tpu.memory_space<vmem>>, vector<16xi32>,
          %swap3A_134 = vector.shape_cast %swap3A_133 : vector<16xi32> to vector<16xi32>
          %swap3A_135 = vector.shape_cast %add3A_131 : vector<16xi32> to vector<16xi32>
          tpu.vector_store %arg10[%swap3A_132], %swap3A_135 {strides = array<i32>} : memref<128xi32, #tpu.memory_space<vmem>>, vector<16xi32>,
          %get3A_136 = arith.constant 16 : index
          %get3A_137 = tpu.vector_load %arg10[%get3A_136] {strides = array<i32>} : memref<128xi32, #tpu.memory_space<vmem>>, vector<16xi32>,
          %get3A_138 = vector.shape_cast %get3A_137 : vector<16xi32> to vector<16xi32>
          %add3A_139 = vector.broadcast %mul3A_12 : i32 to vector<16xi32>
          %add3A_140 = arith.addi %get3A_138, %add3A_139 : vector<16xi32>
          %swap3A_141 = arith.constant 16 : index
          %swap3A_142 = tpu.vector_load %arg10[%swap3A_141] {strides = array<i32>} : memref<128xi32, #tpu.memory_space<vmem>>, vector<16xi32>,
          %swap3A_143 = vector.shape_cast %swap3A_142 : vector<16xi32> to vector<16xi32>
          %swap3A_144 = vector.shape_cast %add3A_140 : vector<16xi32> to vector<16xi32>
          tpu.vector_store %arg10[%swap3A_141], %swap3A_144 {strides = array<i32>} : memref<128xi32, #tpu.memory_space<vmem>>, vector<16xi32>,
          %get3A_145 = arith.constant 32 : index
          %get3A_146 = tpu.vector_load %arg10[%get3A_145] {strides = array<i32>} : memref<128xi32, #tpu.memory_space<vmem>>, vector<16xi32>,
          %get3A_147 = vector.shape_cast %get3A_146 : vector<16xi32> to vector<16xi32>
          %add3A_148 = vector.broadcast %mul3A_12 : i32 to vector<16xi32>
          %add3A_149 = arith.addi %get3A_147, %add3A_148 : vector<16xi32>
          %swap3A_150 = arith.constant 32 : index
          %swap3A_151 = tpu.vector_load %arg10[%swap3A_150] {strides = array<i32>} : memref<128xi32, #tpu.memory_space<vmem>>, vector<16xi32>,
          %swap3A_152 = vector.shape_cast %swap3A_151 : vector<16xi32> to vector<16xi32>
          %swap3A_153 = vector.shape_cast %add3A_149 : vector<16xi32> to vector<16xi32>
          tpu.vector_store %arg10[%swap3A_150], %swap3A_153 {strides = array<i32>} : memref<128xi32, #tpu.memory_space<vmem>>, vector<16xi32>,
          %get3A_154 = arith.constant 48 : index
          %get3A_155 = tpu.vector_load %arg10[%get3A_154] {strides = array<i32>} : memref<128xi32, #tpu.memory_space<vmem>>, vector<16xi32>,
          %get3A_156 = vector.shape_cast %get3A_155 : vector<16xi32> to vector<16xi32>
          %add3A_157 = vector.broadcast %mul3A_12 : i32 to vector<16xi32>
          %add3A_158 = arith.addi %get3A_156, %add3A_157 : vector<16xi32>
          %swap3A_159 = arith.constant 48 : index
          %swap3A_160 = tpu.vector_load %arg10[%swap3A_159] {strides = array<i32>} : memref<128xi32, #tpu.memory_space<vmem>>, vector<16xi32>,
          %swap3A_161 = vector.shape_cast %swap3A_160 : vector<16xi32> to vector<16xi32>
          %swap3A_162 = vector.shape_cast %add3A_158 : vector<16xi32> to vector<16xi32>
          tpu.vector_store %arg10[%swap3A_159], %swap3A_162 {strides = array<i32>} : memref<128xi32, #tpu.memory_space<vmem>>, vector<16xi32>,
          %get3A_163 = arith.constant 64 : index
          %get3A_164 = tpu.vector_load %arg10[%get3A_163] {strides = array<i32>} : memref<128xi32, #tpu.memory_space<vmem>>, vector<16xi32>,
          %get3A_165 = vector.shape_cast %get3A_164 : vector<16xi32> to vector<16xi32>
          %add3A_166 = vector.broadcast %mul3A_12 : i32 to vector<16xi32>
          %add3A_167 = arith.addi %get3A_165, %add3A_166 : vector<16xi32>
          %swap3A_168 = arith.constant 64 : index
          %swap3A_169 = tpu.vector_load %arg10[%swap3A_168] {strides = array<i32>} : memref<128xi32, #tpu.memory_space<vmem>>, vector<16xi32>,
          %swap3A_170 = vector.shape_cast %swap3A_169 : vector<16xi32> to vector<16xi32>
          %swap3A_171 = vector.shape_cast %add3A_167 : vector<16xi32> to vector<16xi32>
          tpu.vector_store %arg10[%swap3A_168], %swap3A_171 {strides = array<i32>} : memref<128xi32, #tpu.memory_space<vmem>>, vector<16xi32>,
          %get3A_172 = arith.constant 80 : index
          %get3A_173 = tpu.vector_load %arg10[%get3A_172] {strides = array<i32>} : memref<128xi32, #tpu.memory_space<vmem>>, vector<16xi32>,
          %get3A_174 = vector.shape_cast %get3A_173 : vector<16xi32> to vector<16xi32>
          %add3A_175 = vector.broadcast %mul3A_12 : i32 to vector<16xi32>
          %add3A_176 = arith.addi %get3A_174, %add3A_175 : vector<16xi32>
          %swap3A_177 = arith.constant 80 : index
          %swap3A_178 = tpu.vector_load %arg10[%swap3A_177] {strides = array<i32>} : memref<128xi32, #tpu.memory_space<vmem>>, vector<16xi32>,
          %swap3A_179 = vector.shape_cast %swap3A_178 : vector<16xi32> to vector<16xi32>
          %swap3A_180 = vector.shape_cast %add3A_176 : vector<16xi32> to vector<16xi32>
          tpu.vector_store %arg10[%swap3A_177], %swap3A_180 {strides = array<i32>} : memref<128xi32, #tpu.memory_space<vmem>>, vector<16xi32>,
          %get3A_181 = arith.constant 96 : index
          %get3A_182 = tpu.vector_load %arg10[%get3A_181] {strides = array<i32>} : memref<128xi32, #tpu.memory_space<vmem>>, vector<16xi32>,
          %get3A_183 = vector.shape_cast %get3A_182 : vector<16xi32> to vector<16xi32>
          %add3A_184 = vector.broadcast %mul3A_12 : i32 to vector<16xi32>
          %add3A_185 = arith.addi %get3A_183, %add3A_184 : vector<16xi32>
          %swap3A_186 = arith.constant 96 : index
          %swap3A_187 = tpu.vector_load %arg10[%swap3A_186] {strides = array<i32>} : memref<128xi32, #tpu.memory_space<vmem>>, vector<16xi32>,
          %swap3A_188 = vector.shape_cast %swap3A_187 : vector<16xi32> to vector<16xi32>
          %swap3A_189 = vector.shape_cast %add3A_185 : vector<16xi32> to vector<16xi32>
          tpu.vector_store %arg10[%swap3A_186], %swap3A_189 {strides = array<i32>} : memref<128xi32, #tpu.memory_space<vmem>>, vector<16xi32>,
          %get3A_190 = arith.constant 112 : index
          %get3A_191 = tpu.vector_load %arg10[%get3A_190] {strides = array<i32>} : memref<128xi32, #tpu.memory_space<vmem>>, vector<16xi32>,
          %get3A_192 = vector.shape_cast %get3A_191 : vector<16xi32> to vector<16xi32>
          %add3A_193 = vector.broadcast %mul3A_12 : i32 to vector<16xi32>
          %add3A_194 = arith.addi %get3A_192, %add3A_193 : vector<16xi32>
          %swap3A_195 = arith.constant 112 : index
          %swap3A_196 = tpu.vector_load %arg10[%swap3A_195] {strides = array<i32>} : memref<128xi32, #tpu.memory_space<vmem>>, vector<16xi32>,
          %swap3A_197 = vector.shape_cast %swap3A_196 : vector<16xi32> to vector<16xi32>
          %swap3A_198 = vector.shape_cast %add3A_194 : vector<16xi32> to vector<16xi32>
          tpu.vector_store %arg10[%swap3A_195], %swap3A_198 {strides = array<i32>} : memref<128xi32, #tpu.memory_space<vmem>>, vector<16xi32>,
          %dma_start3A_199 = arith.constant 0 : i32
          %dma_start3A_200 = arith.constant 0 : i32
          %dma_start3A_201 = tpu.memref_slice %arg2[%dma_start3A_199, %dma_start3A_200] : memref<30000x128xf32, #tpu.memory_space<hbm>> -> memref<30000x128xf32, #tpu.memory_space<hbm>>
          tpu.enqueue_indirect_dma source(%dma_start3A_201 : memref<30000x128xf32, #tpu.memory_space<hbm>>) target(%arg12 : memref<128x128xf32, #tpu.memory_space<vmem>>) offsets(%arg10 : memref<128xi32, #tpu.memory_space<vmem>>) semaphore(%arg15 : memref<!tpu.dma_semaphore, #tpu.memory_space<semaphore_mem>>)
          %dma_wait3A = arith.constant 0 : i32
          %dma_wait3A_202 = arith.constant 0 : i32
          %dma_wait3A_203 = tpu.memref_slice %arg2[%dma_wait3A, %dma_wait3A_202] : memref<30000x128xf32, #tpu.memory_space<hbm>> -> memref<30000x128xf32, #tpu.memory_space<hbm>>
          tpu.wait_indirect_dma semaphore(%arg14 : memref<!tpu.dma_semaphore, #tpu.memory_space<semaphore_mem>>) src(%dma_wait3A_203 : memref<30000x128xf32, #tpu.memory_space<hbm>>) dst(%arg9 : memref<128x128xf32, #tpu.memory_space<vmem>>)
          "tpu.region"() ({
            %run_scoped3A = tpu.sem_alloc : memref<!tpu.dma_semaphore, #tpu.memory_space<semaphore_mem>>
            %dma_start3A_216 = arith.constant 0 : i32
            %dma_start3A_217 = arith.constant 0 : i32
            %dma_start3A_218 = tpu.memref_slice %arg13[%dma_start3A_216, %dma_start3A_217] : memref<10240x128xf32, #tpu.memory_space<vmem_shared>> -> memref<10240x128xf32, #tpu.memory_space<vmem_shared>>
            tpu.enqueue_indirect_dma source(%arg9 : memref<128x128xf32, #tpu.memory_space<vmem>>) target(%dma_start3A_218 : memref<10240x128xf32, #tpu.memory_space<vmem_shared>>) offsets(%arg8 : memref<128xi32, #tpu.memory_space<vmem>>) semaphore(%run_scoped3A : memref<!tpu.dma_semaphore, #tpu.memory_space<semaphore_mem>>) {add = true}
            %dma_wait3A_219 = arith.constant 0 : i32
            %dma_wait3A_220 = arith.constant 0 : i32
            %dma_wait3A_221 = tpu.memref_slice %arg13[%dma_wait3A_219, %dma_wait3A_220] : memref<10240x128xf32, #tpu.memory_space<vmem_shared>> -> memref<10240x128xf32, #tpu.memory_space<vmem_shared>>
            tpu.wait_indirect_dma semaphore(%run_scoped3A : memref<!tpu.dma_semaphore, #tpu.memory_space<semaphore_mem>>) src(%arg9 : memref<128x128xf32, #tpu.memory_space<vmem>>) dst(%dma_wait3A_221 : memref<10240x128xf32, #tpu.memory_space<vmem_shared>>)
            tpu.yield
          }) : () -> ()
          %mul3A_204 = arith.constant 2 : i32
          %mul3A_205 = arith.muli %mul3A_204, %scan3A_117 : i32
          %add3A_206 = arith.constant 2 : i32
          %add3A_207 = arith.addi %mul3A_205, %add3A_206 : i32
          %lt3A_208 = arith.constant 80 : i32
          %lt3A_209 = arith.cmpi slt, %add3A_207, %lt3A_208 : i32
          %convert_element_type3A_210 = arith.extui %lt3A_209 : i1 to i32
          %cond3A_211 = arith.constant 0 : i32
          %cond3A_212 = arith.cmpi ne, %convert_element_type3A_210, %cond3A_211 : i32
          scf.if %cond3A_212 {
            %mul3A_216 = arith.constant 2 : i32
            %mul3A_217 = arith.muli %mul3A_216, %scan3A_117 : i32
            %add3A_218 = arith.constant 2 : i32
            %add3A_219 = arith.addi %mul3A_217, %add3A_218 : i32
            %mul3A_220 = arith.constant 10240 : i32
            %mul3A_221 = arith.muli %arg1, %mul3A_220 : i32
            %mul3A_222 = arith.constant 128 : i32
            %mul3A_223 = arith.muli %add3A_219, %mul3A_222 : i32
            %add3A_224 = arith.addi %mul3A_221, %mul3A_223 : i32
            "tpu.region"() ({
              %run_scoped3A = tpu.sem_alloc : memref<!tpu.dma_semaphore, #tpu.memory_space<semaphore_mem>>
              %dma_start3A_300 = tpu.memref_slice %arg3[%add3A_224] : memref<163840xi32, #tpu.memory_space<hbm>> -> memref<128xi32, #tpu.memory_space<hbm>>
              %dma_start3A_301 = tpu.memref_slice %arg3[%add3A_224] : memref<163840xi32, #tpu.memory_space<hbm>> -> memref<128xi32, #tpu.memory_space<hbm>>
              tpu.enqueue_dma source(%dma_start3A_301 : memref<128xi32, #tpu.memory_space<hbm>>) target(%arg7 : memref<128xi32, #tpu.memory_space<vmem>>) target_semaphore(%run_scoped3A : memref<!tpu.dma_semaphore, #tpu.memory_space<semaphore_mem>>)
              %dma_wait3A_302 = tpu.memref_slice %arg3[%add3A_224] : memref<163840xi32, #tpu.memory_space<hbm>> -> memref<128xi32, #tpu.memory_space<hbm>>
              %dma_wait3A_303 = tpu.memref_slice %arg3[%add3A_224] : memref<163840xi32, #tpu.memory_space<hbm>> -> memref<128xi32, #tpu.memory_space<hbm>>
              tpu.wait_dma2 semaphore(%run_scoped3A : memref<!tpu.dma_semaphore, #tpu.memory_space<semaphore_mem>>) src(%dma_wait3A_303 : memref<128xi32, #tpu.memory_space<hbm>>) dst(%arg7 : memref<128xi32, #tpu.memory_space<vmem>>)
              tpu.yield
            }) : () -> ()
            "tpu.region"() ({
              %run_scoped3A = tpu.sem_alloc : memref<!tpu.dma_semaphore, #tpu.memory_space<semaphore_mem>>
              %dma_start3A_300 = tpu.memref_slice %arg4[%add3A_224] : memref<163840xi32, #tpu.memory_space<hbm>> -> memref<128xi32, #tpu.memory_space<hbm>>
              %dma_start3A_301 = tpu.memref_slice %arg4[%add3A_224] : memref<163840xi32, #tpu.memory_space<hbm>> -> memref<128xi32, #tpu.memory_space<hbm>>
              tpu.enqueue_dma source(%dma_start3A_301 : memref<128xi32, #tpu.memory_space<hbm>>) target(%arg8 : memref<128xi32, #tpu.memory_space<vmem>>) target_semaphore(%run_scoped3A : memref<!tpu.dma_semaphore, #tpu.memory_space<semaphore_mem>>)
              %dma_wait3A_302 = tpu.memref_slice %arg4[%add3A_224] : memref<163840xi32, #tpu.memory_space<hbm>> -> memref<128xi32, #tpu.memory_space<hbm>>
              %dma_wait3A_303 = tpu.memref_slice %arg4[%add3A_224] : memref<163840xi32, #tpu.memory_space<hbm>> -> memref<128xi32, #tpu.memory_space<hbm>>
              tpu.wait_dma2 semaphore(%run_scoped3A : memref<!tpu.dma_semaphore, #tpu.memory_space<semaphore_mem>>) src(%dma_wait3A_303 : memref<128xi32, #tpu.memory_space<hbm>>) dst(%arg8 : memref<128xi32, #tpu.memory_space<vmem>>)
              tpu.yield
            }) : () -> ()
            %get3A_225 = arith.constant 0 : index
            %get3A_226 = tpu.vector_load %arg7[%get3A_225] {strides = array<i32>} : memref<128xi32, #tpu.memory_space<vmem>>, vector<16xi32>,
            %get3A_227 = vector.shape_cast %get3A_226 : vector<16xi32> to vector<16xi32>
            %add3A_228 = vector.broadcast %mul3A_12 : i32 to vector<16xi32>
            %add3A_229 = arith.addi %get3A_227, %add3A_228 : vector<16xi32>
            %swap3A_230 = arith.constant 0 : index
            %swap3A_231 = tpu.vector_load %arg7[%swap3A_230] {strides = array<i32>} : memref<128xi32, #tpu.memory_space<vmem>>, vector<16xi32>,
            %swap3A_232 = vector.shape_cast %swap3A_231 : vector<16xi32> to vector<16xi32>
            %swap3A_233 = vector.shape_cast %add3A_229 : vector<16xi32> to vector<16xi32>
            tpu.vector_store %arg7[%swap3A_230], %swap3A_233 {strides = array<i32>} : memref<128xi32, #tpu.memory_space<vmem>>, vector<16xi32>,
            %get3A_234 = arith.constant 16 : index
            %get3A_235 = tpu.vector_load %arg7[%get3A_234] {strides = array<i32>} : memref<128xi32, #tpu.memory_space<vmem>>, vector<16xi32>,
            %get3A_236 = vector.shape_cast %get3A_235 : vector<16xi32> to vector<16xi32>
            %add3A_237 = vector.broadcast %mul3A_12 : i32 to vector<16xi32>
            %add3A_238 = arith.addi %get3A_236, %add3A_237 : vector<16xi32>
            %swap3A_239 = arith.constant 16 : index
            %swap3A_240 = tpu.vector_load %arg7[%swap3A_239] {strides = array<i32>} : memref<128xi32, #tpu.memory_space<vmem>>, vector<16xi32>,
            %swap3A_241 = vector.shape_cast %swap3A_240 : vector<16xi32> to vector<16xi32>
            %swap3A_242 = vector.shape_cast %add3A_238 : vector<16xi32> to vector<16xi32>
            tpu.vector_store %arg7[%swap3A_239], %swap3A_242 {strides = array<i32>} : memref<128xi32, #tpu.memory_space<vmem>>, vector<16xi32>,
            %get3A_243 = arith.constant 32 : index
            %get3A_244 = tpu.vector_load %arg7[%get3A_243] {strides = array<i32>} : memref<128xi32, #tpu.memory_space<vmem>>, vector<16xi32>,
            %get3A_245 = vector.shape_cast %get3A_244 : vector<16xi32> to vector<16xi32>
            %add3A_246 = vector.broadcast %mul3A_12 : i32 to vector<16xi32>
            %add3A_247 = arith.addi %get3A_245, %add3A_246 : vector<16xi32>
            %swap3A_248 = arith.constant 32 : index
            %swap3A_249 = tpu.vector_load %arg7[%swap3A_248] {strides = array<i32>} : memref<128xi32, #tpu.memory_space<vmem>>, vector<16xi32>,
            %swap3A_250 = vector.shape_cast %swap3A_249 : vector<16xi32> to vector<16xi32>
            %swap3A_251 = vector.shape_cast %add3A_247 : vector<16xi32> to vector<16xi32>
            tpu.vector_store %arg7[%swap3A_248], %swap3A_251 {strides = array<i32>} : memref<128xi32, #tpu.memory_space<vmem>>, vector<16xi32>,
            %get3A_252 = arith.constant 48 : index
            %get3A_253 = tpu.vector_load %arg7[%get3A_252] {strides = array<i32>} : memref<128xi32, #tpu.memory_space<vmem>>, vector<16xi32>,
            %get3A_254 = vector.shape_cast %get3A_253 : vector<16xi32> to vector<16xi32>
            %add3A_255 = vector.broadcast %mul3A_12 : i32 to vector<16xi32>
            %add3A_256 = arith.addi %get3A_254, %add3A_255 : vector<16xi32>
            %swap3A_257 = arith.constant 48 : index
            %swap3A_258 = tpu.vector_load %arg7[%swap3A_257] {strides = array<i32>} : memref<128xi32, #tpu.memory_space<vmem>>, vector<16xi32>,
            %swap3A_259 = vector.shape_cast %swap3A_258 : vector<16xi32> to vector<16xi32>
            %swap3A_260 = vector.shape_cast %add3A_256 : vector<16xi32> to vector<16xi32>
            tpu.vector_store %arg7[%swap3A_257], %swap3A_260 {strides = array<i32>} : memref<128xi32, #tpu.memory_space<vmem>>, vector<16xi32>,
            %get3A_261 = arith.constant 64 : index
            %get3A_262 = tpu.vector_load %arg7[%get3A_261] {strides = array<i32>} : memref<128xi32, #tpu.memory_space<vmem>>, vector<16xi32>,
            %get3A_263 = vector.shape_cast %get3A_262 : vector<16xi32> to vector<16xi32>
            %add3A_264 = vector.broadcast %mul3A_12 : i32 to vector<16xi32>
            %add3A_265 = arith.addi %get3A_263, %add3A_264 : vector<16xi32>
            %swap3A_266 = arith.constant 64 : index
            %swap3A_267 = tpu.vector_load %arg7[%swap3A_266] {strides = array<i32>} : memref<128xi32, #tpu.memory_space<vmem>>, vector<16xi32>,
            %swap3A_268 = vector.shape_cast %swap3A_267 : vector<16xi32> to vector<16xi32>
            %swap3A_269 = vector.shape_cast %add3A_265 : vector<16xi32> to vector<16xi32>
            tpu.vector_store %arg7[%swap3A_266], %swap3A_269 {strides = array<i32>} : memref<128xi32, #tpu.memory_space<vmem>>, vector<16xi32>,
            %get3A_270 = arith.constant 80 : index
            %get3A_271 = tpu.vector_load %arg7[%get3A_270] {strides = array<i32>} : memref<128xi32, #tpu.memory_space<vmem>>, vector<16xi32>,
            %get3A_272 = vector.shape_cast %get3A_271 : vector<16xi32> to vector<16xi32>
            %add3A_273 = vector.broadcast %mul3A_12 : i32 to vector<16xi32>
            %add3A_274 = arith.addi %get3A_272, %add3A_273 : vector<16xi32>
            %swap3A_275 = arith.constant 80 : index
            %swap3A_276 = tpu.vector_load %arg7[%swap3A_275] {strides = array<i32>} : memref<128xi32, #tpu.memory_space<vmem>>, vector<16xi32>,
            %swap3A_277 = vector.shape_cast %swap3A_276 : vector<16xi32> to vector<16xi32>
            %swap3A_278 = vector.shape_cast %add3A_274 : vector<16xi32> to vector<16xi32>
            tpu.vector_store %arg7[%swap3A_275], %swap3A_278 {strides = array<i32>} : memref<128xi32, #tpu.memory_space<vmem>>, vector<16xi32>,
            %get3A_279 = arith.constant 96 : index
            %get3A_280 = tpu.vector_load %arg7[%get3A_279] {strides = array<i32>} : memref<128xi32, #tpu.memory_space<vmem>>, vector<16xi32>,
            %get3A_281 = vector.shape_cast %get3A_280 : vector<16xi32> to vector<16xi32>
            %add3A_282 = vector.broadcast %mul3A_12 : i32 to vector<16xi32>
            %add3A_283 = arith.addi %get3A_281, %add3A_282 : vector<16xi32>
            %swap3A_284 = arith.constant 96 : index
            %swap3A_285 = tpu.vector_load %arg7[%swap3A_284] {strides = array<i32>} : memref<128xi32, #tpu.memory_space<vmem>>, vector<16xi32>,
            %swap3A_286 = vector.shape_cast %swap3A_285 : vector<16xi32> to vector<16xi32>
            %swap3A_287 = vector.shape_cast %add3A_283 : vector<16xi32> to vector<16xi32>
            tpu.vector_store %arg7[%swap3A_284], %swap3A_287 {strides = array<i32>} : memref<128xi32, #tpu.memory_space<vmem>>, vector<16xi32>,
            %get3A_288 = arith.constant 112 : index
            %get3A_289 = tpu.vector_load %arg7[%get3A_288] {strides = array<i32>} : memref<128xi32, #tpu.memory_space<vmem>>, vector<16xi32>,
            %get3A_290 = vector.shape_cast %get3A_289 : vector<16xi32> to vector<16xi32>
            %add3A_291 = vector.broadcast %mul3A_12 : i32 to vector<16xi32>
            %add3A_292 = arith.addi %get3A_290, %add3A_291 : vector<16xi32>
            %swap3A_293 = arith.constant 112 : index
            %swap3A_294 = tpu.vector_load %arg7[%swap3A_293] {strides = array<i32>} : memref<128xi32, #tpu.memory_space<vmem>>, vector<16xi32>,
            %swap3A_295 = vector.shape_cast %swap3A_294 : vector<16xi32> to vector<16xi32>
            %swap3A_296 = vector.shape_cast %add3A_292 : vector<16xi32> to vector<16xi32>
            tpu.vector_store %arg7[%swap3A_293], %swap3A_296 {strides = array<i32>} : memref<128xi32, #tpu.memory_space<vmem>>, vector<16xi32>,
            %dma_start3A_297 = arith.constant 0 : i32
            %dma_start3A_298 = arith.constant 0 : i32
            %dma_start3A_299 = tpu.memref_slice %arg2[%dma_start3A_297, %dma_start3A_298] : memref<30000x128xf32, #tpu.memory_space<hbm>> -> memref<30000x128xf32, #tpu.memory_space<hbm>>
            tpu.enqueue_indirect_dma source(%dma_start3A_299 : memref<30000x128xf32, #tpu.memory_space<hbm>>) target(%arg9 : memref<128x128xf32, #tpu.memory_space<vmem>>) offsets(%arg7 : memref<128xi32, #tpu.memory_space<vmem>>) semaphore(%arg14 : memref<!tpu.dma_semaphore, #tpu.memory_space<semaphore_mem>>)
          } else {
          }
          %dma_wait3A_213 = arith.constant 0 : i32
          %dma_wait3A_214 = arith.constant 0 : i32
          %dma_wait3A_215 = tpu.memref_slice %arg2[%dma_wait3A_213, %dma_wait3A_214] : memref<30000x128xf32, #tpu.memory_space<hbm>> -> memref<30000x128xf32, #tpu.memory_space<hbm>>
          tpu.wait_indirect_dma semaphore(%arg15 : memref<!tpu.dma_semaphore, #tpu.memory_space<semaphore_mem>>) src(%dma_wait3A_215 : memref<30000x128xf32, #tpu.memory_space<hbm>>) dst(%arg12 : memref<128x128xf32, #tpu.memory_space<vmem>>)
          "tpu.region"() ({
            %run_scoped3A = tpu.sem_alloc : memref<!tpu.dma_semaphore, #tpu.memory_space<semaphore_mem>>
            %dma_start3A_216 = arith.constant 0 : i32
            %dma_start3A_217 = arith.constant 0 : i32
            %dma_start3A_218 = tpu.memref_slice %arg13[%dma_start3A_216, %dma_start3A_217] : memref<10240x128xf32, #tpu.memory_space<vmem_shared>> -> memref<10240x128xf32, #tpu.memory_space<vmem_shared>>
            tpu.enqueue_indirect_dma source(%arg12 : memref<128x128xf32, #tpu.memory_space<vmem>>) target(%dma_start3A_218 : memref<10240x128xf32, #tpu.memory_space<vmem_shared>>) offsets(%arg11 : memref<128xi32, #tpu.memory_space<vmem>>) semaphore(%run_scoped3A : memref<!tpu.dma_semaphore, #tpu.memory_space<semaphore_mem>>) {add = true}
            %dma_wait3A_219 = arith.constant 0 : i32
            %dma_wait3A_220 = arith.constant 0 : i32
            %dma_wait3A_221 = tpu.memref_slice %arg13[%dma_wait3A_219, %dma_wait3A_220] : memref<10240x128xf32, #tpu.memory_space<vmem_shared>> -> memref<10240x128xf32, #tpu.memory_space<vmem_shared>>
            tpu.wait_indirect_dma semaphore(%run_scoped3A : memref<!tpu.dma_semaphore, #tpu.memory_space<semaphore_mem>>) src(%arg12 : memref<128x128xf32, #tpu.memory_space<vmem>>) dst(%dma_wait3A_221 : memref<10240x128xf32, #tpu.memory_space<vmem_shared>>)
            tpu.yield
          }) : () -> ()
        }
        %scan3A_94 = arith.constant 40 : i32
        %barrier3A_95 = arith.constant 0 : index
        tpu.barrier barrier_id(%barrier3A_95)
        %mul3A_96 = arith.constant 640 : i32
        %mul3A_97 = arith.muli %arg1, %mul3A_96 : i32
        %add3A_98 = arith.constant 0 : i32
        %add3A_99 = arith.addi %mul3A_97, %add3A_98 : i32
        "tpu.region"() ({
          %run_scoped3A = tpu.sem_alloc : memref<!tpu.dma_semaphore, #tpu.memory_space<semaphore_mem>>
          %dma_start3A_117 = arith.constant 0 : i32
          %dma_start3A_118 = tpu.memref_slice %arg6[%add3A, %add3A_99, %dma_start3A_117] : memref<3x10240x128xf32, #tpu.memory_space<hbm>> -> memref<1x128x128xf32, #tpu.memory_space<hbm>>
          %dma_start3A_119 = tpu.memref_squeeze %dma_start3A_118 : memref<1x128x128xf32, #tpu.memory_space<hbm>> -> memref<128x128xf32, #tpu.memory_space<hbm>>
          %dma_start3A_120 = arith.constant 0 : i32
          %dma_start3A_121 = tpu.memref_slice %arg13[%add3A_99, %dma_start3A_120] : memref<10240x128xf32, #tpu.memory_space<vmem_shared>> -> memref<128x128xf32, #tpu.memory_space<vmem_shared>>
          tpu.enqueue_dma source(%dma_start3A_121 : memref<128x128xf32, #tpu.memory_space<vmem_shared>>) target(%dma_start3A_119 : memref<128x128xf32, #tpu.memory_space<hbm>>) target_semaphore(%run_scoped3A : memref<!tpu.dma_semaphore, #tpu.memory_space<semaphore_mem>>)
          %dma_wait3A = arith.constant 0 : i32
          %dma_wait3A_122 = tpu.memref_slice %arg6[%add3A, %add3A_99, %dma_wait3A] : memref<3x10240x128xf32, #tpu.memory_space<hbm>> -> memref<1x128x128xf32, #tpu.memory_space<hbm>>
          %dma_wait3A_123 = tpu.memref_squeeze %dma_wait3A_122 : memref<1x128x128xf32, #tpu.memory_space<hbm>> -> memref<128x128xf32, #tpu.memory_space<hbm>>
          %dma_wait3A_124 = arith.constant 0 : i32
          %dma_wait3A_125 = tpu.memref_slice %arg13[%add3A_99, %dma_wait3A_124] : memref<10240x128xf32, #tpu.memory_space<vmem_shared>> -> memref<128x128xf32, #tpu.memory_space<vmem_shared>>
          tpu.wait_dma2 semaphore(%run_scoped3A : memref<!tpu.dma_semaphore, #tpu.memory_space<semaphore_mem>>) src(%dma_wait3A_125 : memref<128x128xf32, #tpu.memory_space<vmem_shared>>) dst(%dma_wait3A_123 : memref<128x128xf32, #tpu.memory_space<hbm>>)
          tpu.yield
        }) : () -> ()
        %mul3A_100 = arith.constant 640 : i32
        %mul3A_101 = arith.muli %arg1, %mul3A_100 : i32
        %add3A_102 = arith.constant 128 : i32
        %add3A_103 = arith.addi %mul3A_101, %add3A_102 : i32
        "tpu.region"() ({
          %run_scoped3A = tpu.sem_alloc : memref<!tpu.dma_semaphore, #tpu.memory_space<semaphore_mem>>
          %dma_start3A_117 = arith.constant 0 : i32
          %dma_start3A_118 = tpu.memref_slice %arg6[%add3A, %add3A_103, %dma_start3A_117] : memref<3x10240x128xf32, #tpu.memory_space<hbm>> -> memref<1x128x128xf32, #tpu.memory_space<hbm>>
          %dma_start3A_119 = tpu.memref_squeeze %dma_start3A_118 : memref<1x128x128xf32, #tpu.memory_space<hbm>> -> memref<128x128xf32, #tpu.memory_space<hbm>>
          %dma_start3A_120 = arith.constant 0 : i32
          %dma_start3A_121 = tpu.memref_slice %arg13[%add3A_103, %dma_start3A_120] : memref<10240x128xf32, #tpu.memory_space<vmem_shared>> -> memref<128x128xf32, #tpu.memory_space<vmem_shared>>
          tpu.enqueue_dma source(%dma_start3A_121 : memref<128x128xf32, #tpu.memory_space<vmem_shared>>) target(%dma_start3A_119 : memref<128x128xf32, #tpu.memory_space<hbm>>) target_semaphore(%run_scoped3A : memref<!tpu.dma_semaphore, #tpu.memory_space<semaphore_mem>>)
          %dma_wait3A = arith.constant 0 : i32
          %dma_wait3A_122 = tpu.memref_slice %arg6[%add3A, %add3A_103, %dma_wait3A] : memref<3x10240x128xf32, #tpu.memory_space<hbm>> -> memref<1x128x128xf32, #tpu.memory_space<hbm>>
          %dma_wait3A_123 = tpu.memref_squeeze %dma_wait3A_122 : memref<1x128x128xf32, #tpu.memory_space<hbm>> -> memref<128x128xf32, #tpu.memory_space<hbm>>
          %dma_wait3A_124 = arith.constant 0 : i32
          %dma_wait3A_125 = tpu.memref_slice %arg13[%add3A_103, %dma_wait3A_124] : memref<10240x128xf32, #tpu.memory_space<vmem_shared>> -> memref<128x128xf32, #tpu.memory_space<vmem_shared>>
          tpu.wait_dma2 semaphore(%run_scoped3A : memref<!tpu.dma_semaphore, #tpu.memory_space<semaphore_mem>>) src(%dma_wait3A_125 : memref<128x128xf32, #tpu.memory_space<vmem_shared>>) dst(%dma_wait3A_123 : memref<128x128xf32, #tpu.memory_space<hbm>>)
          tpu.yield
        }) : () -> ()
        %mul3A_104 = arith.constant 640 : i32
        %mul3A_105 = arith.muli %arg1, %mul3A_104 : i32
        %add3A_106 = arith.constant 256 : i32
        %add3A_107 = arith.addi %mul3A_105, %add3A_106 : i32
        "tpu.region"() ({
          %run_scoped3A = tpu.sem_alloc : memref<!tpu.dma_semaphore, #tpu.memory_space<semaphore_mem>>
          %dma_start3A_117 = arith.constant 0 : i32
          %dma_start3A_118 = tpu.memref_slice %arg6[%add3A, %add3A_107, %dma_start3A_117] : memref<3x10240x128xf32, #tpu.memory_space<hbm>> -> memref<1x128x128xf32, #tpu.memory_space<hbm>>
          %dma_start3A_119 = tpu.memref_squeeze %dma_start3A_118 : memref<1x128x128xf32, #tpu.memory_space<hbm>> -> memref<128x128xf32, #tpu.memory_space<hbm>>
          %dma_start3A_120 = arith.constant 0 : i32
          %dma_start3A_121 = tpu.memref_slice %arg13[%add3A_107, %dma_start3A_120] : memref<10240x128xf32, #tpu.memory_space<vmem_shared>> -> memref<128x128xf32, #tpu.memory_space<vmem_shared>>
          tpu.enqueue_dma source(%dma_start3A_121 : memref<128x128xf32, #tpu.memory_space<vmem_shared>>) target(%dma_start3A_119 : memref<128x128xf32, #tpu.memory_space<hbm>>) target_semaphore(%run_scoped3A : memref<!tpu.dma_semaphore, #tpu.memory_space<semaphore_mem>>)
          %dma_wait3A = arith.constant 0 : i32
          %dma_wait3A_122 = tpu.memref_slice %arg6[%add3A, %add3A_107, %dma_wait3A] : memref<3x10240x128xf32, #tpu.memory_space<hbm>> -> memref<1x128x128xf32, #tpu.memory_space<hbm>>
          %dma_wait3A_123 = tpu.memref_squeeze %dma_wait3A_122 : memref<1x128x128xf32, #tpu.memory_space<hbm>> -> memref<128x128xf32, #tpu.memory_space<hbm>>
          %dma_wait3A_124 = arith.constant 0 : i32
          %dma_wait3A_125 = tpu.memref_slice %arg13[%add3A_107, %dma_wait3A_124] : memref<10240x128xf32, #tpu.memory_space<vmem_shared>> -> memref<128x128xf32, #tpu.memory_space<vmem_shared>>
          tpu.wait_dma2 semaphore(%run_scoped3A : memref<!tpu.dma_semaphore, #tpu.memory_space<semaphore_mem>>) src(%dma_wait3A_125 : memref<128x128xf32, #tpu.memory_space<vmem_shared>>) dst(%dma_wait3A_123 : memref<128x128xf32, #tpu.memory_space<hbm>>)
          tpu.yield
        }) : () -> ()
        %mul3A_108 = arith.constant 640 : i32
        %mul3A_109 = arith.muli %arg1, %mul3A_108 : i32
        %add3A_110 = arith.constant 384 : i32
        %add3A_111 = arith.addi %mul3A_109, %add3A_110 : i32
        "tpu.region"() ({
          %run_scoped3A = tpu.sem_alloc : memref<!tpu.dma_semaphore, #tpu.memory_space<semaphore_mem>>
          %dma_start3A_117 = arith.constant 0 : i32
          %dma_start3A_118 = tpu.memref_slice %arg6[%add3A, %add3A_111, %dma_start3A_117] : memref<3x10240x128xf32, #tpu.memory_space<hbm>> -> memref<1x128x128xf32, #tpu.memory_space<hbm>>
          %dma_start3A_119 = tpu.memref_squeeze %dma_start3A_118 : memref<1x128x128xf32, #tpu.memory_space<hbm>> -> memref<128x128xf32, #tpu.memory_space<hbm>>
          %dma_start3A_120 = arith.constant 0 : i32
          %dma_start3A_121 = tpu.memref_slice %arg13[%add3A_111, %dma_start3A_120] : memref<10240x128xf32, #tpu.memory_space<vmem_shared>> -> memref<128x128xf32, #tpu.memory_space<vmem_shared>>
          tpu.enqueue_dma source(%dma_start3A_121 : memref<128x128xf32, #tpu.memory_space<vmem_shared>>) target(%dma_start3A_119 : memref<128x128xf32, #tpu.memory_space<hbm>>) target_semaphore(%run_scoped3A : memref<!tpu.dma_semaphore, #tpu.memory_space<semaphore_mem>>)
          %dma_wait3A = arith.constant 0 : i32
          %dma_wait3A_122 = tpu.memref_slice %arg6[%add3A, %add3A_111, %dma_wait3A] : memref<3x10240x128xf32, #tpu.memory_space<hbm>> -> memref<1x128x128xf32, #tpu.memory_space<hbm>>
          %dma_wait3A_123 = tpu.memref_squeeze %dma_wait3A_122 : memref<1x128x128xf32, #tpu.memory_space<hbm>> -> memref<128x128xf32, #tpu.memory_space<hbm>>
          %dma_wait3A_124 = arith.constant 0 : i32
          %dma_wait3A_125 = tpu.memref_slice %arg13[%add3A_111, %dma_wait3A_124] : memref<10240x128xf32, #tpu.memory_space<vmem_shared>> -> memref<128x128xf32, #tpu.memory_space<vmem_shared>>
          tpu.wait_dma2 semaphore(%run_scoped3A : memref<!tpu.dma_semaphore, #tpu.memory_space<semaphore_mem>>) src(%dma_wait3A_125 : memref<128x128xf32, #tpu.memory_space<vmem_shared>>) dst(%dma_wait3A_123 : memref<128x128xf32, #tpu.memory_space<hbm>>)
          tpu.yield
        }) : () -> ()
        %mul3A_112 = arith.constant 640 : i32
        %mul3A_113 = arith.muli %arg1, %mul3A_112 : i32
        %add3A_114 = arith.constant 512 : i32
        %add3A_115 = arith.addi %mul3A_113, %add3A_114 : i32
        "tpu.region"() ({
          %run_scoped3A = tpu.sem_alloc : memref<!tpu.dma_semaphore, #tpu.memory_space<semaphore_mem>>
          %dma_start3A_117 = arith.constant 0 : i32
          %dma_start3A_118 = tpu.memref_slice %arg6[%add3A, %add3A_115, %dma_start3A_117] : memref<3x10240x128xf32, #tpu.memory_space<hbm>> -> memref<1x128x128xf32, #tpu.memory_space<hbm>>
          %dma_start3A_119 = tpu.memref_squeeze %dma_start3A_118 : memref<1x128x128xf32, #tpu.memory_space<hbm>> -> memref<128x128xf32, #tpu.memory_space<hbm>>
          %dma_start3A_120 = arith.constant 0 : i32
          %dma_start3A_121 = tpu.memref_slice %arg13[%add3A_115, %dma_start3A_120] : memref<10240x128xf32, #tpu.memory_space<vmem_shared>> -> memref<128x128xf32, #tpu.memory_space<vmem_shared>>
          tpu.enqueue_dma source(%dma_start3A_121 : memref<128x128xf32, #tpu.memory_space<vmem_shared>>) target(%dma_start3A_119 : memref<128x128xf32, #tpu.memory_space<hbm>>) target_semaphore(%run_scoped3A : memref<!tpu.dma_semaphore, #tpu.memory_space<semaphore_mem>>)
          %dma_wait3A = arith.constant 0 : i32
          %dma_wait3A_122 = tpu.memref_slice %arg6[%add3A, %add3A_115, %dma_wait3A] : memref<3x10240x128xf32, #tpu.memory_space<hbm>> -> memref<1x128x128xf32, #tpu.memory_space<hbm>>
          %dma_wait3A_123 = tpu.memref_squeeze %dma_wait3A_122 : memref<1x128x128xf32, #tpu.memory_space<hbm>> -> memref<128x128xf32, #tpu.memory_space<hbm>>
          %dma_wait3A_124 = arith.constant 0 : i32
          %dma_wait3A_125 = tpu.memref_slice %arg13[%add3A_115, %dma_wait3A_124] : memref<10240x128xf32, #tpu.memory_space<vmem_shared>> -> memref<128x128xf32, #tpu.memory_space<vmem_shared>>
          tpu.wait_dma2 semaphore(%run_scoped3A : memref<!tpu.dma_semaphore, #tpu.memory_space<semaphore_mem>>) src(%dma_wait3A_125 : memref<128x128xf32, #tpu.memory_space<vmem_shared>>) dst(%dma_wait3A_123 : memref<128x128xf32, #tpu.memory_space<hbm>>)
          tpu.yield
        }) : () -> ()
        %barrier3A_116 = arith.constant 0 : index
        tpu.barrier barrier_id(%barrier3A_116)
      } else {
      }
    }
    %scan3A_4 = arith.constant 2 : i32
    return
  }
}

module attributes {stable_mosaic.version = 14 : i64} {
  func.func @_gate_body(%arg0: i32, %arg1: memref<400x256xf32, #tpu.memory_space<vmem>>, %arg2: memref<256x8xf32, #tpu.memory_space<vmem>>, %arg3: memref<256x8xf32, #tpu.memory_space<vmem>>, %arg4: memref<400x8xf32, #tpu.memory_space<vmem>>, %arg5: memref<400x1xf32, #tpu.memory_space<vmem>>, %arg6: memref<400x8xf32, #tpu.memory_space<vmem>>, %arg7: memref<400x256xf32, #tpu.memory_space<vmem>>, %arg8: memref<400x1xf32, #tpu.memory_space<vmem>>, %arg9: memref<400x128xf32, #tpu.memory_space<vmem>>, %arg10: memref<2x8xf32, #tpu.memory_space<vmem>>, %arg11: memref<1x1xf32, #tpu.memory_space<vmem>>) attributes {dimension_semantics = [#tpu.dimension_semantics<arbitrary>], iteration_bounds = array<i64: 25>, scalar_prefetch = 0 : i64, scratch_operands = 0 : i64, tpu.core_type = #tpu.core_type<tc>, window_params = [{transform_indices = @transform_0, window_bounds = array<i64: 400, 256>}, {pipeline_mode = #tpu.pipeline_mode<synchronous>, transform_indices = @transform_1, window_bounds = array<i64: 256, 8>}, {pipeline_mode = #tpu.pipeline_mode<synchronous>, transform_indices = @transform_2, window_bounds = array<i64: 256, 8>}, {transform_indices = @transform_3, window_bounds = array<i64: 400, 8>}, {transform_indices = @transform_4, window_bounds = array<i64: 400, 1>}, {transform_indices = @transform_5, window_bounds = array<i64: 400, 8>}, {transform_indices = @transform_6, window_bounds = array<i64: 400, 256>}, {transform_indices = @transform_7, window_bounds = array<i64: 400, 1>}, {transform_indices = @transform_8, window_bounds = array<i64: 400, 128>}, {pipeline_mode = #tpu.pipeline_mode<synchronous>, transform_indices = @transform_9, window_bounds = array<i64: 2, 8>}, {pipeline_mode = #tpu.pipeline_mode<synchronous>, transform_indices = @transform_10, window_bounds = array<i64: 1, 1>}]} {
    %get3A = arith.constant 0 : index
    %get3A_0 = arith.constant 0 : index
    %get3A_1 = vector.load %arg1[%get3A, %get3A_0] : memref<400x256xf32, #tpu.memory_space<vmem>>, vector<400x256xf32>
    %get3A_2 = arith.constant 0 : index
    %get3A_3 = arith.constant 0 : index
    %get3A_4 = vector.load %arg5[%get3A_2, %get3A_3] : memref<400x1xf32, #tpu.memory_space<vmem>>, vector<400x1xf32>
    %add3A = arith.constant 1.000000e+00 : f32
    %add3A_5 = vector.broadcast %add3A : f32 to vector<400x1xf32>
    %add3A_6 = arith.addf %get3A_4, %add3A_5 : vector<400x1xf32>
    %rsqrt3A = math.rsqrt %add3A_6 : vector<400x1xf32>
    %get3A_7 = arith.constant 0 : index
    %get3A_8 = arith.constant 0 : index
    %get3A_9 = vector.load %arg2[%get3A_7, %get3A_8] : memref<256x8xf32, #tpu.memory_space<vmem>>, vector<256x8xf32>
    %dot_general3A = arith.constant dense<0.000000e+00> : vector<400x8xf32>
    %dot_general3A_10 = tpu.matmul %get3A_1, %get3A_9, %dot_general3A {dimension_numbers = #tpu.dot_dimension_numbers<[1], [0], [0], [1], [0, 0, 1, 1], [], []>, transpose_lhs_hint = false} : vector<400x256xf32>, vector<256x8xf32>, vector<400x8xf32> -> vector<400x8xf32>
    %get3A_11 = arith.constant 0 : index
    %get3A_12 = arith.constant 0 : index
    %get3A_13 = vector.load %arg3[%get3A_11, %get3A_12] : memref<256x8xf32, #tpu.memory_space<vmem>>, vector<256x8xf32>
    %dot_general3A_14 = arith.constant dense<0.000000e+00> : vector<400x8xf32>
    %dot_general3A_15 = tpu.matmul %get3A_1, %get3A_13, %dot_general3A_14 {dimension_numbers = #tpu.dot_dimension_numbers<[1], [0], [0], [1], [0, 0, 1, 1], [], []>, transpose_lhs_hint = false} : vector<400x256xf32>, vector<256x8xf32>, vector<400x8xf32> -> vector<400x8xf32>
    %max3A = arith.constant 0.000000e+00 : f32
    %max3A_16 = vector.broadcast %max3A : f32 to vector<400x8xf32>
    %max3A_17 = arith.maximumf %dot_general3A_15, %max3A_16 : vector<400x8xf32>
    %abs3A = math.absf %dot_general3A_15 : vector<400x8xf32>
    %neg3A = arith.constant 0.000000e+00 : f32
    %neg3A_18 = vector.broadcast %neg3A : f32 to vector<400x8xf32>
    %neg3A_19 = arith.subf %neg3A_18, %abs3A : vector<400x8xf32>
    %exp3A = math.exp %neg3A_19 : vector<400x8xf32>
    %add3A_20 = arith.constant 1.000000e+00 : f32
    %add3A_21 = vector.broadcast %add3A_20 : f32 to vector<400x8xf32>
    %add3A_22 = arith.addf %add3A_21, %exp3A : vector<400x8xf32>
    %log3A = math.log %add3A_22 : vector<400x8xf32>
    %add3A_23 = arith.addf %max3A_17, %log3A : vector<400x8xf32>
    %add3A_24 = arith.constant 0.00999999977 : f32
    %add3A_25 = vector.broadcast %add3A_24 : f32 to vector<400x8xf32>
    %add3A_26 = arith.addf %add3A_23, %add3A_25 : vector<400x8xf32>
    %get3A_27 = arith.constant 0 : index
    %get3A_28 = arith.constant 0 : index
    %get3A_29 = vector.load %arg4[%get3A_27, %get3A_28] : memref<400x8xf32, #tpu.memory_space<vmem>>, vector<400x8xf32>
    %mul3A = arith.mulf %get3A_29, %add3A_26 : vector<400x8xf32>
    %add3A_30 = arith.addf %dot_general3A_10, %mul3A : vector<400x8xf32>
    %reduce_max3A = arith.constant dense<0xFF800000> : vector<400xf32>
    %reduce_max3A_31 = vector.multi_reduction <maximumf>, %add3A_30, %reduce_max3A [1] : vector<400x8xf32> to vector<400xf32>
    %broadcast_in_dim3A = vector.shape_cast %reduce_max3A_31 : vector<400xf32> to vector<400x1xf32>
    %ge3A = vector.broadcast %broadcast_in_dim3A : vector<400x1xf32> to vector<400x8xf32>
    %ge3A_32 = arith.cmpf oge, %add3A_30, %ge3A : vector<400x8xf32>
    %jit3A = arith.constant -1.000000e+30 : f32
    %broadcast_in_dim3A_33 = vector.broadcast %jit3A : f32 to vector<400x8xf32>
    %select_n3A = arith.select %ge3A_32, %broadcast_in_dim3A_33, %add3A_30 : vector<400x8xi1>, vector<400x8xf32>
    %reduce_max3A_34 = arith.constant dense<0xFF800000> : vector<400xf32>
    %reduce_max3A_35 = vector.multi_reduction <maximumf>, %select_n3A, %reduce_max3A_34 [1] : vector<400x8xf32> to vector<400xf32>
    %broadcast_in_dim3A_36 = vector.shape_cast %reduce_max3A_35 : vector<400xf32> to vector<400x1xf32>
    %ge3A_37 = vector.broadcast %broadcast_in_dim3A_36 : vector<400x1xf32> to vector<400x8xf32>
    %ge3A_38 = arith.cmpf oge, %select_n3A, %ge3A_37 : vector<400x8xf32>
    %jit3A_39 = arith.constant -1.000000e+30 : f32
    %broadcast_in_dim3A_40 = vector.broadcast %jit3A_39 : f32 to vector<400x8xf32>
    %select_n3A_41 = arith.select %ge3A_38, %broadcast_in_dim3A_40, %select_n3A : vector<400x8xi1>, vector<400x8xf32>
    %reduce_max3A_42 = arith.constant dense<0xFF800000> : vector<400xf32>
    %reduce_max3A_43 = vector.multi_reduction <maximumf>, %select_n3A_41, %reduce_max3A_42 [1] : vector<400x8xf32> to vector<400xf32>
    %broadcast_in_dim3A_44 = vector.shape_cast %reduce_max3A_43 : vector<400xf32> to vector<400x1xf32>
    %ge3A_45 = vector.broadcast %broadcast_in_dim3A_44 : vector<400x1xf32> to vector<400x8xf32>
    %ge3A_46 = arith.cmpf oge, %select_n3A_41, %ge3A_45 : vector<400x8xf32>
    %jit3A_47 = arith.constant -1.000000e+30 : f32
    %broadcast_in_dim3A_48 = vector.broadcast %jit3A_47 : f32 to vector<400x8xf32>
    %select_n3A_49 = arith.select %ge3A_46, %broadcast_in_dim3A_48, %select_n3A_41 : vector<400x8xi1>, vector<400x8xf32>
    %reduce_max3A_50 = arith.constant dense<0xFF800000> : vector<400xf32>
    %reduce_max3A_51 = vector.multi_reduction <maximumf>, %select_n3A_49, %reduce_max3A_50 [1] : vector<400x8xf32> to vector<400xf32>
    %broadcast_in_dim3A_52 = vector.shape_cast %reduce_max3A_51 : vector<400xf32> to vector<400x1xf32>
    %ge3A_53 = vector.broadcast %broadcast_in_dim3A_52 : vector<400x1xf32> to vector<400x8xf32>
    %ge3A_54 = arith.cmpf oge, %select_n3A_49, %ge3A_53 : vector<400x8xf32>
    %jit3A_55 = arith.constant -1.000000e+30 : f32
    %broadcast_in_dim3A_56 = vector.broadcast %jit3A_55 : f32 to vector<400x8xf32>
    %select_n3A_57 = arith.select %ge3A_54, %broadcast_in_dim3A_56, %select_n3A_49 : vector<400x8xi1>, vector<400x8xf32>
    %reduce_max3A_58 = arith.constant dense<0xFF800000> : vector<400xf32>
    %reduce_max3A_59 = vector.multi_reduction <maximumf>, %select_n3A_57, %reduce_max3A_58 [1] : vector<400x8xf32> to vector<400xf32>
    %broadcast_in_dim3A_60 = vector.shape_cast %reduce_max3A_59 : vector<400xf32> to vector<400x1xf32>
    %ge3A_61 = vector.broadcast %broadcast_in_dim3A_52 : vector<400x1xf32> to vector<400x8xf32>
    %ge3A_62 = arith.cmpf oge, %add3A_30, %ge3A_61 : vector<400x8xf32>
    %reduce_max3A_63 = arith.constant dense<0xFF800000> : vector<400xf32>
    %reduce_max3A_64 = vector.multi_reduction <maximumf>, %add3A_30, %reduce_max3A_63 [1] : vector<400x8xf32> to vector<400xf32>
    %broadcast_in_dim3A_65 = vector.shape_cast %reduce_max3A_64 : vector<400xf32> to vector<400x1xf32>
    %sub3A = vector.broadcast %broadcast_in_dim3A_65 : vector<400x1xf32> to vector<400x8xf32>
    %sub3A_66 = arith.subf %add3A_30, %sub3A : vector<400x8xf32>
    %exp3A_67 = math.exp %sub3A_66 : vector<400x8xf32>
    %jit3A_68 = arith.constant 0.000000e+00 : f32
    %broadcast_in_dim3A_69 = vector.broadcast %jit3A_68 : f32 to vector<400x8xf32>
    %select_n3A_70 = arith.select %ge3A_62, %exp3A_67, %broadcast_in_dim3A_69 : vector<400x8xi1>, vector<400x8xf32>
    %reduce_sum3A = arith.constant dense<0.000000e+00> : vector<400xf32>
    %reduce_sum3A_71 = vector.multi_reduction <add>, %select_n3A_70, %reduce_sum3A [1] : vector<400x8xf32> to vector<400xf32>
    %broadcast_in_dim3A_72 = vector.shape_cast %reduce_sum3A_71 : vector<400xf32> to vector<400x1xf32>
    %div3A = vector.broadcast %broadcast_in_dim3A_72 : vector<400x1xf32> to vector<400x8xf32>
    %div3A_73 = arith.divf %select_n3A_70, %div3A : vector<400x8xf32>
    %swap3A = arith.constant 0 : index
    %swap3A_74 = arith.constant 0 : index
    %swap3A_75 = vector.load %arg6[%swap3A, %swap3A_74] : memref<400x8xf32, #tpu.memory_space<vmem>>, vector<400x8xf32>
    tpu.vector_store %arg6[%swap3A, %swap3A_74], %div3A_73 {strides = array<i32>} : memref<400x8xf32, #tpu.memory_space<vmem>>, vector<400x8xf32>,
    %mul3A_76 = vector.broadcast %rsqrt3A : vector<400x1xf32> to vector<400x256xf32>
    %mul3A_77 = arith.mulf %get3A_1, %mul3A_76 : vector<400x256xf32>
    %swap3A_78 = arith.constant 0 : index
    %swap3A_79 = arith.constant 0 : index
    %swap3A_80 = vector.load %arg7[%swap3A_78, %swap3A_79] : memref<400x256xf32, #tpu.memory_space<vmem>>, vector<400x256xf32>
    tpu.vector_store %arg7[%swap3A_78, %swap3A_79], %mul3A_77 {strides = array<i32>} : memref<400x256xf32, #tpu.memory_space<vmem>>, vector<400x256xf32>,
    %swap3A_81 = arith.constant 0 : index
    %swap3A_82 = arith.constant 0 : index
    %swap3A_83 = vector.load %arg8[%swap3A_81, %swap3A_82] : memref<400x1xf32, #tpu.memory_space<vmem>>, vector<400x1xf32>
    tpu.vector_store %arg8[%swap3A_81, %swap3A_82], %rsqrt3A {strides = array<i32>} : memref<400x1xf32, #tpu.memory_space<vmem>>, vector<400x1xf32>,
    %broadcast_in_dim3A_84 = vector.shape_cast %rsqrt3A : vector<400x1xf32> to vector<400x1xf32>
    %broadcast_in_dim3A_85 = vector.broadcast %broadcast_in_dim3A_84 : vector<400x1xf32> to vector<400x128xf32>
    %swap3A_86 = arith.constant 0 : index
    %swap3A_87 = arith.constant 0 : index
    %swap3A_88 = vector.load %arg9[%swap3A_86, %swap3A_87] : memref<400x128xf32, #tpu.memory_space<vmem>>, vector<400x128xf32>
    tpu.vector_store %arg9[%swap3A_86, %swap3A_87], %broadcast_in_dim3A_85 {strides = array<i32>} : memref<400x128xf32, #tpu.memory_space<vmem>>, vector<400x128xf32>,
    %gt3A = vector.broadcast %broadcast_in_dim3A_60 : vector<400x1xf32> to vector<400x8xf32>
    %gt3A_89 = arith.cmpf ogt, %add3A_30, %gt3A : vector<400x8xf32>
    %sub3A_90 = vector.broadcast %broadcast_in_dim3A_60 : vector<400x1xf32> to vector<400x8xf32>
    %sub3A_91 = arith.subf %dot_general3A_10, %sub3A_90 : vector<400x8xf32>
    %div3A_92 = arith.divf %sub3A_91, %add3A_26 : vector<400x8xf32>
    %sqrt3A = arith.constant 2.000000e+00 : f32
    %sqrt3A_93 = math.sqrt %sqrt3A : f32
    %div3A_94 = vector.broadcast %sqrt3A_93 : f32 to vector<400x8xf32>
    %div3A_95 = arith.divf %div3A_92, %div3A_94 : vector<400x8xf32>
    %erf3A = math.erf %div3A_95 : vector<400x8xf32>
    %add3A_96 = arith.constant 1.000000e+00 : f32
    %add3A_97 = vector.broadcast %add3A_96 : f32 to vector<400x8xf32>
    %add3A_98 = arith.addf %add3A_97, %erf3A : vector<400x8xf32>
    %mul3A_99 = arith.constant 5.000000e-01 : f32
    %mul3A_100 = vector.broadcast %mul3A_99 : f32 to vector<400x8xf32>
    %mul3A_101 = arith.mulf %mul3A_100, %add3A_98 : vector<400x8xf32>
    %sub3A_102 = vector.broadcast %broadcast_in_dim3A_52 : vector<400x1xf32> to vector<400x8xf32>
    %sub3A_103 = arith.subf %dot_general3A_10, %sub3A_102 : vector<400x8xf32>
    %div3A_104 = arith.divf %sub3A_103, %add3A_26 : vector<400x8xf32>
    %sqrt3A_105 = arith.constant 2.000000e+00 : f32
    %sqrt3A_106 = math.sqrt %sqrt3A_105 : f32
    %div3A_107 = vector.broadcast %sqrt3A_106 : f32 to vector<400x8xf32>
    %div3A_108 = arith.divf %div3A_104, %div3A_107 : vector<400x8xf32>
    %erf3A_109 = math.erf %div3A_108 : vector<400x8xf32>
    %add3A_110 = arith.constant 1.000000e+00 : f32
    %add3A_111 = vector.broadcast %add3A_110 : f32 to vector<400x8xf32>
    %add3A_112 = arith.addf %add3A_111, %erf3A_109 : vector<400x8xf32>
    %mul3A_113 = arith.constant 5.000000e-01 : f32
    %mul3A_114 = vector.broadcast %mul3A_113 : f32 to vector<400x8xf32>
    %mul3A_115 = arith.mulf %mul3A_114, %add3A_112 : vector<400x8xf32>
    %select_n3A_116 = arith.select %gt3A_89, %mul3A_101, %mul3A_115 : vector<400x8xi1>, vector<400x8xf32>
    %reduce_sum3A_117 = arith.constant dense<0.000000e+00> : vector<8xf32>
    %reduce_sum3A_118 = vector.multi_reduction <add>, %select_n3A_116, %reduce_sum3A_117 [0] : vector<400x8xf32> to vector<8xf32>
    %broadcast_in_dim3A_119 = vector.shape_cast %reduce_sum3A_118 : vector<8xf32> to vector<1x8xf32>
    %reduce_sum3A_120 = arith.constant dense<0.000000e+00> : vector<8xf32>
    %reduce_sum3A_121 = vector.multi_reduction <add>, %div3A_73, %reduce_sum3A_120 [0] : vector<400x8xf32> to vector<8xf32>
    %broadcast_in_dim3A_122 = vector.shape_cast %reduce_sum3A_121 : vector<8xf32> to vector<1x8xf32>
    %concatenate3A = tpu.concatenate %broadcast_in_dim3A_122, %broadcast_in_dim3A_119 in 0 : vector<1x8xf32>, vector<1x8xf32> -> vector<2x8xf32>
    %eq3A = arith.constant 0 : i32
    %eq3A_123 = arith.cmpi eq, %arg0, %eq3A : i32
    %convert_element_type3A = arith.extui %eq3A_123 : i1 to i32
    %cond3A = arith.constant 0 : i32
    %cond3A_124 = arith.cmpi ne, %convert_element_type3A, %cond3A : i32
    scf.if %cond3A_124 {
      %broadcast_in_dim3A_137 = arith.constant 0.000000e+00 : f32
      %broadcast_in_dim3A_138 = vector.broadcast %broadcast_in_dim3A_137 : f32 to vector<2x8xf32>
      %swap3A_139 = arith.constant 0 : index
      %swap3A_140 = arith.constant 0 : index
      %swap3A_141 = vector.load %arg10[%swap3A_139, %swap3A_140] : memref<2x8xf32, #tpu.memory_space<vmem>>, vector<2x8xf32>
      tpu.vector_store %arg10[%swap3A_139, %swap3A_140], %broadcast_in_dim3A_138 {strides = array<i32>} : memref<2x8xf32, #tpu.memory_space<vmem>>, vector<2x8xf32>,
      %broadcast_in_dim3A_142 = arith.constant 0.000000e+00 : f32
      %broadcast_in_dim3A_143 = vector.broadcast %broadcast_in_dim3A_142 : f32 to vector<1x1xf32>
      %swap3A_144 = arith.constant 0 : index
      %swap3A_145 = arith.constant 0 : index
      %swap3A_146 = vector.load %arg11[%swap3A_144, %swap3A_145] : memref<1x1xf32, #tpu.memory_space<vmem>>, vector<1x1xf32>
      tpu.vector_store %arg11[%swap3A_144, %swap3A_145], %broadcast_in_dim3A_143 {strides = array<i32>} : memref<1x1xf32, #tpu.memory_space<vmem>>, vector<1x1xf32>,
    } else {
    }
    %get3A_125 = arith.constant 0 : index
    %get3A_126 = arith.constant 0 : index
    %get3A_127 = vector.load %arg10[%get3A_125, %get3A_126] : memref<2x8xf32, #tpu.memory_space<vmem>>, vector<2x8xf32>
    %add3A_128 = arith.addf %get3A_127, %concatenate3A : vector<2x8xf32>
    %swap3A_129 = arith.constant 0 : index
    %swap3A_130 = arith.constant 0 : index
    %swap3A_131 = vector.load %arg10[%swap3A_129, %swap3A_130] : memref<2x8xf32, #tpu.memory_space<vmem>>, vector<2x8xf32>
    tpu.vector_store %arg10[%swap3A_129, %swap3A_130], %add3A_128 {strides = array<i32>} : memref<2x8xf32, #tpu.memory_space<vmem>>, vector<2x8xf32>,
    %eq3A_132 = arith.constant 24 : i32
    %eq3A_133 = arith.cmpi eq, %arg0, %eq3A_132 : i32
    %convert_element_type3A_134 = arith.extui %eq3A_133 : i1 to i32
    %cond3A_135 = arith.constant 0 : i32
    %cond3A_136 = arith.cmpi ne, %convert_element_type3A_134, %cond3A_135 : i32
    scf.if %cond3A_136 {
      %get3A_137 = arith.constant 0 : index
      %get3A_138 = arith.constant 0 : index
      %get3A_139 = vector.load %arg10[%get3A_137, %get3A_138] : memref<2x8xf32, #tpu.memory_space<vmem>>, vector<2x8xf32>
      %slice3A = vector.extract_strided_slice %get3A_139 {offsets = [0, 0], sizes = [1, 8], strides = [1, 1]} : vector<2x8xf32> to vector<1x8xf32>
      %squeeze3A = vector.shape_cast %slice3A : vector<1x8xf32> to vector<8xf32>
      %reduce_sum3A_140 = vector.shape_cast %squeeze3A : vector<8xf32> to vector<1x8xf32>
      %reduce_sum3A_141 = arith.constant dense<0.000000e+00> : vector<1xf32>
      %reduce_sum3A_142 = vector.multi_reduction <add>, %reduce_sum3A_140, %reduce_sum3A_141 [1] : vector<1x8xf32> to vector<1xf32>
      %reduce_sum3A_143 = vector.shape_cast %reduce_sum3A_142 : vector<1xf32> to vector<1x1xf32>
      %reduce_sum3A_144 = vector.extract %reduce_sum3A_143[0, 0] : f32 from vector<1x1xf32>
      %div3A_145 = arith.constant 8.000000e+00 : f32
      %div3A_146 = arith.divf %reduce_sum3A_144, %div3A_145 : f32
      %sub3A_147 = vector.broadcast %div3A_146 : f32 to vector<8xf32>
      %sub3A_148 = arith.subf %squeeze3A, %sub3A_147 : vector<8xf32>
      %integer_pow3A = arith.mulf %sub3A_148, %sub3A_148 : vector<8xf32>
      %reduce_sum3A_149 = vector.shape_cast %integer_pow3A : vector<8xf32> to vector<1x8xf32>
      %reduce_sum3A_150 = arith.constant dense<0.000000e+00> : vector<1xf32>
      %reduce_sum3A_151 = vector.multi_reduction <add>, %reduce_sum3A_149, %reduce_sum3A_150 [1] : vector<1x8xf32> to vector<1xf32>
      %reduce_sum3A_152 = vector.shape_cast %reduce_sum3A_151 : vector<1xf32> to vector<1x1xf32>
      %reduce_sum3A_153 = vector.extract %reduce_sum3A_152[0, 0] : f32 from vector<1x1xf32>
      %div3A_154 = arith.constant 7.000000e+00 : f32
      %div3A_155 = arith.divf %reduce_sum3A_153, %div3A_154 : f32
      %mul3A_156 = arith.mulf %div3A_146, %div3A_146 : f32
      %add3A_157 = arith.constant 1.000000e-10 : f32
      %add3A_158 = arith.addf %mul3A_156, %add3A_157 : f32
      %div3A_159 = arith.divf %div3A_155, %add3A_158 : f32
      %slice3A_160 = vector.extract_strided_slice %get3A_139 {offsets = [1, 0], sizes = [1, 8], strides = [1, 1]} : vector<2x8xf32> to vector<1x8xf32>
      %squeeze3A_161 = vector.shape_cast %slice3A_160 : vector<1x8xf32> to vector<8xf32>
      %reduce_sum3A_162 = vector.shape_cast %squeeze3A_161 : vector<8xf32> to vector<1x8xf32>
      %reduce_sum3A_163 = arith.constant dense<0.000000e+00> : vector<1xf32>
      %reduce_sum3A_164 = vector.multi_reduction <add>, %reduce_sum3A_162, %reduce_sum3A_163 [1] : vector<1x8xf32> to vector<1xf32>
      %reduce_sum3A_165 = vector.shape_cast %reduce_sum3A_164 : vector<1xf32> to vector<1x1xf32>
      %reduce_sum3A_166 = vector.extract %reduce_sum3A_165[0, 0] : f32 from vector<1x1xf32>
      %div3A_167 = arith.constant 8.000000e+00 : f32
      %div3A_168 = arith.divf %reduce_sum3A_166, %div3A_167 : f32
      %sub3A_169 = vector.broadcast %div3A_168 : f32 to vector<8xf32>
      %sub3A_170 = arith.subf %squeeze3A_161, %sub3A_169 : vector<8xf32>
      %integer_pow3A_171 = arith.mulf %sub3A_170, %sub3A_170 : vector<8xf32>
      %reduce_sum3A_172 = vector.shape_cast %integer_pow3A_171 : vector<8xf32> to vector<1x8xf32>
      %reduce_sum3A_173 = arith.constant dense<0.000000e+00> : vector<1xf32>
      %reduce_sum3A_174 = vector.multi_reduction <add>, %reduce_sum3A_172, %reduce_sum3A_173 [1] : vector<1x8xf32> to vector<1xf32>
      %reduce_sum3A_175 = vector.shape_cast %reduce_sum3A_174 : vector<1xf32> to vector<1x1xf32>
      %reduce_sum3A_176 = vector.extract %reduce_sum3A_175[0, 0] : f32 from vector<1x1xf32>
      %div3A_177 = arith.constant 7.000000e+00 : f32
      %div3A_178 = arith.divf %reduce_sum3A_176, %div3A_177 : f32
      %mul3A_179 = arith.mulf %div3A_168, %div3A_168 : f32
      %add3A_180 = arith.constant 1.000000e-10 : f32
      %add3A_181 = arith.addf %mul3A_179, %add3A_180 : f32
      %div3A_182 = arith.divf %div3A_178, %add3A_181 : f32
      %add3A_183 = arith.addf %div3A_159, %div3A_182 : f32
      %mul3A_184 = arith.constant 0.00999999977 : f32
      %mul3A_185 = arith.mulf %add3A_183, %mul3A_184 : f32
      %reshape3A = vector.broadcast %mul3A_185 : f32 to vector<1x1xf32>
      %swap3A_186 = arith.constant 0 : index
      %swap3A_187 = arith.constant 0 : index
      %swap3A_188 = vector.load %arg11[%swap3A_186, %swap3A_187] : memref<1x1xf32, #tpu.memory_space<vmem>>, vector<1x1xf32>
      tpu.vector_store %arg11[%swap3A_186, %swap3A_187], %reshape3A {strides = array<i32>} : memref<1x1xf32, #tpu.memory_space<vmem>>, vector<1x1xf32>,
    } else {
    }
    return
  }
  func.func @transform_0(%arg0: i32) -> (i32, i32) {
    %c0_i32 = arith.constant 0 : i32
    %c0_i32_0 = arith.constant 0 : i32
    return %arg0, %c0_i32 : i32, i32
  }
  func.func @transform_1(%arg0: i32) -> (i32, i32) {
    %c0_i32 = arith.constant 0 : i32
    %c0_i32_0 = arith.constant 0 : i32
    %c0_i32_1 = arith.constant 0 : i32
    return %c0_i32, %c0_i32_0 : i32, i32
  }
  func.func @transform_2(%arg0: i32) -> (i32, i32) {
    %c0_i32 = arith.constant 0 : i32
    %c0_i32_0 = arith.constant 0 : i32
    %c0_i32_1 = arith.constant 0 : i32
    return %c0_i32, %c0_i32_0 : i32, i32
  }
  func.func @transform_3(%arg0: i32) -> (i32, i32) {
    %c0_i32 = arith.constant 0 : i32
    %c0_i32_0 = arith.constant 0 : i32
    return %arg0, %c0_i32 : i32, i32
  }
  func.func @transform_4(%arg0: i32) -> (i32, i32) {
    %c0_i32 = arith.constant 0 : i32
    %c0_i32_0 = arith.constant 0 : i32
    return %arg0, %c0_i32 : i32, i32
  }
  func.func @transform_5(%arg0: i32) -> (i32, i32) {
    %c0_i32 = arith.constant 0 : i32
    %c0_i32_0 = arith.constant 0 : i32
    return %arg0, %c0_i32 : i32, i32
  }
  func.func @transform_6(%arg0: i32) -> (i32, i32) {
    %c0_i32 = arith.constant 0 : i32
    %c0_i32_0 = arith.constant 0 : i32
    return %arg0, %c0_i32 : i32, i32
  }
  func.func @transform_7(%arg0: i32) -> (i32, i32) {
    %c0_i32 = arith.constant 0 : i32
    %c0_i32_0 = arith.constant 0 : i32
    return %arg0, %c0_i32 : i32, i32
  }
  func.func @transform_8(%arg0: i32) -> (i32, i32) {
    %c0_i32 = arith.constant 0 : i32
    %c0_i32_0 = arith.constant 0 : i32
    return %arg0, %c0_i32 : i32, i32
  }
  func.func @transform_9(%arg0: i32) -> (i32, i32) {
    %c0_i32 = arith.constant 0 : i32
    %c0_i32_0 = arith.constant 0 : i32
    %c0_i32_1 = arith.constant 0 : i32
    return %c0_i32, %c0_i32_0 : i32, i32
  }
  func.func @transform_10(%arg0: i32) -> (i32, i32) {
    %c0_i32 = arith.constant 0 : i32
    %c0_i32_0 = arith.constant 0 : i32
    %c0_i32_1 = arith.constant 0 : i32
    return %c0_i32, %c0_i32_0 : i32, i32
  }
}

module attributes {stable_mosaic.version = 14 : i64} {
  func.func @_expert_body(%arg0: i32, %arg1: i32, %arg2: memref<400x256xf32, #tpu.memory_space<vmem>>, %arg3: memref<400x256xf32, #tpu.memory_space<vmem>>, %arg4: memref<400x1xf32, #tpu.memory_space<vmem>>, %arg5: memref<400x1xf32, #tpu.memory_space<vmem>>, %arg6: memref<1x256x512xf32, #tpu.memory_space<vmem>>, %arg7: memref<1x1x512xf32, #tpu.memory_space<vmem>>, %arg8: memref<1x512x512xf32, #tpu.memory_space<vmem>>, %arg9: memref<1x1x512xf32, #tpu.memory_space<vmem>>, %arg10: memref<1x4x400x128xf32, #tpu.memory_space<vmem>>) attributes {dimension_semantics = [#tpu.dimension_semantics<arbitrary>, #tpu.dimension_semantics<arbitrary>], iteration_bounds = array<i64: 8, 25>, scalar_prefetch = 0 : i64, scratch_operands = 0 : i64, tpu.core_type = #tpu.core_type<tc>, window_params = [{transform_indices = @transform_0, window_bounds = array<i64: 400, 256>}, {transform_indices = @transform_1, window_bounds = array<i64: 400, 256>}, {transform_indices = @transform_2, window_bounds = array<i64: 400, 1>}, {transform_indices = @transform_3, window_bounds = array<i64: 400, 1>}, {transform_indices = @transform_4, window_bounds = array<i64: 1, 256, 512>}, {transform_indices = @transform_5, window_bounds = array<i64: 1, 1, 512>}, {transform_indices = @transform_6, window_bounds = array<i64: 1, 512, 512>}, {transform_indices = @transform_7, window_bounds = array<i64: 1, 1, 512>}, {transform_indices = @transform_8, window_bounds = array<i64: 1, 4, 400, 128>}]} {
    %get3A = arith.constant 0 : index
    %get3A_0 = arith.constant 0 : index
    %get3A_1 = vector.load %arg5[%get3A, %get3A_0] : memref<400x1xf32, #tpu.memory_space<vmem>>, vector<400x1xf32>
    %get3A_2 = arith.constant 0 : index
    %get3A_3 = arith.constant 0 : index
    %get3A_4 = vector.load %arg2[%get3A_2, %get3A_3] : memref<400x256xf32, #tpu.memory_space<vmem>>, vector<400x256xf32>
    %get3A_5 = arith.constant 0 : index
    %get3A_6 = arith.constant 0 : index
    %get3A_7 = vector.load %arg3[%get3A_5, %get3A_6] : memref<400x256xf32, #tpu.memory_space<vmem>>, vector<400x256xf32>
    %add3A = arith.addf %get3A_4, %get3A_7 : vector<400x256xf32>
    %mul3A = vector.broadcast %get3A_1 : vector<400x1xf32> to vector<400x256xf32>
    %mul3A_8 = arith.mulf %add3A, %mul3A : vector<400x256xf32>
    %get3A_9 = arith.constant 0 : index
    %get3A_10 = arith.constant 0 : index
    %get3A_11 = vector.load %arg4[%get3A_9, %get3A_10] : memref<400x1xf32, #tpu.memory_space<vmem>>, vector<400x1xf32>
    %add3A_12 = arith.addf %get3A_11, %get3A_1 : vector<400x1xf32>
    %mul3A_13 = arith.mulf %add3A_12, %get3A_1 : vector<400x1xf32>
    %get3A_14 = arith.constant 0 : index
    %get3A_15 = arith.constant 0 : index
    %get3A_16 = arith.constant 0 : index
    %get3A_17 = vector.load %arg6[%get3A_14, %get3A_15, %get3A_16] : memref<1x256x512xf32, #tpu.memory_space<vmem>>, vector<1x256x512xf32>
    %get3A_18 = vector.shape_cast %get3A_17 : vector<1x256x512xf32> to vector<256x512xf32>
    %dot_general3A = arith.constant dense<0.000000e+00> : vector<400x512xf32>
    %dot_general3A_19 = tpu.matmul %mul3A_8, %get3A_18, %dot_general3A {dimension_numbers = #tpu.dot_dimension_numbers<[1], [0], [0], [1], [0, 0, 1, 1], [], []>, transpose_lhs_hint = false} : vector<400x256xf32>, vector<256x512xf32>, vector<400x512xf32> -> vector<400x512xf32>
    %get3A_20 = arith.constant 0 : index
    %get3A_21 = arith.constant 0 : index
    %get3A_22 = arith.constant 0 : index
    %get3A_23 = vector.load %arg7[%get3A_20, %get3A_21, %get3A_22] : memref<1x1x512xf32, #tpu.memory_space<vmem>>, vector<1x1x512xf32>
    %get3A_24 = vector.shape_cast %get3A_23 : vector<1x1x512xf32> to vector<1x512xf32>
    %mul3A_25 = vector.broadcast %mul3A_13 : vector<400x1xf32> to vector<400x512xf32>
    %mul3A_26 = vector.broadcast %get3A_24 : vector<1x512xf32> to vector<400x512xf32>
    %mul3A_27 = arith.mulf %mul3A_25, %mul3A_26 : vector<400x512xf32>
    %add3A_28 = arith.addf %dot_general3A_19, %mul3A_27 : vector<400x512xf32>
    %max3A = arith.constant 0.000000e+00 : f32
    %max3A_29 = vector.broadcast %max3A : f32 to vector<400x512xf32>
    %max3A_30 = arith.maximumf %add3A_28, %max3A_29 : vector<400x512xf32>
    %get3A_31 = arith.constant 0 : index
    %get3A_32 = arith.constant 0 : index
    %get3A_33 = arith.constant 0 : index
    %get3A_34 = vector.load %arg8[%get3A_31, %get3A_32, %get3A_33] : memref<1x512x512xf32, #tpu.memory_space<vmem>>, vector<1x512x512xf32>
    %get3A_35 = vector.shape_cast %get3A_34 : vector<1x512x512xf32> to vector<512x512xf32>
    %dot_general3A_36 = arith.constant dense<0.000000e+00> : vector<400x512xf32>
    %dot_general3A_37 = tpu.matmul %max3A_30, %get3A_35, %dot_general3A_36 {dimension_numbers = #tpu.dot_dimension_numbers<[1], [0], [0], [1], [0, 0, 1, 1], [], []>, transpose_lhs_hint = false} : vector<400x512xf32>, vector<512x512xf32>, vector<400x512xf32> -> vector<400x512xf32>
    %get3A_38 = arith.constant 0 : index
    %get3A_39 = arith.constant 0 : index
    %get3A_40 = arith.constant 0 : index
    %get3A_41 = vector.load %arg9[%get3A_38, %get3A_39, %get3A_40] : memref<1x1x512xf32, #tpu.memory_space<vmem>>, vector<1x1x512xf32>
    %get3A_42 = vector.shape_cast %get3A_41 : vector<1x1x512xf32> to vector<1x512xf32>
    %add3A_43 = vector.broadcast %get3A_42 : vector<1x512xf32> to vector<400x512xf32>
    %add3A_44 = arith.addf %dot_general3A_37, %add3A_43 : vector<400x512xf32>
    %mul3A_45 = vector.broadcast %get3A_1 : vector<400x1xf32> to vector<400x512xf32>
    %mul3A_46 = arith.mulf %add3A_44, %mul3A_45 : vector<400x512xf32>
    %slice3A = vector.extract_strided_slice %mul3A_46 {offsets = [0, 0], sizes = [400, 128], strides = [1, 1]} : vector<400x512xf32> to vector<400x128xf32>
    %swap3A = arith.constant 0 : index
    %swap3A_47 = arith.constant 0 : index
    %swap3A_48 = arith.constant 0 : index
    %swap3A_49 = arith.constant 0 : index
    %swap3A_50 = vector.load %arg10[%swap3A, %swap3A_47, %swap3A_48, %swap3A_49] : memref<1x4x400x128xf32, #tpu.memory_space<vmem>>, vector<1x1x400x128xf32>
    %swap3A_51 = vector.shape_cast %swap3A_50 : vector<1x1x400x128xf32> to vector<400x128xf32>
    %swap3A_52 = vector.shape_cast %slice3A : vector<400x128xf32> to vector<1x1x400x128xf32>
    tpu.vector_store %arg10[%swap3A, %swap3A_47, %swap3A_48, %swap3A_49], %swap3A_52 {strides = array<i32>} : memref<1x4x400x128xf32, #tpu.memory_space<vmem>>, vector<1x1x400x128xf32>,
    %slice3A_53 = vector.extract_strided_slice %mul3A_46 {offsets = [0, 128], sizes = [400, 128], strides = [1, 1]} : vector<400x512xf32> to vector<400x128xf32>
    %swap3A_54 = arith.constant 0 : index
    %swap3A_55 = arith.constant 1 : index
    %swap3A_56 = arith.constant 0 : index
    %swap3A_57 = arith.constant 0 : index
    %swap3A_58 = vector.load %arg10[%swap3A_54, %swap3A_55, %swap3A_56, %swap3A_57] : memref<1x4x400x128xf32, #tpu.memory_space<vmem>>, vector<1x1x400x128xf32>
    %swap3A_59 = vector.shape_cast %swap3A_58 : vector<1x1x400x128xf32> to vector<400x128xf32>
    %swap3A_60 = vector.shape_cast %slice3A_53 : vector<400x128xf32> to vector<1x1x400x128xf32>
    tpu.vector_store %arg10[%swap3A_54, %swap3A_55, %swap3A_56, %swap3A_57], %swap3A_60 {strides = array<i32>} : memref<1x4x400x128xf32, #tpu.memory_space<vmem>>, vector<1x1x400x128xf32>,
    %slice3A_61 = vector.extract_strided_slice %mul3A_46 {offsets = [0, 256], sizes = [400, 128], strides = [1, 1]} : vector<400x512xf32> to vector<400x128xf32>
    %swap3A_62 = arith.constant 0 : index
    %swap3A_63 = arith.constant 2 : index
    %swap3A_64 = arith.constant 0 : index
    %swap3A_65 = arith.constant 0 : index
    %swap3A_66 = vector.load %arg10[%swap3A_62, %swap3A_63, %swap3A_64, %swap3A_65] : memref<1x4x400x128xf32, #tpu.memory_space<vmem>>, vector<1x1x400x128xf32>
    %swap3A_67 = vector.shape_cast %swap3A_66 : vector<1x1x400x128xf32> to vector<400x128xf32>
    %swap3A_68 = vector.shape_cast %slice3A_61 : vector<400x128xf32> to vector<1x1x400x128xf32>
    tpu.vector_store %arg10[%swap3A_62, %swap3A_63, %swap3A_64, %swap3A_65], %swap3A_68 {strides = array<i32>} : memref<1x4x400x128xf32, #tpu.memory_space<vmem>>, vector<1x1x400x128xf32>,
    %slice3A_69 = vector.extract_strided_slice %mul3A_46 {offsets = [0, 384], sizes = [400, 128], strides = [1, 1]} : vector<400x512xf32> to vector<400x128xf32>
    %swap3A_70 = arith.constant 0 : index
    %swap3A_71 = arith.constant 3 : index
    %swap3A_72 = arith.constant 0 : index
    %swap3A_73 = arith.constant 0 : index
    %swap3A_74 = vector.load %arg10[%swap3A_70, %swap3A_71, %swap3A_72, %swap3A_73] : memref<1x4x400x128xf32, #tpu.memory_space<vmem>>, vector<1x1x400x128xf32>
    %swap3A_75 = vector.shape_cast %swap3A_74 : vector<1x1x400x128xf32> to vector<400x128xf32>
    %swap3A_76 = vector.shape_cast %slice3A_69 : vector<400x128xf32> to vector<1x1x400x128xf32>
    tpu.vector_store %arg10[%swap3A_70, %swap3A_71, %swap3A_72, %swap3A_73], %swap3A_76 {strides = array<i32>} : memref<1x4x400x128xf32, #tpu.memory_space<vmem>>, vector<1x1x400x128xf32>,
    return
  }
  func.func @transform_0(%arg0: i32, %arg1: i32) -> (i32, i32) {
    %c0_i32 = arith.constant 0 : i32
    %c0_i32_0 = arith.constant 0 : i32
    return %arg1, %c0_i32 : i32, i32
  }
  func.func @transform_1(%arg0: i32, %arg1: i32) -> (i32, i32) {
    %c0_i32 = arith.constant 0 : i32
    %c0_i32_0 = arith.constant 0 : i32
    return %arg1, %c0_i32 : i32, i32
  }
  func.func @transform_2(%arg0: i32, %arg1: i32) -> (i32, i32) {
    %c0_i32 = arith.constant 0 : i32
    %c0_i32_0 = arith.constant 0 : i32
    return %arg1, %c0_i32 : i32, i32
  }
  func.func @transform_3(%arg0: i32, %arg1: i32) -> (i32, i32) {
    %c0_i32 = arith.constant 0 : i32
    %c0_i32_0 = arith.constant 0 : i32
    return %arg1, %c0_i32 : i32, i32
  }
  func.func @transform_4(%arg0: i32, %arg1: i32) -> (i32, i32, i32) {
    %c0_i32 = arith.constant 0 : i32
    %c0_i32_0 = arith.constant 0 : i32
    %c0_i32_1 = arith.constant 0 : i32
    return %arg0, %c0_i32, %c0_i32_0 : i32, i32, i32
  }
  func.func @transform_5(%arg0: i32, %arg1: i32) -> (i32, i32, i32) {
    %c0_i32 = arith.constant 0 : i32
    %c0_i32_0 = arith.constant 0 : i32
    %c0_i32_1 = arith.constant 0 : i32
    return %arg0, %c0_i32, %c0_i32_0 : i32, i32, i32
  }
  func.func @transform_6(%arg0: i32, %arg1: i32) -> (i32, i32, i32) {
    %c0_i32 = arith.constant 0 : i32
    %c0_i32_0 = arith.constant 0 : i32
    %c0_i32_1 = arith.constant 0 : i32
    return %arg0, %c0_i32, %c0_i32_0 : i32, i32, i32
  }
  func.func @transform_7(%arg0: i32, %arg1: i32) -> (i32, i32, i32) {
    %c0_i32 = arith.constant 0 : i32
    %c0_i32_0 = arith.constant 0 : i32
    %c0_i32_1 = arith.constant 0 : i32
    return %arg0, %c0_i32, %c0_i32_0 : i32, i32, i32
  }
  func.func @transform_8(%arg0: i32, %arg1: i32) -> (i32, i32, i32, i32) {
    %c0_i32 = arith.constant 0 : i32
    %c0_i32_0 = arith.constant 0 : i32
    %c0_i32_1 = arith.constant 0 : i32
    return %arg0, %c0_i32, %arg1, %c0_i32_0 : i32, i32, i32, i32
  }
}

module attributes {stable_mosaic.version = 14 : i64} {
  func.func @_combine_body(%arg0: i32, %arg1: memref<8x4x400x128xf32, #tpu.memory_space<vmem>>, %arg2: memref<8x4x400x128xf32, #tpu.memory_space<vmem>>, %arg3: memref<400x8xf32, #tpu.memory_space<vmem>>, %arg4: memref<400x1xf32, #tpu.memory_space<vmem>>, %arg5: memref<400x512xf32, #tpu.memory_space<vmem>>) attributes {dimension_semantics = [#tpu.dimension_semantics<arbitrary>], iteration_bounds = array<i64: 25>, scalar_prefetch = 0 : i64, scratch_operands = 0 : i64, tpu.core_type = #tpu.core_type<tc>, window_params = [{transform_indices = @transform_0, window_bounds = array<i64: 8, 4, 400, 128>}, {transform_indices = @transform_1, window_bounds = array<i64: 8, 4, 400, 128>}, {transform_indices = @transform_2, window_bounds = array<i64: 400, 8>}, {transform_indices = @transform_3, window_bounds = array<i64: 400, 1>}, {transform_indices = @transform_4, window_bounds = array<i64: 400, 512>}]} {
    %get3A = arith.constant 0 : index
    %get3A_0 = arith.constant 0 : index
    %get3A_1 = vector.load %arg3[%get3A, %get3A_0] : memref<400x8xf32, #tpu.memory_space<vmem>>, vector<400x8xf32>
    %get3A_2 = arith.constant 0 : index
    %get3A_3 = arith.constant 0 : index
    %get3A_4 = vector.load %arg4[%get3A_2, %get3A_3] : memref<400x1xf32, #tpu.memory_space<vmem>>, vector<400x1xf32>
    %broadcast_in_dim3A = arith.constant 0.000000e+00 : f32
    %broadcast_in_dim3A_5 = vector.broadcast %broadcast_in_dim3A : f32 to vector<400x128xf32>
    %slice3A = vector.extract_strided_slice %get3A_1 {offsets = [0, 0], sizes = [400, 1], strides = [1, 1]} : vector<400x8xf32> to vector<400x1xf32>
    %get3A_6 = arith.constant 0 : index
    %get3A_7 = arith.constant 0 : index
    %get3A_8 = arith.constant 0 : index
    %get3A_9 = arith.constant 0 : index
    %get3A_10 = vector.load %arg1[%get3A_6, %get3A_7, %get3A_8, %get3A_9] : memref<8x4x400x128xf32, #tpu.memory_space<vmem>>, vector<1x1x400x128xf32>
    %get3A_11 = vector.shape_cast %get3A_10 : vector<1x1x400x128xf32> to vector<400x128xf32>
    %get3A_12 = arith.constant 0 : index
    %get3A_13 = arith.constant 0 : index
    %get3A_14 = arith.constant 0 : index
    %get3A_15 = arith.constant 0 : index
    %get3A_16 = vector.load %arg2[%get3A_12, %get3A_13, %get3A_14, %get3A_15] : memref<8x4x400x128xf32, #tpu.memory_space<vmem>>, vector<1x1x400x128xf32>
    %get3A_17 = vector.shape_cast %get3A_16 : vector<1x1x400x128xf32> to vector<400x128xf32>
    %add3A = arith.addf %get3A_11, %get3A_17 : vector<400x128xf32>
    %mul3A = vector.broadcast %slice3A : vector<400x1xf32> to vector<400x128xf32>
    %mul3A_18 = arith.mulf %mul3A, %add3A : vector<400x128xf32>
    %add3A_19 = arith.addf %broadcast_in_dim3A_5, %mul3A_18 : vector<400x128xf32>
    %slice3A_20 = vector.extract_strided_slice %get3A_1 {offsets = [0, 1], sizes = [400, 1], strides = [1, 1]} : vector<400x8xf32> to vector<400x1xf32>
    %get3A_21 = arith.constant 1 : index
    %get3A_22 = arith.constant 0 : index
    %get3A_23 = arith.constant 0 : index
    %get3A_24 = arith.constant 0 : index
    %get3A_25 = vector.load %arg1[%get3A_21, %get3A_22, %get3A_23, %get3A_24] : memref<8x4x400x128xf32, #tpu.memory_space<vmem>>, vector<1x1x400x128xf32>
    %get3A_26 = vector.shape_cast %get3A_25 : vector<1x1x400x128xf32> to vector<400x128xf32>
    %get3A_27 = arith.constant 1 : index
    %get3A_28 = arith.constant 0 : index
    %get3A_29 = arith.constant 0 : index
    %get3A_30 = arith.constant 0 : index
    %get3A_31 = vector.load %arg2[%get3A_27, %get3A_28, %get3A_29, %get3A_30] : memref<8x4x400x128xf32, #tpu.memory_space<vmem>>, vector<1x1x400x128xf32>
    %get3A_32 = vector.shape_cast %get3A_31 : vector<1x1x400x128xf32> to vector<400x128xf32>
    %add3A_33 = arith.addf %get3A_26, %get3A_32 : vector<400x128xf32>
    %mul3A_34 = vector.broadcast %slice3A_20 : vector<400x1xf32> to vector<400x128xf32>
    %mul3A_35 = arith.mulf %mul3A_34, %add3A_33 : vector<400x128xf32>
    %add3A_36 = arith.addf %add3A_19, %mul3A_35 : vector<400x128xf32>
    %slice3A_37 = vector.extract_strided_slice %get3A_1 {offsets = [0, 2], sizes = [400, 1], strides = [1, 1]} : vector<400x8xf32> to vector<400x1xf32>
    %get3A_38 = arith.constant 2 : index
    %get3A_39 = arith.constant 0 : index
    %get3A_40 = arith.constant 0 : index
    %get3A_41 = arith.constant 0 : index
    %get3A_42 = vector.load %arg1[%get3A_38, %get3A_39, %get3A_40, %get3A_41] : memref<8x4x400x128xf32, #tpu.memory_space<vmem>>, vector<1x1x400x128xf32>
    %get3A_43 = vector.shape_cast %get3A_42 : vector<1x1x400x128xf32> to vector<400x128xf32>
    %get3A_44 = arith.constant 2 : index
    %get3A_45 = arith.constant 0 : index
    %get3A_46 = arith.constant 0 : index
    %get3A_47 = arith.constant 0 : index
    %get3A_48 = vector.load %arg2[%get3A_44, %get3A_45, %get3A_46, %get3A_47] : memref<8x4x400x128xf32, #tpu.memory_space<vmem>>, vector<1x1x400x128xf32>
    %get3A_49 = vector.shape_cast %get3A_48 : vector<1x1x400x128xf32> to vector<400x128xf32>
    %add3A_50 = arith.addf %get3A_43, %get3A_49 : vector<400x128xf32>
    %mul3A_51 = vector.broadcast %slice3A_37 : vector<400x1xf32> to vector<400x128xf32>
    %mul3A_52 = arith.mulf %mul3A_51, %add3A_50 : vector<400x128xf32>
    %add3A_53 = arith.addf %add3A_36, %mul3A_52 : vector<400x128xf32>
    %slice3A_54 = vector.extract_strided_slice %get3A_1 {offsets = [0, 3], sizes = [400, 1], strides = [1, 1]} : vector<400x8xf32> to vector<400x1xf32>
    %get3A_55 = arith.constant 3 : index
    %get3A_56 = arith.constant 0 : index
    %get3A_57 = arith.constant 0 : index
    %get3A_58 = arith.constant 0 : index
    %get3A_59 = vector.load %arg1[%get3A_55, %get3A_56, %get3A_57, %get3A_58] : memref<8x4x400x128xf32, #tpu.memory_space<vmem>>, vector<1x1x400x128xf32>
    %get3A_60 = vector.shape_cast %get3A_59 : vector<1x1x400x128xf32> to vector<400x128xf32>
    %get3A_61 = arith.constant 3 : index
    %get3A_62 = arith.constant 0 : index
    %get3A_63 = arith.constant 0 : index
    %get3A_64 = arith.constant 0 : index
    %get3A_65 = vector.load %arg2[%get3A_61, %get3A_62, %get3A_63, %get3A_64] : memref<8x4x400x128xf32, #tpu.memory_space<vmem>>, vector<1x1x400x128xf32>
    %get3A_66 = vector.shape_cast %get3A_65 : vector<1x1x400x128xf32> to vector<400x128xf32>
    %add3A_67 = arith.addf %get3A_60, %get3A_66 : vector<400x128xf32>
    %mul3A_68 = vector.broadcast %slice3A_54 : vector<400x1xf32> to vector<400x128xf32>
    %mul3A_69 = arith.mulf %mul3A_68, %add3A_67 : vector<400x128xf32>
    %add3A_70 = arith.addf %add3A_53, %mul3A_69 : vector<400x128xf32>
    %slice3A_71 = vector.extract_strided_slice %get3A_1 {offsets = [0, 4], sizes = [400, 1], strides = [1, 1]} : vector<400x8xf32> to vector<400x1xf32>
    %get3A_72 = arith.constant 4 : index
    %get3A_73 = arith.constant 0 : index
    %get3A_74 = arith.constant 0 : index
    %get3A_75 = arith.constant 0 : index
    %get3A_76 = vector.load %arg1[%get3A_72, %get3A_73, %get3A_74, %get3A_75] : memref<8x4x400x128xf32, #tpu.memory_space<vmem>>, vector<1x1x400x128xf32>
    %get3A_77 = vector.shape_cast %get3A_76 : vector<1x1x400x128xf32> to vector<400x128xf32>
    %get3A_78 = arith.constant 4 : index
    %get3A_79 = arith.constant 0 : index
    %get3A_80 = arith.constant 0 : index
    %get3A_81 = arith.constant 0 : index
    %get3A_82 = vector.load %arg2[%get3A_78, %get3A_79, %get3A_80, %get3A_81] : memref<8x4x400x128xf32, #tpu.memory_space<vmem>>, vector<1x1x400x128xf32>
    %get3A_83 = vector.shape_cast %get3A_82 : vector<1x1x400x128xf32> to vector<400x128xf32>
    %add3A_84 = arith.addf %get3A_77, %get3A_83 : vector<400x128xf32>
    %mul3A_85 = vector.broadcast %slice3A_71 : vector<400x1xf32> to vector<400x128xf32>
    %mul3A_86 = arith.mulf %mul3A_85, %add3A_84 : vector<400x128xf32>
    %add3A_87 = arith.addf %add3A_70, %mul3A_86 : vector<400x128xf32>
    %slice3A_88 = vector.extract_strided_slice %get3A_1 {offsets = [0, 5], sizes = [400, 1], strides = [1, 1]} : vector<400x8xf32> to vector<400x1xf32>
    %get3A_89 = arith.constant 5 : index
    %get3A_90 = arith.constant 0 : index
    %get3A_91 = arith.constant 0 : index
    %get3A_92 = arith.constant 0 : index
    %get3A_93 = vector.load %arg1[%get3A_89, %get3A_90, %get3A_91, %get3A_92] : memref<8x4x400x128xf32, #tpu.memory_space<vmem>>, vector<1x1x400x128xf32>
    %get3A_94 = vector.shape_cast %get3A_93 : vector<1x1x400x128xf32> to vector<400x128xf32>
    %get3A_95 = arith.constant 5 : index
    %get3A_96 = arith.constant 0 : index
    %get3A_97 = arith.constant 0 : index
    %get3A_98 = arith.constant 0 : index
    %get3A_99 = vector.load %arg2[%get3A_95, %get3A_96, %get3A_97, %get3A_98] : memref<8x4x400x128xf32, #tpu.memory_space<vmem>>, vector<1x1x400x128xf32>
    %get3A_100 = vector.shape_cast %get3A_99 : vector<1x1x400x128xf32> to vector<400x128xf32>
    %add3A_101 = arith.addf %get3A_94, %get3A_100 : vector<400x128xf32>
    %mul3A_102 = vector.broadcast %slice3A_88 : vector<400x1xf32> to vector<400x128xf32>
    %mul3A_103 = arith.mulf %mul3A_102, %add3A_101 : vector<400x128xf32>
    %add3A_104 = arith.addf %add3A_87, %mul3A_103 : vector<400x128xf32>
    %slice3A_105 = vector.extract_strided_slice %get3A_1 {offsets = [0, 6], sizes = [400, 1], strides = [1, 1]} : vector<400x8xf32> to vector<400x1xf32>
    %get3A_106 = arith.constant 6 : index
    %get3A_107 = arith.constant 0 : index
    %get3A_108 = arith.constant 0 : index
    %get3A_109 = arith.constant 0 : index
    %get3A_110 = vector.load %arg1[%get3A_106, %get3A_107, %get3A_108, %get3A_109] : memref<8x4x400x128xf32, #tpu.memory_space<vmem>>, vector<1x1x400x128xf32>
    %get3A_111 = vector.shape_cast %get3A_110 : vector<1x1x400x128xf32> to vector<400x128xf32>
    %get3A_112 = arith.constant 6 : index
    %get3A_113 = arith.constant 0 : index
    %get3A_114 = arith.constant 0 : index
    %get3A_115 = arith.constant 0 : index
    %get3A_116 = vector.load %arg2[%get3A_112, %get3A_113, %get3A_114, %get3A_115] : memref<8x4x400x128xf32, #tpu.memory_space<vmem>>, vector<1x1x400x128xf32>
    %get3A_117 = vector.shape_cast %get3A_116 : vector<1x1x400x128xf32> to vector<400x128xf32>
    %add3A_118 = arith.addf %get3A_111, %get3A_117 : vector<400x128xf32>
    %mul3A_119 = vector.broadcast %slice3A_105 : vector<400x1xf32> to vector<400x128xf32>
    %mul3A_120 = arith.mulf %mul3A_119, %add3A_118 : vector<400x128xf32>
    %add3A_121 = arith.addf %add3A_104, %mul3A_120 : vector<400x128xf32>
    %slice3A_122 = vector.extract_strided_slice %get3A_1 {offsets = [0, 7], sizes = [400, 1], strides = [1, 1]} : vector<400x8xf32> to vector<400x1xf32>
    %get3A_123 = arith.constant 7 : index
    %get3A_124 = arith.constant 0 : index
    %get3A_125 = arith.constant 0 : index
    %get3A_126 = arith.constant 0 : index
    %get3A_127 = vector.load %arg1[%get3A_123, %get3A_124, %get3A_125, %get3A_126] : memref<8x4x400x128xf32, #tpu.memory_space<vmem>>, vector<1x1x400x128xf32>
    %get3A_128 = vector.shape_cast %get3A_127 : vector<1x1x400x128xf32> to vector<400x128xf32>
    %get3A_129 = arith.constant 7 : index
    %get3A_130 = arith.constant 0 : index
    %get3A_131 = arith.constant 0 : index
    %get3A_132 = arith.constant 0 : index
    %get3A_133 = vector.load %arg2[%get3A_129, %get3A_130, %get3A_131, %get3A_132] : memref<8x4x400x128xf32, #tpu.memory_space<vmem>>, vector<1x1x400x128xf32>
    %get3A_134 = vector.shape_cast %get3A_133 : vector<1x1x400x128xf32> to vector<400x128xf32>
    %add3A_135 = arith.addf %get3A_128, %get3A_134 : vector<400x128xf32>
    %mul3A_136 = vector.broadcast %slice3A_122 : vector<400x1xf32> to vector<400x128xf32>
    %mul3A_137 = arith.mulf %mul3A_136, %add3A_135 : vector<400x128xf32>
    %add3A_138 = arith.addf %add3A_121, %mul3A_137 : vector<400x128xf32>
    %mul3A_139 = vector.broadcast %get3A_4 : vector<400x1xf32> to vector<400x128xf32>
    %mul3A_140 = arith.mulf %add3A_138, %mul3A_139 : vector<400x128xf32>
    %swap3A = arith.constant 0 : index
    %swap3A_141 = arith.constant 0 : index
    %swap3A_142 = vector.load %arg5[%swap3A, %swap3A_141] : memref<400x512xf32, #tpu.memory_space<vmem>>, vector<400x128xf32>
    tpu.vector_store %arg5[%swap3A, %swap3A_141], %mul3A_140 {strides = array<i32>} : memref<400x512xf32, #tpu.memory_space<vmem>>, vector<400x128xf32>,
    %broadcast_in_dim3A_143 = arith.constant 0.000000e+00 : f32
    %broadcast_in_dim3A_144 = vector.broadcast %broadcast_in_dim3A_143 : f32 to vector<400x128xf32>
    %slice3A_145 = vector.extract_strided_slice %get3A_1 {offsets = [0, 0], sizes = [400, 1], strides = [1, 1]} : vector<400x8xf32> to vector<400x1xf32>
    %get3A_146 = arith.constant 0 : index
    %get3A_147 = arith.constant 1 : index
    %get3A_148 = arith.constant 0 : index
    %get3A_149 = arith.constant 0 : index
    %get3A_150 = vector.load %arg1[%get3A_146, %get3A_147, %get3A_148, %get3A_149] : memref<8x4x400x128xf32, #tpu.memory_space<vmem>>, vector<1x1x400x128xf32>
    %get3A_151 = vector.shape_cast %get3A_150 : vector<1x1x400x128xf32> to vector<400x128xf32>
    %get3A_152 = arith.constant 0 : index
    %get3A_153 = arith.constant 1 : index
    %get3A_154 = arith.constant 0 : index
    %get3A_155 = arith.constant 0 : index
    %get3A_156 = vector.load %arg2[%get3A_152, %get3A_153, %get3A_154, %get3A_155] : memref<8x4x400x128xf32, #tpu.memory_space<vmem>>, vector<1x1x400x128xf32>
    %get3A_157 = vector.shape_cast %get3A_156 : vector<1x1x400x128xf32> to vector<400x128xf32>
    %add3A_158 = arith.addf %get3A_151, %get3A_157 : vector<400x128xf32>
    %mul3A_159 = vector.broadcast %slice3A_145 : vector<400x1xf32> to vector<400x128xf32>
    %mul3A_160 = arith.mulf %mul3A_159, %add3A_158 : vector<400x128xf32>
    %add3A_161 = arith.addf %broadcast_in_dim3A_144, %mul3A_160 : vector<400x128xf32>
    %slice3A_162 = vector.extract_strided_slice %get3A_1 {offsets = [0, 1], sizes = [400, 1], strides = [1, 1]} : vector<400x8xf32> to vector<400x1xf32>
    %get3A_163 = arith.constant 1 : index
    %get3A_164 = arith.constant 1 : index
    %get3A_165 = arith.constant 0 : index
    %get3A_166 = arith.constant 0 : index
    %get3A_167 = vector.load %arg1[%get3A_163, %get3A_164, %get3A_165, %get3A_166] : memref<8x4x400x128xf32, #tpu.memory_space<vmem>>, vector<1x1x400x128xf32>
    %get3A_168 = vector.shape_cast %get3A_167 : vector<1x1x400x128xf32> to vector<400x128xf32>
    %get3A_169 = arith.constant 1 : index
    %get3A_170 = arith.constant 1 : index
    %get3A_171 = arith.constant 0 : index
    %get3A_172 = arith.constant 0 : index
    %get3A_173 = vector.load %arg2[%get3A_169, %get3A_170, %get3A_171, %get3A_172] : memref<8x4x400x128xf32, #tpu.memory_space<vmem>>, vector<1x1x400x128xf32>
    %get3A_174 = vector.shape_cast %get3A_173 : vector<1x1x400x128xf32> to vector<400x128xf32>
    %add3A_175 = arith.addf %get3A_168, %get3A_174 : vector<400x128xf32>
    %mul3A_176 = vector.broadcast %slice3A_162 : vector<400x1xf32> to vector<400x128xf32>
    %mul3A_177 = arith.mulf %mul3A_176, %add3A_175 : vector<400x128xf32>
    %add3A_178 = arith.addf %add3A_161, %mul3A_177 : vector<400x128xf32>
    %slice3A_179 = vector.extract_strided_slice %get3A_1 {offsets = [0, 2], sizes = [400, 1], strides = [1, 1]} : vector<400x8xf32> to vector<400x1xf32>
    %get3A_180 = arith.constant 2 : index
    %get3A_181 = arith.constant 1 : index
    %get3A_182 = arith.constant 0 : index
    %get3A_183 = arith.constant 0 : index
    %get3A_184 = vector.load %arg1[%get3A_180, %get3A_181, %get3A_182, %get3A_183] : memref<8x4x400x128xf32, #tpu.memory_space<vmem>>, vector<1x1x400x128xf32>
    %get3A_185 = vector.shape_cast %get3A_184 : vector<1x1x400x128xf32> to vector<400x128xf32>
    %get3A_186 = arith.constant 2 : index
    %get3A_187 = arith.constant 1 : index
    %get3A_188 = arith.constant 0 : index
    %get3A_189 = arith.constant 0 : index
    %get3A_190 = vector.load %arg2[%get3A_186, %get3A_187, %get3A_188, %get3A_189] : memref<8x4x400x128xf32, #tpu.memory_space<vmem>>, vector<1x1x400x128xf32>
    %get3A_191 = vector.shape_cast %get3A_190 : vector<1x1x400x128xf32> to vector<400x128xf32>
    %add3A_192 = arith.addf %get3A_185, %get3A_191 : vector<400x128xf32>
    %mul3A_193 = vector.broadcast %slice3A_179 : vector<400x1xf32> to vector<400x128xf32>
    %mul3A_194 = arith.mulf %mul3A_193, %add3A_192 : vector<400x128xf32>
    %add3A_195 = arith.addf %add3A_178, %mul3A_194 : vector<400x128xf32>
    %slice3A_196 = vector.extract_strided_slice %get3A_1 {offsets = [0, 3], sizes = [400, 1], strides = [1, 1]} : vector<400x8xf32> to vector<400x1xf32>
    %get3A_197 = arith.constant 3 : index
    %get3A_198 = arith.constant 1 : index
    %get3A_199 = arith.constant 0 : index
    %get3A_200 = arith.constant 0 : index
    %get3A_201 = vector.load %arg1[%get3A_197, %get3A_198, %get3A_199, %get3A_200] : memref<8x4x400x128xf32, #tpu.memory_space<vmem>>, vector<1x1x400x128xf32>
    %get3A_202 = vector.shape_cast %get3A_201 : vector<1x1x400x128xf32> to vector<400x128xf32>
    %get3A_203 = arith.constant 3 : index
    %get3A_204 = arith.constant 1 : index
    %get3A_205 = arith.constant 0 : index
    %get3A_206 = arith.constant 0 : index
    %get3A_207 = vector.load %arg2[%get3A_203, %get3A_204, %get3A_205, %get3A_206] : memref<8x4x400x128xf32, #tpu.memory_space<vmem>>, vector<1x1x400x128xf32>
    %get3A_208 = vector.shape_cast %get3A_207 : vector<1x1x400x128xf32> to vector<400x128xf32>
    %add3A_209 = arith.addf %get3A_202, %get3A_208 : vector<400x128xf32>
    %mul3A_210 = vector.broadcast %slice3A_196 : vector<400x1xf32> to vector<400x128xf32>
    %mul3A_211 = arith.mulf %mul3A_210, %add3A_209 : vector<400x128xf32>
    %add3A_212 = arith.addf %add3A_195, %mul3A_211 : vector<400x128xf32>
    %slice3A_213 = vector.extract_strided_slice %get3A_1 {offsets = [0, 4], sizes = [400, 1], strides = [1, 1]} : vector<400x8xf32> to vector<400x1xf32>
    %get3A_214 = arith.constant 4 : index
    %get3A_215 = arith.constant 1 : index
    %get3A_216 = arith.constant 0 : index
    %get3A_217 = arith.constant 0 : index
    %get3A_218 = vector.load %arg1[%get3A_214, %get3A_215, %get3A_216, %get3A_217] : memref<8x4x400x128xf32, #tpu.memory_space<vmem>>, vector<1x1x400x128xf32>
    %get3A_219 = vector.shape_cast %get3A_218 : vector<1x1x400x128xf32> to vector<400x128xf32>
    %get3A_220 = arith.constant 4 : index
    %get3A_221 = arith.constant 1 : index
    %get3A_222 = arith.constant 0 : index
    %get3A_223 = arith.constant 0 : index
    %get3A_224 = vector.load %arg2[%get3A_220, %get3A_221, %get3A_222, %get3A_223] : memref<8x4x400x128xf32, #tpu.memory_space<vmem>>, vector<1x1x400x128xf32>
    %get3A_225 = vector.shape_cast %get3A_224 : vector<1x1x400x128xf32> to vector<400x128xf32>
    %add3A_226 = arith.addf %get3A_219, %get3A_225 : vector<400x128xf32>
    %mul3A_227 = vector.broadcast %slice3A_213 : vector<400x1xf32> to vector<400x128xf32>
    %mul3A_228 = arith.mulf %mul3A_227, %add3A_226 : vector<400x128xf32>
    %add3A_229 = arith.addf %add3A_212, %mul3A_228 : vector<400x128xf32>
    %slice3A_230 = vector.extract_strided_slice %get3A_1 {offsets = [0, 5], sizes = [400, 1], strides = [1, 1]} : vector<400x8xf32> to vector<400x1xf32>
    %get3A_231 = arith.constant 5 : index
    %get3A_232 = arith.constant 1 : index
    %get3A_233 = arith.constant 0 : index
    %get3A_234 = arith.constant 0 : index
    %get3A_235 = vector.load %arg1[%get3A_231, %get3A_232, %get3A_233, %get3A_234] : memref<8x4x400x128xf32, #tpu.memory_space<vmem>>, vector<1x1x400x128xf32>
    %get3A_236 = vector.shape_cast %get3A_235 : vector<1x1x400x128xf32> to vector<400x128xf32>
    %get3A_237 = arith.constant 5 : index
    %get3A_238 = arith.constant 1 : index
    %get3A_239 = arith.constant 0 : index
    %get3A_240 = arith.constant 0 : index
    %get3A_241 = vector.load %arg2[%get3A_237, %get3A_238, %get3A_239, %get3A_240] : memref<8x4x400x128xf32, #tpu.memory_space<vmem>>, vector<1x1x400x128xf32>
    %get3A_242 = vector.shape_cast %get3A_241 : vector<1x1x400x128xf32> to vector<400x128xf32>
    %add3A_243 = arith.addf %get3A_236, %get3A_242 : vector<400x128xf32>
    %mul3A_244 = vector.broadcast %slice3A_230 : vector<400x1xf32> to vector<400x128xf32>
    %mul3A_245 = arith.mulf %mul3A_244, %add3A_243 : vector<400x128xf32>
    %add3A_246 = arith.addf %add3A_229, %mul3A_245 : vector<400x128xf32>
    %slice3A_247 = vector.extract_strided_slice %get3A_1 {offsets = [0, 6], sizes = [400, 1], strides = [1, 1]} : vector<400x8xf32> to vector<400x1xf32>
    %get3A_248 = arith.constant 6 : index
    %get3A_249 = arith.constant 1 : index
    %get3A_250 = arith.constant 0 : index
    %get3A_251 = arith.constant 0 : index
    %get3A_252 = vector.load %arg1[%get3A_248, %get3A_249, %get3A_250, %get3A_251] : memref<8x4x400x128xf32, #tpu.memory_space<vmem>>, vector<1x1x400x128xf32>
    %get3A_253 = vector.shape_cast %get3A_252 : vector<1x1x400x128xf32> to vector<400x128xf32>
    %get3A_254 = arith.constant 6 : index
    %get3A_255 = arith.constant 1 : index
    %get3A_256 = arith.constant 0 : index
    %get3A_257 = arith.constant 0 : index
    %get3A_258 = vector.load %arg2[%get3A_254, %get3A_255, %get3A_256, %get3A_257] : memref<8x4x400x128xf32, #tpu.memory_space<vmem>>, vector<1x1x400x128xf32>
    %get3A_259 = vector.shape_cast %get3A_258 : vector<1x1x400x128xf32> to vector<400x128xf32>
    %add3A_260 = arith.addf %get3A_253, %get3A_259 : vector<400x128xf32>
    %mul3A_261 = vector.broadcast %slice3A_247 : vector<400x1xf32> to vector<400x128xf32>
    %mul3A_262 = arith.mulf %mul3A_261, %add3A_260 : vector<400x128xf32>
    %add3A_263 = arith.addf %add3A_246, %mul3A_262 : vector<400x128xf32>
    %slice3A_264 = vector.extract_strided_slice %get3A_1 {offsets = [0, 7], sizes = [400, 1], strides = [1, 1]} : vector<400x8xf32> to vector<400x1xf32>
    %get3A_265 = arith.constant 7 : index
    %get3A_266 = arith.constant 1 : index
    %get3A_267 = arith.constant 0 : index
    %get3A_268 = arith.constant 0 : index
    %get3A_269 = vector.load %arg1[%get3A_265, %get3A_266, %get3A_267, %get3A_268] : memref<8x4x400x128xf32, #tpu.memory_space<vmem>>, vector<1x1x400x128xf32>
    %get3A_270 = vector.shape_cast %get3A_269 : vector<1x1x400x128xf32> to vector<400x128xf32>
    %get3A_271 = arith.constant 7 : index
    %get3A_272 = arith.constant 1 : index
    %get3A_273 = arith.constant 0 : index
    %get3A_274 = arith.constant 0 : index
    %get3A_275 = vector.load %arg2[%get3A_271, %get3A_272, %get3A_273, %get3A_274] : memref<8x4x400x128xf32, #tpu.memory_space<vmem>>, vector<1x1x400x128xf32>
    %get3A_276 = vector.shape_cast %get3A_275 : vector<1x1x400x128xf32> to vector<400x128xf32>
    %add3A_277 = arith.addf %get3A_270, %get3A_276 : vector<400x128xf32>
    %mul3A_278 = vector.broadcast %slice3A_264 : vector<400x1xf32> to vector<400x128xf32>
    %mul3A_279 = arith.mulf %mul3A_278, %add3A_277 : vector<400x128xf32>
    %add3A_280 = arith.addf %add3A_263, %mul3A_279 : vector<400x128xf32>
    %mul3A_281 = vector.broadcast %get3A_4 : vector<400x1xf32> to vector<400x128xf32>
    %mul3A_282 = arith.mulf %add3A_280, %mul3A_281 : vector<400x128xf32>
    %swap3A_283 = arith.constant 0 : index
    %swap3A_284 = arith.constant 128 : index
    %swap3A_285 = vector.load %arg5[%swap3A_283, %swap3A_284] : memref<400x512xf32, #tpu.memory_space<vmem>>, vector<400x128xf32>
    tpu.vector_store %arg5[%swap3A_283, %swap3A_284], %mul3A_282 {strides = array<i32>} : memref<400x512xf32, #tpu.memory_space<vmem>>, vector<400x128xf32>,
    %broadcast_in_dim3A_286 = arith.constant 0.000000e+00 : f32
    %broadcast_in_dim3A_287 = vector.broadcast %broadcast_in_dim3A_286 : f32 to vector<400x128xf32>
    %slice3A_288 = vector.extract_strided_slice %get3A_1 {offsets = [0, 0], sizes = [400, 1], strides = [1, 1]} : vector<400x8xf32> to vector<400x1xf32>
    %get3A_289 = arith.constant 0 : index
    %get3A_290 = arith.constant 2 : index
    %get3A_291 = arith.constant 0 : index
    %get3A_292 = arith.constant 0 : index
    %get3A_293 = vector.load %arg1[%get3A_289, %get3A_290, %get3A_291, %get3A_292] : memref<8x4x400x128xf32, #tpu.memory_space<vmem>>, vector<1x1x400x128xf32>
    %get3A_294 = vector.shape_cast %get3A_293 : vector<1x1x400x128xf32> to vector<400x128xf32>
    %get3A_295 = arith.constant 0 : index
    %get3A_296 = arith.constant 2 : index
    %get3A_297 = arith.constant 0 : index
    %get3A_298 = arith.constant 0 : index
    %get3A_299 = vector.load %arg2[%get3A_295, %get3A_296, %get3A_297, %get3A_298] : memref<8x4x400x128xf32, #tpu.memory_space<vmem>>, vector<1x1x400x128xf32>
    %get3A_300 = vector.shape_cast %get3A_299 : vector<1x1x400x128xf32> to vector<400x128xf32>
    %add3A_301 = arith.addf %get3A_294, %get3A_300 : vector<400x128xf32>
    %mul3A_302 = vector.broadcast %slice3A_288 : vector<400x1xf32> to vector<400x128xf32>
    %mul3A_303 = arith.mulf %mul3A_302, %add3A_301 : vector<400x128xf32>
    %add3A_304 = arith.addf %broadcast_in_dim3A_287, %mul3A_303 : vector<400x128xf32>
    %slice3A_305 = vector.extract_strided_slice %get3A_1 {offsets = [0, 1], sizes = [400, 1], strides = [1, 1]} : vector<400x8xf32> to vector<400x1xf32>
    %get3A_306 = arith.constant 1 : index
    %get3A_307 = arith.constant 2 : index
    %get3A_308 = arith.constant 0 : index
    %get3A_309 = arith.constant 0 : index
    %get3A_310 = vector.load %arg1[%get3A_306, %get3A_307, %get3A_308, %get3A_309] : memref<8x4x400x128xf32, #tpu.memory_space<vmem>>, vector<1x1x400x128xf32>
    %get3A_311 = vector.shape_cast %get3A_310 : vector<1x1x400x128xf32> to vector<400x128xf32>
    %get3A_312 = arith.constant 1 : index
    %get3A_313 = arith.constant 2 : index
    %get3A_314 = arith.constant 0 : index
    %get3A_315 = arith.constant 0 : index
    %get3A_316 = vector.load %arg2[%get3A_312, %get3A_313, %get3A_314, %get3A_315] : memref<8x4x400x128xf32, #tpu.memory_space<vmem>>, vector<1x1x400x128xf32>
    %get3A_317 = vector.shape_cast %get3A_316 : vector<1x1x400x128xf32> to vector<400x128xf32>
    %add3A_318 = arith.addf %get3A_311, %get3A_317 : vector<400x128xf32>
    %mul3A_319 = vector.broadcast %slice3A_305 : vector<400x1xf32> to vector<400x128xf32>
    %mul3A_320 = arith.mulf %mul3A_319, %add3A_318 : vector<400x128xf32>
    %add3A_321 = arith.addf %add3A_304, %mul3A_320 : vector<400x128xf32>
    %slice3A_322 = vector.extract_strided_slice %get3A_1 {offsets = [0, 2], sizes = [400, 1], strides = [1, 1]} : vector<400x8xf32> to vector<400x1xf32>
    %get3A_323 = arith.constant 2 : index
    %get3A_324 = arith.constant 2 : index
    %get3A_325 = arith.constant 0 : index
    %get3A_326 = arith.constant 0 : index
    %get3A_327 = vector.load %arg1[%get3A_323, %get3A_324, %get3A_325, %get3A_326] : memref<8x4x400x128xf32, #tpu.memory_space<vmem>>, vector<1x1x400x128xf32>
    %get3A_328 = vector.shape_cast %get3A_327 : vector<1x1x400x128xf32> to vector<400x128xf32>
    %get3A_329 = arith.constant 2 : index
    %get3A_330 = arith.constant 2 : index
    %get3A_331 = arith.constant 0 : index
    %get3A_332 = arith.constant 0 : index
    %get3A_333 = vector.load %arg2[%get3A_329, %get3A_330, %get3A_331, %get3A_332] : memref<8x4x400x128xf32, #tpu.memory_space<vmem>>, vector<1x1x400x128xf32>
    %get3A_334 = vector.shape_cast %get3A_333 : vector<1x1x400x128xf32> to vector<400x128xf32>
    %add3A_335 = arith.addf %get3A_328, %get3A_334 : vector<400x128xf32>
    %mul3A_336 = vector.broadcast %slice3A_322 : vector<400x1xf32> to vector<400x128xf32>
    %mul3A_337 = arith.mulf %mul3A_336, %add3A_335 : vector<400x128xf32>
    %add3A_338 = arith.addf %add3A_321, %mul3A_337 : vector<400x128xf32>
    %slice3A_339 = vector.extract_strided_slice %get3A_1 {offsets = [0, 3], sizes = [400, 1], strides = [1, 1]} : vector<400x8xf32> to vector<400x1xf32>
    %get3A_340 = arith.constant 3 : index
    %get3A_341 = arith.constant 2 : index
    %get3A_342 = arith.constant 0 : index
    %get3A_343 = arith.constant 0 : index
    %get3A_344 = vector.load %arg1[%get3A_340, %get3A_341, %get3A_342, %get3A_343] : memref<8x4x400x128xf32, #tpu.memory_space<vmem>>, vector<1x1x400x128xf32>
    %get3A_345 = vector.shape_cast %get3A_344 : vector<1x1x400x128xf32> to vector<400x128xf32>
    %get3A_346 = arith.constant 3 : index
    %get3A_347 = arith.constant 2 : index
    %get3A_348 = arith.constant 0 : index
    %get3A_349 = arith.constant 0 : index
    %get3A_350 = vector.load %arg2[%get3A_346, %get3A_347, %get3A_348, %get3A_349] : memref<8x4x400x128xf32, #tpu.memory_space<vmem>>, vector<1x1x400x128xf32>
    %get3A_351 = vector.shape_cast %get3A_350 : vector<1x1x400x128xf32> to vector<400x128xf32>
    %add3A_352 = arith.addf %get3A_345, %get3A_351 : vector<400x128xf32>
    %mul3A_353 = vector.broadcast %slice3A_339 : vector<400x1xf32> to vector<400x128xf32>
    %mul3A_354 = arith.mulf %mul3A_353, %add3A_352 : vector<400x128xf32>
    %add3A_355 = arith.addf %add3A_338, %mul3A_354 : vector<400x128xf32>
    %slice3A_356 = vector.extract_strided_slice %get3A_1 {offsets = [0, 4], sizes = [400, 1], strides = [1, 1]} : vector<400x8xf32> to vector<400x1xf32>
    %get3A_357 = arith.constant 4 : index
    %get3A_358 = arith.constant 2 : index
    %get3A_359 = arith.constant 0 : index
    %get3A_360 = arith.constant 0 : index
    %get3A_361 = vector.load %arg1[%get3A_357, %get3A_358, %get3A_359, %get3A_360] : memref<8x4x400x128xf32, #tpu.memory_space<vmem>>, vector<1x1x400x128xf32>
    %get3A_362 = vector.shape_cast %get3A_361 : vector<1x1x400x128xf32> to vector<400x128xf32>
    %get3A_363 = arith.constant 4 : index
    %get3A_364 = arith.constant 2 : index
    %get3A_365 = arith.constant 0 : index
    %get3A_366 = arith.constant 0 : index
    %get3A_367 = vector.load %arg2[%get3A_363, %get3A_364, %get3A_365, %get3A_366] : memref<8x4x400x128xf32, #tpu.memory_space<vmem>>, vector<1x1x400x128xf32>
    %get3A_368 = vector.shape_cast %get3A_367 : vector<1x1x400x128xf32> to vector<400x128xf32>
    %add3A_369 = arith.addf %get3A_362, %get3A_368 : vector<400x128xf32>
    %mul3A_370 = vector.broadcast %slice3A_356 : vector<400x1xf32> to vector<400x128xf32>
    %mul3A_371 = arith.mulf %mul3A_370, %add3A_369 : vector<400x128xf32>
    %add3A_372 = arith.addf %add3A_355, %mul3A_371 : vector<400x128xf32>
    %slice3A_373 = vector.extract_strided_slice %get3A_1 {offsets = [0, 5], sizes = [400, 1], strides = [1, 1]} : vector<400x8xf32> to vector<400x1xf32>
    %get3A_374 = arith.constant 5 : index
    %get3A_375 = arith.constant 2 : index
    %get3A_376 = arith.constant 0 : index
    %get3A_377 = arith.constant 0 : index
    %get3A_378 = vector.load %arg1[%get3A_374, %get3A_375, %get3A_376, %get3A_377] : memref<8x4x400x128xf32, #tpu.memory_space<vmem>>, vector<1x1x400x128xf32>
    %get3A_379 = vector.shape_cast %get3A_378 : vector<1x1x400x128xf32> to vector<400x128xf32>
    %get3A_380 = arith.constant 5 : index
    %get3A_381 = arith.constant 2 : index
    %get3A_382 = arith.constant 0 : index
    %get3A_383 = arith.constant 0 : index
    %get3A_384 = vector.load %arg2[%get3A_380, %get3A_381, %get3A_382, %get3A_383] : memref<8x4x400x128xf32, #tpu.memory_space<vmem>>, vector<1x1x400x128xf32>
    %get3A_385 = vector.shape_cast %get3A_384 : vector<1x1x400x128xf32> to vector<400x128xf32>
    %add3A_386 = arith.addf %get3A_379, %get3A_385 : vector<400x128xf32>
    %mul3A_387 = vector.broadcast %slice3A_373 : vector<400x1xf32> to vector<400x128xf32>
    %mul3A_388 = arith.mulf %mul3A_387, %add3A_386 : vector<400x128xf32>
    %add3A_389 = arith.addf %add3A_372, %mul3A_388 : vector<400x128xf32>
    %slice3A_390 = vector.extract_strided_slice %get3A_1 {offsets = [0, 6], sizes = [400, 1], strides = [1, 1]} : vector<400x8xf32> to vector<400x1xf32>
    %get3A_391 = arith.constant 6 : index
    %get3A_392 = arith.constant 2 : index
    %get3A_393 = arith.constant 0 : index
    %get3A_394 = arith.constant 0 : index
    %get3A_395 = vector.load %arg1[%get3A_391, %get3A_392, %get3A_393, %get3A_394] : memref<8x4x400x128xf32, #tpu.memory_space<vmem>>, vector<1x1x400x128xf32>
    %get3A_396 = vector.shape_cast %get3A_395 : vector<1x1x400x128xf32> to vector<400x128xf32>
    %get3A_397 = arith.constant 6 : index
    %get3A_398 = arith.constant 2 : index
    %get3A_399 = arith.constant 0 : index
    %get3A_400 = arith.constant 0 : index
    %get3A_401 = vector.load %arg2[%get3A_397, %get3A_398, %get3A_399, %get3A_400] : memref<8x4x400x128xf32, #tpu.memory_space<vmem>>, vector<1x1x400x128xf32>
    %get3A_402 = vector.shape_cast %get3A_401 : vector<1x1x400x128xf32> to vector<400x128xf32>
    %add3A_403 = arith.addf %get3A_396, %get3A_402 : vector<400x128xf32>
    %mul3A_404 = vector.broadcast %slice3A_390 : vector<400x1xf32> to vector<400x128xf32>
    %mul3A_405 = arith.mulf %mul3A_404, %add3A_403 : vector<400x128xf32>
    %add3A_406 = arith.addf %add3A_389, %mul3A_405 : vector<400x128xf32>
    %slice3A_407 = vector.extract_strided_slice %get3A_1 {offsets = [0, 7], sizes = [400, 1], strides = [1, 1]} : vector<400x8xf32> to vector<400x1xf32>
    %get3A_408 = arith.constant 7 : index
    %get3A_409 = arith.constant 2 : index
    %get3A_410 = arith.constant 0 : index
    %get3A_411 = arith.constant 0 : index
    %get3A_412 = vector.load %arg1[%get3A_408, %get3A_409, %get3A_410, %get3A_411] : memref<8x4x400x128xf32, #tpu.memory_space<vmem>>, vector<1x1x400x128xf32>
    %get3A_413 = vector.shape_cast %get3A_412 : vector<1x1x400x128xf32> to vector<400x128xf32>
    %get3A_414 = arith.constant 7 : index
    %get3A_415 = arith.constant 2 : index
    %get3A_416 = arith.constant 0 : index
    %get3A_417 = arith.constant 0 : index
    %get3A_418 = vector.load %arg2[%get3A_414, %get3A_415, %get3A_416, %get3A_417] : memref<8x4x400x128xf32, #tpu.memory_space<vmem>>, vector<1x1x400x128xf32>
    %get3A_419 = vector.shape_cast %get3A_418 : vector<1x1x400x128xf32> to vector<400x128xf32>
    %add3A_420 = arith.addf %get3A_413, %get3A_419 : vector<400x128xf32>
    %mul3A_421 = vector.broadcast %slice3A_407 : vector<400x1xf32> to vector<400x128xf32>
    %mul3A_422 = arith.mulf %mul3A_421, %add3A_420 : vector<400x128xf32>
    %add3A_423 = arith.addf %add3A_406, %mul3A_422 : vector<400x128xf32>
    %mul3A_424 = vector.broadcast %get3A_4 : vector<400x1xf32> to vector<400x128xf32>
    %mul3A_425 = arith.mulf %add3A_423, %mul3A_424 : vector<400x128xf32>
    %swap3A_426 = arith.constant 0 : index
    %swap3A_427 = arith.constant 256 : index
    %swap3A_428 = vector.load %arg5[%swap3A_426, %swap3A_427] : memref<400x512xf32, #tpu.memory_space<vmem>>, vector<400x128xf32>
    tpu.vector_store %arg5[%swap3A_426, %swap3A_427], %mul3A_425 {strides = array<i32>} : memref<400x512xf32, #tpu.memory_space<vmem>>, vector<400x128xf32>,
    %broadcast_in_dim3A_429 = arith.constant 0.000000e+00 : f32
    %broadcast_in_dim3A_430 = vector.broadcast %broadcast_in_dim3A_429 : f32 to vector<400x128xf32>
    %slice3A_431 = vector.extract_strided_slice %get3A_1 {offsets = [0, 0], sizes = [400, 1], strides = [1, 1]} : vector<400x8xf32> to vector<400x1xf32>
    %get3A_432 = arith.constant 0 : index
    %get3A_433 = arith.constant 3 : index
    %get3A_434 = arith.constant 0 : index
    %get3A_435 = arith.constant 0 : index
    %get3A_436 = vector.load %arg1[%get3A_432, %get3A_433, %get3A_434, %get3A_435] : memref<8x4x400x128xf32, #tpu.memory_space<vmem>>, vector<1x1x400x128xf32>
    %get3A_437 = vector.shape_cast %get3A_436 : vector<1x1x400x128xf32> to vector<400x128xf32>
    %get3A_438 = arith.constant 0 : index
    %get3A_439 = arith.constant 3 : index
    %get3A_440 = arith.constant 0 : index
    %get3A_441 = arith.constant 0 : index
    %get3A_442 = vector.load %arg2[%get3A_438, %get3A_439, %get3A_440, %get3A_441] : memref<8x4x400x128xf32, #tpu.memory_space<vmem>>, vector<1x1x400x128xf32>
    %get3A_443 = vector.shape_cast %get3A_442 : vector<1x1x400x128xf32> to vector<400x128xf32>
    %add3A_444 = arith.addf %get3A_437, %get3A_443 : vector<400x128xf32>
    %mul3A_445 = vector.broadcast %slice3A_431 : vector<400x1xf32> to vector<400x128xf32>
    %mul3A_446 = arith.mulf %mul3A_445, %add3A_444 : vector<400x128xf32>
    %add3A_447 = arith.addf %broadcast_in_dim3A_430, %mul3A_446 : vector<400x128xf32>
    %slice3A_448 = vector.extract_strided_slice %get3A_1 {offsets = [0, 1], sizes = [400, 1], strides = [1, 1]} : vector<400x8xf32> to vector<400x1xf32>
    %get3A_449 = arith.constant 1 : index
    %get3A_450 = arith.constant 3 : index
    %get3A_451 = arith.constant 0 : index
    %get3A_452 = arith.constant 0 : index
    %get3A_453 = vector.load %arg1[%get3A_449, %get3A_450, %get3A_451, %get3A_452] : memref<8x4x400x128xf32, #tpu.memory_space<vmem>>, vector<1x1x400x128xf32>
    %get3A_454 = vector.shape_cast %get3A_453 : vector<1x1x400x128xf32> to vector<400x128xf32>
    %get3A_455 = arith.constant 1 : index
    %get3A_456 = arith.constant 3 : index
    %get3A_457 = arith.constant 0 : index
    %get3A_458 = arith.constant 0 : index
    %get3A_459 = vector.load %arg2[%get3A_455, %get3A_456, %get3A_457, %get3A_458] : memref<8x4x400x128xf32, #tpu.memory_space<vmem>>, vector<1x1x400x128xf32>
    %get3A_460 = vector.shape_cast %get3A_459 : vector<1x1x400x128xf32> to vector<400x128xf32>
    %add3A_461 = arith.addf %get3A_454, %get3A_460 : vector<400x128xf32>
    %mul3A_462 = vector.broadcast %slice3A_448 : vector<400x1xf32> to vector<400x128xf32>
    %mul3A_463 = arith.mulf %mul3A_462, %add3A_461 : vector<400x128xf32>
    %add3A_464 = arith.addf %add3A_447, %mul3A_463 : vector<400x128xf32>
    %slice3A_465 = vector.extract_strided_slice %get3A_1 {offsets = [0, 2], sizes = [400, 1], strides = [1, 1]} : vector<400x8xf32> to vector<400x1xf32>
    %get3A_466 = arith.constant 2 : index
    %get3A_467 = arith.constant 3 : index
    %get3A_468 = arith.constant 0 : index
    %get3A_469 = arith.constant 0 : index
    %get3A_470 = vector.load %arg1[%get3A_466, %get3A_467, %get3A_468, %get3A_469] : memref<8x4x400x128xf32, #tpu.memory_space<vmem>>, vector<1x1x400x128xf32>
    %get3A_471 = vector.shape_cast %get3A_470 : vector<1x1x400x128xf32> to vector<400x128xf32>
    %get3A_472 = arith.constant 2 : index
    %get3A_473 = arith.constant 3 : index
    %get3A_474 = arith.constant 0 : index
    %get3A_475 = arith.constant 0 : index
    %get3A_476 = vector.load %arg2[%get3A_472, %get3A_473, %get3A_474, %get3A_475] : memref<8x4x400x128xf32, #tpu.memory_space<vmem>>, vector<1x1x400x128xf32>
    %get3A_477 = vector.shape_cast %get3A_476 : vector<1x1x400x128xf32> to vector<400x128xf32>
    %add3A_478 = arith.addf %get3A_471, %get3A_477 : vector<400x128xf32>
    %mul3A_479 = vector.broadcast %slice3A_465 : vector<400x1xf32> to vector<400x128xf32>
    %mul3A_480 = arith.mulf %mul3A_479, %add3A_478 : vector<400x128xf32>
    %add3A_481 = arith.addf %add3A_464, %mul3A_480 : vector<400x128xf32>
    %slice3A_482 = vector.extract_strided_slice %get3A_1 {offsets = [0, 3], sizes = [400, 1], strides = [1, 1]} : vector<400x8xf32> to vector<400x1xf32>
    %get3A_483 = arith.constant 3 : index
    %get3A_484 = arith.constant 3 : index
    %get3A_485 = arith.constant 0 : index
    %get3A_486 = arith.constant 0 : index
    %get3A_487 = vector.load %arg1[%get3A_483, %get3A_484, %get3A_485, %get3A_486] : memref<8x4x400x128xf32, #tpu.memory_space<vmem>>, vector<1x1x400x128xf32>
    %get3A_488 = vector.shape_cast %get3A_487 : vector<1x1x400x128xf32> to vector<400x128xf32>
    %get3A_489 = arith.constant 3 : index
    %get3A_490 = arith.constant 3 : index
    %get3A_491 = arith.constant 0 : index
    %get3A_492 = arith.constant 0 : index
    %get3A_493 = vector.load %arg2[%get3A_489, %get3A_490, %get3A_491, %get3A_492] : memref<8x4x400x128xf32, #tpu.memory_space<vmem>>, vector<1x1x400x128xf32>
    %get3A_494 = vector.shape_cast %get3A_493 : vector<1x1x400x128xf32> to vector<400x128xf32>
    %add3A_495 = arith.addf %get3A_488, %get3A_494 : vector<400x128xf32>
    %mul3A_496 = vector.broadcast %slice3A_482 : vector<400x1xf32> to vector<400x128xf32>
    %mul3A_497 = arith.mulf %mul3A_496, %add3A_495 : vector<400x128xf32>
    %add3A_498 = arith.addf %add3A_481, %mul3A_497 : vector<400x128xf32>
    %slice3A_499 = vector.extract_strided_slice %get3A_1 {offsets = [0, 4], sizes = [400, 1], strides = [1, 1]} : vector<400x8xf32> to vector<400x1xf32>
    %get3A_500 = arith.constant 4 : index
    %get3A_501 = arith.constant 3 : index
    %get3A_502 = arith.constant 0 : index
    %get3A_503 = arith.constant 0 : index
    %get3A_504 = vector.load %arg1[%get3A_500, %get3A_501, %get3A_502, %get3A_503] : memref<8x4x400x128xf32, #tpu.memory_space<vmem>>, vector<1x1x400x128xf32>
    %get3A_505 = vector.shape_cast %get3A_504 : vector<1x1x400x128xf32> to vector<400x128xf32>
    %get3A_506 = arith.constant 4 : index
    %get3A_507 = arith.constant 3 : index
    %get3A_508 = arith.constant 0 : index
    %get3A_509 = arith.constant 0 : index
    %get3A_510 = vector.load %arg2[%get3A_506, %get3A_507, %get3A_508, %get3A_509] : memref<8x4x400x128xf32, #tpu.memory_space<vmem>>, vector<1x1x400x128xf32>
    %get3A_511 = vector.shape_cast %get3A_510 : vector<1x1x400x128xf32> to vector<400x128xf32>
    %add3A_512 = arith.addf %get3A_505, %get3A_511 : vector<400x128xf32>
    %mul3A_513 = vector.broadcast %slice3A_499 : vector<400x1xf32> to vector<400x128xf32>
    %mul3A_514 = arith.mulf %mul3A_513, %add3A_512 : vector<400x128xf32>
    %add3A_515 = arith.addf %add3A_498, %mul3A_514 : vector<400x128xf32>
    %slice3A_516 = vector.extract_strided_slice %get3A_1 {offsets = [0, 5], sizes = [400, 1], strides = [1, 1]} : vector<400x8xf32> to vector<400x1xf32>
    %get3A_517 = arith.constant 5 : index
    %get3A_518 = arith.constant 3 : index
    %get3A_519 = arith.constant 0 : index
    %get3A_520 = arith.constant 0 : index
    %get3A_521 = vector.load %arg1[%get3A_517, %get3A_518, %get3A_519, %get3A_520] : memref<8x4x400x128xf32, #tpu.memory_space<vmem>>, vector<1x1x400x128xf32>
    %get3A_522 = vector.shape_cast %get3A_521 : vector<1x1x400x128xf32> to vector<400x128xf32>
    %get3A_523 = arith.constant 5 : index
    %get3A_524 = arith.constant 3 : index
    %get3A_525 = arith.constant 0 : index
    %get3A_526 = arith.constant 0 : index
    %get3A_527 = vector.load %arg2[%get3A_523, %get3A_524, %get3A_525, %get3A_526] : memref<8x4x400x128xf32, #tpu.memory_space<vmem>>, vector<1x1x400x128xf32>
    %get3A_528 = vector.shape_cast %get3A_527 : vector<1x1x400x128xf32> to vector<400x128xf32>
    %add3A_529 = arith.addf %get3A_522, %get3A_528 : vector<400x128xf32>
    %mul3A_530 = vector.broadcast %slice3A_516 : vector<400x1xf32> to vector<400x128xf32>
    %mul3A_531 = arith.mulf %mul3A_530, %add3A_529 : vector<400x128xf32>
    %add3A_532 = arith.addf %add3A_515, %mul3A_531 : vector<400x128xf32>
    %slice3A_533 = vector.extract_strided_slice %get3A_1 {offsets = [0, 6], sizes = [400, 1], strides = [1, 1]} : vector<400x8xf32> to vector<400x1xf32>
    %get3A_534 = arith.constant 6 : index
    %get3A_535 = arith.constant 3 : index
    %get3A_536 = arith.constant 0 : index
    %get3A_537 = arith.constant 0 : index
    %get3A_538 = vector.load %arg1[%get3A_534, %get3A_535, %get3A_536, %get3A_537] : memref<8x4x400x128xf32, #tpu.memory_space<vmem>>, vector<1x1x400x128xf32>
    %get3A_539 = vector.shape_cast %get3A_538 : vector<1x1x400x128xf32> to vector<400x128xf32>
    %get3A_540 = arith.constant 6 : index
    %get3A_541 = arith.constant 3 : index
    %get3A_542 = arith.constant 0 : index
    %get3A_543 = arith.constant 0 : index
    %get3A_544 = vector.load %arg2[%get3A_540, %get3A_541, %get3A_542, %get3A_543] : memref<8x4x400x128xf32, #tpu.memory_space<vmem>>, vector<1x1x400x128xf32>
    %get3A_545 = vector.shape_cast %get3A_544 : vector<1x1x400x128xf32> to vector<400x128xf32>
    %add3A_546 = arith.addf %get3A_539, %get3A_545 : vector<400x128xf32>
    %mul3A_547 = vector.broadcast %slice3A_533 : vector<400x1xf32> to vector<400x128xf32>
    %mul3A_548 = arith.mulf %mul3A_547, %add3A_546 : vector<400x128xf32>
    %add3A_549 = arith.addf %add3A_532, %mul3A_548 : vector<400x128xf32>
    %slice3A_550 = vector.extract_strided_slice %get3A_1 {offsets = [0, 7], sizes = [400, 1], strides = [1, 1]} : vector<400x8xf32> to vector<400x1xf32>
    %get3A_551 = arith.constant 7 : index
    %get3A_552 = arith.constant 3 : index
    %get3A_553 = arith.constant 0 : index
    %get3A_554 = arith.constant 0 : index
    %get3A_555 = vector.load %arg1[%get3A_551, %get3A_552, %get3A_553, %get3A_554] : memref<8x4x400x128xf32, #tpu.memory_space<vmem>>, vector<1x1x400x128xf32>
    %get3A_556 = vector.shape_cast %get3A_555 : vector<1x1x400x128xf32> to vector<400x128xf32>
    %get3A_557 = arith.constant 7 : index
    %get3A_558 = arith.constant 3 : index
    %get3A_559 = arith.constant 0 : index
    %get3A_560 = arith.constant 0 : index
    %get3A_561 = vector.load %arg2[%get3A_557, %get3A_558, %get3A_559, %get3A_560] : memref<8x4x400x128xf32, #tpu.memory_space<vmem>>, vector<1x1x400x128xf32>
    %get3A_562 = vector.shape_cast %get3A_561 : vector<1x1x400x128xf32> to vector<400x128xf32>
    %add3A_563 = arith.addf %get3A_556, %get3A_562 : vector<400x128xf32>
    %mul3A_564 = vector.broadcast %slice3A_550 : vector<400x1xf32> to vector<400x128xf32>
    %mul3A_565 = arith.mulf %mul3A_564, %add3A_563 : vector<400x128xf32>
    %add3A_566 = arith.addf %add3A_549, %mul3A_565 : vector<400x128xf32>
    %mul3A_567 = vector.broadcast %get3A_4 : vector<400x1xf32> to vector<400x128xf32>
    %mul3A_568 = arith.mulf %add3A_566, %mul3A_567 : vector<400x128xf32>
    %swap3A_569 = arith.constant 0 : index
    %swap3A_570 = arith.constant 384 : index
    %swap3A_571 = vector.load %arg5[%swap3A_569, %swap3A_570] : memref<400x512xf32, #tpu.memory_space<vmem>>, vector<400x128xf32>
    tpu.vector_store %arg5[%swap3A_569, %swap3A_570], %mul3A_568 {strides = array<i32>} : memref<400x512xf32, #tpu.memory_space<vmem>>, vector<400x128xf32>,
    return
  }
  func.func @transform_0(%arg0: i32) -> (i32, i32, i32, i32) {
    %c0_i32 = arith.constant 0 : i32
    %c0_i32_0 = arith.constant 0 : i32
    %c0_i32_1 = arith.constant 0 : i32
    %c0_i32_2 = arith.constant 0 : i32
    return %c0_i32, %c0_i32_0, %arg0, %c0_i32_1 : i32, i32, i32, i32
  }
  func.func @transform_1(%arg0: i32) -> (i32, i32, i32, i32) {
    %c0_i32 = arith.constant 0 : i32
    %c0_i32_0 = arith.constant 0 : i32
    %c0_i32_1 = arith.constant 0 : i32
    %c0_i32_2 = arith.constant 0 : i32
    return %c0_i32, %c0_i32_0, %arg0, %c0_i32_1 : i32, i32, i32, i32
  }
  func.func @transform_2(%arg0: i32) -> (i32, i32) {
    %c0_i32 = arith.constant 0 : i32
    %c0_i32_0 = arith.constant 0 : i32
    return %arg0, %c0_i32 : i32, i32
  }
  func.func @transform_3(%arg0: i32) -> (i32, i32) {
    %c0_i32 = arith.constant 0 : i32
    %c0_i32_0 = arith.constant 0 : i32
    return %arg0, %c0_i32 : i32, i32
  }
  func.func @transform_4(%arg0: i32) -> (i32, i32) {
    %c0_i32 = arith.constant 0 : i32
    %c0_i32_0 = arith.constant 0 : i32
    return %arg0, %c0_i32 : i32, i32
  }
}

</mosaic_0001>

<sc_bundles>
// kernel: kernel.11.cloned.1.call-start
scs
__scs_entry_jumppad:
0x0: {  	(pc) =	sbr.rel $0x88, $3  }
0x1: {  	(tag) =	ssettag $0x0;
	lr =	simm.s32 $0x1  }
0x2: {  	[smem:$0x3F99] =	sst lr;
	_ =	strace $0xD0000000  }
0x3: {  	_ = 	snop  }
0x4: {  	_ = 	snop  }
0x5: {  	_ = 	snop  }
0x6: {  	_ = 	snop  }
0x7: {  	_ = 	snop  }
__scs_overlays_trampoline_lowered:
0x8: {  	[smem:$0x3FA8] =	sst s0  }
0x9: {  	[smem:$0x3FA9] =	sst s1  }
0xa: {  	[smem:$0x3FAA] =	sst s2  }
0xb: {  	[smem:$0x3FAB] =	sst s3  }
0xc: {  	[smem:$0x3FAC] =	sst s4  }
0xd: {  	[smem:$0x3FAD] =	sst s5  }
0xe: {  	[smem:$0x3FAE] =	sst s6  }
0xf: {  	[smem:$0x3FAF] =	sst s7  }
0x10: {  	[smem:$0x3FB0] =	sst s8  }
0x11: {  	[smem:$0x3FB1] =	sst s9;
	s0 =	simm.s32 @!p0 $0x0  }
0x12: {  	s1 =	sld [smem:$0x3F97];
	s0 =	simm.s32 @p0 $0x1  }
0x13: {  	[smem:$0x3FB2] =	sst s0;
	s0 =	simm.s32 @!p1 $0x0  }
0x14: {  	s2 =	sld [smem:$0x3F96];
	s0 =	simm.s32 @p1 $0x1  }
0x15: {  	[smem:$0x3FB3] =	sst s0;
	s0 =	simm.s32 @!p2 $0x0  }
0x16: {  	s3 =	sld [smem:$0x3FDB];
	s0 =	simm.s32 @p2 $0x1  }
0x17: {  	s4 =	simm.s32 $0x1BF5;
	[smem:$0x3FB5] =	sst s0  }
0x18: {  	s0 =	sld [smem:$0x3F98];
	_ =	swait.ge [sflag:s4], $0x0  }
0x19: {  	s7 =	sld [smem:$0x3F99]  }
0x1a: {  	s8 =	sadd.s32 $0xFFFFE003, lr  }
0x1b: {  	s9 =	sadd.s32 $0xFFFFFEF7, lr;
	s5 =	simm.s32 $0xFFFFFFFF;
	p2 =	slt.u32 s8, $0xFFFFF086  }
0x1c: {  	p1 =	slt.u32 s9, $0xF7A;
	s5 =	simm.s32 @!p2 $0x0  }
0x1d: {  	s5 =	simm.s32 @p1 $0x1;
	p0 =	seq.s32 s7, s2  }
0x1e: {  	s7 =	smul.u32 @!p0 $0xF7A, s2;
	p2 =	seq.s32 @!p0 s5, $0x0  }
0x1f: {  	s9 =	smul.u32 $0xF7A, s1;
	s8 =	simm.s32 @!p0 $0x1BF5;
	p2 =	por !p2, p0  }
0x20: {  	[sflag:s8] =	ssyncset.s32 @!p0 $0xFFFFF086;
	s6 =	sadd.s32 @!p0 s3, s7;
	s7 =	simm.s32 @!p0 $0x108  }
0x21: {  	s3 =	sadd.s32 s3, s9;
	s6 =	sadd.s32 @!p0 $0x88, s6;
	s7 =	simm.s32 @p2 $0x1082  }
0x22: {  	[simem:s7], [sflag:s8] =	dma.local @!p0 [hbm:s6], $0xF7A  }
0x23: {  	s9 =	sor.u32 $0xD0000000, s2;
	s6 =	simm.s32 $0x108;
	_ =	swait.ge @!p0 [sflag:s8], $0x0  }
0x24: {  	s3 =	sadd.s32 $0x88, s3;
	s6 =	simm.s32 @!p1 $0x1082;
	[sflag:s4] =	ssyncset.s32 $0xFFFFF086  }
0x25: {  	[simem:s6], [sflag:s4] =	dma.local [hbm:s3], $0xF7A  }
0x26: {  	[smem:$0x3F99] =	sst s1;
	(tag) =	ssettag s2;
	_ =	strace s9  }
0x27: {  	s1 =	sld [smem:$0x3FA9]  }
0x28: {  	s2 =	sld [smem:$0x3FAA]  }
0x29: {  	s4 =	sld [smem:$0x3FAC]  }
0x2a: {  	p0 =	seq.s32 s5, $0x0;
	s5 =	sld [smem:$0x3FAD]  }
0x2b: {  	s6 =	sld [smem:$0x3FAE]  }
0x2c: {  	s7 =	sld [smem:$0x3FAF]  }
0x2d: {  	s3 =	simm.s32 $0x108;
	s8 =	sld [smem:$0x3FB0]  }
0x2e: {  	s3 =	simm.s32 @!p0 $0x1082;
	s9 =	sld [smem:$0x3FB1]  }
0x2f: {  	lr =	sadd.s32 s0, s3;
	s0 =	sld [smem:$0x3FA8]  }
0x30: {  	s3 =	sld [smem:$0x3FAB]  }
0x31: {  	[smem:$0x3FB4] =	sst s10  }
0x32: {  	s10 =	sld [smem:$0x3FB2];
	_ =	sdelay $0x3  }
0x33: {  	p0 =	seq.s32 s10, $0x1;
	s10 =	sld [smem:$0x3FB4];
	_ =	sdelay $0x3  }
0x34: {  	[smem:$0x3FB4] =	sst s10  }
0x35: {  	s10 =	sld [smem:$0x3FB3];
	_ =	sdelay $0x3  }
0x36: {  	p1 =	seq.s32 s10, $0x1;
	s10 =	sld [smem:$0x3FB4];
	_ =	sdelay $0x3  }
0x37: {  	[smem:$0x3FB4] =	sst s10  }
0x38: {  	s10 =	sld [smem:$0x3FB5]  }
0x39: {  	_ = 	snop;
	(pc) =	sbr.ind lr, $3  }
0x3a: {  	_ = 	snop  }
0x3b: {  	_ = 	snop  }
0x3c: {  	p2 =	seq.s32 s10, $0x1;
	s10 =	sld [smem:$0x3FB4]  }
0x3d: {  	_ =	shalt  }
0x3e: {  	_ =	shalt  }
0x3f: {  	_ =	shalt  }
0x40: {  	_ =	shalt  }
0x41: {  	_ =	shalt  }
0x42: {  	_ =	shalt  }
0x43: {  	_ =	shalt  }
0x44: {  	_ =	shalt  }
0x45: {  	_ =	shalt  }
0x46: {  	_ =	shalt  }
0x47: {  	_ =	shalt  }
0x48: {  	_ =	shalt  }
0x49: {  	_ =	shalt  }
0x4a: {  	_ =	shalt  }
0x4b: {  	_ =	shalt  }
0x4c: {  	_ =	shalt  }
0x4d: {  	_ =	shalt  }
0x4e: {  	_ =	shalt  }
0x4f: {  	_ =	shalt  }
0x50: {  	_ =	shalt  }
0x51: {  	_ =	shalt  }
0x52: {  	_ =	shalt  }
0x53: {  	_ =	shalt  }
0x54: {  	_ =	shalt  }
0x55: {  	_ =	shalt  }
0x56: {  	_ =	shalt  }
0x57: {  	_ =	shalt  }
0x58: {  	_ =	shalt  }
0x59: {  	_ =	shalt  }
0x5a: {  	_ =	shalt  }
0x5b: {  	_ =	shalt  }
0x5c: {  	_ =	shalt  }
0x5d: {  	_ =	shalt  }
0x5e: {  	_ =	shalt  }
0x5f: {  	_ =	shalt  }
0x60: {  	_ =	shalt  }
0x61: {  	_ =	shalt  }
0x62: {  	_ =	shalt  }
0x63: {  	_ =	shalt  }
0x64: {  	_ =	shalt  }
0x65: {  	_ =	shalt  }
0x66: {  	_ =	shalt  }
0x67: {  	_ =	shalt  }
0x68: {  	_ =	shalt  }
0x69: {  	_ =	shalt  }
0x6a: {  	_ =	shalt  }
0x6b: {  	_ =	shalt  }
0x6c: {  	_ =	shalt  }
0x6d: {  	_ =	shalt  }
0x6e: {  	_ =	shalt  }
0x6f: {  	_ =	shalt  }
0x70: {  	_ =	shalt  }
0x71: {  	_ =	shalt  }
0x72: {  	_ =	shalt  }
0x73: {  	_ =	shalt  }
0x74: {  	_ =	shalt  }
0x75: {  	_ =	shalt  }
0x76: {  	_ =	shalt  }
0x77: {  	_ =	shalt  }
0x78: {  	_ =	shalt  }
0x79: {  	_ =	shalt  }
0x7a: {  	_ =	shalt  }
0x7b: {  	_ =	shalt  }
0x7c: {  	_ =	shalt  }
0x7d: {  	_ =	shalt  }
0x7e: {  	_ =	shalt  }
0x7f: {  	_ =	shalt  }
0x80: {  	_ =	shalt  }
0x81: {  	_ =	shalt  }
0x82: {  	_ =	shalt  }
0x83: {  	_ =	shalt  }
0x84: {  	_ =	shalt  }
0x85: {  	_ =	shalt  }
0x86: {  	_ =	shalt  }
0x87: {  	_ =	shalt  }
.Lfunc_end0:
.L_simem_size_0:
called_computation.1_lowered:
.L_overlay_start_0:
0x88: {  	s2 =	sld [smem:$0x3FD9]  }
0x89: {  	s3 =	sld [smem:$0x3FFE];
	_ =	sdelay $0x1  }
0x8a: {  	s1 =	srdreg.scid  }
0x8b: {  	s0 =	sand.u32 $0x1, s1  }
0x8c: {  	s14 =	sshll.u32 s0, $0xA;
	s2 =	sadd.s32 s3, s2  }
0x8d: {  	s2 =	sadd.s32 s2, s14  }
0x8e: {  	[smem:$0x3FC0] =	sst s2  }
0x8f: {  	_ = 	snop  }
0x90: {  	s2 =	sld [smem:$0x3FD0];
	_ =	sdelay $0x2  }
0x91: {  	s15 =	simm.s32 $0xA;
	s4 =	simm.s32 $0x10  }
0x92: {  	[smem:s4], [sflag:s15] =	dma.local [hbm:s2], $0x1  }
0x93: {  	_ =	swait.eq [sflag:s15], $0x1  }
0x94: {  	[sflag:s15] =	ssyncset.done $0x0  }
0x95: {  	[sflag:s15] =	ssyncadd.s32 $0xFFFFFFFF  }
0x96: {  	s16 =	sld [smem:$0x10];
	(tm) =	ssettm $0x1  }
0x97: {  	s17 =	sld [smem:$0x3FFB];
	_ =	sdelay $0x3  }
0x98: {  	_ =	strace s17  }
0x99: {  	s3 =	sld [smem:$0x3FFC];
	_ =	sdelay $0x3  }
0x9a: {  	_ =	strace s3  }
0x9b: {  	s3 =	sld [smem:$0x3FFD];
	_ =	sdelay $0x3  }
0x9c: {  	_ =	strace s3  }
0x9d: {  	_ =	strace $0x8FFFFFFF  }
0x9e: {  	s18 =	sld [smem:$0x3FDB];
	_ =	sdelay $0x1  }
0x9f: {  	s19 =	simm.s32 $_scs_section_size  }
0xa0: {  	s5 =	simm.s32 $_size__tile_overlayer_lowered;
	s6 =	simm.s32 $_tile_overlayer_lowered  }
0xa1: {  	s22 =	simm.s32 $0x1BFF;
	s21 =	sshll.u32 s6, $0x1;
	s3 =	sadd.s32 s19, s18  }
0xa2: {  	s7 =	simm.s32 $0x0;
	s20 =	sshll.u32 s5, $0x1;
	s5 =	sadd.s32 s21, s3  }
0xa3: {  	[timem:s7], [sflag:s22] =	dma.local [hbm:s5], s20  }
0xa4: {  	_ =	swait.ge [sflag:s22], s20  }
0xa5: {  	s4 =	ssub.s32 $0x0, s20;
	[sflag:s22] =	ssyncset.done $0x0  }
0xa6: {  	[sflag:s22] =	ssyncadd.s32 s4;
	_ =	sdelay $0x1  }
0xa7: {  	s23 =	simm.s32 $0x1B8B  }
0xa8: {  	_ =	swait.ge [sflag:s23], $0x1  }
0xa9: {  	[sflag:s23] =	ssyncset.done $0x0  }
0xaa: {  	s25 =	simm.s32 $0x1B8E;
	s24 =	sld [smem:$0x3FFE];
	[sflag:s23] =	ssyncadd.s32 $0xFFFFFFFF  }
0xab: {  	s26 =	simm.s32 $execute0_lowered;
	[smem:$0x3FD2] =	sst s25  }
0xac: {  	s5 =	sshll.u32 s26, $0x1;
	_ =	strace $0x80000049;
	[dreg:$0x1] =	wrdreg $0xFFFFFFFF  }
0xad: {  	s28 =	simm.s32 $_size_execute0_lowered;
	s3 =	sadd.s32 s3, s5;
	[dreg:$0x0] =	wrdreg $0x0  }
0xae: {  	s5 =	sshll.u32 s28, $0x1;
	[dreg:$0x2] =	wrdreg s3  }
0xaf: {  	[dreg:$0x3] =	wrdreg s5  }
0xb0: {  	[dreg:$0x4] =	wrdreg $0xC0  }
0xb1: {  	_ =	task [dreg:s7], $0x5FFFF  }
0xb2: {  	[dreg:$0x1] =	wrdreg $0xFFFFFFFF  }
0xb3: {  	[dreg:$0x0] =	wrdreg $0x60  }
0xb4: {  	[dreg:$0x2] =	wrdreg s24  }
0xb5: {  	[dreg:$0x3] =	wrdreg s16  }
0xb6: {  	[dreg:$0x4] =	wrdreg $0x82000  }
0xb7: {  	[dreg:$0x5] =	wrdreg $0x9  }
0xb8: {  	_ =	task.clear_ibuf [dreg:s7], $0x6FFFF;
	_ =	strace $0x90000049  }
0xb9: {  	s29 =	simm.s32 $0x9;
	_ =	strace $0x8000004B  }
0xba: {  	_ =	swait.ge [sflag:s29], $0x1  }
0xbb: {  	[sflag:s29] =	ssyncadd.s32 $0xFFFFFFFF  }
0xbc: {  	_ =	strace $0x9000004B  }
0xbd: {  	_ =	sfence  }
0xbe: {  	s30 =	sld [smem:$0x0];
	_ =	sdelay $0x2  }
0xbf: {  	s31 =	sshll.u32 s1, $0xD;
	s1 =	sshrl.u32 s1, $0x2  }
0xc0: {  	s3 =	sand.u32 $0x4000, s31;
	s1 =	sadd.s32 s1, s30  }
0xc1: {  	s0 =	sor.u32 s3, s0;
	s1 =	sshll.u32 s1, $0x11  }
0xc2: {  	s0 =	sor.u32 s1, s0  }
0xc3: {  	s0 =	sadd.s32 $0x8F2B, s0  }
0xc4: {  	[sflag:s0] =	ssyncadd.remote.s32 $0x1  }
0xc5: {  	_ =	sfence.sel $0xFFFF  }
0xc6: {  	[dreg:$0x0] =	wrdreg $0xFFFFFFFF;
	(pc) =	sbr.abs _section_cstart, $3  }
0xc7: {  	[dreg:$0x1] =	wrdreg $0xFFFFFFFF  }
0xc8: {  	_ =	task.clear_ibuf [dreg:s7], $0x2FFFF;
	_ =	strace $0x9FFFFFFF  }
0xc9: {  	(tm) =	ssettm $0x7FFFFFFF  }
tec
execute0_lowered:
.L_overlay_start_1:
0x0: {  	(tag) =	ssettag $0x1  }
0x1: {  	s0 =	rddreg [dreg:$0x0]  }
0x2: {  	s1 =	rddreg [dreg:$0x1]  }
0x3: {  	s2 =	rddreg [dreg:$0x2];
	s3 =	simm.s32 $0x0  }
0x4: {  	s6 =	srdreg.scid;
	s11 =	stileid.u32;
	s28 =	simm.s32 $0x4180  }
0x5: {  	s29 =	simm.s32 $0x4200;
	s30 =	simm.s32 $0x1;
	s31 =	simm.s32 $0x2  }
0x6: {  	[smem:$0x7FF] =	sst s3;
	s5 =	sadd.s32 $0xAB000, s0;
	s8 =	smul.u32 $0x50000, s11  }
0x7: {  	s4 =	sadd.s32 $0x7200, s0;
	s7 =	sadd.s32 $0x2200, s0;
	s9 =	smul.u32 $0x2800, s11  }
0x8: {  	s6 =	sand.u32 $0x1, s6;
	s0 =	sadd.s32 $0xC200, s0;
	s12 =	smul.u32 $0x14000, s11  }
0x9: {  	s16 =	smul.u32 $0x500, s11;
	_ =	strace $0x8000004A;
	s19 =	ssub.s32 $0x2, s6  }
0xa: {  	[dreg:$0x4] =	wrdreg s0;
	s10 =	sshrl.u32 s19, $0x1;
	s8 =	sshrl.u32 s8, $0x2  }
0xb: {  	s20 =	sshrl.u32 s9, $0x3;
	s21 =	sadd.s32 $0x4000, s12;
	s22 =	sadd.s32 $0x8000, s12  }
0xc: {  	s14 =	sadd.s32 $0xC000, s12;
	s13 =	smov.u32 s12;
	s12 =	sadd.s32 $0x10000, s12  }
0xd: {  	s17 =	sadd.s32 s16, s7;
	s18 =	sadd.s32 s16, s4;
	s16 =	simm.s32 $0x0  }
0xe: {  	s0 =	ssub.s32 s19, s10;
	s8 =	sadd.s32 s8, s2;
	[dreg:$0x7] =	wrdreg s21  }
0xf: {  	s9 =	sadd.s32 s4, s20;
	s23 =	sadd.s32 s21, s2;
	[dreg:$0x9] =	wrdreg s22  }
0x10: {  	s26 =	sadd.s32 s22, s2;
	s15 =	smov.u32 s14;
	s24 =	sadd.s32 s14, s2  }
0x11: {  	s14 =	smov.u32 s12;
	s25 =	sadd.s32 s12, s2;
	[dreg:$0xb] =	wrdreg s16  }
.Ltmp0:
0x12: {  	s19 =	simm.s32 $0x3;
	[dreg:$0x5] =	wrdreg s8;
	(pc) =	sbr.rel .LBB2_1-.Ltmp0, $4  }
0x13: {  	s21 =	simm.s32 $0x100;
	[dreg:$0x6] =	wrdreg s9;
	s8 =	sadd.s32 s7, s20  }
0x14: {  	s0 =	smax.u32 s0, $0x1;
	s20 =	simm.s32 $0x80;
	s22 =	sshrl.u32 s23, $0x3  }
0x15: {  	s23 =	sshrl.u32 s26, $0x3;
	s24 =	sshrl.u32 s24, $0x3;
	[dreg:$0x8] =	wrdreg s8  }
0x16: {  	s25 =	sshrl.u32 s25, $0x3;
	s26 =	simm.s32 $0x4100;
	[dreg:$0xa] =	wrdreg s0  }
.LBB2_7:
0x17: {  	s4 =	rddreg [dreg:$0xb]  }
0x18: {  	s0 =	rddreg [dreg:$0xa];
	s4 =	sadd.s32 $0x1, s4  }
0x19: {  	p0 =	sne.s32 s4, s0  }
.Ltmp1:
0x1a: {  	_ = 	snop;
	(pc) =	sbr.rel @!p0 .LBB2_8-.Ltmp1, $2  }
0x1b: {  	_ =	sdelay $0x2  }
0x1c: {  	[dreg:$0xb] =	wrdreg s4  }
.LBB2_1:
.Ltmp2:
0x1d: {  	(pc) =	sbr.rel .LBB2_2-.Ltmp2, $2  }
0x1e: {  	_ =	sdelay $0x2  }
0x1f: {  	p1 =	por $0x1, $0x1;
	s0 =	simm.s32 $0x0  }
.LBB2_6:
.Ltmp3:
0x20: {  	(pc) =	sbr.rel @!p0 .LBB2_7-.Ltmp3, $2  }
0x21: {  	_ =	sdelay $0x2  }
0x22: {  	s0 =	simm.s32 $0x2;
	p1 =	por $0x0, $0x0  }
.LBB2_2:
0x23: {  	s0 =	sor.u32 s6, s0  }
0x24: {  	p2 =	seq.s32 s0, $0x3  }
.Ltmp4:
0x25: {  	_ = 	snop;
	(pc) =	sbr.rel @p2 .LBB2_6-.Ltmp4, $2  }
0x26: {  	_ =	sdelay $0x2  }
0x27: {  	p0 =	por p1, p1  }
0x28: {  	s4 =	stileid.u32  }
0x29: {  	s10 =	rddreg [dreg:$0x5];
	s4 =	sshll.u32 s4, $0x6  }
0x2a: {  	s7 =	rddreg [dreg:$0x4];
	s16 =	sor.u32 $0x1C03, s4;
	s4 =	sshrl.u32 s10, $0x3  }
0x2b: {  	[spmem:s4], [sflag:s16] =	dma.local [hbm:s7], $0x2800  }
0x2c: {  	_ =	swait.ge [sflag:s19], $0x2800  }
0x2d: {  	[sflag:s19] =	ssyncset.done $0x0  }
0x2e: {  	[sflag:s19] =	ssyncadd.s32 $0xFFFFD800  }
0x2f: {  	[bflag:$0x0] =	sbarrier.arrive $0xFFFF  }
0x30: {  	s7 =	simm.s32 $0x0;
	s8 =	rddreg [dreg:$0x6]  }
0x31: {  	[tilespmem:s7], [sflag:$0x3] =	stream.linear.gather [hbm4b:s8+s7], $0x80, $0x38;
	[tilespmem:$0x1C200] =	vst v63  }
0x32: {  	_ =	swait.ge [sflag:s19], $0x80  }
0x33: {  	[sflag:s19] =	ssyncset.done $0x0  }
0x34: {  	s11 =	rddreg [dreg:$0x8];
	[sflag:s19] =	ssyncadd.s32 $0xFFFFFF80  }
0x35: {  	[tilespmem:s20], [sflag:$0x3] =	stream.linear.gather [hbm4b:s11+s7], $0x80, $0x38;
	[tilespmem:$0x1C200] =	vst v63  }
0x36: {  	_ =	swait.ge [sflag:s19], $0x80  }
0x37: {  	[sflag:s19] =	ssyncset.done $0x0  }
0x38: {  	[sflag:s19] =	ssyncadd.s32 $0xFFFFFF80  }
0x39: {  	v0 =	vld [tilespmem:$0x0]  }
0x3a: {  	v1 =	vld [tilespmem:$0x10]  }
0x3b: {  	v2 =	vld [tilespmem:$0x20]  }
0x3c: {  	s12 =	smul.u32 $0x2710, s0;
	v3 =	vld [tilespmem:$0x30]  }
0x3d: {  	v4 =	vld [tilespmem:$0x40]  }
0x3e: {  	v5 =	vld [tilespmem:$0x50];
	v0 =	vadd.s32 s12, v0  }
0x3f: {  	[tilespmem:$0x0] =	vst v0;
	v0 =	vadd.s32 s12, v1;
	v1 =	vld [tilespmem:$0x60]  }
0x40: {  	[tilespmem:$0x10] =	vst v0;
	v0 =	vadd.s32 s12, v2;
	v2 =	vld [tilespmem:$0x70]  }
0x41: {  	[tilespmem:$0x20] =	vst v0;
	v0 =	vadd.s32 s12, v3  }
0x42: {  	[tilespmem:$0x30] =	vst v0;
	v0 =	vadd.s32 s12, v4  }
0x43: {  	[tilespmem:$0x40] =	vst v0;
	v0 =	vadd.s32 s12, v5  }
0x44: {  	[tilespmem:$0x50] =	vst v0;
	v0 =	vadd.s32 s12, v1  }
0x45: {  	[tilespmem:$0x60] =	vst v0;
	v0 =	vadd.s32 s12, v2  }
0x46: {  	s9 =	sadd.s32 $0x0, s18;
	[tilespmem:$0x70] =	vst v0  }
0x47: {  	[tilespmem:s21], [sflag:$0x1] =	stream.indirect.gather [hbm4b:s5+s20], $0x80, s7, s20, $0xb8;
	[tilespmem:$0x1C200] =	vst v63  }
0x48: {  	s9 =	sadd.s32 $0x10, s9  }
0x49: {  	[tilespmem:s26], [sflag:$0x3] =	stream.linear.gather [hbm4b:s9+s3], $0x80, $0x38;
	[tilespmem:$0x1C200] =	vst v63  }
0x4a: {  	v0 =	vmov s12;
	s9 =	simm.s32 $0x20  }
.LBB2_4:
0x4b: {  	_ =	swait.ge [sflag:s19], $0x80;
	s8 =	smov.u32 s9;
	s9 =	sadd.s32 $0x20, s9  }
0x4c: {  	s10 =	sadd.s32 s7, s17;
	p1 =	sne.s32 s9, $0x500;
	[sflag:s19] =	ssyncset.done $0x0  }
0x4d: {  	s10 =	sadd.s32 $0x10, s10;
	[sflag:s19] =	ssyncadd.s32 $0xFFFFFF80  }
0x4e: {  	[tilespmem:s28], [sflag:$0x3] =	stream.linear.gather [hbm4b:s10+s3], $0x80, $0x38;
	[tilespmem:$0x1C200] =	vst v63  }
0x4f: {  	_ =	swait.ge [sflag:s19], $0x80  }
0x50: {  	[sflag:s19] =	ssyncset.done $0x0  }
0x51: {  	[sflag:s19] =	ssyncadd.s32 $0xFFFFFF80  }
0x52: {  	v1 =	vld [tilespmem:$0x4140]  }
0x53: {  	v2 =	vld [tilespmem:$0x4130]  }
0x54: {  	v3 =	vld [tilespmem:$0x4170]  }
0x55: {  	v4 =	vld [tilespmem:$0x4160]  }
0x56: {  	v5 =	vld [tilespmem:$0x4150]  }
0x57: {  	v6 =	vld [tilespmem:$0x4120];
	v1 =	vadd.s32 v0, v1  }
0x58: {  	v7 =	vld [tilespmem:$0x4100];
	v2 =	vadd.s32 v0, v2;
	[tilespmem:$0x4140] =	vst v1  }
0x59: {  	v1 =	vld [tilespmem:$0x4110];
	[tilespmem:$0x4130] =	vst v2;
	v2 =	vadd.s32 v0, v3  }
0x5a: {  	v3 =	vadd.s32 v0, v4;
	[tilespmem:$0x4170] =	vst v2  }
0x5b: {  	v2 =	vadd.s32 v0, v5;
	[tilespmem:$0x4160] =	vst v3  }
0x5c: {  	v3 =	vadd.s32 v0, v6;
	[tilespmem:$0x4150] =	vst v2  }
0x5d: {  	v2 =	vadd.s32 v0, v7;
	[tilespmem:$0x4120] =	vst v3  }
0x5e: {  	[tilespmem:$0x4100] =	vst v2;
	v1 =	vadd.s32 v0, v1  }
0x5f: {  	[tilespmem:$0x4110] =	vst v1  }
0x60: {  	[tilespmem:s29], [sflag:$0x2] =	stream.indirect.gather [hbm4b:s5+s20], $0x80, s26, s20, $0xb8;
	[tilespmem:$0x1C200] =	vst v63  }
0x61: {  	_ =	swait.ge [sflag:s30], $0x4000  }
0x62: {  	[sflag:s30] =	ssyncset.done $0x0  }
0x63: {  	[sflag:s30] =	ssyncadd.s32 $0xFFFFC000  }
0x64: {  	[spmem:s2] =	stream.indirect.scatter.add.f32 [tilespmem:s21], [sflag:$0x3], $0x80, s20, s20, $0xb8;
	[tilespmem:$0x1C200] =	vst v63  }
0x65: {  	p2 =	seq.s32 s7, $0x4E0;
	_ =	swait.ge [sflag:s19], $0x4000  }
0x66: {  	s11 =	simm.s32 @!p2 $0x3;
	s10 =	sadd.s32 @!p2 s7, s18;
	[sflag:s19] =	ssyncset.done $0x0  }
0x67: {  	s12 =	simm.s32 @!p2 $0x0;
	s10 =	sadd.s32 @!p2 $0x20, s10;
	[sflag:s19] =	ssyncadd.s32 $0xFFFFC000  }
0x68: {  	[tilespmem:s12], [sflag:$0x3] =	stream.linear.gather @!p2 [hbm4b:s10+s12], $0x80, $0x38;
	[tilespmem:$0x1C200] =	vst v63  }
0x69: {  	s10 =	sadd.s32 @!p2 s7, s17;
	s7 =	smov.u32 s8;
	_ =	swait.ge @!p2 [sflag:s11], $0x80  }
0x6a: {  	s8 =	sadd.s32 @!p2 $0x20, s10;
	[sflag:s11] =	ssyncset.done @!p2 $0x0  }
0x6b: {  	s10 =	simm.s32 @!p2 $0x80;
	[sflag:s11] =	ssyncadd.s32 @!p2 $0xFFFFFF80  }
0x6c: {  	[tilespmem:s10], [sflag:$0x3] =	stream.linear.gather @!p2 [hbm4b:s8+s12], $0x80, $0x38;
	[tilespmem:$0x1C200] =	vst v63  }
0x6d: {  	_ =	swait.ge @!p2 [sflag:s11], $0x80  }
0x6e: {  	[sflag:s11] =	ssyncset.done @!p2 $0x0  }
0x6f: {  	[sflag:s11] =	ssyncadd.s32 @!p2 $0xFFFFFF80  }
0x70: {  	v1 =	vld @!p2 [tilespmem:$0x70]  }
0x71: {  	v2 =	vld @!p2 [tilespmem:$0x60]  }
0x72: {  	v3 =	vld @!p2 [tilespmem:$0x20]  }
0x73: {  	v4 =	vld @!p2 [tilespmem:$0x30]  }
0x74: {  	v5 =	vld @!p2 [tilespmem:$0x50]  }
0x75: {  	v6 =	vld @!p2 [tilespmem:$0x10];
	v1 =	vadd.s32 @!p2 v0, v1  }
0x76: {  	v7 =	vld @!p2 [tilespmem:$0x0];
	v2 =	vadd.s32 @!p2 v0, v2;
	[tilespmem:$0x70] =	vst @!p2 v1  }
0x77: {  	v1 =	vadd.s32 @!p2 v0, v3;
	v3 =	vld @!p2 [tilespmem:$0x40];
	[tilespmem:$0x60] =	vst @!p2 v2  }
0x78: {  	[tilespmem:$0x20] =	vst @!p2 v1;
	v1 =	vadd.s32 @!p2 v0, v4  }
0x79: {  	[tilespmem:$0x30] =	vst @!p2 v1;
	v1 =	vadd.s32 @!p2 v0, v5  }
0x7a: {  	v2 =	vadd.s32 @!p2 v0, v6;
	[tilespmem:$0x50] =	vst @!p2 v1  }
0x7b: {  	v1 =	vadd.s32 @!p2 v0, v7;
	[tilespmem:$0x10] =	vst @!p2 v2  }
0x7c: {  	v2 =	vadd.s32 @!p2 v0, v3  }
0x7d: {  	[tilespmem:$0x0] =	vst @!p2 v1  }
0x7e: {  	s8 =	simm.s32 @!p2 $0x100;
	[tilespmem:$0x40] =	vst @!p2 v2  }
0x7f: {  	[tilespmem:s8], [sflag:$0x1] =	stream.indirect.gather @!p2 [hbm4b:s5+s10], $0x80, s12, s10, $0xb8;
	[tilespmem:$0x1C200] =	vst v63  }
0x80: {  	_ =	swait.ge [sflag:s31], $0x4000  }
0x81: {  	[sflag:s31] =	ssyncset.done $0x0  }
0x82: {  	[sflag:s31] =	ssyncadd.s32 $0xFFFFC000  }
0x83: {  	[spmem:s2] =	stream.indirect.scatter.add.f32 [tilespmem:s29], [sflag:$0x3], $0x80, s28, s20, $0xb8;
	[tilespmem:$0x1C200] =	vst v63  }
.Ltmp5:
0x84: {  	_ = 	snop;
	(pc) =	sbr.rel @p1 .LBB2_4-.Ltmp5, $4  }
0x85: {  	_ =	swait.ge [sflag:s19], $0x4000  }
0x86: {  	s8 =	sadd.s32 s7, s18;
	[sflag:s19] =	ssyncset.done $0x0  }
0x87: {  	s8 =	sadd.s32 $0x10, s8;
	[sflag:s19] =	ssyncadd.s32 $0xFFFFC000  }
0x88: {  	[tilespmem:s26], [sflag:$0x3] =	stream.linear.gather [hbm4b:s8+s3], $0x80, $0x38;
	[tilespmem:$0x1C200] =	vst v63  }
0x89: {  	_ =	swait.ge [sflag:s19], $0x80  }
0x8a: {  	s8 =	sadd.s32 s7, s17;
	[sflag:s19] =	ssyncset.done $0x0  }
0x8b: {  	s8 =	sadd.s32 $0x10, s8;
	[sflag:s19] =	ssyncadd.s32 $0xFFFFFF80  }
0x8c: {  	[tilespmem:s28], [sflag:$0x3] =	stream.linear.gather [hbm4b:s8+s3], $0x80, $0x38;
	[tilespmem:$0x1C200] =	vst v63  }
0x8d: {  	_ =	swait.ge [sflag:s19], $0x80  }
0x8e: {  	[sflag:s19] =	ssyncset.done $0x0  }
0x8f: {  	[sflag:s19] =	ssyncadd.s32 $0xFFFFFF80  }
0x90: {  	v1 =	vld [tilespmem:$0x4140]  }
0x91: {  	v2 =	vld [tilespmem:$0x4130]  }
0x92: {  	v3 =	vld [tilespmem:$0x4170]  }
0x93: {  	v4 =	vld [tilespmem:$0x4160]  }
0x94: {  	v5 =	vld [tilespmem:$0x4150]  }
0x95: {  	v6 =	vld [tilespmem:$0x4120];
	v1 =	vadd.s32 v0, v1  }
0x96: {  	v7 =	vld [tilespmem:$0x4100];
	v2 =	vadd.s32 v0, v2;
	[tilespmem:$0x4140] =	vst v1  }
0x97: {  	v58 =	vld [tilespmem:$0x4110];
	v59 =	vadd.s32 v0, v3;
	[tilespmem:$0x4130] =	vst v2  }
0x98: {  	v60 =	vadd.s32 v0, v4;
	[tilespmem:$0x4170] =	vst v59  }
0x99: {  	v61 =	vadd.s32 v0, v5;
	[tilespmem:$0x4160] =	vst v60  }
0x9a: {  	v62 =	vadd.s32 v0, v6;
	[tilespmem:$0x4150] =	vst v61  }
0x9b: {  	v63 =	vadd.s32 v0, v7;
	[tilespmem:$0x4120] =	vst v62  }
0x9c: {  	[tilespmem:$0x4100] =	vst v63;
	v1 =	vadd.s32 v0, v58  }
0x9d: {  	[tilespmem:$0x4110] =	vst v1  }
0x9e: {  	[tilespmem:s29], [sflag:$0x2] =	stream.indirect.gather [hbm4b:s5+s20], $0x80, s26, s20, $0xb8;
	[tilespmem:$0x1C200] =	vst v63  }
0x9f: {  	_ =	swait.ge [sflag:s30], $0x4000  }
0xa0: {  	[sflag:s30] =	ssyncset.done $0x0  }
0xa1: {  	[sflag:s30] =	ssyncadd.s32 $0xFFFFC000  }
0xa2: {  	[spmem:s2] =	stream.indirect.scatter.add.f32 [tilespmem:s21], [sflag:$0x3], $0x80, s20, s20, $0xb8;
	[tilespmem:$0x1C200] =	vst v63  }
0xa3: {  	p1 =	seq.s32 s7, $0x4E0;
	_ =	swait.ge [sflag:s19], $0x4000  }
0xa4: {  	s9 =	simm.s32 @!p1 $0x3;
	s8 =	sadd.s32 @!p1 s7, s18;
	[sflag:s19] =	ssyncset.done $0x0  }
0xa5: {  	s10 =	simm.s32 @!p1 $0x0;
	s8 =	sadd.s32 @!p1 $0x20, s8;
	[sflag:s19] =	ssyncadd.s32 $0xFFFFC000  }
0xa6: {  	[tilespmem:s10], [sflag:$0x3] =	stream.linear.gather @!p1 [hbm4b:s8+s10], $0x80, $0x38;
	[tilespmem:$0x1C200] =	vst v63  }
0xa7: {  	_ =	swait.ge @!p1 [sflag:s9], $0x80  }
0xa8: {  	s7 =	sadd.s32 @!p1 s7, s17;
	[sflag:s9] =	ssyncset.done @!p1 $0x0  }
0xa9: {  	s7 =	sadd.s32 @!p1 $0x20, s7;
	s8 =	simm.s32 @!p1 $0x80;
	[sflag:s9] =	ssyncadd.s32 @!p1 $0xFFFFFF80  }
0xaa: {  	[tilespmem:s8], [sflag:$0x3] =	stream.linear.gather @!p1 [hbm4b:s7+s10], $0x80, $0x38;
	[tilespmem:$0x1C200] =	vst v63  }
0xab: {  	_ =	swait.ge @!p1 [sflag:s9], $0x80  }
0xac: {  	[sflag:s9] =	ssyncset.done @!p1 $0x0  }
0xad: {  	[sflag:s9] =	ssyncadd.s32 @!p1 $0xFFFFFF80  }
0xae: {  	v1 =	vld @!p1 [tilespmem:$0x70]  }
0xaf: {  	v2 =	vld @!p1 [tilespmem:$0x60]  }
0xb0: {  	v3 =	vld @!p1 [tilespmem:$0x20]  }
0xb1: {  	v6 =	vld @!p1 [tilespmem:$0x10]  }
0xb2: {  	v4 =	vld @!p1 [tilespmem:$0x30]  }
0xb3: {  	v5 =	vld @!p1 [tilespmem:$0x50];
	v1 =	vadd.s32 @!p1 v0, v1  }
0xb4: {  	v7 =	vld @!p1 [tilespmem:$0x0];
	v2 =	vadd.s32 @!p1 v0, v2;
	[tilespmem:$0x70] =	vst @!p1 v1  }
0xb5: {  	v1 =	vadd.s32 @!p1 v0, v3;
	v3 =	vld @!p1 [tilespmem:$0x40];
	[tilespmem:$0x60] =	vst @!p1 v2  }
0xb6: {  	v2 =	vadd.s32 @!p1 v0, v6;
	[tilespmem:$0x20] =	vst @!p1 v1  }
0xb7: {  	v1 =	vadd.s32 @!p1 v0, v4;
	[tilespmem:$0x10] =	vst @!p1 v2  }
0xb8: {  	[tilespmem:$0x30] =	vst @!p1 v1;
	v1 =	vadd.s32 @!p1 v0, v5  }
0xb9: {  	[tilespmem:$0x50] =	vst @!p1 v1;
	v1 =	vadd.s32 @!p1 v0, v7  }
0xba: {  	[tilespmem:$0x0] =	vst @!p1 v1;
	v0 =	vadd.s32 @!p1 v0, v3  }
0xbb: {  	s7 =	simm.s32 @!p1 $0x100;
	[tilespmem:$0x40] =	vst @!p1 v0  }
0xbc: {  	[tilespmem:s7], [sflag:$0x1] =	stream.indirect.gather @!p1 [hbm4b:s5+s8], $0x80, s10, s8, $0xb8;
	[tilespmem:$0x1C200] =	vst v63  }
0xbd: {  	_ =	swait.ge [sflag:s31], $0x4000  }
0xbe: {  	[sflag:s31] =	ssyncset.done $0x0  }
0xbf: {  	s0 =	smul.u32 $0x140000, s0;
	[sflag:s31] =	ssyncadd.s32 $0xFFFFC000  }
0xc0: {  	[spmem:s2] =	stream.indirect.scatter.add.f32 [tilespmem:s29], [sflag:$0x3], $0x80, s28, s20, $0xb8;
	[tilespmem:$0x1C200] =	vst v63  }
0xc1: {  	_ =	swait.ge [sflag:s19], $0x4000  }
0xc2: {  	s9 =	sadd.s32 s13, s0;
	[sflag:s19] =	ssyncset.done $0x0  }
0xc3: {  	s7 =	sshrl.u32 s9, $0x3;
	[sflag:s19] =	ssyncadd.s32 $0xFFFFC000  }
0xc4: {  	s7 =	sadd.s32 s1, s7;
	[bflag:$0x0] =	sbarrier.arrive $0xFFFF  }
0xc5: {  	[hbm:s7], [sflag:s16] =	dma.local [spmem:s4], $0x800  }
0xc6: {  	_ =	swait.ge [sflag:s19], $0x800  }
0xc7: {  	s10 =	rddreg [dreg:$0x7]  }
0xc8: {  	s4 =	sadd.s32 s10, s0  }
0xc9: {  	[sflag:s19] =	ssyncset.done $0x0;
	s4 =	sshrl.u32 s4, $0x3  }
0xca: {  	[sflag:s19] =	ssyncadd.s32 $0xFFFFF800;
	s4 =	sadd.s32 s1, s4  }
0xcb: {  	[hbm:s4], [sflag:s16] =	dma.local [spmem:s22], $0x800  }
0xcc: {  	_ =	swait.ge [sflag:s19], $0x800  }
0xcd: {  	s11 =	rddreg [dreg:$0x9]  }
0xce: {  	s4 =	sadd.s32 s11, s0  }
0xcf: {  	[sflag:s19] =	ssyncset.done $0x0;
	s4 =	sshrl.u32 s4, $0x3  }
0xd0: {  	[sflag:s19] =	ssyncadd.s32 $0xFFFFF800;
	s4 =	sadd.s32 s1, s4  }
0xd1: {  	[hbm:s4], [sflag:s16] =	dma.local [spmem:s23], $0x800  }
0xd2: {  	s12 =	sadd.s32 s15, s0;
	_ =	swait.ge [sflag:s19], $0x800  }
0xd3: {  	s4 =	sshrl.u32 s12, $0x3;
	[sflag:s19] =	ssyncset.done $0x0  }
0xd4: {  	s4 =	sadd.s32 s1, s4;
	[sflag:s19] =	ssyncadd.s32 $0xFFFFF800  }
0xd5: {  	[hbm:s4], [sflag:s16] =	dma.local [spmem:s24], $0x800  }
0xd6: {  	s0 =	sadd.s32 s14, s0;
	_ =	swait.ge [sflag:s19], $0x800  }
0xd7: {  	s0 =	sshrl.u32 s0, $0x3;
	[sflag:s19] =	ssyncset.done $0x0  }
0xd8: {  	s0 =	sadd.s32 s1, s0;
	[sflag:s19] =	ssyncadd.s32 $0xFFFFF800  }
0xd9: {  	[hbm:s0], [sflag:s16] =	dma.local [spmem:s25], $0x800  }
.Ltmp6:
0xda: {  	_ =	swait.ge [sflag:s19], $0x800;
	(pc) =	sbr.rel .LBB2_6-.Ltmp6, $3  }
0xdb: {  	[sflag:s19] =	ssyncset.done $0x0  }
0xdc: {  	[sflag:s19] =	ssyncadd.s32 $0xFFFFF800  }
0xdd: {  	[bflag:$0x0] =	sbarrier.arrive $0xFFFF;
	_ =	sdelay $0x1  }
.LBB2_8:
0xde: {  	_ =	sfence.sel $0x180000  }
0xdf: {  	[bflag:$0x0] =	sbarrier.arrive $0xFFFF  }
0xe0: {  	_ =	strace $0x9000004A  }
0xe1: {  	s0 =	stileid.u32;
	[bflag:$0x2] =	sbarrier.arrive $0xFFFF  }
0xe2: {  	p0 =	sne.s32 s0, $0x0;
	s0 =	rddreg [dreg:$0x3]  }
0xe3: {  	s0 =	sadd.s32 @!p0 $0x100000, s0  }
0xe4: {  	[sflag:s0] =	ssyncadd.tile.s32 @!p0 $0x1;
	_ =	shalt  }
.Lfunc_end2:
_tile_overlayer_lowered:
.L_overlay_start_2:
0xe5: {  	(tag) =	ssettag $0x2  }
0xe6: {  	s0 =	rddreg [dreg:$0x0];
	s2 =	stileid.u32  }
0xe7: {  	s1 =	rddreg [dreg:$0x1];
	p0 =	sne.s32 s2, $0x0  }
0xe8: {  	s3 =	rddreg [dreg:$0x2];
	[bflag:$0x3] =	sbarrier.arrive $0xFFFF;
	s2 =	simm.s32 @!p0 $0x1C03  }
0xe9: {  	[timem:s3], [sflag:s2] =	dma.local @!p0 [hbm:s0], s1  }
0xea: {  	s0 =	simm.s32 @!p0 $0x3  }
0xeb: {  	_ =	swait.ge @!p0 [sflag:s0], s1  }
0xec: {  	s1 =	ssub.s32 @!p0 $0x0, s1;
	[sflag:s0] =	ssyncset.done @!p0 $0x0  }
0xed: {  	[sflag:s0] =	ssyncadd.s32 @!p0 s1  }
0xee: {  	[bflag:$0x3] =	sbarrier.arrive $0xFFFF  }
0xef: {  	_ =	shalt  }

// kernel: kernel.14.cloned.1.call-start
scs
__scs_entry_jumppad:
0x0: {  	(pc) =	sbr.rel $0x88, $3  }
0x1: {  	(tag) =	ssettag $0x0;
	lr =	simm.s32 $0x1  }
0x2: {  	[smem:$0x3F99] =	sst lr;
	_ =	strace $0xD0000000  }
0x3: {  	_ = 	snop  }
0x4: {  	_ = 	snop  }
0x5: {  	_ = 	snop  }
0x6: {  	_ = 	snop  }
0x7: {  	_ = 	snop  }
__scs_overlays_trampoline_lowered:
0x8: {  	[smem:$0x3FA8] =	sst s0  }
0x9: {  	[smem:$0x3FA9] =	sst s1  }
0xa: {  	[smem:$0x3FAA] =	sst s2  }
0xb: {  	[smem:$0x3FAB] =	sst s3  }
0xc: {  	[smem:$0x3FAC] =	sst s4  }
0xd: {  	[smem:$0x3FAD] =	sst s5  }
0xe: {  	[smem:$0x3FAE] =	sst s6  }
0xf: {  	[smem:$0x3FAF] =	sst s7  }
0x10: {  	[smem:$0x3FB0] =	sst s8  }
0x11: {  	[smem:$0x3FB1] =	sst s9;
	s0 =	simm.s32 @!p0 $0x0  }
0x12: {  	s1 =	sld [smem:$0x3F97];
	s0 =	simm.s32 @p0 $0x1  }
0x13: {  	[smem:$0x3FB2] =	sst s0;
	s0 =	simm.s32 @!p1 $0x0  }
0x14: {  	s2 =	sld [smem:$0x3F96];
	s0 =	simm.s32 @p1 $0x1  }
0x15: {  	[smem:$0x3FB3] =	sst s0;
	s0 =	simm.s32 @!p2 $0x0  }
0x16: {  	s3 =	sld [smem:$0x3FDB];
	s0 =	simm.s32 @p2 $0x1  }
0x17: {  	s4 =	simm.s32 $0x1BF5;
	[smem:$0x3FB5] =	sst s0  }
0x18: {  	s0 =	sld [smem:$0x3F98];
	_ =	swait.ge [sflag:s4], $0x0  }
0x19: {  	s7 =	sld [smem:$0x3F99]  }
0x1a: {  	s8 =	sadd.s32 $0xFFFFE003, lr  }
0x1b: {  	s9 =	sadd.s32 $0xFFFFFEF7, lr;
	s5 =	simm.s32 $0xFFFFFFFF;
	p2 =	slt.u32 s8, $0xFFFFF086  }
0x1c: {  	p1 =	slt.u32 s9, $0xF7A;
	s5 =	simm.s32 @!p2 $0x0  }
0x1d: {  	s5 =	simm.s32 @p1 $0x1;
	p0 =	seq.s32 s7, s2  }
0x1e: {  	s7 =	smul.u32 @!p0 $0xF7A, s2;
	p2 =	seq.s32 @!p0 s5, $0x0  }
0x1f: {  	s9 =	smul.u32 $0xF7A, s1;
	s8 =	simm.s32 @!p0 $0x1BF5;
	p2 =	por !p2, p0  }
0x20: {  	[sflag:s8] =	ssyncset.s32 @!p0 $0xFFFFF086;
	s6 =	sadd.s32 @!p0 s3, s7;
	s7 =	simm.s32 @!p0 $0x108  }
0x21: {  	s3 =	sadd.s32 s3, s9;
	s6 =	sadd.s32 @!p0 $0x88, s6;
	s7 =	simm.s32 @p2 $0x1082  }
0x22: {  	[simem:s7], [sflag:s8] =	dma.local @!p0 [hbm:s6], $0xF7A  }
0x23: {  	s9 =	sor.u32 $0xD0000000, s2;
	s6 =	simm.s32 $0x108;
	_ =	swait.ge @!p0 [sflag:s8], $0x0  }
0x24: {  	s3 =	sadd.s32 $0x88, s3;
	s6 =	simm.s32 @!p1 $0x1082;
	[sflag:s4] =	ssyncset.s32 $0xFFFFF086  }
0x25: {  	[simem:s6], [sflag:s4] =	dma.local [hbm:s3], $0xF7A  }
0x26: {  	[smem:$0x3F99] =	sst s1;
	(tag) =	ssettag s2;
	_ =	strace s9  }
0x27: {  	s1 =	sld [smem:$0x3FA9]  }
0x28: {  	s2 =	sld [smem:$0x3FAA]  }
0x29: {  	s4 =	sld [smem:$0x3FAC]  }
0x2a: {  	p0 =	seq.s32 s5, $0x0;
	s5 =	sld [smem:$0x3FAD]  }
0x2b: {  	s6 =	sld [smem:$0x3FAE]  }
0x2c: {  	s7 =	sld [smem:$0x3FAF]  }
0x2d: {  	s3 =	simm.s32 $0x108;
	s8 =	sld [smem:$0x3FB0]  }
0x2e: {  	s3 =	simm.s32 @!p0 $0x1082;
	s9 =	sld [smem:$0x3FB1]  }
0x2f: {  	lr =	sadd.s32 s0, s3;
	s0 =	sld [smem:$0x3FA8]  }
0x30: {  	s3 =	sld [smem:$0x3FAB]  }
0x31: {  	[smem:$0x3FB4] =	sst s10  }
0x32: {  	s10 =	sld [smem:$0x3FB2];
	_ =	sdelay $0x3  }
0x33: {  	p0 =	seq.s32 s10, $0x1;
	s10 =	sld [smem:$0x3FB4];
	_ =	sdelay $0x3  }
0x34: {  	[smem:$0x3FB4] =	sst s10  }
0x35: {  	s10 =	sld [smem:$0x3FB3];
	_ =	sdelay $0x3  }
0x36: {  	p1 =	seq.s32 s10, $0x1;
	s10 =	sld [smem:$0x3FB4];
	_ =	sdelay $0x3  }
0x37: {  	[smem:$0x3FB4] =	sst s10  }
0x38: {  	s10 =	sld [smem:$0x3FB5]  }
0x39: {  	_ = 	snop;
	(pc) =	sbr.ind lr, $3  }
0x3a: {  	_ = 	snop  }
0x3b: {  	_ = 	snop  }
0x3c: {  	p2 =	seq.s32 s10, $0x1;
	s10 =	sld [smem:$0x3FB4]  }
0x3d: {  	_ =	shalt  }
0x3e: {  	_ =	shalt  }
0x3f: {  	_ =	shalt  }
0x40: {  	_ =	shalt  }
0x41: {  	_ =	shalt  }
0x42: {  	_ =	shalt  }
0x43: {  	_ =	shalt  }
0x44: {  	_ =	shalt  }
0x45: {  	_ =	shalt  }
0x46: {  	_ =	shalt  }
0x47: {  	_ =	shalt  }
0x48: {  	_ =	shalt  }
0x49: {  	_ =	shalt  }
0x4a: {  	_ =	shalt  }
0x4b: {  	_ =	shalt  }
0x4c: {  	_ =	shalt  }
0x4d: {  	_ =	shalt  }
0x4e: {  	_ =	shalt  }
0x4f: {  	_ =	shalt  }
0x50: {  	_ =	shalt  }
0x51: {  	_ =	shalt  }
0x52: {  	_ =	shalt  }
0x53: {  	_ =	shalt  }
0x54: {  	_ =	shalt  }
0x55: {  	_ =	shalt  }
0x56: {  	_ =	shalt  }
0x57: {  	_ =	shalt  }
0x58: {  	_ =	shalt  }
0x59: {  	_ =	shalt  }
0x5a: {  	_ =	shalt  }
0x5b: {  	_ =	shalt  }
0x5c: {  	_ =	shalt  }
0x5d: {  	_ =	shalt  }
0x5e: {  	_ =	shalt  }
0x5f: {  	_ =	shalt  }
0x60: {  	_ =	shalt  }
0x61: {  	_ =	shalt  }
0x62: {  	_ =	shalt  }
0x63: {  	_ =	shalt  }
0x64: {  	_ =	shalt  }
0x65: {  	_ =	shalt  }
0x66: {  	_ =	shalt  }
0x67: {  	_ =	shalt  }
0x68: {  	_ =	shalt  }
0x69: {  	_ =	shalt  }
0x6a: {  	_ =	shalt  }
0x6b: {  	_ =	shalt  }
0x6c: {  	_ =	shalt  }
0x6d: {  	_ =	shalt  }
0x6e: {  	_ =	shalt  }
0x6f: {  	_ =	shalt  }
0x70: {  	_ =	shalt  }
0x71: {  	_ =	shalt  }
0x72: {  	_ =	shalt  }
0x73: {  	_ =	shalt  }
0x74: {  	_ =	shalt  }
0x75: {  	_ =	shalt  }
0x76: {  	_ =	shalt  }
0x77: {  	_ =	shalt  }
0x78: {  	_ =	shalt  }
0x79: {  	_ =	shalt  }
0x7a: {  	_ =	shalt  }
0x7b: {  	_ =	shalt  }
0x7c: {  	_ =	shalt  }
0x7d: {  	_ =	shalt  }
0x7e: {  	_ =	shalt  }
0x7f: {  	_ =	shalt  }
0x80: {  	_ =	shalt  }
0x81: {  	_ =	shalt  }
0x82: {  	_ =	shalt  }
0x83: {  	_ =	shalt  }
0x84: {  	_ =	shalt  }
0x85: {  	_ =	shalt  }
0x86: {  	_ =	shalt  }
0x87: {  	_ =	shalt  }
.Lfunc_end0:
.L_simem_size_0:
called_computation.2_lowered:
.L_overlay_start_0:
0x88: {  	s2 =	sld [smem:$0x3FD9]  }
0x89: {  	s3 =	sld [smem:$0x3FFE];
	_ =	sdelay $0x1  }
0x8a: {  	s1 =	srdreg.scid  }
0x8b: {  	s0 =	sand.u32 $0x1, s1  }
0x8c: {  	s16 =	sshll.u32 s0, $0xA;
	s2 =	sadd.s32 s3, s2  }
0x8d: {  	s2 =	sadd.s32 s2, s16  }
0x8e: {  	[smem:$0x3FC0] =	sst s2  }
0x8f: {  	_ = 	snop  }
0x90: {  	(tm) =	ssettm $0x1  }
0x91: {  	s17 =	sld [smem:$0x3FFB];
	_ =	sdelay $0x3  }
0x92: {  	_ =	strace s17  }
0x93: {  	s2 =	sld [smem:$0x3FFC];
	_ =	sdelay $0x3  }
0x94: {  	_ =	strace s2  }
0x95: {  	s2 =	sld [smem:$0x3FFD];
	_ =	sdelay $0x3  }
0x96: {  	_ =	strace s2  }
0x97: {  	_ =	strace $0x8FFFFFFF  }
0x98: {  	s18 =	sld [smem:$0x3FDB];
	_ =	sdelay $0x1  }
0x99: {  	s19 =	simm.s32 $_scs_section_size  }
0x9a: {  	s4 =	simm.s32 $_size__tile_overlayer_lowered;
	s5 =	simm.s32 $_tile_overlayer_lowered  }
0x9b: {  	s22 =	simm.s32 $0x1BFF;
	s21 =	sshll.u32 s5, $0x1;
	s2 =	sadd.s32 s19, s18  }
0x9c: {  	s6 =	simm.s32 $0x0;
	s20 =	sshll.u32 s4, $0x1;
	s4 =	sadd.s32 s21, s2  }
0x9d: {  	[timem:s6], [sflag:s22] =	dma.local [hbm:s4], s20  }
0x9e: {  	_ =	swait.ge [sflag:s22], s20  }
0x9f: {  	s3 =	ssub.s32 $0x0, s20;
	[sflag:s22] =	ssyncset.done $0x0  }
0xa0: {  	[sflag:s22] =	ssyncadd.s32 s3;
	_ =	sdelay $0x1  }
0xa1: {  	s23 =	simm.s32 $0x1B8B  }
0xa2: {  	_ =	swait.ge [sflag:s23], $0x1  }
0xa3: {  	[sflag:s23] =	ssyncset.done $0x0  }
0xa4: {  	s25 =	simm.s32 $0x1B8E;
	s24 =	sld [smem:$0x3FFE];
	[sflag:s23] =	ssyncadd.s32 $0xFFFFFFFF  }
0xa5: {  	s26 =	simm.s32 $execute0_lowered;
	[smem:$0x3FD2] =	sst s25  }
0xa6: {  	s4 =	sshll.u32 s26, $0x1;
	_ =	strace $0x8000004C;
	[dreg:$0x1] =	wrdreg $0xFFFFFFFF  }
0xa7: {  	s28 =	simm.s32 $_size_execute0_lowered;
	s2 =	sadd.s32 s2, s4;
	[dreg:$0x0] =	wrdreg $0x0  }
0xa8: {  	s4 =	sshll.u32 s28, $0x1;
	[dreg:$0x2] =	wrdreg s2  }
0xa9: {  	[dreg:$0x3] =	wrdreg s4  }
0xaa: {  	[dreg:$0x4] =	wrdreg $0xC0  }
0xab: {  	_ =	task [dreg:s6], $0x5FFFF  }
0xac: {  	[dreg:$0x1] =	wrdreg $0xFFFFFFFF  }
0xad: {  	[dreg:$0x0] =	wrdreg $0x60  }
0xae: {  	[dreg:$0x2] =	wrdreg s24  }
0xaf: {  	[dreg:$0x3] =	wrdreg $0x82000  }
0xb0: {  	[dreg:$0x4] =	wrdreg $0x9  }
0xb1: {  	_ =	task.clear_ibuf [dreg:s6], $0x5FFFF;
	_ =	strace $0x9000004C  }
0xb2: {  	s29 =	simm.s32 $0x9;
	_ =	strace $0x8000004E  }
0xb3: {  	_ =	swait.ge [sflag:s29], $0x1  }
0xb4: {  	[sflag:s29] =	ssyncadd.s32 $0xFFFFFFFF  }
0xb5: {  	_ =	strace $0x9000004E  }
0xb6: {  	_ =	sfence  }
0xb7: {  	s30 =	sld [smem:$0x0];
	_ =	sdelay $0x2  }
0xb8: {  	s31 =	sshll.u32 s1, $0xD;
	s1 =	sshrl.u32 s1, $0x2  }
0xb9: {  	s3 =	sand.u32 $0x4000, s31;
	s1 =	sadd.s32 s1, s30  }
0xba: {  	s0 =	sor.u32 s3, s0;
	s1 =	sshll.u32 s1, $0x11  }
0xbb: {  	s0 =	sor.u32 s1, s0  }
0xbc: {  	s0 =	sadd.s32 $0x8F2B, s0  }
0xbd: {  	[sflag:s0] =	ssyncadd.remote.s32 $0x1  }
0xbe: {  	_ =	sfence.sel $0xFFFF  }
0xbf: {  	[dreg:$0x0] =	wrdreg $0xFFFFFFFF;
	(pc) =	sbr.abs _section_cstart, $3  }
0xc0: {  	[dreg:$0x1] =	wrdreg $0xFFFFFFFF  }
0xc1: {  	_ =	task.clear_ibuf [dreg:s6], $0x2FFFF;
	_ =	strace $0x9FFFFFFF  }
0xc2: {  	(tm) =	ssettm $0x7FFFFFFF  }
0xc3: {  	_ =	shalt  }
tec
execute0_lowered:
.L_overlay_start_1:
0x0: {  	(tag) =	ssettag $0x1  }
0x1: {  	s0 =	rddreg [dreg:$0x0]  }
0x2: {  	s1 =	rddreg [dreg:$0x1]  }
0x3: {  	s2 =	simm.s32 $0x0;
	s3 =	srdreg.scid;
	s11 =	stileid.u32  }
0x4: {  	s28 =	simm.s32 $0x4100;
	s29 =	simm.s32 $0x4180;
	s30 =	simm.s32 $0x4200  }
0x5: {  	s31 =	simm.s32 $0x1;
	[smem:$0x7FF] =	sst s2;
	s9 =	smul.u32 $0x50000, s11  }
0x6: {  	s4 =	sadd.s32 $0xF9200, s0;
	s5 =	sadd.s32 $0x7200, s0;
	s17 =	smul.u32 $0x2800, s11  }
0x7: {  	s6 =	sand.u32 $0x1, s3;
	s3 =	sadd.s32 $0x2200, s0;
	s12 =	smul.u32 $0x14000, s11  }
0x8: {  	s7 =	sadd.s32 $0xC200, s0;
	s19 =	sshll.u32 s11, $0x6;
	s26 =	smul.u32 $0x500, s11  }
0x9: {  	_ =	strace $0x8000004D;
	[dreg:$0x3] =	wrdreg s6;
	s6 =	ssub.s32 $0x2, s6  }
0xa: {  	[dreg:$0x4] =	wrdreg s7;
	s7 =	sadd.s32 $0x5DB200, s0;
	s10 =	sor.u32 $0x1C03, s19  }
0xb: {  	s8 =	sshrl.u32 s6, $0x1;
	s18 =	sshrl.u32 s9, $0x2;
	s21 =	sadd.s32 $0x4000, s12  }
0xc: {  	s22 =	sadd.s32 $0x8000, s12;
	s13 =	sadd.s32 $0xC000, s12;
	s14 =	smov.u32 s12  }
0xd: {  	s12 =	sadd.s32 $0x10000, s12;
	s19 =	sadd.s32 s26, s5;
	s0 =	ssub.s32 s6, s8  }
0xe: {  	s8 =	sadd.s32 s18, s1;
	s6 =	sshrl.u32 s17, $0x3;
	[dreg:$0x8] =	wrdreg s21  }
0xf: {  	s23 =	sadd.s32 s21, s1;
	[dreg:$0x9] =	wrdreg s22;
	s24 =	sadd.s32 s22, s1  }
0x10: {  	s15 =	smov.u32 s13;
	s17 =	sadd.s32 s13, s1;
	s16 =	smov.u32 s12  }
0x11: {  	s25 =	sadd.s32 s12, s1;
	s18 =	sadd.s32 s26, s3;
	s21 =	simm.s32 $0x80  }
0x12: {  	s26 =	simm.s32 $0x100;
	[dreg:$0x5] =	wrdreg s8;
	s20 =	sadd.s32 s5, s6  }
0x13: {  	s6 =	sadd.s32 s3, s6;
	s0 =	smax.u32 s0, $0x1;
	s22 =	sshrl.u32 s23, $0x3  }
0x14: {  	s23 =	sshrl.u32 s24, $0x3;
	s24 =	sshrl.u32 s17, $0x3;
	[dreg:$0x6] =	wrdreg s20  }
0x15: {  	s25 =	sshrl.u32 s25, $0x3;
	s5 =	simm.s32 $0x0;
	[dreg:$0x7] =	wrdreg s6  }
0x16: {  	[dreg:$0xa] =	wrdreg s0;
	s20 =	simm.s32 $0x3;
	s0 =	simm.s32 $0x2  }
.LBB2_1:
0x17: {  	[dreg:$0xb] =	wrdreg s5;
	s17 =	simm.s32 $0x0  }
.LBB2_2:
0x18: {  	s3 =	rddreg [dreg:$0x5]  }
0x19: {  	s5 =	rddreg [dreg:$0x4];
	s3 =	sshrl.u32 s3, $0x3  }
0x1a: {  	[spmem:s3], [sflag:s10] =	dma.local [hbm:s5], $0x2800  }
0x1b: {  	_ =	swait.ge [sflag:s20], $0x2800  }
0x1c: {  	[sflag:s20] =	ssyncset.done $0x0  }
0x1d: {  	[sflag:s20] =	ssyncadd.s32 $0xFFFFD800  }
0x1e: {  	[bflag:$0x0] =	sbarrier.arrive $0xFFFF  }
0x1f: {  	s6 =	simm.s32 $0x0;
	s11 =	rddreg [dreg:$0x6]  }
0x20: {  	[tilespmem:s6], [sflag:$0x3] =	stream.linear.gather [hbm4b:s11+s6], $0x80, $0x38;
	[tilespmem:$0x1C200] =	vst v63  }
0x21: {  	_ =	swait.ge [sflag:s20], $0x80  }
0x22: {  	[sflag:s20] =	ssyncset.done $0x0  }
0x23: {  	s12 =	rddreg [dreg:$0x7];
	[sflag:s20] =	ssyncadd.s32 $0xFFFFFF80  }
0x24: {  	[tilespmem:s21], [sflag:$0x3] =	stream.linear.gather [hbm4b:s12+s6], $0x80, $0x38;
	[tilespmem:$0x1C200] =	vst v63  }
0x25: {  	_ =	swait.ge [sflag:s20], $0x80  }
0x26: {  	[sflag:s20] =	ssyncset.done $0x0  }
0x27: {  	[sflag:s20] =	ssyncadd.s32 $0xFFFFFF80  }
0x28: {  	v0 =	vld [tilespmem:$0x0]  }
0x29: {  	s13 =	sshll.u32 s17, $0x1;
	s8 =	rddreg [dreg:$0x3];
	v1 =	vld [tilespmem:$0x10]  }
0x2a: {  	s5 =	sor.u32 s8, s13;
	v2 =	vld [tilespmem:$0x20]  }
0x2b: {  	s8 =	smul.u32 $0x2710, s5;
	v3 =	vld [tilespmem:$0x30]  }
0x2c: {  	v4 =	vld [tilespmem:$0x40]  }
0x2d: {  	v5 =	vld [tilespmem:$0x50];
	v0 =	vadd.s32 s8, v0  }
0x2e: {  	[tilespmem:$0x0] =	vst v0;
	v0 =	vadd.s32 s8, v1;
	v1 =	vld [tilespmem:$0x60]  }
0x2f: {  	[tilespmem:$0x10] =	vst v0;
	v0 =	vadd.s32 s8, v2;
	v2 =	vld [tilespmem:$0x70]  }
0x30: {  	[tilespmem:$0x20] =	vst v0;
	v0 =	vadd.s32 s8, v3  }
0x31: {  	[tilespmem:$0x30] =	vst v0;
	v0 =	vadd.s32 s8, v4  }
0x32: {  	[tilespmem:$0x40] =	vst v0;
	v0 =	vadd.s32 s8, v5  }
0x33: {  	[tilespmem:$0x50] =	vst v0;
	v0 =	vadd.s32 s8, v1  }
0x34: {  	[tilespmem:$0x60] =	vst v0;
	v0 =	vadd.s32 s8, v2  }
0x35: {  	s9 =	sadd.s32 $0x0, s19;
	[tilespmem:$0x70] =	vst v0  }
0x36: {  	[tilespmem:s26], [sflag:$0x1] =	stream.indirect.gather [hbm4b:s4+s21], $0x80, s6, s21, $0xb8;
	[tilespmem:$0x1C200] =	vst v63  }
0x37: {  	s9 =	sadd.s32 $0x10, s9  }
0x38: {  	[tilespmem:s28], [sflag:$0x3] =	stream.linear.gather [hbm4b:s9+s2], $0x80, $0x38;
	[tilespmem:$0x1C200] =	vst v63  }
0x39: {  	v0 =	vmov s8;
	s9 =	simm.s32 $0x20  }
.LBB2_3:
0x3a: {  	_ =	swait.ge [sflag:s20], $0x80;
	s8 =	smov.u32 s9;
	s9 =	sadd.s32 $0x20, s9  }
0x3b: {  	s11 =	sadd.s32 s6, s18;
	p0 =	sne.s32 s9, $0x500;
	[sflag:s20] =	ssyncset.done $0x0  }
0x3c: {  	s11 =	sadd.s32 $0x10, s11;
	[sflag:s20] =	ssyncadd.s32 $0xFFFFFF80  }
0x3d: {  	[tilespmem:s29], [sflag:$0x3] =	stream.linear.gather [hbm4b:s11+s2], $0x80, $0x38;
	[tilespmem:$0x1C200] =	vst v63  }
0x3e: {  	_ =	swait.ge [sflag:s20], $0x80  }
0x3f: {  	[sflag:s20] =	ssyncset.done $0x0  }
0x40: {  	[sflag:s20] =	ssyncadd.s32 $0xFFFFFF80  }
0x41: {  	v1 =	vld [tilespmem:$0x4140]  }
0x42: {  	v2 =	vld [tilespmem:$0x4130]  }
0x43: {  	v3 =	vld [tilespmem:$0x4170]  }
0x44: {  	v4 =	vld [tilespmem:$0x4160]  }
0x45: {  	v5 =	vld [tilespmem:$0x4150]  }
0x46: {  	v6 =	vld [tilespmem:$0x4120];
	v1 =	vadd.s32 v0, v1  }
0x47: {  	v7 =	vld [tilespmem:$0x4100];
	v2 =	vadd.s32 v0, v2;
	[tilespmem:$0x4140] =	vst v1  }
0x48: {  	v1 =	vld [tilespmem:$0x4110];
	[tilespmem:$0x4130] =	vst v2;
	v2 =	vadd.s32 v0, v3  }
0x49: {  	v3 =	vadd.s32 v0, v4;
	[tilespmem:$0x4170] =	vst v2  }
0x4a: {  	v2 =	vadd.s32 v0, v5;
	[tilespmem:$0x4160] =	vst v3  }
0x4b: {  	v3 =	vadd.s32 v0, v6;
	[tilespmem:$0x4150] =	vst v2  }
0x4c: {  	v2 =	vadd.s32 v0, v7;
	[tilespmem:$0x4120] =	vst v3  }
0x4d: {  	[tilespmem:$0x4100] =	vst v2;
	v1 =	vadd.s32 v0, v1  }
0x4e: {  	[tilespmem:$0x4110] =	vst v1  }
0x4f: {  	[tilespmem:s30], [sflag:$0x2] =	stream.indirect.gather [hbm4b:s4+s21], $0x80, s28, s21, $0xb8;
	[tilespmem:$0x1C200] =	vst v63  }
0x50: {  	_ =	swait.ge [sflag:s31], $0x4000  }
0x51: {  	[sflag:s31] =	ssyncset.done $0x0  }
0x52: {  	[sflag:s31] =	ssyncadd.s32 $0xFFFFC000  }
0x53: {  	[spmem:s1] =	stream.indirect.scatter.add.f32 [tilespmem:s26], [sflag:$0x3], $0x80, s21, s21, $0xb8;
	[tilespmem:$0x1C200] =	vst v63  }
0x54: {  	p1 =	seq.s32 s6, $0x4E0;
	_ =	swait.ge [sflag:s20], $0x4000  }
0x55: {  	s12 =	simm.s32 @!p1 $0x3;
	s11 =	sadd.s32 @!p1 s6, s19;
	[sflag:s20] =	ssyncset.done $0x0  }
0x56: {  	s13 =	simm.s32 @!p1 $0x0;
	s11 =	sadd.s32 @!p1 $0x20, s11;
	[sflag:s20] =	ssyncadd.s32 $0xFFFFC000  }
0x57: {  	[tilespmem:s13], [sflag:$0x3] =	stream.linear.gather @!p1 [hbm4b:s11+s13], $0x80, $0x38;
	[tilespmem:$0x1C200] =	vst v63  }
0x58: {  	s11 =	sadd.s32 @!p1 s6, s18;
	s6 =	smov.u32 s8;
	_ =	swait.ge @!p1 [sflag:s12], $0x80  }
0x59: {  	s8 =	sadd.s32 @!p1 $0x20, s11;
	[sflag:s12] =	ssyncset.done @!p1 $0x0  }
0x5a: {  	s11 =	simm.s32 @!p1 $0x80;
	[sflag:s12] =	ssyncadd.s32 @!p1 $0xFFFFFF80  }
0x5b: {  	[tilespmem:s11], [sflag:$0x3] =	stream.linear.gather @!p1 [hbm4b:s8+s13], $0x80, $0x38;
	[tilespmem:$0x1C200] =	vst v63  }
0x5c: {  	_ =	swait.ge @!p1 [sflag:s12], $0x80  }
0x5d: {  	[sflag:s12] =	ssyncset.done @!p1 $0x0  }
0x5e: {  	[sflag:s12] =	ssyncadd.s32 @!p1 $0xFFFFFF80  }
0x5f: {  	v1 =	vld @!p1 [tilespmem:$0x70]  }
0x60: {  	v2 =	vld @!p1 [tilespmem:$0x60]  }
0x61: {  	v3 =	vld @!p1 [tilespmem:$0x20]  }
0x62: {  	v4 =	vld @!p1 [tilespmem:$0x30]  }
0x63: {  	v5 =	vld @!p1 [tilespmem:$0x50]  }
0x64: {  	v6 =	vld @!p1 [tilespmem:$0x10];
	v1 =	vadd.s32 @!p1 v0, v1  }
0x65: {  	v7 =	vld @!p1 [tilespmem:$0x0];
	v2 =	vadd.s32 @!p1 v0, v2;
	[tilespmem:$0x70] =	vst @!p1 v1  }
0x66: {  	v1 =	vadd.s32 @!p1 v0, v3;
	v3 =	vld @!p1 [tilespmem:$0x40];
	[tilespmem:$0x60] =	vst @!p1 v2  }
0x67: {  	[tilespmem:$0x20] =	vst @!p1 v1;
	v1 =	vadd.s32 @!p1 v0, v4  }
0x68: {  	[tilespmem:$0x30] =	vst @!p1 v1;
	v1 =	vadd.s32 @!p1 v0, v5  }
0x69: {  	v2 =	vadd.s32 @!p1 v0, v6;
	[tilespmem:$0x50] =	vst @!p1 v1  }
0x6a: {  	v1 =	vadd.s32 @!p1 v0, v7;
	[tilespmem:$0x10] =	vst @!p1 v2  }
0x6b: {  	v2 =	vadd.s32 @!p1 v0, v3  }
0x6c: {  	[tilespmem:$0x0] =	vst @!p1 v1  }
0x6d: {  	s8 =	simm.s32 @!p1 $0x100;
	[tilespmem:$0x40] =	vst @!p1 v2  }
0x6e: {  	[tilespmem:s8], [sflag:$0x1] =	stream.indirect.gather @!p1 [hbm4b:s4+s11], $0x80, s13, s11, $0xb8;
	[tilespmem:$0x1C200] =	vst v63  }
0x6f: {  	_ =	swait.ge [sflag:s0], $0x4000  }
0x70: {  	[sflag:s0] =	ssyncset.done $0x0  }
0x71: {  	[sflag:s0] =	ssyncadd.s32 $0xFFFFC000  }
0x72: {  	[spmem:s1] =	stream.indirect.scatter.add.f32 [tilespmem:s30], [sflag:$0x3], $0x80, s29, s21, $0xb8;
	[tilespmem:$0x1C200] =	vst v63  }
.Ltmp0:
0x73: {  	_ = 	snop;
	(pc) =	sbr.rel @p0 .LBB2_3-.Ltmp0, $4  }
0x74: {  	_ =	swait.ge [sflag:s20], $0x4000  }
0x75: {  	s8 =	sadd.s32 s6, s19;
	[sflag:s20] =	ssyncset.done $0x0  }
0x76: {  	s8 =	sadd.s32 $0x10, s8;
	[sflag:s20] =	ssyncadd.s32 $0xFFFFC000  }
0x77: {  	[tilespmem:s28], [sflag:$0x3] =	stream.linear.gather [hbm4b:s8+s2], $0x80, $0x38;
	[tilespmem:$0x1C200] =	vst v63  }
0x78: {  	_ =	swait.ge [sflag:s20], $0x80  }
0x79: {  	s8 =	sadd.s32 s6, s18;
	[sflag:s20] =	ssyncset.done $0x0  }
0x7a: {  	s8 =	sadd.s32 $0x10, s8;
	[sflag:s20] =	ssyncadd.s32 $0xFFFFFF80  }
0x7b: {  	[tilespmem:s29], [sflag:$0x3] =	stream.linear.gather [hbm4b:s8+s2], $0x80, $0x38;
	[tilespmem:$0x1C200] =	vst v63  }
0x7c: {  	_ =	swait.ge [sflag:s20], $0x80  }
0x7d: {  	[sflag:s20] =	ssyncset.done $0x0  }
0x7e: {  	[sflag:s20] =	ssyncadd.s32 $0xFFFFFF80  }
0x7f: {  	v1 =	vld [tilespmem:$0x4140]  }
0x80: {  	v2 =	vld [tilespmem:$0x4130]  }
0x81: {  	v3 =	vld [tilespmem:$0x4170]  }
0x82: {  	v4 =	vld [tilespmem:$0x4160]  }
0x83: {  	v5 =	vld [tilespmem:$0x4150]  }
0x84: {  	v6 =	vld [tilespmem:$0x4120];
	v1 =	vadd.s32 v0, v1  }
0x85: {  	v7 =	vld [tilespmem:$0x4100];
	v2 =	vadd.s32 v0, v2;
	[tilespmem:$0x4140] =	vst v1  }
0x86: {  	v58 =	vld [tilespmem:$0x4110];
	v59 =	vadd.s32 v0, v3;
	[tilespmem:$0x4130] =	vst v2  }
0x87: {  	v60 =	vadd.s32 v0, v4;
	[tilespmem:$0x4170] =	vst v59  }
0x88: {  	v61 =	vadd.s32 v0, v5;
	[tilespmem:$0x4160] =	vst v60  }
0x89: {  	v62 =	vadd.s32 v0, v6;
	[tilespmem:$0x4150] =	vst v61  }
0x8a: {  	v63 =	vadd.s32 v0, v7;
	[tilespmem:$0x4120] =	vst v62  }
0x8b: {  	[tilespmem:$0x4100] =	vst v63;
	v1 =	vadd.s32 v0, v58  }
0x8c: {  	[tilespmem:$0x4110] =	vst v1  }
0x8d: {  	[tilespmem:s30], [sflag:$0x2] =	stream.indirect.gather [hbm4b:s4+s21], $0x80, s28, s21, $0xb8;
	[tilespmem:$0x1C200] =	vst v63  }
0x8e: {  	_ =	swait.ge [sflag:s31], $0x4000  }
0x8f: {  	[sflag:s31] =	ssyncset.done $0x0  }
0x90: {  	[sflag:s31] =	ssyncadd.s32 $0xFFFFC000  }
0x91: {  	[spmem:s1] =	stream.indirect.scatter.add.f32 [tilespmem:s26], [sflag:$0x3], $0x80, s21, s21, $0xb8;
	[tilespmem:$0x1C200] =	vst v63  }
0x92: {  	p0 =	seq.s32 s6, $0x4E0;
	_ =	swait.ge [sflag:s20], $0x4000  }
0x93: {  	s9 =	simm.s32 @!p0 $0x3;
	s8 =	sadd.s32 @!p0 s6, s19;
	[sflag:s20] =	ssyncset.done $0x0  }
0x94: {  	s11 =	simm.s32 @!p0 $0x0;
	s8 =	sadd.s32 @!p0 $0x20, s8;
	[sflag:s20] =	ssyncadd.s32 $0xFFFFC000  }
0x95: {  	[tilespmem:s11], [sflag:$0x3] =	stream.linear.gather @!p0 [hbm4b:s8+s11], $0x80, $0x38;
	[tilespmem:$0x1C200] =	vst v63  }
0x96: {  	_ =	swait.ge @!p0 [sflag:s9], $0x80  }
0x97: {  	s6 =	sadd.s32 @!p0 s6, s18;
	[sflag:s9] =	ssyncset.done @!p0 $0x0  }
0x98: {  	s6 =	sadd.s32 @!p0 $0x20, s6;
	s8 =	simm.s32 @!p0 $0x80;
	[sflag:s9] =	ssyncadd.s32 @!p0 $0xFFFFFF80  }
0x99: {  	[tilespmem:s8], [sflag:$0x3] =	stream.linear.gather @!p0 [hbm4b:s6+s11], $0x80, $0x38;
	[tilespmem:$0x1C200] =	vst v63  }
0x9a: {  	_ =	swait.ge @!p0 [sflag:s9], $0x80  }
0x9b: {  	[sflag:s9] =	ssyncset.done @!p0 $0x0  }
0x9c: {  	[sflag:s9] =	ssyncadd.s32 @!p0 $0xFFFFFF80  }
0x9d: {  	v1 =	vld @!p0 [tilespmem:$0x70]  }
0x9e: {  	v2 =	vld @!p0 [tilespmem:$0x60]  }
0x9f: {  	v3 =	vld @!p0 [tilespmem:$0x20]  }
0xa0: {  	v6 =	vld @!p0 [tilespmem:$0x10]  }
0xa1: {  	v4 =	vld @!p0 [tilespmem:$0x30]  }
0xa2: {  	v5 =	vld @!p0 [tilespmem:$0x50];
	v1 =	vadd.s32 @!p0 v0, v1  }
0xa3: {  	v7 =	vld @!p0 [tilespmem:$0x0];
	v2 =	vadd.s32 @!p0 v0, v2;
	[tilespmem:$0x70] =	vst @!p0 v1  }
0xa4: {  	v1 =	vadd.s32 @!p0 v0, v3;
	v3 =	vld @!p0 [tilespmem:$0x40];
	[tilespmem:$0x60] =	vst @!p0 v2  }
0xa5: {  	v2 =	vadd.s32 @!p0 v0, v6;
	[tilespmem:$0x20] =	vst @!p0 v1  }
0xa6: {  	v1 =	vadd.s32 @!p0 v0, v4;
	[tilespmem:$0x10] =	vst @!p0 v2  }
0xa7: {  	[tilespmem:$0x30] =	vst @!p0 v1;
	v1 =	vadd.s32 @!p0 v0, v5  }
0xa8: {  	[tilespmem:$0x50] =	vst @!p0 v1;
	v1 =	vadd.s32 @!p0 v0, v7  }
0xa9: {  	[tilespmem:$0x0] =	vst @!p0 v1;
	v0 =	vadd.s32 @!p0 v0, v3  }
0xaa: {  	s6 =	simm.s32 @!p0 $0x100;
	[tilespmem:$0x40] =	vst @!p0 v0  }
0xab: {  	[tilespmem:s6], [sflag:$0x1] =	stream.indirect.gather @!p0 [hbm4b:s4+s8], $0x80, s11, s8, $0xb8;
	[tilespmem:$0x1C200] =	vst v63  }
0xac: {  	_ =	swait.ge [sflag:s0], $0x4000  }
0xad: {  	[sflag:s0] =	ssyncset.done $0x0  }
0xae: {  	s5 =	smul.u32 $0x140000, s5;
	[sflag:s0] =	ssyncadd.s32 $0xFFFFC000  }
0xaf: {  	[spmem:s1] =	stream.indirect.scatter.add.f32 [tilespmem:s30], [sflag:$0x3], $0x80, s29, s21, $0xb8;
	[tilespmem:$0x1C200] =	vst v63  }
0xb0: {  	_ =	swait.ge [sflag:s20], $0x4000  }
0xb1: {  	s8 =	sadd.s32 s14, s5;
	[sflag:s20] =	ssyncset.done $0x0  }
0xb2: {  	s6 =	sshrl.u32 s8, $0x3;
	[sflag:s20] =	ssyncadd.s32 $0xFFFFC000  }
0xb3: {  	s6 =	sadd.s32 s7, s6;
	[bflag:$0x0] =	sbarrier.arrive $0xFFFF  }
0xb4: {  	[hbm:s6], [sflag:s10] =	dma.local [spmem:s3], $0x800  }
0xb5: {  	_ =	swait.ge [sflag:s20], $0x800  }
0xb6: {  	s9 =	rddreg [dreg:$0x8]  }
0xb7: {  	s3 =	sadd.s32 s9, s5  }
0xb8: {  	[sflag:s20] =	ssyncset.done $0x0;
	s3 =	sshrl.u32 s3, $0x3  }
0xb9: {  	[sflag:s20] =	ssyncadd.s32 $0xFFFFF800;
	s3 =	sadd.s32 s7, s3  }
0xba: {  	[hbm:s3], [sflag:s10] =	dma.local [spmem:s22], $0x800  }
0xbb: {  	_ =	swait.ge [sflag:s20], $0x800  }
0xbc: {  	s11 =	rddreg [dreg:$0x9]  }
0xbd: {  	s3 =	sadd.s32 s11, s5  }
0xbe: {  	[sflag:s20] =	ssyncset.done $0x0;
	s3 =	sshrl.u32 s3, $0x3  }
0xbf: {  	[sflag:s20] =	ssyncadd.s32 $0xFFFFF800;
	s3 =	sadd.s32 s7, s3  }
0xc0: {  	[hbm:s3], [sflag:s10] =	dma.local [spmem:s23], $0x800  }
0xc1: {  	s12 =	sadd.s32 s15, s5;
	_ =	swait.ge [sflag:s20], $0x800  }
0xc2: {  	s3 =	sshrl.u32 s12, $0x3;
	[sflag:s20] =	ssyncset.done $0x0  }
0xc3: {  	s3 =	sadd.s32 s7, s3;
	[sflag:s20] =	ssyncadd.s32 $0xFFFFF800  }
0xc4: {  	[hbm:s3], [sflag:s10] =	dma.local [spmem:s24], $0x800  }
0xc5: {  	s13 =	sadd.s32 s16, s5;
	_ =	swait.ge [sflag:s20], $0x800  }
0xc6: {  	s17 =	sadd.s32 $0x1, s17;
	s3 =	sshrl.u32 s13, $0x3;
	[sflag:s20] =	ssyncset.done $0x0  }
0xc7: {  	p0 =	sne.s32 s17, $0x10;
	s3 =	sadd.s32 s7, s3;
	[sflag:s20] =	ssyncadd.s32 $0xFFFFF800  }
0xc8: {  	[hbm:s3], [sflag:s10] =	dma.local [spmem:s25], $0x800  }
.Ltmp1:
0xc9: {  	_ =	swait.ge [sflag:s20], $0x800;
	(pc) =	sbr.rel @p0 .LBB2_2-.Ltmp1, $3  }
0xca: {  	[sflag:s20] =	ssyncset.done $0x0  }
0xcb: {  	[sflag:s20] =	ssyncadd.s32 $0xFFFFF800  }
0xcc: {  	[bflag:$0x0] =	sbarrier.arrive $0xFFFF;
	_ =	sdelay $0x1  }
0xcd: {  	s5 =	rddreg [dreg:$0xb]  }
0xce: {  	s3 =	rddreg [dreg:$0xa];
	s5 =	sadd.s32 $0x1, s5  }
0xcf: {  	p0 =	sne.s32 s5, s3  }
.Ltmp2:
0xd0: {  	_ = 	snop;
	(pc) =	sbr.rel @p0 .LBB2_1-.Ltmp2, $1  }
0xd1: {  	_ =	sdelay $0x3  }
0xd2: {  	_ =	sfence.sel $0x180000  }
0xd3: {  	[bflag:$0x0] =	sbarrier.arrive $0xFFFF  }
0xd4: {  	_ =	strace $0x9000004D  }
0xd5: {  	s0 =	stileid.u32;
	[bflag:$0x2] =	sbarrier.arrive $0xFFFF  }
0xd6: {  	p0 =	sne.s32 s0, $0x0;
	s0 =	rddreg [dreg:$0x2]  }
0xd7: {  	s0 =	sadd.s32 @!p0 $0x100000, s0  }
0xd8: {  	[sflag:s0] =	ssyncadd.tile.s32 @!p0 $0x1;
	_ =	shalt  }
.Lfunc_end2:
_tile_overlayer_lowered:
.L_overlay_start_2:
0xd9: {  	(tag) =	ssettag $0x2  }
0xda: {  	s0 =	rddreg [dreg:$0x0];
	s2 =	stileid.u32  }
0xdb: {  	s1 =	rddreg [dreg:$0x1];
	p0 =	sne.s32 s2, $0x0  }
0xdc: {  	s3 =	rddreg [dreg:$0x2];
	[bflag:$0x3] =	sbarrier.arrive $0xFFFF;
	s2 =	simm.s32 @!p0 $0x1C03  }
0xdd: {  	[timem:s3], [sflag:s2] =	dma.local @!p0 [hbm:s0], s1  }
0xde: {  	s0 =	simm.s32 @!p0 $0x3  }
0xdf: {  	_ =	swait.ge @!p0 [sflag:s0], s1  }
0xe0: {  	s1 =	ssub.s32 @!p0 $0x0, s1;
	[sflag:s0] =	ssyncset.done @!p0 $0x0  }
0xe1: {  	[sflag:s0] =	ssyncadd.s32 @!p0 s1  }
0xe2: {  	[bflag:$0x3] =	sbarrier.arrive $0xFFFF  }
0xe3: {  	_ =	shalt  }

// kernel: kernel.8.cloned.1.call-start
scs
__scs_entry_jumppad:
0x0: {  	(pc) =	sbr.rel $0x88, $3  }
0x1: {  	(tag) =	ssettag $0x0;
	lr =	simm.s32 $0x1  }
0x2: {  	[smem:$0x3F99] =	sst lr;
	_ =	strace $0xD0000000  }
0x3: {  	_ = 	snop  }
0x4: {  	_ = 	snop  }
0x5: {  	_ = 	snop  }
0x6: {  	_ = 	snop  }
0x7: {  	_ = 	snop  }
__scs_overlays_trampoline_lowered:
0x8: {  	[smem:$0x3FA8] =	sst s0  }
0x9: {  	[smem:$0x3FA9] =	sst s1  }
0xa: {  	[smem:$0x3FAA] =	sst s2  }
0xb: {  	[smem:$0x3FAB] =	sst s3  }
0xc: {  	[smem:$0x3FAC] =	sst s4  }
0xd: {  	[smem:$0x3FAD] =	sst s5  }
0xe: {  	[smem:$0x3FAE] =	sst s6  }
0xf: {  	[smem:$0x3FAF] =	sst s7  }
0x10: {  	[smem:$0x3FB0] =	sst s8  }
0x11: {  	[smem:$0x3FB1] =	sst s9;
	s0 =	simm.s32 @!p0 $0x0  }
0x12: {  	s1 =	sld [smem:$0x3F97];
	s0 =	simm.s32 @p0 $0x1  }
0x13: {  	[smem:$0x3FB2] =	sst s0;
	s0 =	simm.s32 @!p1 $0x0  }
0x14: {  	s2 =	sld [smem:$0x3F96];
	s0 =	simm.s32 @p1 $0x1  }
0x15: {  	[smem:$0x3FB3] =	sst s0;
	s0 =	simm.s32 @!p2 $0x0  }
0x16: {  	s3 =	sld [smem:$0x3FDB];
	s0 =	simm.s32 @p2 $0x1  }
0x17: {  	s4 =	simm.s32 $0x1BF5;
	[smem:$0x3FB5] =	sst s0  }
0x18: {  	s0 =	sld [smem:$0x3F98];
	_ =	swait.ge [sflag:s4], $0x0  }
0x19: {  	s7 =	sld [smem:$0x3F99]  }
0x1a: {  	s8 =	sadd.s32 $0xFFFFE003, lr  }
0x1b: {  	s9 =	sadd.s32 $0xFFFFFEF7, lr;
	s5 =	simm.s32 $0xFFFFFFFF;
	p2 =	slt.u32 s8, $0xFFFFF086  }
0x1c: {  	p1 =	slt.u32 s9, $0xF7A;
	s5 =	simm.s32 @!p2 $0x0  }
0x1d: {  	s5 =	simm.s32 @p1 $0x1;
	p0 =	seq.s32 s7, s2  }
0x1e: {  	s7 =	smul.u32 @!p0 $0xF7A, s2;
	p2 =	seq.s32 @!p0 s5, $0x0  }
0x1f: {  	s9 =	smul.u32 $0xF7A, s1;
	s8 =	simm.s32 @!p0 $0x1BF5;
	p2 =	por !p2, p0  }
0x20: {  	[sflag:s8] =	ssyncset.s32 @!p0 $0xFFFFF086;
	s6 =	sadd.s32 @!p0 s3, s7;
	s7 =	simm.s32 @!p0 $0x108  }
0x21: {  	s3 =	sadd.s32 s3, s9;
	s6 =	sadd.s32 @!p0 $0x88, s6;
	s7 =	simm.s32 @p2 $0x1082  }
0x22: {  	[simem:s7], [sflag:s8] =	dma.local @!p0 [hbm:s6], $0xF7A  }
0x23: {  	s9 =	sor.u32 $0xD0000000, s2;
	s6 =	simm.s32 $0x108;
	_ =	swait.ge @!p0 [sflag:s8], $0x0  }
0x24: {  	s3 =	sadd.s32 $0x88, s3;
	s6 =	simm.s32 @!p1 $0x1082;
	[sflag:s4] =	ssyncset.s32 $0xFFFFF086  }
0x25: {  	[simem:s6], [sflag:s4] =	dma.local [hbm:s3], $0xF7A  }
0x26: {  	[smem:$0x3F99] =	sst s1;
	(tag) =	ssettag s2;
	_ =	strace s9  }
0x27: {  	s1 =	sld [smem:$0x3FA9]  }
0x28: {  	s2 =	sld [smem:$0x3FAA]  }
0x29: {  	s4 =	sld [smem:$0x3FAC]  }
0x2a: {  	p0 =	seq.s32 s5, $0x0;
	s5 =	sld [smem:$0x3FAD]  }
0x2b: {  	s6 =	sld [smem:$0x3FAE]  }
0x2c: {  	s7 =	sld [smem:$0x3FAF]  }
0x2d: {  	s3 =	simm.s32 $0x108;
	s8 =	sld [smem:$0x3FB0]  }
0x2e: {  	s3 =	simm.s32 @!p0 $0x1082;
	s9 =	sld [smem:$0x3FB1]  }
0x2f: {  	lr =	sadd.s32 s0, s3;
	s0 =	sld [smem:$0x3FA8]  }
0x30: {  	s3 =	sld [smem:$0x3FAB]  }
0x31: {  	[smem:$0x3FB4] =	sst s10  }
0x32: {  	s10 =	sld [smem:$0x3FB2];
	_ =	sdelay $0x3  }
0x33: {  	p0 =	seq.s32 s10, $0x1;
	s10 =	sld [smem:$0x3FB4];
	_ =	sdelay $0x3  }
0x34: {  	[smem:$0x3FB4] =	sst s10  }
0x35: {  	s10 =	sld [smem:$0x3FB3];
	_ =	sdelay $0x3  }
0x36: {  	p1 =	seq.s32 s10, $0x1;
	s10 =	sld [smem:$0x3FB4];
	_ =	sdelay $0x3  }
0x37: {  	[smem:$0x3FB4] =	sst s10  }
0x38: {  	s10 =	sld [smem:$0x3FB5]  }
0x39: {  	_ = 	snop;
	(pc) =	sbr.ind lr, $3  }
0x3a: {  	_ = 	snop  }
0x3b: {  	_ = 	snop  }
0x3c: {  	p2 =	seq.s32 s10, $0x1;
	s10 =	sld [smem:$0x3FB4]  }
0x3d: {  	_ =	shalt  }
0x3e: {  	_ =	shalt  }
0x3f: {  	_ =	shalt  }
0x40: {  	_ =	shalt  }
0x41: {  	_ =	shalt  }
0x42: {  	_ =	shalt  }
0x43: {  	_ =	shalt  }
0x44: {  	_ =	shalt  }
0x45: {  	_ =	shalt  }
0x46: {  	_ =	shalt  }
0x47: {  	_ =	shalt  }
0x48: {  	_ =	shalt  }
0x49: {  	_ =	shalt  }
0x4a: {  	_ =	shalt  }
0x4b: {  	_ =	shalt  }
0x4c: {  	_ =	shalt  }
0x4d: {  	_ =	shalt  }
0x4e: {  	_ =	shalt  }
0x4f: {  	_ =	shalt  }
0x50: {  	_ =	shalt  }
0x51: {  	_ =	shalt  }
0x52: {  	_ =	shalt  }
0x53: {  	_ =	shalt  }
0x54: {  	_ =	shalt  }
0x55: {  	_ =	shalt  }
0x56: {  	_ =	shalt  }
0x57: {  	_ =	shalt  }
0x58: {  	_ =	shalt  }
0x59: {  	_ =	shalt  }
0x5a: {  	_ =	shalt  }
0x5b: {  	_ =	shalt  }
0x5c: {  	_ =	shalt  }
0x5d: {  	_ =	shalt  }
0x5e: {  	_ =	shalt  }
0x5f: {  	_ =	shalt  }
0x60: {  	_ =	shalt  }
0x61: {  	_ =	shalt  }
0x62: {  	_ =	shalt  }
0x63: {  	_ =	shalt  }
0x64: {  	_ =	shalt  }
0x65: {  	_ =	shalt  }
0x66: {  	_ =	shalt  }
0x67: {  	_ =	shalt  }
0x68: {  	_ =	shalt  }
0x69: {  	_ =	shalt  }
0x6a: {  	_ =	shalt  }
0x6b: {  	_ =	shalt  }
0x6c: {  	_ =	shalt  }
0x6d: {  	_ =	shalt  }
0x6e: {  	_ =	shalt  }
0x6f: {  	_ =	shalt  }
0x70: {  	_ =	shalt  }
0x71: {  	_ =	shalt  }
0x72: {  	_ =	shalt  }
0x73: {  	_ =	shalt  }
0x74: {  	_ =	shalt  }
0x75: {  	_ =	shalt  }
0x76: {  	_ =	shalt  }
0x77: {  	_ =	shalt  }
0x78: {  	_ =	shalt  }
0x79: {  	_ =	shalt  }
0x7a: {  	_ =	shalt  }
0x7b: {  	_ =	shalt  }
0x7c: {  	_ =	shalt  }
0x7d: {  	_ =	shalt  }
0x7e: {  	_ =	shalt  }
0x7f: {  	_ =	shalt  }
0x80: {  	_ =	shalt  }
0x81: {  	_ =	shalt  }
0x82: {  	_ =	shalt  }
0x83: {  	_ =	shalt  }
0x84: {  	_ =	shalt  }
0x85: {  	_ =	shalt  }
0x86: {  	_ =	shalt  }
0x87: {  	_ =	shalt  }
.Lfunc_end0:
.L_simem_size_0:
called_computation_lowered:
.L_overlay_start_0:
0x88: {  	s2 =	sld [smem:$0x3FD9]  }
0x89: {  	s3 =	sld [smem:$0x3FFE];
	_ =	sdelay $0x1  }
0x8a: {  	s1 =	srdreg.scid  }
0x8b: {  	s0 =	sand.u32 $0x1, s1  }
0x8c: {  	s14 =	sshll.u32 s0, $0xA;
	s2 =	sadd.s32 s3, s2  }
0x8d: {  	s2 =	sadd.s32 s2, s14  }
0x8e: {  	[smem:$0x3FC0] =	sst s2  }
0x8f: {  	_ = 	snop  }
0x90: {  	s2 =	sld [smem:$0x3FD0];
	_ =	sdelay $0x2  }
0x91: {  	s15 =	simm.s32 $0xA;
	s4 =	simm.s32 $0x10  }
0x92: {  	[smem:s4], [sflag:s15] =	dma.local [hbm:s2], $0x1  }
0x93: {  	_ =	swait.eq [sflag:s15], $0x1  }
0x94: {  	[sflag:s15] =	ssyncset.done $0x0  }
0x95: {  	[sflag:s15] =	ssyncadd.s32 $0xFFFFFFFF  }
0x96: {  	s16 =	sld [smem:$0x10];
	(tm) =	ssettm $0x1  }
0x97: {  	s17 =	sld [smem:$0x3FFB];
	_ =	sdelay $0x3  }
0x98: {  	_ =	strace s17  }
0x99: {  	s3 =	sld [smem:$0x3FFC];
	_ =	sdelay $0x3  }
0x9a: {  	_ =	strace s3  }
0x9b: {  	s3 =	sld [smem:$0x3FFD];
	_ =	sdelay $0x3  }
0x9c: {  	_ =	strace s3  }
0x9d: {  	_ =	strace $0x8FFFFFFF  }
0x9e: {  	s18 =	sld [smem:$0x3FDB];
	_ =	sdelay $0x1  }
0x9f: {  	s19 =	simm.s32 $_scs_section_size  }
0xa0: {  	s5 =	simm.s32 $_size__tile_overlayer_lowered;
	s6 =	simm.s32 $_tile_overlayer_lowered  }
0xa1: {  	s22 =	simm.s32 $0x1BFF;
	s21 =	sshll.u32 s6, $0x1;
	s3 =	sadd.s32 s19, s18  }
0xa2: {  	s7 =	simm.s32 $0x0;
	s20 =	sshll.u32 s5, $0x1;
	s5 =	sadd.s32 s21, s3  }
0xa3: {  	[timem:s7], [sflag:s22] =	dma.local [hbm:s5], s20  }
0xa4: {  	_ =	swait.ge [sflag:s22], s20  }
0xa5: {  	s4 =	ssub.s32 $0x0, s20;
	[sflag:s22] =	ssyncset.done $0x0  }
0xa6: {  	[sflag:s22] =	ssyncadd.s32 s4;
	_ =	sdelay $0x1  }
0xa7: {  	s23 =	simm.s32 $0x1B8B  }
0xa8: {  	_ =	swait.ge [sflag:s23], $0x1  }
0xa9: {  	[sflag:s23] =	ssyncset.done $0x0  }
0xaa: {  	s25 =	simm.s32 $0x1B8E;
	s24 =	sld [smem:$0x3FFE];
	[sflag:s23] =	ssyncadd.s32 $0xFFFFFFFF  }
0xab: {  	s26 =	simm.s32 $execute0_lowered;
	[smem:$0x3FD2] =	sst s25  }
0xac: {  	s5 =	sshll.u32 s26, $0x1;
	_ =	strace $0x80000046;
	[dreg:$0x1] =	wrdreg $0xFFFFFFFF  }
0xad: {  	s28 =	simm.s32 $_size_execute0_lowered;
	s3 =	sadd.s32 s3, s5;
	[dreg:$0x0] =	wrdreg $0x0  }
0xae: {  	s5 =	sshll.u32 s28, $0x1;
	[dreg:$0x2] =	wrdreg s3  }
0xaf: {  	[dreg:$0x3] =	wrdreg s5  }
0xb0: {  	[dreg:$0x4] =	wrdreg $0xC0  }
0xb1: {  	_ =	task [dreg:s7], $0x5FFFF  }
0xb2: {  	[dreg:$0x1] =	wrdreg $0xFFFFFFFF  }
0xb3: {  	[dreg:$0x0] =	wrdreg $0x60  }
0xb4: {  	[dreg:$0x2] =	wrdreg s24  }
0xb5: {  	[dreg:$0x3] =	wrdreg s16  }
0xb6: {  	[dreg:$0x4] =	wrdreg $0x82000  }
0xb7: {  	[dreg:$0x5] =	wrdreg $0x9  }
0xb8: {  	_ =	task.clear_ibuf [dreg:s7], $0x6FFFF;
	_ =	strace $0x90000046  }
0xb9: {  	s29 =	simm.s32 $0x9;
	_ =	strace $0x80000048  }
0xba: {  	_ =	swait.ge [sflag:s29], $0x1  }
0xbb: {  	[sflag:s29] =	ssyncadd.s32 $0xFFFFFFFF  }
0xbc: {  	_ =	strace $0x90000048  }
0xbd: {  	_ =	sfence  }
0xbe: {  	s30 =	sld [smem:$0x0];
	_ =	sdelay $0x2  }
0xbf: {  	s31 =	sshll.u32 s1, $0xD;
	s1 =	sshrl.u32 s1, $0x2  }
0xc0: {  	s3 =	sand.u32 $0x4000, s31;
	s1 =	sadd.s32 s1, s30  }
0xc1: {  	s0 =	sor.u32 s3, s0;
	s1 =	sshll.u32 s1, $0x11  }
0xc2: {  	s0 =	sor.u32 s1, s0  }
0xc3: {  	s0 =	sadd.s32 $0x8F2B, s0  }
0xc4: {  	[sflag:s0] =	ssyncadd.remote.s32 $0x1  }
0xc5: {  	_ =	sfence.sel $0xFFFF  }
0xc6: {  	[dreg:$0x0] =	wrdreg $0xFFFFFFFF;
	(pc) =	sbr.abs _section_cstart, $3  }
0xc7: {  	[dreg:$0x1] =	wrdreg $0xFFFFFFFF  }
0xc8: {  	_ =	task.clear_ibuf [dreg:s7], $0x2FFFF;
	_ =	strace $0x9FFFFFFF  }
0xc9: {  	(tm) =	ssettm $0x7FFFFFFF  }
tec
execute0_lowered:
.L_overlay_start_1:
0x0: {  	(tag) =	ssettag $0x1  }
0x1: {  	s0 =	srdreg.scid  }
0x2: {  	s0 =	sand.u32 $0x1, s0  }
0x3: {  	p0 =	seq.s32 s0, $0x1  }
.Ltmp0:
0x4: {  	s7 =	rddreg [dreg:$0x0];
	(pc) =	sbr.rel @p0 .LBB2_4-.Ltmp0, $4  }
0x5: {  	s15 =	rddreg [dreg:$0x1]  }
0x6: {  	s3 =	rddreg [dreg:$0x2];
	s5 =	simm.s32 $0x0  }
0x7: {  	[smem:$0x7FF] =	sst s5  }
0x8: {  	s2 =	rddreg [dreg:$0x3];
	s1 =	stileid.u32;
	_ =	strace $0x80000047  }
0x9: {  	s0 =	smul.u32 $0x50000, s1;
	_ =	sdelay $0x1  }
0xa: {  	s0 =	sshrl.u32 s0, $0x2  }
0xb: {  	s2 =	sshll.u32 s1, $0x6;
	s0 =	sadd.s32 s0, s3  }
0xc: {  	s6 =	sadd.s32 $0xC200, s7;
	s2 =	sor.u32 $0x1C03, s2;
	s4 =	sshrl.u32 s0, $0x3  }
0xd: {  	[spmem:s4], [sflag:s2] =	dma.local [hbm:s6], $0x2800  }
0xe: {  	s6 =	simm.s32 $0x3  }
0xf: {  	s14 =	smul.u32 $0x2800, s1;
	_ =	swait.ge [sflag:s6], $0x2800  }
0x10: {  	[sflag:s6] =	ssyncset.done $0x0  }
0x11: {  	s25 =	sadd.s32 $0x7200, s7;
	s18 =	sshrl.u32 s14, $0x3;
	[sflag:s6] =	ssyncadd.s32 $0xFFFFD800  }
0x12: {  	s8 =	sadd.s32 s25, s18;
	[bflag:$0x0] =	sbarrier.arrive $0xFFFF  }
0x13: {  	[tilespmem:s5], [sflag:$0x3] =	stream.linear.gather [hbm4b:s8+s5], $0x80, $0x38;
	[tilespmem:$0x1C200] =	vst v63  }
0x14: {  	_ =	swait.ge [sflag:s6], $0x80  }
0x15: {  	s29 =	sadd.s32 $0x2200, s7;
	s11 =	simm.s32 $0x80;
	[sflag:s6] =	ssyncset.done $0x0  }
0x16: {  	s22 =	smul.u32 $0x500, s1;
	s21 =	sadd.s32 s29, s18;
	[sflag:s6] =	ssyncadd.s32 $0xFFFFFF80  }
0x17: {  	[tilespmem:s11], [sflag:$0x3] =	stream.linear.gather [hbm4b:s21+s5], $0x80, $0x38;
	[tilespmem:$0x1C200] =	vst v63  }
0x18: {  	_ =	swait.ge [sflag:s6], $0x80  }
0x19: {  	s7 =	sadd.s32 $0xEA00, s7;
	s23 =	sadd.s32 s22, s25;
	[sflag:s6] =	ssyncset.done $0x0  }
0x1a: {  	s16 =	simm.s32 $0x100;
	s10 =	sadd.s32 $0xFFFFFB20, s23;
	[sflag:s6] =	ssyncadd.s32 $0xFFFFFF80  }
0x1b: {  	[tilespmem:s16], [sflag:$0x1] =	stream.indirect.gather [hbm4b:s7+s11], $0x80, s5, s11, $0xb8;
	[tilespmem:$0x1C200] =	vst v63  }
0x1c: {  	s9 =	sadd.s32 $0x4F0, s10;
	s21 =	simm.s32 $0x4100  }
0x1d: {  	[tilespmem:s21], [sflag:$0x3] =	stream.linear.gather [hbm4b:s9+s5], $0x80, $0x38;
	[tilespmem:$0x1C200] =	vst v63  }
0x1e: {  	s22 =	sadd.s32 s22, s29;
	_ =	swait.ge [sflag:s6], $0x80  }
0x1f: {  	s13 =	sadd.s32 $0xFFFFFB20, s22;
	[sflag:s6] =	ssyncset.done $0x0  }
0x20: {  	s19 =	simm.s32 $0x4180;
	s24 =	sadd.s32 $0x4F0, s13;
	[sflag:s6] =	ssyncadd.s32 $0xFFFFFF80  }
0x21: {  	[tilespmem:s19], [sflag:$0x3] =	stream.linear.gather [hbm4b:s24+s5], $0x80, $0x38;
	[tilespmem:$0x1C200] =	vst v63  }
0x22: {  	s17 =	smul.u32 $0x280, s1;
	_ =	swait.ge [sflag:s6], $0x80  }
0x23: {  	s20 =	simm.s32 $0x4200;
	[sflag:s6] =	ssyncset.done $0x0  }
0x24: {  	s12 =	sadd.s32 $0x80, s17;
	s24 =	simm.s32 $0x1;
	[sflag:s6] =	ssyncadd.s32 $0xFFFFFF80  }
0x25: {  	[tilespmem:s20], [sflag:$0x2] =	stream.indirect.gather [hbm4b:s7+s11], $0x80, s21, s11, $0xb8;
	[tilespmem:$0x1C200] =	vst v63  }
0x26: {  	s26 =	sshll.u32 s12, $0x4;
	s0 =	sadd.s32 s15, s14;
	_ =	swait.ge [sflag:s24], $0x4000  }
0x27: {  	s9 =	sadd.s32 s15, s26;
	[dreg:$0x5] =	wrdreg s0;
	[sflag:s24] =	ssyncset.done $0x0  }
0x28: {  	[dreg:$0x4] =	wrdreg s9;
	[sflag:s24] =	ssyncadd.s32 $0xFFFFC000  }
0x29: {  	[spmem:s3] =	stream.indirect.scatter.add.f32 [tilespmem:s16], [sflag:$0x3], $0x80, s11, s11, $0xb8;
	[tilespmem:$0x1C200] =	vst v63  }
0x2a: {  	_ =	swait.ge [sflag:s6], $0x4000  }
0x2b: {  	s12 =	sshll.u32 s12, $0x7;
	s31 =	sadd.s32 $0xFFFFFB40, s23;
	[sflag:s6] =	ssyncset.done $0x0  }
0x2c: {  	s14 =	sadd.s32 $0x100, s17;
	s10 =	sadd.s32 $0x500, s10;
	[sflag:s6] =	ssyncadd.s32 $0xFFFFC000  }
0x2d: {  	[tilespmem:s5], [sflag:$0x3] =	stream.linear.gather [hbm4b:s10+s5], $0x80, $0x38;
	[tilespmem:$0x1C200] =	vst v63  }
0x2e: {  	s12 =	sadd.s32 s12, s3;
	s13 =	sadd.s32 $0x500, s13;
	_ =	swait.ge [sflag:s6], $0x80  }
0x2f: {  	s8 =	sshll.u32 s14, $0x7;
	s26 =	sshll.u32 s14, $0x4;
	[sflag:s6] =	ssyncset.done $0x0  }
0x30: {  	s14 =	sadd.s32 s8, s3;
	s9 =	sadd.s32 $0x180, s17;
	[sflag:s6] =	ssyncadd.s32 $0xFFFFFF80  }
0x31: {  	[tilespmem:s11], [sflag:$0x3] =	stream.linear.gather [hbm4b:s13+s5], $0x80, $0x38;
	[tilespmem:$0x1C200] =	vst v63  }
0x32: {  	s28 =	sshll.u32 s9, $0x4;
	s8 =	sshll.u32 s9, $0x7;
	_ =	swait.ge [sflag:s6], $0x80  }
0x33: {  	s10 =	sadd.s32 s15, s26;
	s26 =	simm.s32 $0x2;
	[sflag:s6] =	ssyncset.done $0x0  }
0x34: {  	s13 =	sadd.s32 s15, s28;
	s28 =	sadd.s32 $0x200, s17;
	[sflag:s6] =	ssyncadd.s32 $0xFFFFFF80  }
0x35: {  	[tilespmem:s16], [sflag:$0x1] =	stream.indirect.gather [hbm4b:s7+s11], $0x80, s5, s11, $0xb8;
	[tilespmem:$0x1C200] =	vst v63  }
0x36: {  	s17 =	sadd.s32 s8, s3;
	s30 =	sshll.u32 s28, $0x4;
	_ =	swait.ge [sflag:s26], $0x4000  }
0x37: {  	s9 =	sshll.u32 s28, $0x7;
	s15 =	sadd.s32 s15, s30;
	[sflag:s26] =	ssyncset.done $0x0  }
0x38: {  	s30 =	sadd.s32 $0x4F0, s18;
	s18 =	sadd.s32 s9, s3;
	[sflag:s26] =	ssyncadd.s32 $0xFFFFC000  }
0x39: {  	[spmem:s3] =	stream.indirect.scatter.add.f32 [tilespmem:s20], [sflag:$0x3], $0x80, s19, s11, $0xb8;
	[tilespmem:$0x1C200] =	vst v63  }
0x3a: {  	s28 =	sadd.s32 s25, s30;
	s25 =	sadd.s32 s29, s30;
	_ =	swait.ge [sflag:s6], $0x4000  }
0x3b: {  	s29 =	simm.s32 $0xFFFFFB40;
	s30 =	simm.s32 $0xFFFFFB60;
	[sflag:s6] =	ssyncset.done $0x0  }
.LBB2_2:
0x3c: {  	s8 =	sadd.s32 $0x4F0, s31  }
0x3d: {  	[sflag:s6] =	ssyncadd.s32 $0xFFFFC000;
	s9 =	smov.u32 s30;
	s0 =	sadd.s32 $0x20, s30  }
0x3e: {  	[tilespmem:s21], [sflag:$0x3] =	stream.linear.gather [hbm4b:s8+s5], $0x80, $0x38;
	[tilespmem:$0x1C200] =	vst v63  }
0x3f: {  	p0 =	sne.s32 s30, $0xFFFFFFE0;
	_ =	swait.ge [sflag:s6], $0x80  }
0x40: {  	s8 =	sadd.s32 s29, s22;
	s29 =	smov.u32 s9;
	[sflag:s6] =	ssyncset.done $0x0  }
0x41: {  	s9 =	sadd.s32 $0x4F0, s8;
	[sflag:s6] =	ssyncadd.s32 $0xFFFFFF80  }
0x42: {  	[tilespmem:s19], [sflag:$0x3] =	stream.linear.gather [hbm4b:s9+s5], $0x80, $0x38;
	[tilespmem:$0x1C200] =	vst v63  }
0x43: {  	_ =	swait.ge [sflag:s6], $0x80  }
0x44: {  	[sflag:s6] =	ssyncset.done $0x0  }
0x45: {  	[sflag:s6] =	ssyncadd.s32 $0xFFFFFF80  }
0x46: {  	[tilespmem:s20], [sflag:$0x2] =	stream.indirect.gather [hbm4b:s7+s11], $0x80, s21, s11, $0xb8;
	[tilespmem:$0x1C200] =	vst v63  }
0x47: {  	_ =	swait.ge [sflag:s24], $0x4000  }
0x48: {  	[sflag:s24] =	ssyncset.done $0x0  }
0x49: {  	[sflag:s24] =	ssyncadd.s32 $0xFFFFC000  }
0x4a: {  	[spmem:s3] =	stream.indirect.scatter.add.f32 [tilespmem:s16], [sflag:$0x3], $0x80, s11, s11, $0xb8;
	[tilespmem:$0x1C200] =	vst v63  }
0x4b: {  	_ =	swait.ge [sflag:s6], $0x4000  }
0x4c: {  	[sflag:s6] =	ssyncset.done $0x0  }
0x4d: {  	s9 =	sadd.s32 $0x500, s31;
	[sflag:s6] =	ssyncadd.s32 $0xFFFFC000  }
0x4e: {  	[tilespmem:s5], [sflag:$0x3] =	stream.linear.gather [hbm4b:s9+s5], $0x80, $0x38;
	[tilespmem:$0x1C200] =	vst v63  }
0x4f: {  	_ =	swait.ge [sflag:s6], $0x80  }
0x50: {  	[sflag:s6] =	ssyncset.done $0x0  }
0x51: {  	s8 =	sadd.s32 $0x500, s8;
	[sflag:s6] =	ssyncadd.s32 $0xFFFFFF80  }
0x52: {  	[tilespmem:s11], [sflag:$0x3] =	stream.linear.gather [hbm4b:s8+s5], $0x80, $0x38;
	[tilespmem:$0x1C200] =	vst v63  }
0x53: {  	_ =	swait.ge [sflag:s6], $0x80  }
0x54: {  	[sflag:s6] =	ssyncset.done $0x0  }
0x55: {  	[sflag:s6] =	ssyncadd.s32 $0xFFFFFF80  }
0x56: {  	[tilespmem:s16], [sflag:$0x1] =	stream.indirect.gather [hbm4b:s7+s11], $0x80, s5, s11, $0xb8;
	[tilespmem:$0x1C200] =	vst v63  }
0x57: {  	_ =	swait.ge [sflag:s26], $0x4000  }
.Ltmp1:
0x58: {  	[sflag:s26] =	ssyncset.done $0x0;
	(pc) =	sbr.rel @p0 .LBB2_2-.Ltmp1, $4  }
0x59: {  	[sflag:s26] =	ssyncadd.s32 $0xFFFFC000  }
0x5a: {  	[spmem:s3] =	stream.indirect.scatter.add.f32 [tilespmem:s20], [sflag:$0x3], $0x80, s19, s11, $0xb8;
	[tilespmem:$0x1C200] =	vst v63  }
0x5b: {  	_ =	swait.ge [sflag:s6], $0x4000  }
0x5c: {  	s30 =	smov.u32 s0;
	s31 =	sadd.s32 s29, s23;
	[sflag:s6] =	ssyncset.done $0x0  }
0x5d: {  	[sflag:s6] =	ssyncadd.s32 $0xFFFFC000;
	s0 =	sadd.s32 $0x4F0, s31  }
0x5e: {  	[tilespmem:s21], [sflag:$0x3] =	stream.linear.gather [hbm4b:s0+s5], $0x80, $0x38;
	[tilespmem:$0x1C200] =	vst v63  }
0x5f: {  	_ =	swait.ge [sflag:s6], $0x80  }
0x60: {  	s30 =	sadd.s32 s29, s22;
	[sflag:s6] =	ssyncset.done $0x0  }
0x61: {  	s8 =	sadd.s32 $0x4F0, s30;
	[sflag:s6] =	ssyncadd.s32 $0xFFFFFF80  }
0x62: {  	[tilespmem:s19], [sflag:$0x3] =	stream.linear.gather [hbm4b:s8+s5], $0x80, $0x38;
	[tilespmem:$0x1C200] =	vst v63  }
0x63: {  	_ =	swait.ge [sflag:s6], $0x80  }
0x64: {  	[sflag:s6] =	ssyncset.done $0x0  }
0x65: {  	[sflag:s6] =	ssyncadd.s32 $0xFFFFFF80  }
0x66: {  	[tilespmem:s20], [sflag:$0x2] =	stream.indirect.gather [hbm4b:s7+s11], $0x80, s21, s11, $0xb8;
	[tilespmem:$0x1C200] =	vst v63  }
0x67: {  	_ =	swait.ge [sflag:s24], $0x4000  }
0x68: {  	[sflag:s24] =	ssyncset.done $0x0  }
0x69: {  	[sflag:s24] =	ssyncadd.s32 $0xFFFFC000  }
0x6a: {  	[spmem:s3] =	stream.indirect.scatter.add.f32 [tilespmem:s16], [sflag:$0x3], $0x80, s11, s11, $0xb8;
	[tilespmem:$0x1C200] =	vst v63  }
0x6b: {  	_ =	swait.ge [sflag:s6], $0x4000  }
0x6c: {  	[sflag:s6] =	ssyncset.done $0x0  }
0x6d: {  	s9 =	sadd.s32 $0x500, s31;
	[sflag:s6] =	ssyncadd.s32 $0xFFFFC000  }
0x6e: {  	[tilespmem:s5], [sflag:$0x3] =	stream.linear.gather [hbm4b:s9+s5], $0x80, $0x38;
	[tilespmem:$0x1C200] =	vst v63  }
0x6f: {  	_ =	swait.ge [sflag:s6], $0x80  }
0x70: {  	[sflag:s6] =	ssyncset.done $0x0  }
0x71: {  	s0 =	sadd.s32 $0x500, s30;
	[sflag:s6] =	ssyncadd.s32 $0xFFFFFF80  }
0x72: {  	[tilespmem:s11], [sflag:$0x3] =	stream.linear.gather [hbm4b:s0+s5], $0x80, $0x38;
	[tilespmem:$0x1C200] =	vst v63  }
0x73: {  	_ =	swait.ge [sflag:s6], $0x80  }
0x74: {  	[sflag:s6] =	ssyncset.done $0x0  }
0x75: {  	[sflag:s6] =	ssyncadd.s32 $0xFFFFFF80  }
0x76: {  	[tilespmem:s16], [sflag:$0x1] =	stream.indirect.gather [hbm4b:s7+s11], $0x80, s5, s11, $0xb8;
	[tilespmem:$0x1C200] =	vst v63  }
0x77: {  	_ =	swait.ge [sflag:s26], $0x4000  }
0x78: {  	[sflag:s26] =	ssyncset.done $0x0  }
0x79: {  	[sflag:s26] =	ssyncadd.s32 $0xFFFFC000  }
0x7a: {  	[spmem:s3] =	stream.indirect.scatter.add.f32 [tilespmem:s20], [sflag:$0x3], $0x80, s19, s11, $0xb8;
	[tilespmem:$0x1C200] =	vst v63  }
0x7b: {  	_ =	swait.ge [sflag:s6], $0x4000  }
0x7c: {  	s16 =	simm.s32 $0x4100;
	[sflag:s6] =	ssyncset.done $0x0  }
0x7d: {  	s11 =	simm.s32 $0x0;
	s19 =	simm.s32 $0x3;
	[sflag:s6] =	ssyncadd.s32 $0xFFFFC000  }
0x7e: {  	[tilespmem:s16], [sflag:$0x3] =	stream.linear.gather [hbm4b:s28+s11], $0x80, $0x38;
	[tilespmem:$0x1C200] =	vst v63  }
0x7f: {  	_ =	swait.ge [sflag:s19], $0x80  }
0x80: {  	[sflag:s19] =	ssyncset.done $0x0  }
0x81: {  	s20 =	simm.s32 $0x4180;
	[sflag:s19] =	ssyncadd.s32 $0xFFFFFF80  }
0x82: {  	[tilespmem:s20], [sflag:$0x3] =	stream.linear.gather [hbm4b:s25+s11], $0x80, $0x38;
	[tilespmem:$0x1C200] =	vst v63  }
0x83: {  	_ =	swait.ge [sflag:s19], $0x80  }
0x84: {  	s22 =	simm.s32 $0x1;
	[sflag:s19] =	ssyncset.done $0x0  }
0x85: {  	s21 =	simm.s32 $0x80;
	s9 =	simm.s32 $0x4200;
	[sflag:s19] =	ssyncadd.s32 $0xFFFFFF80  }
0x86: {  	[tilespmem:s9], [sflag:$0x2] =	stream.indirect.gather [hbm4b:s7+s21], $0x80, s16, s21, $0xb8;
	[tilespmem:$0x1C200] =	vst v63  }
0x87: {  	_ =	swait.ge [sflag:s22], $0x4000  }
0x88: {  	[sflag:s22] =	ssyncset.done $0x0  }
0x89: {  	s23 =	simm.s32 $0x100;
	[sflag:s22] =	ssyncadd.s32 $0xFFFFC000  }
0x8a: {  	[spmem:s3] =	stream.indirect.scatter.add.f32 [tilespmem:s23], [sflag:$0x3], $0x80, s21, s21, $0xb8;
	[tilespmem:$0x1C200] =	vst v63  }
0x8b: {  	_ =	swait.ge [sflag:s19], $0x4000  }
0x8c: {  	[sflag:s19] =	ssyncset.done $0x0  }
0x8d: {  	s24 =	simm.s32 $0x2;
	[sflag:s19] =	ssyncadd.s32 $0xFFFFC000  }
0x8e: {  	_ =	swait.ge [sflag:s24], $0x4000  }
0x8f: {  	[sflag:s24] =	ssyncset.done $0x0  }
0x90: {  	[sflag:s24] =	ssyncadd.s32 $0xFFFFC000  }
0x91: {  	[spmem:s3] =	stream.indirect.scatter.add.f32 [tilespmem:s9], [sflag:$0x3], $0x80, s20, s21, $0xb8;
	[tilespmem:$0x1C200] =	vst v63  }
0x92: {  	_ =	swait.ge [sflag:s19], $0x4000  }
0x93: {  	[sflag:s19] =	ssyncset.done $0x0  }
0x94: {  	[sflag:s19] =	ssyncadd.s32 $0xFFFFC000  }
0x95: {  	[bflag:$0x0] =	sbarrier.arrive $0xFFFF  }
0x96: {  	s25 =	rddreg [dreg:$0x5]  }
0x97: {  	[hbm:s25], [sflag:s2] =	dma.local [spmem:s4], $0x800  }
0x98: {  	_ =	swait.ge [sflag:s19], $0x800  }
0x99: {  	[sflag:s19] =	ssyncset.done $0x0  }
0x9a: {  	s26 =	sshrl.u32 s12, $0x3;
	s28 =	rddreg [dreg:$0x4];
	[sflag:s19] =	ssyncadd.s32 $0xFFFFF800  }
0x9b: {  	[hbm:s28], [sflag:s2] =	dma.local [spmem:s26], $0x800  }
0x9c: {  	_ =	swait.ge [sflag:s19], $0x800  }
0x9d: {  	[sflag:s19] =	ssyncset.done $0x0  }
0x9e: {  	s29 =	sshrl.u32 s14, $0x3;
	[sflag:s19] =	ssyncadd.s32 $0xFFFFF800  }
0x9f: {  	[hbm:s10], [sflag:s2] =	dma.local [spmem:s29], $0x800  }
0xa0: {  	_ =	swait.ge [sflag:s19], $0x800  }
0xa1: {  	[sflag:s19] =	ssyncset.done $0x0  }
0xa2: {  	s30 =	sshrl.u32 s17, $0x3;
	[sflag:s19] =	ssyncadd.s32 $0xFFFFF800  }
0xa3: {  	[hbm:s13], [sflag:s2] =	dma.local [spmem:s30], $0x800  }
0xa4: {  	_ =	swait.ge [sflag:s19], $0x800  }
0xa5: {  	[sflag:s19] =	ssyncset.done $0x0  }
0xa6: {  	s31 =	sshrl.u32 s18, $0x3;
	[sflag:s19] =	ssyncadd.s32 $0xFFFFF800  }
0xa7: {  	[hbm:s15], [sflag:s2] =	dma.local [spmem:s31], $0x800  }
0xa8: {  	_ =	swait.ge [sflag:s19], $0x800  }
0xa9: {  	[sflag:s19] =	ssyncset.done $0x0  }
0xaa: {  	[sflag:s19] =	ssyncadd.s32 $0xFFFFF800  }
0xab: {  	[bflag:$0x0] =	sbarrier.arrive $0xFFFF  }
0xac: {  	s2 =	rddreg [dreg:$0x3]  }
.LBB2_4:
0xad: {  	_ =	sfence.sel $0x180000  }
0xae: {  	[bflag:$0x0] =	sbarrier.arrive $0xFFFF  }
0xaf: {  	p0 =	sne.s32 s1, $0x0;
	_ =	strace $0x90000047  }
0xb0: {  	s0 =	sadd.s32 @!p0 $0x100000, s2;
	[bflag:$0x2] =	sbarrier.arrive $0xFFFF  }
0xb1: {  	[sflag:s0] =	ssyncadd.tile.s32 @!p0 $0x1;
	_ =	shalt  }
.Lfunc_end2:
_tile_overlayer_lowered:
.L_overlay_start_2:
0xb2: {  	(tag) =	ssettag $0x2  }
0xb3: {  	s0 =	rddreg [dreg:$0x0];
	s2 =	stileid.u32  }
0xb4: {  	s1 =	rddreg [dreg:$0x1];
	p0 =	sne.s32 s2, $0x0  }
0xb5: {  	s3 =	rddreg [dreg:$0x2];
	[bflag:$0x3] =	sbarrier.arrive $0xFFFF;
	s2 =	simm.s32 @!p0 $0x1C03  }
0xb6: {  	[timem:s3], [sflag:s2] =	dma.local @!p0 [hbm:s0], s1  }
0xb7: {  	s0 =	simm.s32 @!p0 $0x3  }
0xb8: {  	_ =	swait.ge @!p0 [sflag:s0], s1  }
0xb9: {  	s1 =	ssub.s32 @!p0 $0x0, s1;
	[sflag:s0] =	ssyncset.done @!p0 $0x0  }
0xba: {  	[sflag:s0] =	ssyncadd.s32 @!p0 s1  }
0xbb: {  	[bflag:$0x3] =	sbarrier.arrive $0xFFFF  }
0xbc: {  	_ =	shalt  }

</sc_bundles>
